<compile_context>
chip_gen: v7x
topology: tpu7x:2x2x1
jax: 0.10.2.dev20260603
libtpu: 0.0.44.dev20260713+nightly
codegen_flags: <defaults>
</compile_context>

<pallas_src>
import jax
import jax.numpy as jnp
from jax import lax
from jax.experimental import pallas as pl
from jax.experimental.pallas import tpu as pltpu
from jax.experimental.pallas import tpu_sc as plsc

N = 10000
E = 320000
D = 128
H = 16
C = 128

NC = 2
NS = 16
CHUNK = 128
NCHUNKS = 2560
E_PAD = NCHUNKS * CHUNK
N_PAD = 10240
RPT = N_PAD // NS

NBUF = 8
PREF = 6
CHW = 80

_BN = 2048
_BP = _BN // 8
_GRID = N_PAD // _BN


def _tc1_body(x_ref, wl_ref, bl_ref, ws_ref, wn_ref, s_ref, q_ref):
    xb = x_ref[...].reshape(8 * _BP, D)
    h = jnp.dot(xb, wl_ref[...], preferred_element_type=jnp.float32)
    h = h + bl_ref[...][None, :]
    s = jnp.dot(h, ws_ref[...], preferred_element_type=jnp.float32)
    q = jnp.dot(h, wn_ref[...], preferred_element_type=jnp.float32)
    s_ref[...] = jnp.concatenate([s[j * _BP:(j + 1) * _BP] for j in range(8)], axis=1)
    q_ref[...] = jnp.concatenate([q[j * _BP:(j + 1) * _BP] for j in range(8)], axis=1)


_tc1 = pl.pallas_call(
    _tc1_body,
    grid=(_GRID,),
    in_specs=[
        pl.BlockSpec((8, _BP, D), lambda i: (0, i, 0)),
        pl.BlockSpec((D, C), lambda i: (0, 0)),
        pl.BlockSpec((C,), lambda i: (0,)),
        pl.BlockSpec((C, H), lambda i: (0, 0)),
        pl.BlockSpec((C, H), lambda i: (0, 0)),
    ],
    out_specs=[
        pl.BlockSpec((_BP, 128), lambda i: (i, 0)),
        pl.BlockSpec((_BP, 128), lambda i: (i, 0)),
    ],
    out_shape=[
        jax.ShapeDtypeStruct((N_PAD // 8, 128), jnp.float32),
        jax.ShapeDtypeStruct((N_PAD // 8, 128), jnp.float32),
    ],
)


def _zero_shared(zbuf, shared, sid):
    def zfill(i, carry):
        zbuf[i, :] = jnp.zeros((H,), jnp.float32)
        return carry

    lax.fori_loop(0, CHUNK, zfill, 0)
    for k in range(RPT // CHUNK):
        pltpu.sync_copy(zbuf, shared.at[pl.ds(sid * RPT + k * CHUNK, CHUNK)])


def _make_sc_pass(with_deg: bool):
    out_type = [jax.ShapeDtypeStruct((NC, N_PAD, H), jnp.float32)]
    scratch = [
        pltpu.VMEM((CHW, CHUNK), jnp.int32),
        pltpu.VMEM((CHW, CHUNK), jnp.int32),
        pltpu.VMEM((NBUF, CHUNK, H), jnp.float32),
        pltpu.VMEM((CHUNK, H), jnp.float32),
        pltpu.VMEM_SHARED((N_PAD, H), jnp.float32),
    ]
    if with_deg:
        out_type.append(jax.ShapeDtypeStruct((NC, N_PAD, H), jnp.float32))
        scratch.append(pltpu.VMEM((CHUNK, H), jnp.float32))
        scratch.append(pltpu.VMEM_SHARED((N_PAD, H), jnp.float32))

    def body(table, src_idx, dst_idx, *rest):
        if with_deg:
            (acc_out, deg_out, srcv, dstv, rows, zbuf, acc_sh,
             ones_v, deg_sh) = rest[:9]
            sems = rest[9:]
        else:
            acc_out, srcv, dstv, rows, zbuf, acc_sh = rest[:6]
            sems = rest[6:]
        sem_g, sem_s = sems[:NBUF], sems[NBUF:2 * NBUF]
        sem_d = sems[2 * NBUF:]
        cid = lax.axis_index("c")
        sid = lax.axis_index("s")
        start = sid * (2 * CHW) + cid * CHW
        sl = pl.ds(sid * RPT, RPT)

        pltpu.sync_copy(src_idx.at[pl.ds(start, CHW)], srcv)
        pltpu.sync_copy(dst_idx.at[pl.ds(start, CHW)], dstv)

        _zero_shared(zbuf, acc_sh, sid)
        if with_deg:
            _zero_shared(zbuf, deg_sh, sid)

            def ofill(i, carry):
                ones_v[i, :] = jnp.full((H,), 1.0, jnp.float32)
                return carry

            lax.fori_loop(0, CHUNK, ofill, 0)
        plsc.subcore_barrier()

        def wait_scatter(b, c):
            pltpu.make_async_copy(rows.at[b], acc_sh.at[dstv.at[c]], sem_s[b]).wait()
            if with_deg:
                pltpu.make_async_copy(ones_v, deg_sh.at[dstv.at[c]], sem_d[b]).wait()

        for b in range(PREF):
            pltpu.async_copy(table.at[srcv.at[b]], rows.at[b], sem_g[b])

        def step(i, carry):
            for b8 in range(NBUF):
                c = NBUF * i + b8
                gb = (b8 + PREF) % NBUF

                @pl.when(c + PREF < CHW)
                def _():
                    @pl.when(c >= NBUF - PREF)
                    def _():
                        wait_scatter(gb, c + PREF - NBUF)

                    pltpu.async_copy(table.at[srcv.at[c + PREF]], rows.at[gb], sem_g[gb])

                pltpu.make_async_copy(table.at[srcv.at[c]], rows.at[b8], sem_g[b8]).wait()
                pltpu.async_copy(rows.at[b8], acc_sh.at[dstv.at[c]], sem_s[b8], add=True)
                if with_deg:
                    pltpu.async_copy(ones_v, deg_sh.at[dstv.at[c]], sem_d[b8], add=True)
            return carry

        lax.fori_loop(0, CHW // NBUF, step, 0)
        for b in range(NBUF):
            wait_scatter(b, CHW - NBUF + b)

        plsc.subcore_barrier()
        pltpu.sync_copy(acc_sh.at[sl], acc_out.at[cid, sl])
        if with_deg:
            pltpu.sync_copy(deg_sh.at[sl], deg_out.at[cid, sl])

    n_sems = 3 * NBUF if with_deg else 2 * NBUF
    return pl.kernel(
        body,
        out_type=out_type,
        mesh=plsc.VectorSubcoreMesh(core_axis_name="c", subcore_axis_name="s"),
        scratch_types=scratch + [pltpu.SemaphoreType.DMA] * n_sems,
        compiler_params=pltpu.CompilerParams(use_tc_tiling_on_sc=False),
    )


_sc_pass_deg = _make_sc_pass(True)
_sc_pass = _make_sc_pass(False)


def _tc2_body(s_ref, acc_ref, deg_ref, b1t_ref, h1_ref):
    a = acc_ref[0] + acc_ref[1]
    d = deg_ref[0] + deg_ref[1]
    h1_ref[...] = jnp.tanh(s_ref[...] + b1t_ref[...][None, :] + a / jnp.maximum(d, 1.0))


_tc2 = pl.pallas_call(
    _tc2_body,
    grid=(_GRID,),
    in_specs=[
        pl.BlockSpec((_BP, 128), lambda i: (i, 0)),
        pl.BlockSpec((NC, _BP, 128), lambda i: (0, i, 0)),
        pl.BlockSpec((NC, _BP, 128), lambda i: (0, i, 0)),
        pl.BlockSpec((128,), lambda i: (0,)),
    ],
    out_specs=pl.BlockSpec((_BP, 128), lambda i: (i, 0)),
    out_shape=jax.ShapeDtypeStruct((N_PAD // 8, 128), jnp.float32),
)


def _tc3_body(h1_ref, acc_ref, deg_ref, ws_ref, wn_ref, b2_ref, out_ref):
    hp = h1_ref[...]
    ap = (acc_ref[0] + acc_ref[1]) / jnp.maximum(deg_ref[0] + deg_ref[1], 1.0)
    for j in range(8):
        h1 = hp[:, j * H:(j + 1) * H]
        agg = ap[:, j * H:(j + 1) * H]
        out_ref[j] = jnp.tanh(
            jnp.dot(h1, ws_ref[...], preferred_element_type=jnp.float32)
            + jnp.dot(agg, wn_ref[...], preferred_element_type=jnp.float32)
            + b2_ref[...][None, :]
        )


_tc3 = pl.pallas_call(
    _tc3_body,
    grid=(_GRID,),
    in_specs=[
        pl.BlockSpec((_BP, 128), lambda i: (i, 0)),
        pl.BlockSpec((NC, _BP, 128), lambda i: (0, i, 0)),
        pl.BlockSpec((NC, _BP, 128), lambda i: (0, i, 0)),
        pl.BlockSpec((H, C), lambda i: (0, 0)),
        pl.BlockSpec((H, C), lambda i: (0, 0)),
        pl.BlockSpec((C,), lambda i: (0,)),
    ],
    out_specs=pl.BlockSpec((8, _BP, C), lambda i: (0, i, 0)),
    out_shape=jax.ShapeDtypeStruct((8, N_PAD // 8, C), jnp.float32),
)


def kernel(x, edge_index, W_lin, b_lin, W1_self, W1_neigh, b1, W2_self, W2_neigh, b2):
    x3 = jnp.pad(x, ((0, N_PAD - N), (0, 0))).reshape(8, N_PAD // 8, D)
    src = jnp.pad(edge_index[0], (0, E_PAD - E))
    dst = jnp.pad(edge_index[1], (0, E_PAD - E), constant_values=N)
    src_r = (8 * (src % (N_PAD // 8)) + src // (N_PAD // 8)).reshape(NCHUNKS, CHUNK)
    dst_r = (8 * (dst % (N_PAD // 8)) + dst // (N_PAD // 8)).reshape(NCHUNKS, CHUNK)
    b1t = jnp.tile(b1, 8)

    sp, qp = _tc1(x3, W_lin, b_lin, W1_self, W1_neigh)
    acc1, deg = _sc_pass_deg(qp.reshape(N_PAD, H), src_r, dst_r)
    acc1 = acc1.reshape(NC, N_PAD // 8, 128)
    degp = deg.reshape(NC, N_PAD // 8, 128)
    h1p = _tc2(sp, acc1, degp, b1t)
    (acc2,) = _sc_pass(h1p.reshape(N_PAD, H), src_r, dst_r)
    out = _tc3(h1p, acc2.reshape(NC, N_PAD // 8, 128), degp, W2_self, W2_neigh, b2)
    return out.reshape(N_PAD, C)[:N]

# --- scband reference (transcript-rebuilt; emitter-appended) ---
"""Pipeline reference for scband-sagenet-10307921511081 (READ-ONLY COPY).

The authoritative reference and input builder live on the scoring server;
editing this copy changes nothing except your own understanding.
"""

import jax, jax.numpy as jnp
import numpy as np

N = 10000
E = 320000
D = 128   # dataset.num_features
H = 16    # hidden channels in conv1
C = 128   # dataset.num_classes (must equal D for the module's shapes to be consistent)


def setup_inputs(seed: int = 0) -> dict:
    key = jax.random.key(seed)
    ks = jax.random.split(key, 12)
    x = jax.random.normal(ks[0], (N, D), dtype=jnp.float32)
    edge_index = jax.random.randint(ks[1], (2, E), 0, N, dtype=jnp.int32)
    # Learned parameters
    W_lin = jax.random.normal(ks[2], (D, C), dtype=jnp.float32) / np.sqrt(D)
    b_lin = jnp.zeros((C,), dtype=jnp.float32)
    # SAGEConv1: in=C(==D), out=H; self and neighbor weight matrices
    W1_self = jax.random.normal(ks[3], (C, H), dtype=jnp.float32) / np.sqrt(C)
    W1_neigh = jax.random.normal(ks[4], (C, H), dtype=jnp.float32) / np.sqrt(C)
    b1 = jnp.zeros((H,), dtype=jnp.float32)
    # SAGEConv2: in=H, out=C
    W2_self = jax.random.normal(ks[5], (H, C), dtype=jnp.float32) / np.sqrt(H)
    W2_neigh = jax.random.normal(ks[6], (H, C), dtype=jnp.float32) / np.sqrt(H)
    b2 = jnp.zeros((C,), dtype=jnp.float32)
    return {
        "x": x,
        "edge_index": edge_index,
        "W_lin": W_lin,
        "b_lin": b_lin,
        "W1_self": W1_self,
        "W1_neigh": W1_neigh,
        "b1": b1,
        "W2_self": W2_self,
        "W2_neigh": W2_neigh,
        "b2": b2,
    }


def _sage_conv_mean(x, edge_index, W_self, W_neigh, b):
    # GraphSAGE with mean aggregation:
    # h_i = x_i @ W_self + mean_{j in N(i)} x_j @ W_neigh + b
    src = edge_index[0]
    dst = edge_index[1]
    msg = jnp.take(x, src, axis=0)                      # gather  [E, d]
    agg = jax.ops.segment_sum(msg, dst, num_segments=N)  # scatter-add [N, d]
    deg = jax.ops.segment_sum(jnp.ones((edge_index.shape[1],), dtype=x.dtype), dst, num_segments=N)
    agg = agg / jnp.maximum(deg, 1.0)[:, None]
    return x @ W_self + agg @ W_neigh + b


def reference(x, edge_index, W_lin, b_lin, W1_self, W1_neigh, b1, W2_self, W2_neigh, b2):
    # data.x = self.linear(data.x)
    h = x @ W_lin + b_lin
    # conv1 + tanh
    h = _sage_conv_mean(h, edge_index, W1_self, W1_neigh, b1)
    h = jnp.tanh(h)
    # conv2 + tanh
    h = _sage_conv_mean(h, edge_index, W2_self, W2_neigh, b2)
    h = jnp.tanh(h)
    return h

if __name__ == "__main__":
    import jax
    _d = setup_inputs()
    print(jax.jit(kernel)(*tuple(_d.values())))

</pallas_src>

<mosaic_0001>
#map = affine_map<(d0, d1) -> (0, 0)>
#map1 = affine_map<(d0, d1) -> (0, 0, 0)>
module attributes {stable_mosaic.version = 14 : i64} {
  func.func @body(%arg0: i32, %arg1: i32, %arg2: memref<10240x16xf32, #tpu.memory_space<hbm>>, %arg3: memref<2560x128xi32, #tpu.memory_space<hbm>>, %arg4: memref<2560x128xi32, #tpu.memory_space<hbm>>, %arg5: memref<2x10240x16xf32, #tpu.memory_space<hbm>>, %arg6: memref<2x10240x16xf32, #tpu.memory_space<hbm>>, %arg7: memref<80x128xi32, #tpu.memory_space<vmem>>, %arg8: memref<80x128xi32, #tpu.memory_space<vmem>>, %arg9: memref<8x128x16xf32, #tpu.memory_space<vmem>>, %arg10: memref<128x16xf32, #tpu.memory_space<vmem>>, %arg11: memref<10240x16xf32, #tpu.memory_space<vmem_shared>>, %arg12: memref<128x16xf32, #tpu.memory_space<vmem>>, %arg13: memref<10240x16xf32, #tpu.memory_space<vmem_shared>>, %arg14: memref<!tpu.dma_semaphore, #tpu.memory_space<semaphore_mem>>, %arg15: memref<!tpu.dma_semaphore, #tpu.memory_space<semaphore_mem>>, %arg16: memref<!tpu.dma_semaphore, #tpu.memory_space<semaphore_mem>>, %arg17: memref<!tpu.dma_semaphore, #tpu.memory_space<semaphore_mem>>, %arg18: memref<!tpu.dma_semaphore, #tpu.memory_space<semaphore_mem>>, %arg19: memref<!tpu.dma_semaphore, #tpu.memory_space<semaphore_mem>>, %arg20: memref<!tpu.dma_semaphore, #tpu.memory_space<semaphore_mem>>, %arg21: memref<!tpu.dma_semaphore, #tpu.memory_space<semaphore_mem>>, %arg22: memref<!tpu.dma_semaphore, #tpu.memory_space<semaphore_mem>>, %arg23: memref<!tpu.dma_semaphore, #tpu.memory_space<semaphore_mem>>, %arg24: memref<!tpu.dma_semaphore, #tpu.memory_space<semaphore_mem>>, %arg25: memref<!tpu.dma_semaphore, #tpu.memory_space<semaphore_mem>>, %arg26: memref<!tpu.dma_semaphore, #tpu.memory_space<semaphore_mem>>, %arg27: memref<!tpu.dma_semaphore, #tpu.memory_space<semaphore_mem>>, %arg28: memref<!tpu.dma_semaphore, #tpu.memory_space<semaphore_mem>>, %arg29: memref<!tpu.dma_semaphore, #tpu.memory_space<semaphore_mem>>, %arg30: memref<!tpu.dma_semaphore, #tpu.memory_space<semaphore_mem>>, %arg31: memref<!tpu.dma_semaphore, #tpu.memory_space<semaphore_mem>>, %arg32: memref<!tpu.dma_semaphore, #tpu.memory_space<semaphore_mem>>, %arg33: memref<!tpu.dma_semaphore, #tpu.memory_space<semaphore_mem>>, %arg34: memref<!tpu.dma_semaphore, #tpu.memory_space<semaphore_mem>>, %arg35: memref<!tpu.dma_semaphore, #tpu.memory_space<semaphore_mem>>, %arg36: memref<!tpu.dma_semaphore, #tpu.memory_space<semaphore_mem>>, %arg37: memref<!tpu.dma_semaphore, #tpu.memory_space<semaphore_mem>>) attributes {dimension_semantics = [#tpu.dimension_semantics<core_parallel>, #tpu.dimension_semantics<subcore_parallel>], iteration_bounds = array<i64: 2, 16>, scalar_prefetch = 0 : i64, scratch_operands = 31 : i64, tpu.core_type = #tpu.core_type<sc_vector_subcore>, window_params = [{transform_indices = #map}, {transform_indices = #map}, {transform_indices = #map}, {transform_indices = #map1}, {transform_indices = #map1}]} {
    %mul3A = arith.constant 160 : i32
    %mul3A_0 = arith.muli %arg1, %mul3A : i32
    %mul3A_1 = arith.constant 80 : i32
    %mul3A_2 = arith.muli %arg0, %mul3A_1 : i32
    %add3A = arith.addi %mul3A_0, %mul3A_2 : i32
    %mul3A_3 = arith.constant 640 : i32
    %mul3A_4 = arith.muli %arg1, %mul3A_3 : i32
    "tpu.region"() ({
      %run_scoped3A = tpu.sem_alloc : memref<!tpu.dma_semaphore, #tpu.memory_space<semaphore_mem>>
      %dma_start3A_291 = arith.constant 0 : i32
      %dma_start3A_292 = tpu.memref_slice %arg3[%add3A, %dma_start3A_291] : memref<2560x128xi32, #tpu.memory_space<hbm>> -> memref<80x128xi32, #tpu.memory_space<hbm>>
      %dma_start3A_293 = arith.constant 0 : i32
      %dma_start3A_294 = tpu.memref_slice %arg3[%add3A, %dma_start3A_293] : memref<2560x128xi32, #tpu.memory_space<hbm>> -> memref<80x128xi32, #tpu.memory_space<hbm>>
      tpu.enqueue_dma source(%dma_start3A_294 : memref<80x128xi32, #tpu.memory_space<hbm>>) target(%arg7 : memref<80x128xi32, #tpu.memory_space<vmem>>) target_semaphore(%run_scoped3A : memref<!tpu.dma_semaphore, #tpu.memory_space<semaphore_mem>>)
      %dma_wait3A_295 = arith.constant 0 : i32
      %dma_wait3A_296 = tpu.memref_slice %arg3[%add3A, %dma_wait3A_295] : memref<2560x128xi32, #tpu.memory_space<hbm>> -> memref<80x128xi32, #tpu.memory_space<hbm>>
      %dma_wait3A_297 = arith.constant 0 : i32
      %dma_wait3A_298 = tpu.memref_slice %arg3[%add3A, %dma_wait3A_297] : memref<2560x128xi32, #tpu.memory_space<hbm>> -> memref<80x128xi32, #tpu.memory_space<hbm>>
      tpu.wait_dma2 semaphore(%run_scoped3A : memref<!tpu.dma_semaphore, #tpu.memory_space<semaphore_mem>>) src(%dma_wait3A_298 : memref<80x128xi32, #tpu.memory_space<hbm>>) dst(%arg7 : memref<80x128xi32, #tpu.memory_space<vmem>>)
      tpu.yield
    }) : () -> ()
    "tpu.region"() ({
      %run_scoped3A = tpu.sem_alloc : memref<!tpu.dma_semaphore, #tpu.memory_space<semaphore_mem>>
      %dma_start3A_291 = arith.constant 0 : i32
      %dma_start3A_292 = tpu.memref_slice %arg4[%add3A, %dma_start3A_291] : memref<2560x128xi32, #tpu.memory_space<hbm>> -> memref<80x128xi32, #tpu.memory_space<hbm>>
      %dma_start3A_293 = arith.constant 0 : i32
      %dma_start3A_294 = tpu.memref_slice %arg4[%add3A, %dma_start3A_293] : memref<2560x128xi32, #tpu.memory_space<hbm>> -> memref<80x128xi32, #tpu.memory_space<hbm>>
      tpu.enqueue_dma source(%dma_start3A_294 : memref<80x128xi32, #tpu.memory_space<hbm>>) target(%arg8 : memref<80x128xi32, #tpu.memory_space<vmem>>) target_semaphore(%run_scoped3A : memref<!tpu.dma_semaphore, #tpu.memory_space<semaphore_mem>>)
      %dma_wait3A_295 = arith.constant 0 : i32
      %dma_wait3A_296 = tpu.memref_slice %arg4[%add3A, %dma_wait3A_295] : memref<2560x128xi32, #tpu.memory_space<hbm>> -> memref<80x128xi32, #tpu.memory_space<hbm>>
      %dma_wait3A_297 = arith.constant 0 : i32
      %dma_wait3A_298 = tpu.memref_slice %arg4[%add3A, %dma_wait3A_297] : memref<2560x128xi32, #tpu.memory_space<hbm>> -> memref<80x128xi32, #tpu.memory_space<hbm>>
      tpu.wait_dma2 semaphore(%run_scoped3A : memref<!tpu.dma_semaphore, #tpu.memory_space<semaphore_mem>>) src(%dma_wait3A_298 : memref<80x128xi32, #tpu.memory_space<hbm>>) dst(%arg8 : memref<80x128xi32, #tpu.memory_space<vmem>>)
      tpu.yield
    }) : () -> ()
    %scan3A = arith.constant 0 : i32
    %scan3A_5 = arith.constant 0 : i32
    %scan3A_6 = arith.constant 128 : i32
    %scan3A_7 = arith.addi %scan3A_5, %scan3A_6 : i32
    %scan3A_8 = arith.constant 1 : i32
    scf.for %scan3A_291 = %scan3A_5 to %scan3A_7 step %scan3A_8  : i32 {
      %broadcast_in_dim3A = arith.constant 0.000000e+00 : f32
      %broadcast_in_dim3A_292 = vector.broadcast %broadcast_in_dim3A : f32 to vector<16xf32>
      %swap3A = arith.index_cast %scan3A_291 : i32 to index
      %swap3A_293 = arith.constant 0 : index
      %swap3A_294 = tpu.vector_load %arg10[%swap3A, %swap3A_293] {strides = array<i32>} : memref<128x16xf32, #tpu.memory_space<vmem>>, vector<1x16xf32>,
      %swap3A_295 = vector.shape_cast %swap3A_294 : vector<1x16xf32> to vector<16xf32>
      %swap3A_296 = vector.shape_cast %broadcast_in_dim3A_292 : vector<16xf32> to vector<1x16xf32>
      tpu.vector_store %arg10[%swap3A, %swap3A_293], %swap3A_296 {strides = array<i32>} : memref<128x16xf32, #tpu.memory_space<vmem>>, vector<1x16xf32>,
    }
    %scan3A_9 = arith.constant 128 : i32
    %mul3A_10 = arith.constant 640 : i32
    %mul3A_11 = arith.muli %arg1, %mul3A_10 : i32
    %add3A_12 = arith.constant 0 : i32
    %add3A_13 = arith.addi %mul3A_11, %add3A_12 : i32
    "tpu.region"() ({
      %run_scoped3A = tpu.sem_alloc : memref<!tpu.dma_semaphore, #tpu.memory_space<semaphore_mem>>
      %dma_start3A_291 = arith.constant 0 : i32
      %dma_start3A_292 = tpu.memref_slice %arg11[%add3A_13, %dma_start3A_291] : memref<10240x16xf32, #tpu.memory_space<vmem_shared>> -> memref<128x16xf32, #tpu.memory_space<vmem_shared>>
      %dma_start3A_293 = arith.constant 0 : i32
      %dma_start3A_294 = tpu.memref_slice %arg11[%add3A_13, %dma_start3A_293] : memref<10240x16xf32, #tpu.memory_space<vmem_shared>> -> memref<128x16xf32, #tpu.memory_space<vmem_shared>>
      tpu.enqueue_dma source(%arg10 : memref<128x16xf32, #tpu.memory_space<vmem>>) target(%dma_start3A_294 : memref<128x16xf32, #tpu.memory_space<vmem_shared>>) target_semaphore(%run_scoped3A : memref<!tpu.dma_semaphore, #tpu.memory_space<semaphore_mem>>)
      %dma_wait3A_295 = arith.constant 0 : i32
      %dma_wait3A_296 = tpu.memref_slice %arg11[%add3A_13, %dma_wait3A_295] : memref<10240x16xf32, #tpu.memory_space<vmem_shared>> -> memref<128x16xf32, #tpu.memory_space<vmem_shared>>
      %dma_wait3A_297 = arith.constant 0 : i32
      %dma_wait3A_298 = tpu.memref_slice %arg11[%add3A_13, %dma_wait3A_297] : memref<10240x16xf32, #tpu.memory_space<vmem_shared>> -> memref<128x16xf32, #tpu.memory_space<vmem_shared>>
      tpu.wait_dma2 semaphore(%run_scoped3A : memref<!tpu.dma_semaphore, #tpu.memory_space<semaphore_mem>>) src(%arg10 : memref<128x16xf32, #tpu.memory_space<vmem>>) dst(%dma_wait3A_298 : memref<128x16xf32, #tpu.memory_space<vmem_shared>>)
      tpu.yield
    }) : () -> ()
    %mul3A_14 = arith.constant 640 : i32
    %mul3A_15 = arith.muli %arg1, %mul3A_14 : i32
    %add3A_16 = arith.constant 128 : i32
    %add3A_17 = arith.addi %mul3A_15, %add3A_16 : i32
    "tpu.region"() ({
      %run_scoped3A = tpu.sem_alloc : memref<!tpu.dma_semaphore, #tpu.memory_space<semaphore_mem>>
      %dma_start3A_291 = arith.constant 0 : i32
      %dma_start3A_292 = tpu.memref_slice %arg11[%add3A_17, %dma_start3A_291] : memref<10240x16xf32, #tpu.memory_space<vmem_shared>> -> memref<128x16xf32, #tpu.memory_space<vmem_shared>>
      %dma_start3A_293 = arith.constant 0 : i32
      %dma_start3A_294 = tpu.memref_slice %arg11[%add3A_17, %dma_start3A_293] : memref<10240x16xf32, #tpu.memory_space<vmem_shared>> -> memref<128x16xf32, #tpu.memory_space<vmem_shared>>
      tpu.enqueue_dma source(%arg10 : memref<128x16xf32, #tpu.memory_space<vmem>>) target(%dma_start3A_294 : memref<128x16xf32, #tpu.memory_space<vmem_shared>>) target_semaphore(%run_scoped3A : memref<!tpu.dma_semaphore, #tpu.memory_space<semaphore_mem>>)
      %dma_wait3A_295 = arith.constant 0 : i32
      %dma_wait3A_296 = tpu.memref_slice %arg11[%add3A_17, %dma_wait3A_295] : memref<10240x16xf32, #tpu.memory_space<vmem_shared>> -> memref<128x16xf32, #tpu.memory_space<vmem_shared>>
      %dma_wait3A_297 = arith.constant 0 : i32
      %dma_wait3A_298 = tpu.memref_slice %arg11[%add3A_17, %dma_wait3A_297] : memref<10240x16xf32, #tpu.memory_space<vmem_shared>> -> memref<128x16xf32, #tpu.memory_space<vmem_shared>>
      tpu.wait_dma2 semaphore(%run_scoped3A : memref<!tpu.dma_semaphore, #tpu.memory_space<semaphore_mem>>) src(%arg10 : memref<128x16xf32, #tpu.memory_space<vmem>>) dst(%dma_wait3A_298 : memref<128x16xf32, #tpu.memory_space<vmem_shared>>)
      tpu.yield
    }) : () -> ()
    %mul3A_18 = arith.constant 640 : i32
    %mul3A_19 = arith.muli %arg1, %mul3A_18 : i32
    %add3A_20 = arith.constant 256 : i32
    %add3A_21 = arith.addi %mul3A_19, %add3A_20 : i32
    "tpu.region"() ({
      %run_scoped3A = tpu.sem_alloc : memref<!tpu.dma_semaphore, #tpu.memory_space<semaphore_mem>>
      %dma_start3A_291 = arith.constant 0 : i32
      %dma_start3A_292 = tpu.memref_slice %arg11[%add3A_21, %dma_start3A_291] : memref<10240x16xf32, #tpu.memory_space<vmem_shared>> -> memref<128x16xf32, #tpu.memory_space<vmem_shared>>
      %dma_start3A_293 = arith.constant 0 : i32
      %dma_start3A_294 = tpu.memref_slice %arg11[%add3A_21, %dma_start3A_293] : memref<10240x16xf32, #tpu.memory_space<vmem_shared>> -> memref<128x16xf32, #tpu.memory_space<vmem_shared>>
      tpu.enqueue_dma source(%arg10 : memref<128x16xf32, #tpu.memory_space<vmem>>) target(%dma_start3A_294 : memref<128x16xf32, #tpu.memory_space<vmem_shared>>) target_semaphore(%run_scoped3A : memref<!tpu.dma_semaphore, #tpu.memory_space<semaphore_mem>>)
      %dma_wait3A_295 = arith.constant 0 : i32
      %dma_wait3A_296 = tpu.memref_slice %arg11[%add3A_21, %dma_wait3A_295] : memref<10240x16xf32, #tpu.memory_space<vmem_shared>> -> memref<128x16xf32, #tpu.memory_space<vmem_shared>>
      %dma_wait3A_297 = arith.constant 0 : i32
      %dma_wait3A_298 = tpu.memref_slice %arg11[%add3A_21, %dma_wait3A_297] : memref<10240x16xf32, #tpu.memory_space<vmem_shared>> -> memref<128x16xf32, #tpu.memory_space<vmem_shared>>
      tpu.wait_dma2 semaphore(%run_scoped3A : memref<!tpu.dma_semaphore, #tpu.memory_space<semaphore_mem>>) src(%arg10 : memref<128x16xf32, #tpu.memory_space<vmem>>) dst(%dma_wait3A_298 : memref<128x16xf32, #tpu.memory_space<vmem_shared>>)
      tpu.yield
    }) : () -> ()
    %mul3A_22 = arith.constant 640 : i32
    %mul3A_23 = arith.muli %arg1, %mul3A_22 : i32
    %add3A_24 = arith.constant 384 : i32
    %add3A_25 = arith.addi %mul3A_23, %add3A_24 : i32
    "tpu.region"() ({
      %run_scoped3A = tpu.sem_alloc : memref<!tpu.dma_semaphore, #tpu.memory_space<semaphore_mem>>
      %dma_start3A_291 = arith.constant 0 : i32
      %dma_start3A_292 = tpu.memref_slice %arg11[%add3A_25, %dma_start3A_291] : memref<10240x16xf32, #tpu.memory_space<vmem_shared>> -> memref<128x16xf32, #tpu.memory_space<vmem_shared>>
      %dma_start3A_293 = arith.constant 0 : i32
      %dma_start3A_294 = tpu.memref_slice %arg11[%add3A_25, %dma_start3A_293] : memref<10240x16xf32, #tpu.memory_space<vmem_shared>> -> memref<128x16xf32, #tpu.memory_space<vmem_shared>>
      tpu.enqueue_dma source(%arg10 : memref<128x16xf32, #tpu.memory_space<vmem>>) target(%dma_start3A_294 : memref<128x16xf32, #tpu.memory_space<vmem_shared>>) target_semaphore(%run_scoped3A : memref<!tpu.dma_semaphore, #tpu.memory_space<semaphore_mem>>)
      %dma_wait3A_295 = arith.constant 0 : i32
      %dma_wait3A_296 = tpu.memref_slice %arg11[%add3A_25, %dma_wait3A_295] : memref<10240x16xf32, #tpu.memory_space<vmem_shared>> -> memref<128x16xf32, #tpu.memory_space<vmem_shared>>
      %dma_wait3A_297 = arith.constant 0 : i32
      %dma_wait3A_298 = tpu.memref_slice %arg11[%add3A_25, %dma_wait3A_297] : memref<10240x16xf32, #tpu.memory_space<vmem_shared>> -> memref<128x16xf32, #tpu.memory_space<vmem_shared>>
      tpu.wait_dma2 semaphore(%run_scoped3A : memref<!tpu.dma_semaphore, #tpu.memory_space<semaphore_mem>>) src(%arg10 : memref<128x16xf32, #tpu.memory_space<vmem>>) dst(%dma_wait3A_298 : memref<128x16xf32, #tpu.memory_space<vmem_shared>>)
      tpu.yield
    }) : () -> ()
    %mul3A_26 = arith.constant 640 : i32
    %mul3A_27 = arith.muli %arg1, %mul3A_26 : i32
    %add3A_28 = arith.constant 512 : i32
    %add3A_29 = arith.addi %mul3A_27, %add3A_28 : i32
    "tpu.region"() ({
      %run_scoped3A = tpu.sem_alloc : memref<!tpu.dma_semaphore, #tpu.memory_space<semaphore_mem>>
      %dma_start3A_291 = arith.constant 0 : i32
      %dma_start3A_292 = tpu.memref_slice %arg11[%add3A_29, %dma_start3A_291] : memref<10240x16xf32, #tpu.memory_space<vmem_shared>> -> memref<128x16xf32, #tpu.memory_space<vmem_shared>>
      %dma_start3A_293 = arith.constant 0 : i32
      %dma_start3A_294 = tpu.memref_slice %arg11[%add3A_29, %dma_start3A_293] : memref<10240x16xf32, #tpu.memory_space<vmem_shared>> -> memref<128x16xf32, #tpu.memory_space<vmem_shared>>
      tpu.enqueue_dma source(%arg10 : memref<128x16xf32, #tpu.memory_space<vmem>>) target(%dma_start3A_294 : memref<128x16xf32, #tpu.memory_space<vmem_shared>>) target_semaphore(%run_scoped3A : memref<!tpu.dma_semaphore, #tpu.memory_space<semaphore_mem>>)
      %dma_wait3A_295 = arith.constant 0 : i32
      %dma_wait3A_296 = tpu.memref_slice %arg11[%add3A_29, %dma_wait3A_295] : memref<10240x16xf32, #tpu.memory_space<vmem_shared>> -> memref<128x16xf32, #tpu.memory_space<vmem_shared>>
      %dma_wait3A_297 = arith.constant 0 : i32
      %dma_wait3A_298 = tpu.memref_slice %arg11[%add3A_29, %dma_wait3A_297] : memref<10240x16xf32, #tpu.memory_space<vmem_shared>> -> memref<128x16xf32, #tpu.memory_space<vmem_shared>>
      tpu.wait_dma2 semaphore(%run_scoped3A : memref<!tpu.dma_semaphore, #tpu.memory_space<semaphore_mem>>) src(%arg10 : memref<128x16xf32, #tpu.memory_space<vmem>>) dst(%dma_wait3A_298 : memref<128x16xf32, #tpu.memory_space<vmem_shared>>)
      tpu.yield
    }) : () -> ()
    %scan3A_30 = arith.constant 0 : i32
    %scan3A_31 = arith.constant 0 : i32
    %scan3A_32 = arith.constant 128 : i32
    %scan3A_33 = arith.addi %scan3A_31, %scan3A_32 : i32
    %scan3A_34 = arith.constant 1 : i32
    scf.for %scan3A_291 = %scan3A_31 to %scan3A_33 step %scan3A_34  : i32 {
      %broadcast_in_dim3A = arith.constant 0.000000e+00 : f32
      %broadcast_in_dim3A_292 = vector.broadcast %broadcast_in_dim3A : f32 to vector<16xf32>
      %swap3A = arith.index_cast %scan3A_291 : i32 to index
      %swap3A_293 = arith.constant 0 : index
      %swap3A_294 = tpu.vector_load %arg10[%swap3A, %swap3A_293] {strides = array<i32>} : memref<128x16xf32, #tpu.memory_space<vmem>>, vector<1x16xf32>,
      %swap3A_295 = vector.shape_cast %swap3A_294 : vector<1x16xf32> to vector<16xf32>
      %swap3A_296 = vector.shape_cast %broadcast_in_dim3A_292 : vector<16xf32> to vector<1x16xf32>
      tpu.vector_store %arg10[%swap3A, %swap3A_293], %swap3A_296 {strides = array<i32>} : memref<128x16xf32, #tpu.memory_space<vmem>>, vector<1x16xf32>,
    }
    %scan3A_35 = arith.constant 128 : i32
    %mul3A_36 = arith.constant 640 : i32
    %mul3A_37 = arith.muli %arg1, %mul3A_36 : i32
    %add3A_38 = arith.constant 0 : i32
    %add3A_39 = arith.addi %mul3A_37, %add3A_38 : i32
    "tpu.region"() ({
      %run_scoped3A = tpu.sem_alloc : memref<!tpu.dma_semaphore, #tpu.memory_space<semaphore_mem>>
      %dma_start3A_291 = arith.constant 0 : i32
      %dma_start3A_292 = tpu.memref_slice %arg13[%add3A_39, %dma_start3A_291] : memref<10240x16xf32, #tpu.memory_space<vmem_shared>> -> memref<128x16xf32, #tpu.memory_space<vmem_shared>>
      %dma_start3A_293 = arith.constant 0 : i32
      %dma_start3A_294 = tpu.memref_slice %arg13[%add3A_39, %dma_start3A_293] : memref<10240x16xf32, #tpu.memory_space<vmem_shared>> -> memref<128x16xf32, #tpu.memory_space<vmem_shared>>
      tpu.enqueue_dma source(%arg10 : memref<128x16xf32, #tpu.memory_space<vmem>>) target(%dma_start3A_294 : memref<128x16xf32, #tpu.memory_space<vmem_shared>>) target_semaphore(%run_scoped3A : memref<!tpu.dma_semaphore, #tpu.memory_space<semaphore_mem>>)
      %dma_wait3A_295 = arith.constant 0 : i32
      %dma_wait3A_296 = tpu.memref_slice %arg13[%add3A_39, %dma_wait3A_295] : memref<10240x16xf32, #tpu.memory_space<vmem_shared>> -> memref<128x16xf32, #tpu.memory_space<vmem_shared>>
      %dma_wait3A_297 = arith.constant 0 : i32
      %dma_wait3A_298 = tpu.memref_slice %arg13[%add3A_39, %dma_wait3A_297] : memref<10240x16xf32, #tpu.memory_space<vmem_shared>> -> memref<128x16xf32, #tpu.memory_space<vmem_shared>>
      tpu.wait_dma2 semaphore(%run_scoped3A : memref<!tpu.dma_semaphore, #tpu.memory_space<semaphore_mem>>) src(%arg10 : memref<128x16xf32, #tpu.memory_space<vmem>>) dst(%dma_wait3A_298 : memref<128x16xf32, #tpu.memory_space<vmem_shared>>)
      tpu.yield
    }) : () -> ()
    %mul3A_40 = arith.constant 640 : i32
    %mul3A_41 = arith.muli %arg1, %mul3A_40 : i32
    %add3A_42 = arith.constant 128 : i32
    %add3A_43 = arith.addi %mul3A_41, %add3A_42 : i32
    "tpu.region"() ({
      %run_scoped3A = tpu.sem_alloc : memref<!tpu.dma_semaphore, #tpu.memory_space<semaphore_mem>>
      %dma_start3A_291 = arith.constant 0 : i32
      %dma_start3A_292 = tpu.memref_slice %arg13[%add3A_43, %dma_start3A_291] : memref<10240x16xf32, #tpu.memory_space<vmem_shared>> -> memref<128x16xf32, #tpu.memory_space<vmem_shared>>
      %dma_start3A_293 = arith.constant 0 : i32
      %dma_start3A_294 = tpu.memref_slice %arg13[%add3A_43, %dma_start3A_293] : memref<10240x16xf32, #tpu.memory_space<vmem_shared>> -> memref<128x16xf32, #tpu.memory_space<vmem_shared>>
      tpu.enqueue_dma source(%arg10 : memref<128x16xf32, #tpu.memory_space<vmem>>) target(%dma_start3A_294 : memref<128x16xf32, #tpu.memory_space<vmem_shared>>) target_semaphore(%run_scoped3A : memref<!tpu.dma_semaphore, #tpu.memory_space<semaphore_mem>>)
      %dma_wait3A_295 = arith.constant 0 : i32
      %dma_wait3A_296 = tpu.memref_slice %arg13[%add3A_43, %dma_wait3A_295] : memref<10240x16xf32, #tpu.memory_space<vmem_shared>> -> memref<128x16xf32, #tpu.memory_space<vmem_shared>>
      %dma_wait3A_297 = arith.constant 0 : i32
      %dma_wait3A_298 = tpu.memref_slice %arg13[%add3A_43, %dma_wait3A_297] : memref<10240x16xf32, #tpu.memory_space<vmem_shared>> -> memref<128x16xf32, #tpu.memory_space<vmem_shared>>
      tpu.wait_dma2 semaphore(%run_scoped3A : memref<!tpu.dma_semaphore, #tpu.memory_space<semaphore_mem>>) src(%arg10 : memref<128x16xf32, #tpu.memory_space<vmem>>) dst(%dma_wait3A_298 : memref<128x16xf32, #tpu.memory_space<vmem_shared>>)
      tpu.yield
    }) : () -> ()
    %mul3A_44 = arith.constant 640 : i32
    %mul3A_45 = arith.muli %arg1, %mul3A_44 : i32
    %add3A_46 = arith.constant 256 : i32
    %add3A_47 = arith.addi %mul3A_45, %add3A_46 : i32
    "tpu.region"() ({
      %run_scoped3A = tpu.sem_alloc : memref<!tpu.dma_semaphore, #tpu.memory_space<semaphore_mem>>
      %dma_start3A_291 = arith.constant 0 : i32
      %dma_start3A_292 = tpu.memref_slice %arg13[%add3A_47, %dma_start3A_291] : memref<10240x16xf32, #tpu.memory_space<vmem_shared>> -> memref<128x16xf32, #tpu.memory_space<vmem_shared>>
      %dma_start3A_293 = arith.constant 0 : i32
      %dma_start3A_294 = tpu.memref_slice %arg13[%add3A_47, %dma_start3A_293] : memref<10240x16xf32, #tpu.memory_space<vmem_shared>> -> memref<128x16xf32, #tpu.memory_space<vmem_shared>>
      tpu.enqueue_dma source(%arg10 : memref<128x16xf32, #tpu.memory_space<vmem>>) target(%dma_start3A_294 : memref<128x16xf32, #tpu.memory_space<vmem_shared>>) target_semaphore(%run_scoped3A : memref<!tpu.dma_semaphore, #tpu.memory_space<semaphore_mem>>)
      %dma_wait3A_295 = arith.constant 0 : i32
      %dma_wait3A_296 = tpu.memref_slice %arg13[%add3A_47, %dma_wait3A_295] : memref<10240x16xf32, #tpu.memory_space<vmem_shared>> -> memref<128x16xf32, #tpu.memory_space<vmem_shared>>
      %dma_wait3A_297 = arith.constant 0 : i32
      %dma_wait3A_298 = tpu.memref_slice %arg13[%add3A_47, %dma_wait3A_297] : memref<10240x16xf32, #tpu.memory_space<vmem_shared>> -> memref<128x16xf32, #tpu.memory_space<vmem_shared>>
      tpu.wait_dma2 semaphore(%run_scoped3A : memref<!tpu.dma_semaphore, #tpu.memory_space<semaphore_mem>>) src(%arg10 : memref<128x16xf32, #tpu.memory_space<vmem>>) dst(%dma_wait3A_298 : memref<128x16xf32, #tpu.memory_space<vmem_shared>>)
      tpu.yield
    }) : () -> ()
    %mul3A_48 = arith.constant 640 : i32
    %mul3A_49 = arith.muli %arg1, %mul3A_48 : i32
    %add3A_50 = arith.constant 384 : i32
    %add3A_51 = arith.addi %mul3A_49, %add3A_50 : i32
    "tpu.region"() ({
      %run_scoped3A = tpu.sem_alloc : memref<!tpu.dma_semaphore, #tpu.memory_space<semaphore_mem>>
      %dma_start3A_291 = arith.constant 0 : i32
      %dma_start3A_292 = tpu.memref_slice %arg13[%add3A_51, %dma_start3A_291] : memref<10240x16xf32, #tpu.memory_space<vmem_shared>> -> memref<128x16xf32, #tpu.memory_space<vmem_shared>>
      %dma_start3A_293 = arith.constant 0 : i32
      %dma_start3A_294 = tpu.memref_slice %arg13[%add3A_51, %dma_start3A_293] : memref<10240x16xf32, #tpu.memory_space<vmem_shared>> -> memref<128x16xf32, #tpu.memory_space<vmem_shared>>
      tpu.enqueue_dma source(%arg10 : memref<128x16xf32, #tpu.memory_space<vmem>>) target(%dma_start3A_294 : memref<128x16xf32, #tpu.memory_space<vmem_shared>>) target_semaphore(%run_scoped3A : memref<!tpu.dma_semaphore, #tpu.memory_space<semaphore_mem>>)
      %dma_wait3A_295 = arith.constant 0 : i32
      %dma_wait3A_296 = tpu.memref_slice %arg13[%add3A_51, %dma_wait3A_295] : memref<10240x16xf32, #tpu.memory_space<vmem_shared>> -> memref<128x16xf32, #tpu.memory_space<vmem_shared>>
      %dma_wait3A_297 = arith.constant 0 : i32
      %dma_wait3A_298 = tpu.memref_slice %arg13[%add3A_51, %dma_wait3A_297] : memref<10240x16xf32, #tpu.memory_space<vmem_shared>> -> memref<128x16xf32, #tpu.memory_space<vmem_shared>>
      tpu.wait_dma2 semaphore(%run_scoped3A : memref<!tpu.dma_semaphore, #tpu.memory_space<semaphore_mem>>) src(%arg10 : memref<128x16xf32, #tpu.memory_space<vmem>>) dst(%dma_wait3A_298 : memref<128x16xf32, #tpu.memory_space<vmem_shared>>)
      tpu.yield
    }) : () -> ()
    %mul3A_52 = arith.constant 640 : i32
    %mul3A_53 = arith.muli %arg1, %mul3A_52 : i32
    %add3A_54 = arith.constant 512 : i32
    %add3A_55 = arith.addi %mul3A_53, %add3A_54 : i32
    "tpu.region"() ({
      %run_scoped3A = tpu.sem_alloc : memref<!tpu.dma_semaphore, #tpu.memory_space<semaphore_mem>>
      %dma_start3A_291 = arith.constant 0 : i32
      %dma_start3A_292 = tpu.memref_slice %arg13[%add3A_55, %dma_start3A_291] : memref<10240x16xf32, #tpu.memory_space<vmem_shared>> -> memref<128x16xf32, #tpu.memory_space<vmem_shared>>
      %dma_start3A_293 = arith.constant 0 : i32
      %dma_start3A_294 = tpu.memref_slice %arg13[%add3A_55, %dma_start3A_293] : memref<10240x16xf32, #tpu.memory_space<vmem_shared>> -> memref<128x16xf32, #tpu.memory_space<vmem_shared>>
      tpu.enqueue_dma source(%arg10 : memref<128x16xf32, #tpu.memory_space<vmem>>) target(%dma_start3A_294 : memref<128x16xf32, #tpu.memory_space<vmem_shared>>) target_semaphore(%run_scoped3A : memref<!tpu.dma_semaphore, #tpu.memory_space<semaphore_mem>>)
      %dma_wait3A_295 = arith.constant 0 : i32
      %dma_wait3A_296 = tpu.memref_slice %arg13[%add3A_55, %dma_wait3A_295] : memref<10240x16xf32, #tpu.memory_space<vmem_shared>> -> memref<128x16xf32, #tpu.memory_space<vmem_shared>>
      %dma_wait3A_297 = arith.constant 0 : i32
      %dma_wait3A_298 = tpu.memref_slice %arg13[%add3A_55, %dma_wait3A_297] : memref<10240x16xf32, #tpu.memory_space<vmem_shared>> -> memref<128x16xf32, #tpu.memory_space<vmem_shared>>
      tpu.wait_dma2 semaphore(%run_scoped3A : memref<!tpu.dma_semaphore, #tpu.memory_space<semaphore_mem>>) src(%arg10 : memref<128x16xf32, #tpu.memory_space<vmem>>) dst(%dma_wait3A_298 : memref<128x16xf32, #tpu.memory_space<vmem_shared>>)
      tpu.yield
    }) : () -> ()
    %scan3A_56 = arith.constant 0 : i32
    %scan3A_57 = arith.constant 0 : i32
    %scan3A_58 = arith.constant 128 : i32
    %scan3A_59 = arith.addi %scan3A_57, %scan3A_58 : i32
    %scan3A_60 = arith.constant 1 : i32
    scf.for %scan3A_291 = %scan3A_57 to %scan3A_59 step %scan3A_60  : i32 {
      %broadcast_in_dim3A = arith.constant 1.000000e+00 : f32
      %broadcast_in_dim3A_292 = vector.broadcast %broadcast_in_dim3A : f32 to vector<16xf32>
      %swap3A = arith.index_cast %scan3A_291 : i32 to index
      %swap3A_293 = arith.constant 0 : index
      %swap3A_294 = tpu.vector_load %arg12[%swap3A, %swap3A_293] {strides = array<i32>} : memref<128x16xf32, #tpu.memory_space<vmem>>, vector<1x16xf32>,
      %swap3A_295 = vector.shape_cast %swap3A_294 : vector<1x16xf32> to vector<16xf32>
      %swap3A_296 = vector.shape_cast %broadcast_in_dim3A_292 : vector<16xf32> to vector<1x16xf32>
      tpu.vector_store %arg12[%swap3A, %swap3A_293], %swap3A_296 {strides = array<i32>} : memref<128x16xf32, #tpu.memory_space<vmem>>, vector<1x16xf32>,
    }
    %scan3A_61 = arith.constant 128 : i32
    %barrier3A = arith.constant 0 : index
    tpu.barrier barrier_id(%barrier3A)
    %dma_start3A = arith.constant 0 : i32
    %dma_start3A_62 = arith.constant 0 : i32
    %dma_start3A_63 = arith.constant 0 : i32
    %dma_start3A_64 = arith.constant 0 : i32
    %dma_start3A_65 = tpu.memref_slice %arg9[%dma_start3A_62, %dma_start3A_63, %dma_start3A_64] : memref<8x128x16xf32, #tpu.memory_space<vmem>> -> memref<1x128x16xf32, #tpu.memory_space<vmem>>
    %dma_start3A_66 = tpu.memref_squeeze %dma_start3A_65 : memref<1x128x16xf32, #tpu.memory_space<vmem>> -> memref<128x16xf32, #tpu.memory_space<vmem>>
    %dma_start3A_67 = arith.constant 0 : i32
    %dma_start3A_68 = tpu.memref_slice %arg7[%dma_start3A, %dma_start3A_67] : memref<80x128xi32, #tpu.memory_space<vmem>> -> memref<1x128xi32, #tpu.memory_space<vmem>>
    %dma_start3A_69 = tpu.memref_squeeze %dma_start3A_68 : memref<1x128xi32, #tpu.memory_space<vmem>> -> memref<128xi32, #tpu.memory_space<vmem>>
    %dma_start3A_70 = arith.constant 0 : i32
    %dma_start3A_71 = arith.constant 0 : i32
    %dma_start3A_72 = tpu.memref_slice %arg2[%dma_start3A_70, %dma_start3A_71] : memref<10240x16xf32, #tpu.memory_space<hbm>> -> memref<10240x16xf32, #tpu.memory_space<hbm>>
    tpu.enqueue_indirect_dma source(%dma_start3A_72 : memref<10240x16xf32, #tpu.memory_space<hbm>>) target(%dma_start3A_66 : memref<128x16xf32, #tpu.memory_space<vmem>>) offsets(%dma_start3A_69 : memref<128xi32, #tpu.memory_space<vmem>>) semaphore(%arg14 : memref<!tpu.dma_semaphore, #tpu.memory_space<semaphore_mem>>)
    %dma_start3A_73 = arith.constant 1 : i32
    %dma_start3A_74 = arith.constant 1 : i32
    %dma_start3A_75 = arith.constant 0 : i32
    %dma_start3A_76 = arith.constant 0 : i32
    %dma_start3A_77 = tpu.memref_slice %arg9[%dma_start3A_74, %dma_start3A_75, %dma_start3A_76] : memref<8x128x16xf32, #tpu.memory_space<vmem>> -> memref<1x128x16xf32, #tpu.memory_space<vmem>>
    %dma_start3A_78 = tpu.memref_squeeze %dma_start3A_77 : memref<1x128x16xf32, #tpu.memory_space<vmem>> -> memref<128x16xf32, #tpu.memory_space<vmem>>
    %dma_start3A_79 = arith.constant 0 : i32
    %dma_start3A_80 = tpu.memref_slice %arg7[%dma_start3A_73, %dma_start3A_79] : memref<80x128xi32, #tpu.memory_space<vmem>> -> memref<1x128xi32, #tpu.memory_space<vmem>>
    %dma_start3A_81 = tpu.memref_squeeze %dma_start3A_80 : memref<1x128xi32, #tpu.memory_space<vmem>> -> memref<128xi32, #tpu.memory_space<vmem>>
    %dma_start3A_82 = arith.constant 0 : i32
    %dma_start3A_83 = arith.constant 0 : i32
    %dma_start3A_84 = tpu.memref_slice %arg2[%dma_start3A_82, %dma_start3A_83] : memref<10240x16xf32, #tpu.memory_space<hbm>> -> memref<10240x16xf32, #tpu.memory_space<hbm>>
    tpu.enqueue_indirect_dma source(%dma_start3A_84 : memref<10240x16xf32, #tpu.memory_space<hbm>>) target(%dma_start3A_78 : memref<128x16xf32, #tpu.memory_space<vmem>>) offsets(%dma_start3A_81 : memref<128xi32, #tpu.memory_space<vmem>>) semaphore(%arg15 : memref<!tpu.dma_semaphore, #tpu.memory_space<semaphore_mem>>)
    %dma_start3A_85 = arith.constant 2 : i32
    %dma_start3A_86 = arith.constant 2 : i32
    %dma_start3A_87 = arith.constant 0 : i32
    %dma_start3A_88 = arith.constant 0 : i32
    %dma_start3A_89 = tpu.memref_slice %arg9[%dma_start3A_86, %dma_start3A_87, %dma_start3A_88] : memref<8x128x16xf32, #tpu.memory_space<vmem>> -> memref<1x128x16xf32, #tpu.memory_space<vmem>>
    %dma_start3A_90 = tpu.memref_squeeze %dma_start3A_89 : memref<1x128x16xf32, #tpu.memory_space<vmem>> -> memref<128x16xf32, #tpu.memory_space<vmem>>
    %dma_start3A_91 = arith.constant 0 : i32
    %dma_start3A_92 = tpu.memref_slice %arg7[%dma_start3A_85, %dma_start3A_91] : memref<80x128xi32, #tpu.memory_space<vmem>> -> memref<1x128xi32, #tpu.memory_space<vmem>>
    %dma_start3A_93 = tpu.memref_squeeze %dma_start3A_92 : memref<1x128xi32, #tpu.memory_space<vmem>> -> memref<128xi32, #tpu.memory_space<vmem>>
    %dma_start3A_94 = arith.constant 0 : i32
    %dma_start3A_95 = arith.constant 0 : i32
    %dma_start3A_96 = tpu.memref_slice %arg2[%dma_start3A_94, %dma_start3A_95] : memref<10240x16xf32, #tpu.memory_space<hbm>> -> memref<10240x16xf32, #tpu.memory_space<hbm>>
    tpu.enqueue_indirect_dma source(%dma_start3A_96 : memref<10240x16xf32, #tpu.memory_space<hbm>>) target(%dma_start3A_90 : memref<128x16xf32, #tpu.memory_space<vmem>>) offsets(%dma_start3A_93 : memref<128xi32, #tpu.memory_space<vmem>>) semaphore(%arg16 : memref<!tpu.dma_semaphore, #tpu.memory_space<semaphore_mem>>)
    %dma_start3A_97 = arith.constant 3 : i32
    %dma_start3A_98 = arith.constant 3 : i32
    %dma_start3A_99 = arith.constant 0 : i32
    %dma_start3A_100 = arith.constant 0 : i32
    %dma_start3A_101 = tpu.memref_slice %arg9[%dma_start3A_98, %dma_start3A_99, %dma_start3A_100] : memref<8x128x16xf32, #tpu.memory_space<vmem>> -> memref<1x128x16xf32, #tpu.memory_space<vmem>>
    %dma_start3A_102 = tpu.memref_squeeze %dma_start3A_101 : memref<1x128x16xf32, #tpu.memory_space<vmem>> -> memref<128x16xf32, #tpu.memory_space<vmem>>
    %dma_start3A_103 = arith.constant 0 : i32
    %dma_start3A_104 = tpu.memref_slice %arg7[%dma_start3A_97, %dma_start3A_103] : memref<80x128xi32, #tpu.memory_space<vmem>> -> memref<1x128xi32, #tpu.memory_space<vmem>>
    %dma_start3A_105 = tpu.memref_squeeze %dma_start3A_104 : memref<1x128xi32, #tpu.memory_space<vmem>> -> memref<128xi32, #tpu.memory_space<vmem>>
    %dma_start3A_106 = arith.constant 0 : i32
    %dma_start3A_107 = arith.constant 0 : i32
    %dma_start3A_108 = tpu.memref_slice %arg2[%dma_start3A_106, %dma_start3A_107] : memref<10240x16xf32, #tpu.memory_space<hbm>> -> memref<10240x16xf32, #tpu.memory_space<hbm>>
    tpu.enqueue_indirect_dma source(%dma_start3A_108 : memref<10240x16xf32, #tpu.memory_space<hbm>>) target(%dma_start3A_102 : memref<128x16xf32, #tpu.memory_space<vmem>>) offsets(%dma_start3A_105 : memref<128xi32, #tpu.memory_space<vmem>>) semaphore(%arg17 : memref<!tpu.dma_semaphore, #tpu.memory_space<semaphore_mem>>)
    %dma_start3A_109 = arith.constant 4 : i32
    %dma_start3A_110 = arith.constant 4 : i32
    %dma_start3A_111 = arith.constant 0 : i32
    %dma_start3A_112 = arith.constant 0 : i32
    %dma_start3A_113 = tpu.memref_slice %arg9[%dma_start3A_110, %dma_start3A_111, %dma_start3A_112] : memref<8x128x16xf32, #tpu.memory_space<vmem>> -> memref<1x128x16xf32, #tpu.memory_space<vmem>>
    %dma_start3A_114 = tpu.memref_squeeze %dma_start3A_113 : memref<1x128x16xf32, #tpu.memory_space<vmem>> -> memref<128x16xf32, #tpu.memory_space<vmem>>
    %dma_start3A_115 = arith.constant 0 : i32
    %dma_start3A_116 = tpu.memref_slice %arg7[%dma_start3A_109, %dma_start3A_115] : memref<80x128xi32, #tpu.memory_space<vmem>> -> memref<1x128xi32, #tpu.memory_space<vmem>>
    %dma_start3A_117 = tpu.memref_squeeze %dma_start3A_116 : memref<1x128xi32, #tpu.memory_space<vmem>> -> memref<128xi32, #tpu.memory_space<vmem>>
    %dma_start3A_118 = arith.constant 0 : i32
    %dma_start3A_119 = arith.constant 0 : i32
    %dma_start3A_120 = tpu.memref_slice %arg2[%dma_start3A_118, %dma_start3A_119] : memref<10240x16xf32, #tpu.memory_space<hbm>> -> memref<10240x16xf32, #tpu.memory_space<hbm>>
    tpu.enqueue_indirect_dma source(%dma_start3A_120 : memref<10240x16xf32, #tpu.memory_space<hbm>>) target(%dma_start3A_114 : memref<128x16xf32, #tpu.memory_space<vmem>>) offsets(%dma_start3A_117 : memref<128xi32, #tpu.memory_space<vmem>>) semaphore(%arg18 : memref<!tpu.dma_semaphore, #tpu.memory_space<semaphore_mem>>)
    %dma_start3A_121 = arith.constant 5 : i32
    %dma_start3A_122 = arith.constant 5 : i32
    %dma_start3A_123 = arith.constant 0 : i32
    %dma_start3A_124 = arith.constant 0 : i32
    %dma_start3A_125 = tpu.memref_slice %arg9[%dma_start3A_122, %dma_start3A_123, %dma_start3A_124] : memref<8x128x16xf32, #tpu.memory_space<vmem>> -> memref<1x128x16xf32, #tpu.memory_space<vmem>>
    %dma_start3A_126 = tpu.memref_squeeze %dma_start3A_125 : memref<1x128x16xf32, #tpu.memory_space<vmem>> -> memref<128x16xf32, #tpu.memory_space<vmem>>
    %dma_start3A_127 = arith.constant 0 : i32
    %dma_start3A_128 = tpu.memref_slice %arg7[%dma_start3A_121, %dma_start3A_127] : memref<80x128xi32, #tpu.memory_space<vmem>> -> memref<1x128xi32, #tpu.memory_space<vmem>>
    %dma_start3A_129 = tpu.memref_squeeze %dma_start3A_128 : memref<1x128xi32, #tpu.memory_space<vmem>> -> memref<128xi32, #tpu.memory_space<vmem>>
    %dma_start3A_130 = arith.constant 0 : i32
    %dma_start3A_131 = arith.constant 0 : i32
    %dma_start3A_132 = tpu.memref_slice %arg2[%dma_start3A_130, %dma_start3A_131] : memref<10240x16xf32, #tpu.memory_space<hbm>> -> memref<10240x16xf32, #tpu.memory_space<hbm>>
    tpu.enqueue_indirect_dma source(%dma_start3A_132 : memref<10240x16xf32, #tpu.memory_space<hbm>>) target(%dma_start3A_126 : memref<128x16xf32, #tpu.memory_space<vmem>>) offsets(%dma_start3A_129 : memref<128xi32, #tpu.memory_space<vmem>>) semaphore(%arg19 : memref<!tpu.dma_semaphore, #tpu.memory_space<semaphore_mem>>)
    %scan3A_133 = arith.constant 0 : i32
    %scan3A_134 = arith.constant 0 : i32
    %scan3A_135 = arith.constant 10 : i32
    %scan3A_136 = arith.addi %scan3A_134, %scan3A_135 : i32
    %scan3A_137 = arith.constant 1 : i32
    scf.for %scan3A_291 = %scan3A_134 to %scan3A_136 step %scan3A_137  : i32 {
      %mul3A_292 = arith.constant 8 : i32
      %mul3A_293 = arith.muli %mul3A_292, %scan3A_291 : i32
      %add3A_294 = arith.constant 0 : i32
      %add3A_295 = arith.addi %mul3A_293, %add3A_294 : i32
      %add3A_296 = arith.constant 6 : i32
      %add3A_297 = arith.addi %add3A_295, %add3A_296 : i32
      %lt3A = arith.constant 80 : i32
      %lt3A_298 = arith.cmpi slt, %add3A_297, %lt3A : i32
      %convert_element_type3A = arith.extui %lt3A_298 : i1 to i32
      %cond3A = arith.constant 0 : i32
      %cond3A_299 = arith.cmpi ne, %convert_element_type3A, %cond3A : i32
      scf.if %cond3A_299 {
        %ge3A = arith.constant 2 : i32
        %ge3A_601 = arith.cmpi sge, %add3A_295, %ge3A : i32
        %convert_element_type3A_602 = arith.extui %ge3A_601 : i1 to i32
        %cond3A_603 = arith.constant 0 : i32
        %cond3A_604 = arith.cmpi ne, %convert_element_type3A_602, %cond3A_603 : i32
        scf.if %cond3A_604 {
          %add3A_618 = arith.constant 6 : i32
          %add3A_619 = arith.addi %add3A_295, %add3A_618 : i32
          %sub3A = arith.constant 8 : i32
          %sub3A_620 = arith.subi %add3A_619, %sub3A : i32
          %dma_wait3A_621 = arith.constant 6 : i32
          %dma_wait3A_622 = arith.constant 0 : i32
          %dma_wait3A_623 = arith.constant 0 : i32
          %dma_wait3A_624 = tpu.memref_slice %arg9[%dma_wait3A_621, %dma_wait3A_622, %dma_wait3A_623] : memref<8x128x16xf32, #tpu.memory_space<vmem>> -> memref<1x128x16xf32, #tpu.memory_space<vmem>>
          %dma_wait3A_625 = tpu.memref_squeeze %dma_wait3A_624 : memref<1x128x16xf32, #tpu.memory_space<vmem>> -> memref<128x16xf32, #tpu.memory_space<vmem>>
          %dma_wait3A_626 = arith.constant 0 : i32
          %dma_wait3A_627 = tpu.memref_slice %arg8[%sub3A_620, %dma_wait3A_626] : memref<80x128xi32, #tpu.memory_space<vmem>> -> memref<1x128xi32, #tpu.memory_space<vmem>>
          %dma_wait3A_628 = tpu.memref_squeeze %dma_wait3A_627 : memref<1x128xi32, #tpu.memory_space<vmem>> -> memref<128xi32, #tpu.memory_space<vmem>>
          %dma_wait3A_629 = arith.constant 0 : i32
          %dma_wait3A_630 = arith.constant 0 : i32
          %dma_wait3A_631 = tpu.memref_slice %arg11[%dma_wait3A_629, %dma_wait3A_630] : memref<10240x16xf32, #tpu.memory_space<vmem_shared>> -> memref<10240x16xf32, #tpu.memory_space<vmem_shared>>
          tpu.wait_indirect_dma semaphore(%arg28 : memref<!tpu.dma_semaphore, #tpu.memory_space<semaphore_mem>>) src(%dma_wait3A_625 : memref<128x16xf32, #tpu.memory_space<vmem>>) dst(%dma_wait3A_631 : memref<10240x16xf32, #tpu.memory_space<vmem_shared>>)
          %dma_wait3A_632 = arith.constant 0 : i32
          %dma_wait3A_633 = tpu.memref_slice %arg8[%sub3A_620, %dma_wait3A_632] : memref<80x128xi32, #tpu.memory_space<vmem>> -> memref<1x128xi32, #tpu.memory_space<vmem>>
          %dma_wait3A_634 = tpu.memref_squeeze %dma_wait3A_633 : memref<1x128xi32, #tpu.memory_space<vmem>> -> memref<128xi32, #tpu.memory_space<vmem>>
          %dma_wait3A_635 = arith.constant 0 : i32
          %dma_wait3A_636 = arith.constant 0 : i32
          %dma_wait3A_637 = tpu.memref_slice %arg13[%dma_wait3A_635, %dma_wait3A_636] : memref<10240x16xf32, #tpu.memory_space<vmem_shared>> -> memref<10240x16xf32, #tpu.memory_space<vmem_shared>>
          tpu.wait_indirect_dma semaphore(%arg36 : memref<!tpu.dma_semaphore, #tpu.memory_space<semaphore_mem>>) src(%arg12 : memref<128x16xf32, #tpu.memory_space<vmem>>) dst(%dma_wait3A_637 : memref<10240x16xf32, #tpu.memory_space<vmem_shared>>)
        } else {
        }
        %add3A_605 = arith.constant 6 : i32
        %add3A_606 = arith.addi %add3A_295, %add3A_605 : i32
        %dma_start3A_607 = arith.constant 6 : i32
        %dma_start3A_608 = arith.constant 0 : i32
        %dma_start3A_609 = arith.constant 0 : i32
        %dma_start3A_610 = tpu.memref_slice %arg9[%dma_start3A_607, %dma_start3A_608, %dma_start3A_609] : memref<8x128x16xf32, #tpu.memory_space<vmem>> -> memref<1x128x16xf32, #tpu.memory_space<vmem>>
        %dma_start3A_611 = tpu.memref_squeeze %dma_start3A_610 : memref<1x128x16xf32, #tpu.memory_space<vmem>> -> memref<128x16xf32, #tpu.memory_space<vmem>>
        %dma_start3A_612 = arith.constant 0 : i32
        %dma_start3A_613 = tpu.memref_slice %arg7[%add3A_606, %dma_start3A_612] : memref<80x128xi32, #tpu.memory_space<vmem>> -> memref<1x128xi32, #tpu.memory_space<vmem>>
        %dma_start3A_614 = tpu.memref_squeeze %dma_start3A_613 : memref<1x128xi32, #tpu.memory_space<vmem>> -> memref<128xi32, #tpu.memory_space<vmem>>
        %dma_start3A_615 = arith.constant 0 : i32
        %dma_start3A_616 = arith.constant 0 : i32
        %dma_start3A_617 = tpu.memref_slice %arg2[%dma_start3A_615, %dma_start3A_616] : memref<10240x16xf32, #tpu.memory_space<hbm>> -> memref<10240x16xf32, #tpu.memory_space<hbm>>
        tpu.enqueue_indirect_dma source(%dma_start3A_617 : memref<10240x16xf32, #tpu.memory_space<hbm>>) target(%dma_start3A_611 : memref<128x16xf32, #tpu.memory_space<vmem>>) offsets(%dma_start3A_614 : memref<128xi32, #tpu.memory_space<vmem>>) semaphore(%arg20 : memref<!tpu.dma_semaphore, #tpu.memory_space<semaphore_mem>>)
      } else {
      }
      %dma_wait3A_300 = arith.constant 0 : i32
      %dma_wait3A_301 = arith.constant 0 : i32
      %dma_wait3A_302 = arith.constant 0 : i32
      %dma_wait3A_303 = tpu.memref_slice %arg9[%dma_wait3A_300, %dma_wait3A_301, %dma_wait3A_302] : memref<8x128x16xf32, #tpu.memory_space<vmem>> -> memref<1x128x16xf32, #tpu.memory_space<vmem>>
      %dma_wait3A_304 = tpu.memref_squeeze %dma_wait3A_303 : memref<1x128x16xf32, #tpu.memory_space<vmem>> -> memref<128x16xf32, #tpu.memory_space<vmem>>
      %dma_wait3A_305 = arith.constant 0 : i32
      %dma_wait3A_306 = tpu.memref_slice %arg7[%add3A_295, %dma_wait3A_305] : memref<80x128xi32, #tpu.memory_space<vmem>> -> memref<1x128xi32, #tpu.memory_space<vmem>>
      %dma_wait3A_307 = tpu.memref_squeeze %dma_wait3A_306 : memref<1x128xi32, #tpu.memory_space<vmem>> -> memref<128xi32, #tpu.memory_space<vmem>>
      %dma_wait3A_308 = arith.constant 0 : i32
      %dma_wait3A_309 = arith.constant 0 : i32
      %dma_wait3A_310 = tpu.memref_slice %arg2[%dma_wait3A_308, %dma_wait3A_309] : memref<10240x16xf32, #tpu.memory_space<hbm>> -> memref<10240x16xf32, #tpu.memory_space<hbm>>
      tpu.wait_indirect_dma semaphore(%arg14 : memref<!tpu.dma_semaphore, #tpu.memory_space<semaphore_mem>>) src(%dma_wait3A_310 : memref<10240x16xf32, #tpu.memory_space<hbm>>) dst(%dma_wait3A_304 : memref<128x16xf32, #tpu.memory_space<vmem>>)
      %dma_start3A_311 = arith.constant 0 : i32
      %dma_start3A_312 = arith.constant 0 : i32
      %dma_start3A_313 = arith.constant 0 : i32
      %dma_start3A_314 = tpu.memref_slice %arg9[%dma_start3A_311, %dma_start3A_312, %dma_start3A_313] : memref<8x128x16xf32, #tpu.memory_space<vmem>> -> memref<1x128x16xf32, #tpu.memory_space<vmem>>
      %dma_start3A_315 = tpu.memref_squeeze %dma_start3A_314 : memref<1x128x16xf32, #tpu.memory_space<vmem>> -> memref<128x16xf32, #tpu.memory_space<vmem>>
      %dma_start3A_316 = arith.constant 0 : i32
      %dma_start3A_317 = tpu.memref_slice %arg8[%add3A_295, %dma_start3A_316] : memref<80x128xi32, #tpu.memory_space<vmem>> -> memref<1x128xi32, #tpu.memory_space<vmem>>
      %dma_start3A_318 = tpu.memref_squeeze %dma_start3A_317 : memref<1x128xi32, #tpu.memory_space<vmem>> -> memref<128xi32, #tpu.memory_space<vmem>>
      %dma_start3A_319 = arith.constant 0 : i32
      %dma_start3A_320 = arith.constant 0 : i32
      %dma_start3A_321 = tpu.memref_slice %arg11[%dma_start3A_319, %dma_start3A_320] : memref<10240x16xf32, #tpu.memory_space<vmem_shared>> -> memref<10240x16xf32, #tpu.memory_space<vmem_shared>>
      tpu.enqueue_indirect_dma source(%dma_start3A_315 : memref<128x16xf32, #tpu.memory_space<vmem>>) target(%dma_start3A_321 : memref<10240x16xf32, #tpu.memory_space<vmem_shared>>) offsets(%dma_start3A_318 : memref<128xi32, #tpu.memory_space<vmem>>) semaphore(%arg22 : memref<!tpu.dma_semaphore, #tpu.memory_space<semaphore_mem>>) {add = true}
      %dma_start3A_322 = arith.constant 0 : i32
      %dma_start3A_323 = tpu.memref_slice %arg8[%add3A_295, %dma_start3A_322] : memref<80x128xi32, #tpu.memory_space<vmem>> -> memref<1x128xi32, #tpu.memory_space<vmem>>
      %dma_start3A_324 = tpu.memref_squeeze %dma_start3A_323 : memref<1x128xi32, #tpu.memory_space<vmem>> -> memref<128xi32, #tpu.memory_space<vmem>>
      %dma_start3A_325 = arith.constant 0 : i32
      %dma_start3A_326 = arith.constant 0 : i32
      %dma_start3A_327 = tpu.memref_slice %arg13[%dma_start3A_325, %dma_start3A_326] : memref<10240x16xf32, #tpu.memory_space<vmem_shared>> -> memref<10240x16xf32, #tpu.memory_space<vmem_shared>>
      tpu.enqueue_indirect_dma source(%arg12 : memref<128x16xf32, #tpu.memory_space<vmem>>) target(%dma_start3A_327 : memref<10240x16xf32, #tpu.memory_space<vmem_shared>>) offsets(%dma_start3A_324 : memref<128xi32, #tpu.memory_space<vmem>>) semaphore(%arg30 : memref<!tpu.dma_semaphore, #tpu.memory_space<semaphore_mem>>) {add = true}
      %mul3A_328 = arith.constant 8 : i32
      %mul3A_329 = arith.muli %mul3A_328, %scan3A_291 : i32
      %add3A_330 = arith.constant 1 : i32
      %add3A_331 = arith.addi %mul3A_329, %add3A_330 : i32
      %add3A_332 = arith.constant 6 : i32
      %add3A_333 = arith.addi %add3A_331, %add3A_332 : i32
      %lt3A_334 = arith.constant 80 : i32
      %lt3A_335 = arith.cmpi slt, %add3A_333, %lt3A_334 : i32
      %convert_element_type3A_336 = arith.extui %lt3A_335 : i1 to i32
      %cond3A_337 = arith.constant 0 : i32
      %cond3A_338 = arith.cmpi ne, %convert_element_type3A_336, %cond3A_337 : i32
      scf.if %cond3A_338 {
        %ge3A = arith.constant 2 : i32
        %ge3A_601 = arith.cmpi sge, %add3A_331, %ge3A : i32
        %convert_element_type3A_602 = arith.extui %ge3A_601 : i1 to i32
        %cond3A_603 = arith.constant 0 : i32
        %cond3A_604 = arith.cmpi ne, %convert_element_type3A_602, %cond3A_603 : i32
        scf.if %cond3A_604 {
          %add3A_618 = arith.constant 6 : i32
          %add3A_619 = arith.addi %add3A_331, %add3A_618 : i32
          %sub3A = arith.constant 8 : i32
          %sub3A_620 = arith.subi %add3A_619, %sub3A : i32
          %dma_wait3A_621 = arith.constant 7 : i32
          %dma_wait3A_622 = arith.constant 0 : i32
          %dma_wait3A_623 = arith.constant 0 : i32
          %dma_wait3A_624 = tpu.memref_slice %arg9[%dma_wait3A_621, %dma_wait3A_622, %dma_wait3A_623] : memref<8x128x16xf32, #tpu.memory_space<vmem>> -> memref<1x128x16xf32, #tpu.memory_space<vmem>>
          %dma_wait3A_625 = tpu.memref_squeeze %dma_wait3A_624 : memref<1x128x16xf32, #tpu.memory_space<vmem>> -> memref<128x16xf32, #tpu.memory_space<vmem>>
          %dma_wait3A_626 = arith.constant 0 : i32
          %dma_wait3A_627 = tpu.memref_slice %arg8[%sub3A_620, %dma_wait3A_626] : memref<80x128xi32, #tpu.memory_space<vmem>> -> memref<1x128xi32, #tpu.memory_space<vmem>>
          %dma_wait3A_628 = tpu.memref_squeeze %dma_wait3A_627 : memref<1x128xi32, #tpu.memory_space<vmem>> -> memref<128xi32, #tpu.memory_space<vmem>>
          %dma_wait3A_629 = arith.constant 0 : i32
          %dma_wait3A_630 = arith.constant 0 : i32
          %dma_wait3A_631 = tpu.memref_slice %arg11[%dma_wait3A_629, %dma_wait3A_630] : memref<10240x16xf32, #tpu.memory_space<vmem_shared>> -> memref<10240x16xf32, #tpu.memory_space<vmem_shared>>
          tpu.wait_indirect_dma semaphore(%arg29 : memref<!tpu.dma_semaphore, #tpu.memory_space<semaphore_mem>>) src(%dma_wait3A_625 : memref<128x16xf32, #tpu.memory_space<vmem>>) dst(%dma_wait3A_631 : memref<10240x16xf32, #tpu.memory_space<vmem_shared>>)
          %dma_wait3A_632 = arith.constant 0 : i32
          %dma_wait3A_633 = tpu.memref_slice %arg8[%sub3A_620, %dma_wait3A_632] : memref<80x128xi32, #tpu.memory_space<vmem>> -> memref<1x128xi32, #tpu.memory_space<vmem>>
          %dma_wait3A_634 = tpu.memref_squeeze %dma_wait3A_633 : memref<1x128xi32, #tpu.memory_space<vmem>> -> memref<128xi32, #tpu.memory_space<vmem>>
          %dma_wait3A_635 = arith.constant 0 : i32
          %dma_wait3A_636 = arith.constant 0 : i32
          %dma_wait3A_637 = tpu.memref_slice %arg13[%dma_wait3A_635, %dma_wait3A_636] : memref<10240x16xf32, #tpu.memory_space<vmem_shared>> -> memref<10240x16xf32, #tpu.memory_space<vmem_shared>>
          tpu.wait_indirect_dma semaphore(%arg37 : memref<!tpu.dma_semaphore, #tpu.memory_space<semaphore_mem>>) src(%arg12 : memref<128x16xf32, #tpu.memory_space<vmem>>) dst(%dma_wait3A_637 : memref<10240x16xf32, #tpu.memory_space<vmem_shared>>)
        } else {
        }
        %add3A_605 = arith.constant 6 : i32
        %add3A_606 = arith.addi %add3A_331, %add3A_605 : i32
        %dma_start3A_607 = arith.constant 7 : i32
        %dma_start3A_608 = arith.constant 0 : i32
        %dma_start3A_609 = arith.constant 0 : i32
        %dma_start3A_610 = tpu.memref_slice %arg9[%dma_start3A_607, %dma_start3A_608, %dma_start3A_609] : memref<8x128x16xf32, #tpu.memory_space<vmem>> -> memref<1x128x16xf32, #tpu.memory_space<vmem>>
        %dma_start3A_611 = tpu.memref_squeeze %dma_start3A_610 : memref<1x128x16xf32, #tpu.memory_space<vmem>> -> memref<128x16xf32, #tpu.memory_space<vmem>>
        %dma_start3A_612 = arith.constant 0 : i32
        %dma_start3A_613 = tpu.memref_slice %arg7[%add3A_606, %dma_start3A_612] : memref<80x128xi32, #tpu.memory_space<vmem>> -> memref<1x128xi32, #tpu.memory_space<vmem>>
        %dma_start3A_614 = tpu.memref_squeeze %dma_start3A_613 : memref<1x128xi32, #tpu.memory_space<vmem>> -> memref<128xi32, #tpu.memory_space<vmem>>
        %dma_start3A_615 = arith.constant 0 : i32
        %dma_start3A_616 = arith.constant 0 : i32
        %dma_start3A_617 = tpu.memref_slice %arg2[%dma_start3A_615, %dma_start3A_616] : memref<10240x16xf32, #tpu.memory_space<hbm>> -> memref<10240x16xf32, #tpu.memory_space<hbm>>
        tpu.enqueue_indirect_dma source(%dma_start3A_617 : memref<10240x16xf32, #tpu.memory_space<hbm>>) target(%dma_start3A_611 : memref<128x16xf32, #tpu.memory_space<vmem>>) offsets(%dma_start3A_614 : memref<128xi32, #tpu.memory_space<vmem>>) semaphore(%arg21 : memref<!tpu.dma_semaphore, #tpu.memory_space<semaphore_mem>>)
      } else {
      }
      %dma_wait3A_339 = arith.constant 1 : i32
      %dma_wait3A_340 = arith.constant 0 : i32
      %dma_wait3A_341 = arith.constant 0 : i32
      %dma_wait3A_342 = tpu.memref_slice %arg9[%dma_wait3A_339, %dma_wait3A_340, %dma_wait3A_341] : memref<8x128x16xf32, #tpu.memory_space<vmem>> -> memref<1x128x16xf32, #tpu.memory_space<vmem>>
      %dma_wait3A_343 = tpu.memref_squeeze %dma_wait3A_342 : memref<1x128x16xf32, #tpu.memory_space<vmem>> -> memref<128x16xf32, #tpu.memory_space<vmem>>
      %dma_wait3A_344 = arith.constant 0 : i32
      %dma_wait3A_345 = tpu.memref_slice %arg7[%add3A_331, %dma_wait3A_344] : memref<80x128xi32, #tpu.memory_space<vmem>> -> memref<1x128xi32, #tpu.memory_space<vmem>>
      %dma_wait3A_346 = tpu.memref_squeeze %dma_wait3A_345 : memref<1x128xi32, #tpu.memory_space<vmem>> -> memref<128xi32, #tpu.memory_space<vmem>>
      %dma_wait3A_347 = arith.constant 0 : i32
      %dma_wait3A_348 = arith.constant 0 : i32
      %dma_wait3A_349 = tpu.memref_slice %arg2[%dma_wait3A_347, %dma_wait3A_348] : memref<10240x16xf32, #tpu.memory_space<hbm>> -> memref<10240x16xf32, #tpu.memory_space<hbm>>
      tpu.wait_indirect_dma semaphore(%arg15 : memref<!tpu.dma_semaphore, #tpu.memory_space<semaphore_mem>>) src(%dma_wait3A_349 : memref<10240x16xf32, #tpu.memory_space<hbm>>) dst(%dma_wait3A_343 : memref<128x16xf32, #tpu.memory_space<vmem>>)
      %dma_start3A_350 = arith.constant 1 : i32
      %dma_start3A_351 = arith.constant 0 : i32
      %dma_start3A_352 = arith.constant 0 : i32
      %dma_start3A_353 = tpu.memref_slice %arg9[%dma_start3A_350, %dma_start3A_351, %dma_start3A_352] : memref<8x128x16xf32, #tpu.memory_space<vmem>> -> memref<1x128x16xf32, #tpu.memory_space<vmem>>
      %dma_start3A_354 = tpu.memref_squeeze %dma_start3A_353 : memref<1x128x16xf32, #tpu.memory_space<vmem>> -> memref<128x16xf32, #tpu.memory_space<vmem>>
      %dma_start3A_355 = arith.constant 0 : i32
      %dma_start3A_356 = tpu.memref_slice %arg8[%add3A_331, %dma_start3A_355] : memref<80x128xi32, #tpu.memory_space<vmem>> -> memref<1x128xi32, #tpu.memory_space<vmem>>
      %dma_start3A_357 = tpu.memref_squeeze %dma_start3A_356 : memref<1x128xi32, #tpu.memory_space<vmem>> -> memref<128xi32, #tpu.memory_space<vmem>>
      %dma_start3A_358 = arith.constant 0 : i32
      %dma_start3A_359 = arith.constant 0 : i32
      %dma_start3A_360 = tpu.memref_slice %arg11[%dma_start3A_358, %dma_start3A_359] : memref<10240x16xf32, #tpu.memory_space<vmem_shared>> -> memref<10240x16xf32, #tpu.memory_space<vmem_shared>>
      tpu.enqueue_indirect_dma source(%dma_start3A_354 : memref<128x16xf32, #tpu.memory_space<vmem>>) target(%dma_start3A_360 : memref<10240x16xf32, #tpu.memory_space<vmem_shared>>) offsets(%dma_start3A_357 : memref<128xi32, #tpu.memory_space<vmem>>) semaphore(%arg23 : memref<!tpu.dma_semaphore, #tpu.memory_space<semaphore_mem>>) {add = true}
      %dma_start3A_361 = arith.constant 0 : i32
      %dma_start3A_362 = tpu.memref_slice %arg8[%add3A_331, %dma_start3A_361] : memref<80x128xi32, #tpu.memory_space<vmem>> -> memref<1x128xi32, #tpu.memory_space<vmem>>
      %dma_start3A_363 = tpu.memref_squeeze %dma_start3A_362 : memref<1x128xi32, #tpu.memory_space<vmem>> -> memref<128xi32, #tpu.memory_space<vmem>>
      %dma_start3A_364 = arith.constant 0 : i32
      %dma_start3A_365 = arith.constant 0 : i32
      %dma_start3A_366 = tpu.memref_slice %arg13[%dma_start3A_364, %dma_start3A_365] : memref<10240x16xf32, #tpu.memory_space<vmem_shared>> -> memref<10240x16xf32, #tpu.memory_space<vmem_shared>>
      tpu.enqueue_indirect_dma source(%arg12 : memref<128x16xf32, #tpu.memory_space<vmem>>) target(%dma_start3A_366 : memref<10240x16xf32, #tpu.memory_space<vmem_shared>>) offsets(%dma_start3A_363 : memref<128xi32, #tpu.memory_space<vmem>>) semaphore(%arg31 : memref<!tpu.dma_semaphore, #tpu.memory_space<semaphore_mem>>) {add = true}
      %mul3A_367 = arith.constant 8 : i32
      %mul3A_368 = arith.muli %mul3A_367, %scan3A_291 : i32
      %add3A_369 = arith.constant 2 : i32
      %add3A_370 = arith.addi %mul3A_368, %add3A_369 : i32
      %add3A_371 = arith.constant 6 : i32
      %add3A_372 = arith.addi %add3A_370, %add3A_371 : i32
      %lt3A_373 = arith.constant 80 : i32
      %lt3A_374 = arith.cmpi slt, %add3A_372, %lt3A_373 : i32
      %convert_element_type3A_375 = arith.extui %lt3A_374 : i1 to i32
      %cond3A_376 = arith.constant 0 : i32
      %cond3A_377 = arith.cmpi ne, %convert_element_type3A_375, %cond3A_376 : i32
      scf.if %cond3A_377 {
        %ge3A = arith.constant 2 : i32
        %ge3A_601 = arith.cmpi sge, %add3A_370, %ge3A : i32
        %convert_element_type3A_602 = arith.extui %ge3A_601 : i1 to i32
        %cond3A_603 = arith.constant 0 : i32
        %cond3A_604 = arith.cmpi ne, %convert_element_type3A_602, %cond3A_603 : i32
        scf.if %cond3A_604 {
          %add3A_618 = arith.constant 6 : i32
          %add3A_619 = arith.addi %add3A_370, %add3A_618 : i32
          %sub3A = arith.constant 8 : i32
          %sub3A_620 = arith.subi %add3A_619, %sub3A : i32
          %dma_wait3A_621 = arith.constant 0 : i32
          %dma_wait3A_622 = arith.constant 0 : i32
          %dma_wait3A_623 = arith.constant 0 : i32
          %dma_wait3A_624 = tpu.memref_slice %arg9[%dma_wait3A_621, %dma_wait3A_622, %dma_wait3A_623] : memref<8x128x16xf32, #tpu.memory_space<vmem>> -> memref<1x128x16xf32, #tpu.memory_space<vmem>>
          %dma_wait3A_625 = tpu.memref_squeeze %dma_wait3A_624 : memref<1x128x16xf32, #tpu.memory_space<vmem>> -> memref<128x16xf32, #tpu.memory_space<vmem>>
          %dma_wait3A_626 = arith.constant 0 : i32
          %dma_wait3A_627 = tpu.memref_slice %arg8[%sub3A_620, %dma_wait3A_626] : memref<80x128xi32, #tpu.memory_space<vmem>> -> memref<1x128xi32, #tpu.memory_space<vmem>>
          %dma_wait3A_628 = tpu.memref_squeeze %dma_wait3A_627 : memref<1x128xi32, #tpu.memory_space<vmem>> -> memref<128xi32, #tpu.memory_space<vmem>>
          %dma_wait3A_629 = arith.constant 0 : i32
          %dma_wait3A_630 = arith.constant 0 : i32
          %dma_wait3A_631 = tpu.memref_slice %arg11[%dma_wait3A_629, %dma_wait3A_630] : memref<10240x16xf32, #tpu.memory_space<vmem_shared>> -> memref<10240x16xf32, #tpu.memory_space<vmem_shared>>
          tpu.wait_indirect_dma semaphore(%arg22 : memref<!tpu.dma_semaphore, #tpu.memory_space<semaphore_mem>>) src(%dma_wait3A_625 : memref<128x16xf32, #tpu.memory_space<vmem>>) dst(%dma_wait3A_631 : memref<10240x16xf32, #tpu.memory_space<vmem_shared>>)
          %dma_wait3A_632 = arith.constant 0 : i32
          %dma_wait3A_633 = tpu.memref_slice %arg8[%sub3A_620, %dma_wait3A_632] : memref<80x128xi32, #tpu.memory_space<vmem>> -> memref<1x128xi32, #tpu.memory_space<vmem>>
          %dma_wait3A_634 = tpu.memref_squeeze %dma_wait3A_633 : memref<1x128xi32, #tpu.memory_space<vmem>> -> memref<128xi32, #tpu.memory_space<vmem>>
          %dma_wait3A_635 = arith.constant 0 : i32
          %dma_wait3A_636 = arith.constant 0 : i32
          %dma_wait3A_637 = tpu.memref_slice %arg13[%dma_wait3A_635, %dma_wait3A_636] : memref<10240x16xf32, #tpu.memory_space<vmem_shared>> -> memref<10240x16xf32, #tpu.memory_space<vmem_shared>>
          tpu.wait_indirect_dma semaphore(%arg30 : memref<!tpu.dma_semaphore, #tpu.memory_space<semaphore_mem>>) src(%arg12 : memref<128x16xf32, #tpu.memory_space<vmem>>) dst(%dma_wait3A_637 : memref<10240x16xf32, #tpu.memory_space<vmem_shared>>)
        } else {
        }
        %add3A_605 = arith.constant 6 : i32
        %add3A_606 = arith.addi %add3A_370, %add3A_605 : i32
        %dma_start3A_607 = arith.constant 0 : i32
        %dma_start3A_608 = arith.constant 0 : i32
        %dma_start3A_609 = arith.constant 0 : i32
        %dma_start3A_610 = tpu.memref_slice %arg9[%dma_start3A_607, %dma_start3A_608, %dma_start3A_609] : memref<8x128x16xf32, #tpu.memory_space<vmem>> -> memref<1x128x16xf32, #tpu.memory_space<vmem>>
        %dma_start3A_611 = tpu.memref_squeeze %dma_start3A_610 : memref<1x128x16xf32, #tpu.memory_space<vmem>> -> memref<128x16xf32, #tpu.memory_space<vmem>>
        %dma_start3A_612 = arith.constant 0 : i32
        %dma_start3A_613 = tpu.memref_slice %arg7[%add3A_606, %dma_start3A_612] : memref<80x128xi32, #tpu.memory_space<vmem>> -> memref<1x128xi32, #tpu.memory_space<vmem>>
        %dma_start3A_614 = tpu.memref_squeeze %dma_start3A_613 : memref<1x128xi32, #tpu.memory_space<vmem>> -> memref<128xi32, #tpu.memory_space<vmem>>
        %dma_start3A_615 = arith.constant 0 : i32
        %dma_start3A_616 = arith.constant 0 : i32
        %dma_start3A_617 = tpu.memref_slice %arg2[%dma_start3A_615, %dma_start3A_616] : memref<10240x16xf32, #tpu.memory_space<hbm>> -> memref<10240x16xf32, #tpu.memory_space<hbm>>
        tpu.enqueue_indirect_dma source(%dma_start3A_617 : memref<10240x16xf32, #tpu.memory_space<hbm>>) target(%dma_start3A_611 : memref<128x16xf32, #tpu.memory_space<vmem>>) offsets(%dma_start3A_614 : memref<128xi32, #tpu.memory_space<vmem>>) semaphore(%arg14 : memref<!tpu.dma_semaphore, #tpu.memory_space<semaphore_mem>>)
      } else {
      }
      %dma_wait3A_378 = arith.constant 2 : i32
      %dma_wait3A_379 = arith.constant 0 : i32
      %dma_wait3A_380 = arith.constant 0 : i32
      %dma_wait3A_381 = tpu.memref_slice %arg9[%dma_wait3A_378, %dma_wait3A_379, %dma_wait3A_380] : memref<8x128x16xf32, #tpu.memory_space<vmem>> -> memref<1x128x16xf32, #tpu.memory_space<vmem>>
      %dma_wait3A_382 = tpu.memref_squeeze %dma_wait3A_381 : memref<1x128x16xf32, #tpu.memory_space<vmem>> -> memref<128x16xf32, #tpu.memory_space<vmem>>
      %dma_wait3A_383 = arith.constant 0 : i32
      %dma_wait3A_384 = tpu.memref_slice %arg7[%add3A_370, %dma_wait3A_383] : memref<80x128xi32, #tpu.memory_space<vmem>> -> memref<1x128xi32, #tpu.memory_space<vmem>>
      %dma_wait3A_385 = tpu.memref_squeeze %dma_wait3A_384 : memref<1x128xi32, #tpu.memory_space<vmem>> -> memref<128xi32, #tpu.memory_space<vmem>>
      %dma_wait3A_386 = arith.constant 0 : i32
      %dma_wait3A_387 = arith.constant 0 : i32
      %dma_wait3A_388 = tpu.memref_slice %arg2[%dma_wait3A_386, %dma_wait3A_387] : memref<10240x16xf32, #tpu.memory_space<hbm>> -> memref<10240x16xf32, #tpu.memory_space<hbm>>
      tpu.wait_indirect_dma semaphore(%arg16 : memref<!tpu.dma_semaphore, #tpu.memory_space<semaphore_mem>>) src(%dma_wait3A_388 : memref<10240x16xf32, #tpu.memory_space<hbm>>) dst(%dma_wait3A_382 : memref<128x16xf32, #tpu.memory_space<vmem>>)
      %dma_start3A_389 = arith.constant 2 : i32
      %dma_start3A_390 = arith.constant 0 : i32
      %dma_start3A_391 = arith.constant 0 : i32
      %dma_start3A_392 = tpu.memref_slice %arg9[%dma_start3A_389, %dma_start3A_390, %dma_start3A_391] : memref<8x128x16xf32, #tpu.memory_space<vmem>> -> memref<1x128x16xf32, #tpu.memory_space<vmem>>
      %dma_start3A_393 = tpu.memref_squeeze %dma_start3A_392 : memref<1x128x16xf32, #tpu.memory_space<vmem>> -> memref<128x16xf32, #tpu.memory_space<vmem>>
      %dma_start3A_394 = arith.constant 0 : i32
      %dma_start3A_395 = tpu.memref_slice %arg8[%add3A_370, %dma_start3A_394] : memref<80x128xi32, #tpu.memory_space<vmem>> -> memref<1x128xi32, #tpu.memory_space<vmem>>
      %dma_start3A_396 = tpu.memref_squeeze %dma_start3A_395 : memref<1x128xi32, #tpu.memory_space<vmem>> -> memref<128xi32, #tpu.memory_space<vmem>>
      %dma_start3A_397 = arith.constant 0 : i32
      %dma_start3A_398 = arith.constant 0 : i32
      %dma_start3A_399 = tpu.memref_slice %arg11[%dma_start3A_397, %dma_start3A_398] : memref<10240x16xf32, #tpu.memory_space<vmem_shared>> -> memref<10240x16xf32, #tpu.memory_space<vmem_shared>>
      tpu.enqueue_indirect_dma source(%dma_start3A_393 : memref<128x16xf32, #tpu.memory_space<vmem>>) target(%dma_start3A_399 : memref<10240x16xf32, #tpu.memory_space<vmem_shared>>) offsets(%dma_start3A_396 : memref<128xi32, #tpu.memory_space<vmem>>) semaphore(%arg24 : memref<!tpu.dma_semaphore, #tpu.memory_space<semaphore_mem>>) {add = true}
      %dma_start3A_400 = arith.constant 0 : i32
      %dma_start3A_401 = tpu.memref_slice %arg8[%add3A_370, %dma_start3A_400] : memref<80x128xi32, #tpu.memory_space<vmem>> -> memref<1x128xi32, #tpu.memory_space<vmem>>
      %dma_start3A_402 = tpu.memref_squeeze %dma_start3A_401 : memref<1x128xi32, #tpu.memory_space<vmem>> -> memref<128xi32, #tpu.memory_space<vmem>>
      %dma_start3A_403 = arith.constant 0 : i32
      %dma_start3A_404 = arith.constant 0 : i32
      %dma_start3A_405 = tpu.memref_slice %arg13[%dma_start3A_403, %dma_start3A_404] : memref<10240x16xf32, #tpu.memory_space<vmem_shared>> -> memref<10240x16xf32, #tpu.memory_space<vmem_shared>>
      tpu.enqueue_indirect_dma source(%arg12 : memref<128x16xf32, #tpu.memory_space<vmem>>) target(%dma_start3A_405 : memref<10240x16xf32, #tpu.memory_space<vmem_shared>>) offsets(%dma_start3A_402 : memref<128xi32, #tpu.memory_space<vmem>>) semaphore(%arg32 : memref<!tpu.dma_semaphore, #tpu.memory_space<semaphore_mem>>) {add = true}
      %mul3A_406 = arith.constant 8 : i32
      %mul3A_407 = arith.muli %mul3A_406, %scan3A_291 : i32
      %add3A_408 = arith.constant 3 : i32
      %add3A_409 = arith.addi %mul3A_407, %add3A_408 : i32
      %add3A_410 = arith.constant 6 : i32
      %add3A_411 = arith.addi %add3A_409, %add3A_410 : i32
      %lt3A_412 = arith.constant 80 : i32
      %lt3A_413 = arith.cmpi slt, %add3A_411, %lt3A_412 : i32
      %convert_element_type3A_414 = arith.extui %lt3A_413 : i1 to i32
      %cond3A_415 = arith.constant 0 : i32
      %cond3A_416 = arith.cmpi ne, %convert_element_type3A_414, %cond3A_415 : i32
      scf.if %cond3A_416 {
        %ge3A = arith.constant 2 : i32
        %ge3A_601 = arith.cmpi sge, %add3A_409, %ge3A : i32
        %convert_element_type3A_602 = arith.extui %ge3A_601 : i1 to i32
        %cond3A_603 = arith.constant 0 : i32
        %cond3A_604 = arith.cmpi ne, %convert_element_type3A_602, %cond3A_603 : i32
        scf.if %cond3A_604 {
          %add3A_618 = arith.constant 6 : i32
          %add3A_619 = arith.addi %add3A_409, %add3A_618 : i32
          %sub3A = arith.constant 8 : i32
          %sub3A_620 = arith.subi %add3A_619, %sub3A : i32
          %dma_wait3A_621 = arith.constant 1 : i32
          %dma_wait3A_622 = arith.constant 0 : i32
          %dma_wait3A_623 = arith.constant 0 : i32
          %dma_wait3A_624 = tpu.memref_slice %arg9[%dma_wait3A_621, %dma_wait3A_622, %dma_wait3A_623] : memref<8x128x16xf32, #tpu.memory_space<vmem>> -> memref<1x128x16xf32, #tpu.memory_space<vmem>>
          %dma_wait3A_625 = tpu.memref_squeeze %dma_wait3A_624 : memref<1x128x16xf32, #tpu.memory_space<vmem>> -> memref<128x16xf32, #tpu.memory_space<vmem>>
          %dma_wait3A_626 = arith.constant 0 : i32
          %dma_wait3A_627 = tpu.memref_slice %arg8[%sub3A_620, %dma_wait3A_626] : memref<80x128xi32, #tpu.memory_space<vmem>> -> memref<1x128xi32, #tpu.memory_space<vmem>>
          %dma_wait3A_628 = tpu.memref_squeeze %dma_wait3A_627 : memref<1x128xi32, #tpu.memory_space<vmem>> -> memref<128xi32, #tpu.memory_space<vmem>>
          %dma_wait3A_629 = arith.constant 0 : i32
          %dma_wait3A_630 = arith.constant 0 : i32
          %dma_wait3A_631 = tpu.memref_slice %arg11[%dma_wait3A_629, %dma_wait3A_630] : memref<10240x16xf32, #tpu.memory_space<vmem_shared>> -> memref<10240x16xf32, #tpu.memory_space<vmem_shared>>
          tpu.wait_indirect_dma semaphore(%arg23 : memref<!tpu.dma_semaphore, #tpu.memory_space<semaphore_mem>>) src(%dma_wait3A_625 : memref<128x16xf32, #tpu.memory_space<vmem>>) dst(%dma_wait3A_631 : memref<10240x16xf32, #tpu.memory_space<vmem_shared>>)
          %dma_wait3A_632 = arith.constant 0 : i32
          %dma_wait3A_633 = tpu.memref_slice %arg8[%sub3A_620, %dma_wait3A_632] : memref<80x128xi32, #tpu.memory_space<vmem>> -> memref<1x128xi32, #tpu.memory_space<vmem>>
          %dma_wait3A_634 = tpu.memref_squeeze %dma_wait3A_633 : memref<1x128xi32, #tpu.memory_space<vmem>> -> memref<128xi32, #tpu.memory_space<vmem>>
          %dma_wait3A_635 = arith.constant 0 : i32
          %dma_wait3A_636 = arith.constant 0 : i32
          %dma_wait3A_637 = tpu.memref_slice %arg13[%dma_wait3A_635, %dma_wait3A_636] : memref<10240x16xf32, #tpu.memory_space<vmem_shared>> -> memref<10240x16xf32, #tpu.memory_space<vmem_shared>>
          tpu.wait_indirect_dma semaphore(%arg31 : memref<!tpu.dma_semaphore, #tpu.memory_space<semaphore_mem>>) src(%arg12 : memref<128x16xf32, #tpu.memory_space<vmem>>) dst(%dma_wait3A_637 : memref<10240x16xf32, #tpu.memory_space<vmem_shared>>)
        } else {
        }
        %add3A_605 = arith.constant 6 : i32
        %add3A_606 = arith.addi %add3A_409, %add3A_605 : i32
        %dma_start3A_607 = arith.constant 1 : i32
        %dma_start3A_608 = arith.constant 0 : i32
        %dma_start3A_609 = arith.constant 0 : i32
        %dma_start3A_610 = tpu.memref_slice %arg9[%dma_start3A_607, %dma_start3A_608, %dma_start3A_609] : memref<8x128x16xf32, #tpu.memory_space<vmem>> -> memref<1x128x16xf32, #tpu.memory_space<vmem>>
        %dma_start3A_611 = tpu.memref_squeeze %dma_start3A_610 : memref<1x128x16xf32, #tpu.memory_space<vmem>> -> memref<128x16xf32, #tpu.memory_space<vmem>>
        %dma_start3A_612 = arith.constant 0 : i32
        %dma_start3A_613 = tpu.memref_slice %arg7[%add3A_606, %dma_start3A_612] : memref<80x128xi32, #tpu.memory_space<vmem>> -> memref<1x128xi32, #tpu.memory_space<vmem>>
        %dma_start3A_614 = tpu.memref_squeeze %dma_start3A_613 : memref<1x128xi32, #tpu.memory_space<vmem>> -> memref<128xi32, #tpu.memory_space<vmem>>
        %dma_start3A_615 = arith.constant 0 : i32
        %dma_start3A_616 = arith.constant 0 : i32
        %dma_start3A_617 = tpu.memref_slice %arg2[%dma_start3A_615, %dma_start3A_616] : memref<10240x16xf32, #tpu.memory_space<hbm>> -> memref<10240x16xf32, #tpu.memory_space<hbm>>
        tpu.enqueue_indirect_dma source(%dma_start3A_617 : memref<10240x16xf32, #tpu.memory_space<hbm>>) target(%dma_start3A_611 : memref<128x16xf32, #tpu.memory_space<vmem>>) offsets(%dma_start3A_614 : memref<128xi32, #tpu.memory_space<vmem>>) semaphore(%arg15 : memref<!tpu.dma_semaphore, #tpu.memory_space<semaphore_mem>>)
      } else {
      }
      %dma_wait3A_417 = arith.constant 3 : i32
      %dma_wait3A_418 = arith.constant 0 : i32
      %dma_wait3A_419 = arith.constant 0 : i32
      %dma_wait3A_420 = tpu.memref_slice %arg9[%dma_wait3A_417, %dma_wait3A_418, %dma_wait3A_419] : memref<8x128x16xf32, #tpu.memory_space<vmem>> -> memref<1x128x16xf32, #tpu.memory_space<vmem>>
      %dma_wait3A_421 = tpu.memref_squeeze %dma_wait3A_420 : memref<1x128x16xf32, #tpu.memory_space<vmem>> -> memref<128x16xf32, #tpu.memory_space<vmem>>
      %dma_wait3A_422 = arith.constant 0 : i32
      %dma_wait3A_423 = tpu.memref_slice %arg7[%add3A_409, %dma_wait3A_422] : memref<80x128xi32, #tpu.memory_space<vmem>> -> memref<1x128xi32, #tpu.memory_space<vmem>>
      %dma_wait3A_424 = tpu.memref_squeeze %dma_wait3A_423 : memref<1x128xi32, #tpu.memory_space<vmem>> -> memref<128xi32, #tpu.memory_space<vmem>>
      %dma_wait3A_425 = arith.constant 0 : i32
      %dma_wait3A_426 = arith.constant 0 : i32
      %dma_wait3A_427 = tpu.memref_slice %arg2[%dma_wait3A_425, %dma_wait3A_426] : memref<10240x16xf32, #tpu.memory_space<hbm>> -> memref<10240x16xf32, #tpu.memory_space<hbm>>
      tpu.wait_indirect_dma semaphore(%arg17 : memref<!tpu.dma_semaphore, #tpu.memory_space<semaphore_mem>>) src(%dma_wait3A_427 : memref<10240x16xf32, #tpu.memory_space<hbm>>) dst(%dma_wait3A_421 : memref<128x16xf32, #tpu.memory_space<vmem>>)
      %dma_start3A_428 = arith.constant 3 : i32
      %dma_start3A_429 = arith.constant 0 : i32
      %dma_start3A_430 = arith.constant 0 : i32
      %dma_start3A_431 = tpu.memref_slice %arg9[%dma_start3A_428, %dma_start3A_429, %dma_start3A_430] : memref<8x128x16xf32, #tpu.memory_space<vmem>> -> memref<1x128x16xf32, #tpu.memory_space<vmem>>
      %dma_start3A_432 = tpu.memref_squeeze %dma_start3A_431 : memref<1x128x16xf32, #tpu.memory_space<vmem>> -> memref<128x16xf32, #tpu.memory_space<vmem>>
      %dma_start3A_433 = arith.constant 0 : i32
      %dma_start3A_434 = tpu.memref_slice %arg8[%add3A_409, %dma_start3A_433] : memref<80x128xi32, #tpu.memory_space<vmem>> -> memref<1x128xi32, #tpu.memory_space<vmem>>
      %dma_start3A_435 = tpu.memref_squeeze %dma_start3A_434 : memref<1x128xi32, #tpu.memory_space<vmem>> -> memref<128xi32, #tpu.memory_space<vmem>>
      %dma_start3A_436 = arith.constant 0 : i32
      %dma_start3A_437 = arith.constant 0 : i32
      %dma_start3A_438 = tpu.memref_slice %arg11[%dma_start3A_436, %dma_start3A_437] : memref<10240x16xf32, #tpu.memory_space<vmem_shared>> -> memref<10240x16xf32, #tpu.memory_space<vmem_shared>>
      tpu.enqueue_indirect_dma source(%dma_start3A_432 : memref<128x16xf32, #tpu.memory_space<vmem>>) target(%dma_start3A_438 : memref<10240x16xf32, #tpu.memory_space<vmem_shared>>) offsets(%dma_start3A_435 : memref<128xi32, #tpu.memory_space<vmem>>) semaphore(%arg25 : memref<!tpu.dma_semaphore, #tpu.memory_space<semaphore_mem>>) {add = true}
      %dma_start3A_439 = arith.constant 0 : i32
      %dma_start3A_440 = tpu.memref_slice %arg8[%add3A_409, %dma_start3A_439] : memref<80x128xi32, #tpu.memory_space<vmem>> -> memref<1x128xi32, #tpu.memory_space<vmem>>
      %dma_start3A_441 = tpu.memref_squeeze %dma_start3A_440 : memref<1x128xi32, #tpu.memory_space<vmem>> -> memref<128xi32, #tpu.memory_space<vmem>>
      %dma_start3A_442 = arith.constant 0 : i32
      %dma_start3A_443 = arith.constant 0 : i32
      %dma_start3A_444 = tpu.memref_slice %arg13[%dma_start3A_442, %dma_start3A_443] : memref<10240x16xf32, #tpu.memory_space<vmem_shared>> -> memref<10240x16xf32, #tpu.memory_space<vmem_shared>>
      tpu.enqueue_indirect_dma source(%arg12 : memref<128x16xf32, #tpu.memory_space<vmem>>) target(%dma_start3A_444 : memref<10240x16xf32, #tpu.memory_space<vmem_shared>>) offsets(%dma_start3A_441 : memref<128xi32, #tpu.memory_space<vmem>>) semaphore(%arg33 : memref<!tpu.dma_semaphore, #tpu.memory_space<semaphore_mem>>) {add = true}
      %mul3A_445 = arith.constant 8 : i32
      %mul3A_446 = arith.muli %mul3A_445, %scan3A_291 : i32
      %add3A_447 = arith.constant 4 : i32
      %add3A_448 = arith.addi %mul3A_446, %add3A_447 : i32
      %add3A_449 = arith.constant 6 : i32
      %add3A_450 = arith.addi %add3A_448, %add3A_449 : i32
      %lt3A_451 = arith.constant 80 : i32
      %lt3A_452 = arith.cmpi slt, %add3A_450, %lt3A_451 : i32
      %convert_element_type3A_453 = arith.extui %lt3A_452 : i1 to i32
      %cond3A_454 = arith.constant 0 : i32
      %cond3A_455 = arith.cmpi ne, %convert_element_type3A_453, %cond3A_454 : i32
      scf.if %cond3A_455 {
        %ge3A = arith.constant 2 : i32
        %ge3A_601 = arith.cmpi sge, %add3A_448, %ge3A : i32
        %convert_element_type3A_602 = arith.extui %ge3A_601 : i1 to i32
        %cond3A_603 = arith.constant 0 : i32
        %cond3A_604 = arith.cmpi ne, %convert_element_type3A_602, %cond3A_603 : i32
        scf.if %cond3A_604 {
          %add3A_618 = arith.constant 6 : i32
          %add3A_619 = arith.addi %add3A_448, %add3A_618 : i32
          %sub3A = arith.constant 8 : i32
          %sub3A_620 = arith.subi %add3A_619, %sub3A : i32
          %dma_wait3A_621 = arith.constant 2 : i32
          %dma_wait3A_622 = arith.constant 0 : i32
          %dma_wait3A_623 = arith.constant 0 : i32
          %dma_wait3A_624 = tpu.memref_slice %arg9[%dma_wait3A_621, %dma_wait3A_622, %dma_wait3A_623] : memref<8x128x16xf32, #tpu.memory_space<vmem>> -> memref<1x128x16xf32, #tpu.memory_space<vmem>>
          %dma_wait3A_625 = tpu.memref_squeeze %dma_wait3A_624 : memref<1x128x16xf32, #tpu.memory_space<vmem>> -> memref<128x16xf32, #tpu.memory_space<vmem>>
          %dma_wait3A_626 = arith.constant 0 : i32
          %dma_wait3A_627 = tpu.memref_slice %arg8[%sub3A_620, %dma_wait3A_626] : memref<80x128xi32, #tpu.memory_space<vmem>> -> memref<1x128xi32, #tpu.memory_space<vmem>>
          %dma_wait3A_628 = tpu.memref_squeeze %dma_wait3A_627 : memref<1x128xi32, #tpu.memory_space<vmem>> -> memref<128xi32, #tpu.memory_space<vmem>>
          %dma_wait3A_629 = arith.constant 0 : i32
          %dma_wait3A_630 = arith.constant 0 : i32
          %dma_wait3A_631 = tpu.memref_slice %arg11[%dma_wait3A_629, %dma_wait3A_630] : memref<10240x16xf32, #tpu.memory_space<vmem_shared>> -> memref<10240x16xf32, #tpu.memory_space<vmem_shared>>
          tpu.wait_indirect_dma semaphore(%arg24 : memref<!tpu.dma_semaphore, #tpu.memory_space<semaphore_mem>>) src(%dma_wait3A_625 : memref<128x16xf32, #tpu.memory_space<vmem>>) dst(%dma_wait3A_631 : memref<10240x16xf32, #tpu.memory_space<vmem_shared>>)
          %dma_wait3A_632 = arith.constant 0 : i32
          %dma_wait3A_633 = tpu.memref_slice %arg8[%sub3A_620, %dma_wait3A_632] : memref<80x128xi32, #tpu.memory_space<vmem>> -> memref<1x128xi32, #tpu.memory_space<vmem>>
          %dma_wait3A_634 = tpu.memref_squeeze %dma_wait3A_633 : memref<1x128xi32, #tpu.memory_space<vmem>> -> memref<128xi32, #tpu.memory_space<vmem>>
          %dma_wait3A_635 = arith.constant 0 : i32
          %dma_wait3A_636 = arith.constant 0 : i32
          %dma_wait3A_637 = tpu.memref_slice %arg13[%dma_wait3A_635, %dma_wait3A_636] : memref<10240x16xf32, #tpu.memory_space<vmem_shared>> -> memref<10240x16xf32, #tpu.memory_space<vmem_shared>>
          tpu.wait_indirect_dma semaphore(%arg32 : memref<!tpu.dma_semaphore, #tpu.memory_space<semaphore_mem>>) src(%arg12 : memref<128x16xf32, #tpu.memory_space<vmem>>) dst(%dma_wait3A_637 : memref<10240x16xf32, #tpu.memory_space<vmem_shared>>)
        } else {
        }
        %add3A_605 = arith.constant 6 : i32
        %add3A_606 = arith.addi %add3A_448, %add3A_605 : i32
        %dma_start3A_607 = arith.constant 2 : i32
        %dma_start3A_608 = arith.constant 0 : i32
        %dma_start3A_609 = arith.constant 0 : i32
        %dma_start3A_610 = tpu.memref_slice %arg9[%dma_start3A_607, %dma_start3A_608, %dma_start3A_609] : memref<8x128x16xf32, #tpu.memory_space<vmem>> -> memref<1x128x16xf32, #tpu.memory_space<vmem>>
        %dma_start3A_611 = tpu.memref_squeeze %dma_start3A_610 : memref<1x128x16xf32, #tpu.memory_space<vmem>> -> memref<128x16xf32, #tpu.memory_space<vmem>>
        %dma_start3A_612 = arith.constant 0 : i32
        %dma_start3A_613 = tpu.memref_slice %arg7[%add3A_606, %dma_start3A_612] : memref<80x128xi32, #tpu.memory_space<vmem>> -> memref<1x128xi32, #tpu.memory_space<vmem>>
        %dma_start3A_614 = tpu.memref_squeeze %dma_start3A_613 : memref<1x128xi32, #tpu.memory_space<vmem>> -> memref<128xi32, #tpu.memory_space<vmem>>
        %dma_start3A_615 = arith.constant 0 : i32
        %dma_start3A_616 = arith.constant 0 : i32
        %dma_start3A_617 = tpu.memref_slice %arg2[%dma_start3A_615, %dma_start3A_616] : memref<10240x16xf32, #tpu.memory_space<hbm>> -> memref<10240x16xf32, #tpu.memory_space<hbm>>
        tpu.enqueue_indirect_dma source(%dma_start3A_617 : memref<10240x16xf32, #tpu.memory_space<hbm>>) target(%dma_start3A_611 : memref<128x16xf32, #tpu.memory_space<vmem>>) offsets(%dma_start3A_614 : memref<128xi32, #tpu.memory_space<vmem>>) semaphore(%arg16 : memref<!tpu.dma_semaphore, #tpu.memory_space<semaphore_mem>>)
      } else {
      }
      %dma_wait3A_456 = arith.constant 4 : i32
      %dma_wait3A_457 = arith.constant 0 : i32
      %dma_wait3A_458 = arith.constant 0 : i32
      %dma_wait3A_459 = tpu.memref_slice %arg9[%dma_wait3A_456, %dma_wait3A_457, %dma_wait3A_458] : memref<8x128x16xf32, #tpu.memory_space<vmem>> -> memref<1x128x16xf32, #tpu.memory_space<vmem>>
      %dma_wait3A_460 = tpu.memref_squeeze %dma_wait3A_459 : memref<1x128x16xf32, #tpu.memory_space<vmem>> -> memref<128x16xf32, #tpu.memory_space<vmem>>
      %dma_wait3A_461 = arith.constant 0 : i32
      %dma_wait3A_462 = tpu.memref_slice %arg7[%add3A_448, %dma_wait3A_461] : memref<80x128xi32, #tpu.memory_space<vmem>> -> memref<1x128xi32, #tpu.memory_space<vmem>>
      %dma_wait3A_463 = tpu.memref_squeeze %dma_wait3A_462 : memref<1x128xi32, #tpu.memory_space<vmem>> -> memref<128xi32, #tpu.memory_space<vmem>>
      %dma_wait3A_464 = arith.constant 0 : i32
      %dma_wait3A_465 = arith.constant 0 : i32
      %dma_wait3A_466 = tpu.memref_slice %arg2[%dma_wait3A_464, %dma_wait3A_465] : memref<10240x16xf32, #tpu.memory_space<hbm>> -> memref<10240x16xf32, #tpu.memory_space<hbm>>
      tpu.wait_indirect_dma semaphore(%arg18 : memref<!tpu.dma_semaphore, #tpu.memory_space<semaphore_mem>>) src(%dma_wait3A_466 : memref<10240x16xf32, #tpu.memory_space<hbm>>) dst(%dma_wait3A_460 : memref<128x16xf32, #tpu.memory_space<vmem>>)
      %dma_start3A_467 = arith.constant 4 : i32
      %dma_start3A_468 = arith.constant 0 : i32
      %dma_start3A_469 = arith.constant 0 : i32
      %dma_start3A_470 = tpu.memref_slice %arg9[%dma_start3A_467, %dma_start3A_468, %dma_start3A_469] : memref<8x128x16xf32, #tpu.memory_space<vmem>> -> memref<1x128x16xf32, #tpu.memory_space<vmem>>
      %dma_start3A_471 = tpu.memref_squeeze %dma_start3A_470 : memref<1x128x16xf32, #tpu.memory_space<vmem>> -> memref<128x16xf32, #tpu.memory_space<vmem>>
      %dma_start3A_472 = arith.constant 0 : i32
      %dma_start3A_473 = tpu.memref_slice %arg8[%add3A_448, %dma_start3A_472] : memref<80x128xi32, #tpu.memory_space<vmem>> -> memref<1x128xi32, #tpu.memory_space<vmem>>
      %dma_start3A_474 = tpu.memref_squeeze %dma_start3A_473 : memref<1x128xi32, #tpu.memory_space<vmem>> -> memref<128xi32, #tpu.memory_space<vmem>>
      %dma_start3A_475 = arith.constant 0 : i32
      %dma_start3A_476 = arith.constant 0 : i32
      %dma_start3A_477 = tpu.memref_slice %arg11[%dma_start3A_475, %dma_start3A_476] : memref<10240x16xf32, #tpu.memory_space<vmem_shared>> -> memref<10240x16xf32, #tpu.memory_space<vmem_shared>>
      tpu.enqueue_indirect_dma source(%dma_start3A_471 : memref<128x16xf32, #tpu.memory_space<vmem>>) target(%dma_start3A_477 : memref<10240x16xf32, #tpu.memory_space<vmem_shared>>) offsets(%dma_start3A_474 : memref<128xi32, #tpu.memory_space<vmem>>) semaphore(%arg26 : memref<!tpu.dma_semaphore, #tpu.memory_space<semaphore_mem>>) {add = true}
      %dma_start3A_478 = arith.constant 0 : i32
      %dma_start3A_479 = tpu.memref_slice %arg8[%add3A_448, %dma_start3A_478] : memref<80x128xi32, #tpu.memory_space<vmem>> -> memref<1x128xi32, #tpu.memory_space<vmem>>
      %dma_start3A_480 = tpu.memref_squeeze %dma_start3A_479 : memref<1x128xi32, #tpu.memory_space<vmem>> -> memref<128xi32, #tpu.memory_space<vmem>>
      %dma_start3A_481 = arith.constant 0 : i32
      %dma_start3A_482 = arith.constant 0 : i32
      %dma_start3A_483 = tpu.memref_slice %arg13[%dma_start3A_481, %dma_start3A_482] : memref<10240x16xf32, #tpu.memory_space<vmem_shared>> -> memref<10240x16xf32, #tpu.memory_space<vmem_shared>>
      tpu.enqueue_indirect_dma source(%arg12 : memref<128x16xf32, #tpu.memory_space<vmem>>) target(%dma_start3A_483 : memref<10240x16xf32, #tpu.memory_space<vmem_shared>>) offsets(%dma_start3A_480 : memref<128xi32, #tpu.memory_space<vmem>>) semaphore(%arg34 : memref<!tpu.dma_semaphore, #tpu.memory_space<semaphore_mem>>) {add = true}
      %mul3A_484 = arith.constant 8 : i32
      %mul3A_485 = arith.muli %mul3A_484, %scan3A_291 : i32
      %add3A_486 = arith.constant 5 : i32
      %add3A_487 = arith.addi %mul3A_485, %add3A_486 : i32
      %add3A_488 = arith.constant 6 : i32
      %add3A_489 = arith.addi %add3A_487, %add3A_488 : i32
      %lt3A_490 = arith.constant 80 : i32
      %lt3A_491 = arith.cmpi slt, %add3A_489, %lt3A_490 : i32
      %convert_element_type3A_492 = arith.extui %lt3A_491 : i1 to i32
      %cond3A_493 = arith.constant 0 : i32
      %cond3A_494 = arith.cmpi ne, %convert_element_type3A_492, %cond3A_493 : i32
      scf.if %cond3A_494 {
        %ge3A = arith.constant 2 : i32
        %ge3A_601 = arith.cmpi sge, %add3A_487, %ge3A : i32
        %convert_element_type3A_602 = arith.extui %ge3A_601 : i1 to i32
        %cond3A_603 = arith.constant 0 : i32
        %cond3A_604 = arith.cmpi ne, %convert_element_type3A_602, %cond3A_603 : i32
        scf.if %cond3A_604 {
          %add3A_618 = arith.constant 6 : i32
          %add3A_619 = arith.addi %add3A_487, %add3A_618 : i32
          %sub3A = arith.constant 8 : i32
          %sub3A_620 = arith.subi %add3A_619, %sub3A : i32
          %dma_wait3A_621 = arith.constant 3 : i32
          %dma_wait3A_622 = arith.constant 0 : i32
          %dma_wait3A_623 = arith.constant 0 : i32
          %dma_wait3A_624 = tpu.memref_slice %arg9[%dma_wait3A_621, %dma_wait3A_622, %dma_wait3A_623] : memref<8x128x16xf32, #tpu.memory_space<vmem>> -> memref<1x128x16xf32, #tpu.memory_space<vmem>>
          %dma_wait3A_625 = tpu.memref_squeeze %dma_wait3A_624 : memref<1x128x16xf32, #tpu.memory_space<vmem>> -> memref<128x16xf32, #tpu.memory_space<vmem>>
          %dma_wait3A_626 = arith.constant 0 : i32
          %dma_wait3A_627 = tpu.memref_slice %arg8[%sub3A_620, %dma_wait3A_626] : memref<80x128xi32, #tpu.memory_space<vmem>> -> memref<1x128xi32, #tpu.memory_space<vmem>>
          %dma_wait3A_628 = tpu.memref_squeeze %dma_wait3A_627 : memref<1x128xi32, #tpu.memory_space<vmem>> -> memref<128xi32, #tpu.memory_space<vmem>>
          %dma_wait3A_629 = arith.constant 0 : i32
          %dma_wait3A_630 = arith.constant 0 : i32
          %dma_wait3A_631 = tpu.memref_slice %arg11[%dma_wait3A_629, %dma_wait3A_630] : memref<10240x16xf32, #tpu.memory_space<vmem_shared>> -> memref<10240x16xf32, #tpu.memory_space<vmem_shared>>
          tpu.wait_indirect_dma semaphore(%arg25 : memref<!tpu.dma_semaphore, #tpu.memory_space<semaphore_mem>>) src(%dma_wait3A_625 : memref<128x16xf32, #tpu.memory_space<vmem>>) dst(%dma_wait3A_631 : memref<10240x16xf32, #tpu.memory_space<vmem_shared>>)
          %dma_wait3A_632 = arith.constant 0 : i32
          %dma_wait3A_633 = tpu.memref_slice %arg8[%sub3A_620, %dma_wait3A_632] : memref<80x128xi32, #tpu.memory_space<vmem>> -> memref<1x128xi32, #tpu.memory_space<vmem>>
          %dma_wait3A_634 = tpu.memref_squeeze %dma_wait3A_633 : memref<1x128xi32, #tpu.memory_space<vmem>> -> memref<128xi32, #tpu.memory_space<vmem>>
          %dma_wait3A_635 = arith.constant 0 : i32
          %dma_wait3A_636 = arith.constant 0 : i32
          %dma_wait3A_637 = tpu.memref_slice %arg13[%dma_wait3A_635, %dma_wait3A_636] : memref<10240x16xf32, #tpu.memory_space<vmem_shared>> -> memref<10240x16xf32, #tpu.memory_space<vmem_shared>>
          tpu.wait_indirect_dma semaphore(%arg33 : memref<!tpu.dma_semaphore, #tpu.memory_space<semaphore_mem>>) src(%arg12 : memref<128x16xf32, #tpu.memory_space<vmem>>) dst(%dma_wait3A_637 : memref<10240x16xf32, #tpu.memory_space<vmem_shared>>)
        } else {
        }
        %add3A_605 = arith.constant 6 : i32
        %add3A_606 = arith.addi %add3A_487, %add3A_605 : i32
        %dma_start3A_607 = arith.constant 3 : i32
        %dma_start3A_608 = arith.constant 0 : i32
        %dma_start3A_609 = arith.constant 0 : i32
        %dma_start3A_610 = tpu.memref_slice %arg9[%dma_start3A_607, %dma_start3A_608, %dma_start3A_609] : memref<8x128x16xf32, #tpu.memory_space<vmem>> -> memref<1x128x16xf32, #tpu.memory_space<vmem>>
        %dma_start3A_611 = tpu.memref_squeeze %dma_start3A_610 : memref<1x128x16xf32, #tpu.memory_space<vmem>> -> memref<128x16xf32, #tpu.memory_space<vmem>>
        %dma_start3A_612 = arith.constant 0 : i32
        %dma_start3A_613 = tpu.memref_slice %arg7[%add3A_606, %dma_start3A_612] : memref<80x128xi32, #tpu.memory_space<vmem>> -> memref<1x128xi32, #tpu.memory_space<vmem>>
        %dma_start3A_614 = tpu.memref_squeeze %dma_start3A_613 : memref<1x128xi32, #tpu.memory_space<vmem>> -> memref<128xi32, #tpu.memory_space<vmem>>
        %dma_start3A_615 = arith.constant 0 : i32
        %dma_start3A_616 = arith.constant 0 : i32
        %dma_start3A_617 = tpu.memref_slice %arg2[%dma_start3A_615, %dma_start3A_616] : memref<10240x16xf32, #tpu.memory_space<hbm>> -> memref<10240x16xf32, #tpu.memory_space<hbm>>
        tpu.enqueue_indirect_dma source(%dma_start3A_617 : memref<10240x16xf32, #tpu.memory_space<hbm>>) target(%dma_start3A_611 : memref<128x16xf32, #tpu.memory_space<vmem>>) offsets(%dma_start3A_614 : memref<128xi32, #tpu.memory_space<vmem>>) semaphore(%arg17 : memref<!tpu.dma_semaphore, #tpu.memory_space<semaphore_mem>>)
      } else {
      }
      %dma_wait3A_495 = arith.constant 5 : i32
      %dma_wait3A_496 = arith.constant 0 : i32
      %dma_wait3A_497 = arith.constant 0 : i32
      %dma_wait3A_498 = tpu.memref_slice %arg9[%dma_wait3A_495, %dma_wait3A_496, %dma_wait3A_497] : memref<8x128x16xf32, #tpu.memory_space<vmem>> -> memref<1x128x16xf32, #tpu.memory_space<vmem>>
      %dma_wait3A_499 = tpu.memref_squeeze %dma_wait3A_498 : memref<1x128x16xf32, #tpu.memory_space<vmem>> -> memref<128x16xf32, #tpu.memory_space<vmem>>
      %dma_wait3A_500 = arith.constant 0 : i32
      %dma_wait3A_501 = tpu.memref_slice %arg7[%add3A_487, %dma_wait3A_500] : memref<80x128xi32, #tpu.memory_space<vmem>> -> memref<1x128xi32, #tpu.memory_space<vmem>>
      %dma_wait3A_502 = tpu.memref_squeeze %dma_wait3A_501 : memref<1x128xi32, #tpu.memory_space<vmem>> -> memref<128xi32, #tpu.memory_space<vmem>>
      %dma_wait3A_503 = arith.constant 0 : i32
      %dma_wait3A_504 = arith.constant 0 : i32
      %dma_wait3A_505 = tpu.memref_slice %arg2[%dma_wait3A_503, %dma_wait3A_504] : memref<10240x16xf32, #tpu.memory_space<hbm>> -> memref<10240x16xf32, #tpu.memory_space<hbm>>
      tpu.wait_indirect_dma semaphore(%arg19 : memref<!tpu.dma_semaphore, #tpu.memory_space<semaphore_mem>>) src(%dma_wait3A_505 : memref<10240x16xf32, #tpu.memory_space<hbm>>) dst(%dma_wait3A_499 : memref<128x16xf32, #tpu.memory_space<vmem>>)
      %dma_start3A_506 = arith.constant 5 : i32
      %dma_start3A_507 = arith.constant 0 : i32
      %dma_start3A_508 = arith.constant 0 : i32
      %dma_start3A_509 = tpu.memref_slice %arg9[%dma_start3A_506, %dma_start3A_507, %dma_start3A_508] : memref<8x128x16xf32, #tpu.memory_space<vmem>> -> memref<1x128x16xf32, #tpu.memory_space<vmem>>
      %dma_start3A_510 = tpu.memref_squeeze %dma_start3A_509 : memref<1x128x16xf32, #tpu.memory_space<vmem>> -> memref<128x16xf32, #tpu.memory_space<vmem>>
      %dma_start3A_511 = arith.constant 0 : i32
      %dma_start3A_512 = tpu.memref_slice %arg8[%add3A_487, %dma_start3A_511] : memref<80x128xi32, #tpu.memory_space<vmem>> -> memref<1x128xi32, #tpu.memory_space<vmem>>
      %dma_start3A_513 = tpu.memref_squeeze %dma_start3A_512 : memref<1x128xi32, #tpu.memory_space<vmem>> -> memref<128xi32, #tpu.memory_space<vmem>>
      %dma_start3A_514 = arith.constant 0 : i32
      %dma_start3A_515 = arith.constant 0 : i32
      %dma_start3A_516 = tpu.memref_slice %arg11[%dma_start3A_514, %dma_start3A_515] : memref<10240x16xf32, #tpu.memory_space<vmem_shared>> -> memref<10240x16xf32, #tpu.memory_space<vmem_shared>>
      tpu.enqueue_indirect_dma source(%dma_start3A_510 : memref<128x16xf32, #tpu.memory_space<vmem>>) target(%dma_start3A_516 : memref<10240x16xf32, #tpu.memory_space<vmem_shared>>) offsets(%dma_start3A_513 : memref<128xi32, #tpu.memory_space<vmem>>) semaphore(%arg27 : memref<!tpu.dma_semaphore, #tpu.memory_space<semaphore_mem>>) {add = true}
      %dma_start3A_517 = arith.constant 0 : i32
      %dma_start3A_518 = tpu.memref_slice %arg8[%add3A_487, %dma_start3A_517] : memref<80x128xi32, #tpu.memory_space<vmem>> -> memref<1x128xi32, #tpu.memory_space<vmem>>
      %dma_start3A_519 = tpu.memref_squeeze %dma_start3A_518 : memref<1x128xi32, #tpu.memory_space<vmem>> -> memref<128xi32, #tpu.memory_space<vmem>>
      %dma_start3A_520 = arith.constant 0 : i32
      %dma_start3A_521 = arith.constant 0 : i32
      %dma_start3A_522 = tpu.memref_slice %arg13[%dma_start3A_520, %dma_start3A_521] : memref<10240x16xf32, #tpu.memory_space<vmem_shared>> -> memref<10240x16xf32, #tpu.memory_space<vmem_shared>>
      tpu.enqueue_indirect_dma source(%arg12 : memref<128x16xf32, #tpu.memory_space<vmem>>) target(%dma_start3A_522 : memref<10240x16xf32, #tpu.memory_space<vmem_shared>>) offsets(%dma_start3A_519 : memref<128xi32, #tpu.memory_space<vmem>>) semaphore(%arg35 : memref<!tpu.dma_semaphore, #tpu.memory_space<semaphore_mem>>) {add = true}
      %mul3A_523 = arith.constant 8 : i32
      %mul3A_524 = arith.muli %mul3A_523, %scan3A_291 : i32
      %add3A_525 = arith.constant 6 : i32
      %add3A_526 = arith.addi %mul3A_524, %add3A_525 : i32
      %add3A_527 = arith.constant 6 : i32
      %add3A_528 = arith.addi %add3A_526, %add3A_527 : i32
      %lt3A_529 = arith.constant 80 : i32
      %lt3A_530 = arith.cmpi slt, %add3A_528, %lt3A_529 : i32
      %convert_element_type3A_531 = arith.extui %lt3A_530 : i1 to i32
      %cond3A_532 = arith.constant 0 : i32
      %cond3A_533 = arith.cmpi ne, %convert_element_type3A_531, %cond3A_532 : i32
      scf.if %cond3A_533 {
        %ge3A = arith.constant 2 : i32
        %ge3A_601 = arith.cmpi sge, %add3A_526, %ge3A : i32
        %convert_element_type3A_602 = arith.extui %ge3A_601 : i1 to i32
        %cond3A_603 = arith.constant 0 : i32
        %cond3A_604 = arith.cmpi ne, %convert_element_type3A_602, %cond3A_603 : i32
        scf.if %cond3A_604 {
          %add3A_618 = arith.constant 6 : i32
          %add3A_619 = arith.addi %add3A_526, %add3A_618 : i32
          %sub3A = arith.constant 8 : i32
          %sub3A_620 = arith.subi %add3A_619, %sub3A : i32
          %dma_wait3A_621 = arith.constant 4 : i32
          %dma_wait3A_622 = arith.constant 0 : i32
          %dma_wait3A_623 = arith.constant 0 : i32
          %dma_wait3A_624 = tpu.memref_slice %arg9[%dma_wait3A_621, %dma_wait3A_622, %dma_wait3A_623] : memref<8x128x16xf32, #tpu.memory_space<vmem>> -> memref<1x128x16xf32, #tpu.memory_space<vmem>>
          %dma_wait3A_625 = tpu.memref_squeeze %dma_wait3A_624 : memref<1x128x16xf32, #tpu.memory_space<vmem>> -> memref<128x16xf32, #tpu.memory_space<vmem>>
          %dma_wait3A_626 = arith.constant 0 : i32
          %dma_wait3A_627 = tpu.memref_slice %arg8[%sub3A_620, %dma_wait3A_626] : memref<80x128xi32, #tpu.memory_space<vmem>> -> memref<1x128xi32, #tpu.memory_space<vmem>>
          %dma_wait3A_628 = tpu.memref_squeeze %dma_wait3A_627 : memref<1x128xi32, #tpu.memory_space<vmem>> -> memref<128xi32, #tpu.memory_space<vmem>>
          %dma_wait3A_629 = arith.constant 0 : i32
          %dma_wait3A_630 = arith.constant 0 : i32
          %dma_wait3A_631 = tpu.memref_slice %arg11[%dma_wait3A_629, %dma_wait3A_630] : memref<10240x16xf32, #tpu.memory_space<vmem_shared>> -> memref<10240x16xf32, #tpu.memory_space<vmem_shared>>
          tpu.wait_indirect_dma semaphore(%arg26 : memref<!tpu.dma_semaphore, #tpu.memory_space<semaphore_mem>>) src(%dma_wait3A_625 : memref<128x16xf32, #tpu.memory_space<vmem>>) dst(%dma_wait3A_631 : memref<10240x16xf32, #tpu.memory_space<vmem_shared>>)
          %dma_wait3A_632 = arith.constant 0 : i32
          %dma_wait3A_633 = tpu.memref_slice %arg8[%sub3A_620, %dma_wait3A_632] : memref<80x128xi32, #tpu.memory_space<vmem>> -> memref<1x128xi32, #tpu.memory_space<vmem>>
          %dma_wait3A_634 = tpu.memref_squeeze %dma_wait3A_633 : memref<1x128xi32, #tpu.memory_space<vmem>> -> memref<128xi32, #tpu.memory_space<vmem>>
          %dma_wait3A_635 = arith.constant 0 : i32
          %dma_wait3A_636 = arith.constant 0 : i32
          %dma_wait3A_637 = tpu.memref_slice %arg13[%dma_wait3A_635, %dma_wait3A_636] : memref<10240x16xf32, #tpu.memory_space<vmem_shared>> -> memref<10240x16xf32, #tpu.memory_space<vmem_shared>>
          tpu.wait_indirect_dma semaphore(%arg34 : memref<!tpu.dma_semaphore, #tpu.memory_space<semaphore_mem>>) src(%arg12 : memref<128x16xf32, #tpu.memory_space<vmem>>) dst(%dma_wait3A_637 : memref<10240x16xf32, #tpu.memory_space<vmem_shared>>)
        } else {
        }
        %add3A_605 = arith.constant 6 : i32
        %add3A_606 = arith.addi %add3A_526, %add3A_605 : i32
        %dma_start3A_607 = arith.constant 4 : i32
        %dma_start3A_608 = arith.constant 0 : i32
        %dma_start3A_609 = arith.constant 0 : i32
        %dma_start3A_610 = tpu.memref_slice %arg9[%dma_start3A_607, %dma_start3A_608, %dma_start3A_609] : memref<8x128x16xf32, #tpu.memory_space<vmem>> -> memref<1x128x16xf32, #tpu.memory_space<vmem>>
        %dma_start3A_611 = tpu.memref_squeeze %dma_start3A_610 : memref<1x128x16xf32, #tpu.memory_space<vmem>> -> memref<128x16xf32, #tpu.memory_space<vmem>>
        %dma_start3A_612 = arith.constant 0 : i32
        %dma_start3A_613 = tpu.memref_slice %arg7[%add3A_606, %dma_start3A_612] : memref<80x128xi32, #tpu.memory_space<vmem>> -> memref<1x128xi32, #tpu.memory_space<vmem>>
        %dma_start3A_614 = tpu.memref_squeeze %dma_start3A_613 : memref<1x128xi32, #tpu.memory_space<vmem>> -> memref<128xi32, #tpu.memory_space<vmem>>
        %dma_start3A_615 = arith.constant 0 : i32
        %dma_start3A_616 = arith.constant 0 : i32
        %dma_start3A_617 = tpu.memref_slice %arg2[%dma_start3A_615, %dma_start3A_616] : memref<10240x16xf32, #tpu.memory_space<hbm>> -> memref<10240x16xf32, #tpu.memory_space<hbm>>
        tpu.enqueue_indirect_dma source(%dma_start3A_617 : memref<10240x16xf32, #tpu.memory_space<hbm>>) target(%dma_start3A_611 : memref<128x16xf32, #tpu.memory_space<vmem>>) offsets(%dma_start3A_614 : memref<128xi32, #tpu.memory_space<vmem>>) semaphore(%arg18 : memref<!tpu.dma_semaphore, #tpu.memory_space<semaphore_mem>>)
      } else {
      }
      %dma_wait3A_534 = arith.constant 6 : i32
      %dma_wait3A_535 = arith.constant 0 : i32
      %dma_wait3A_536 = arith.constant 0 : i32
      %dma_wait3A_537 = tpu.memref_slice %arg9[%dma_wait3A_534, %dma_wait3A_535, %dma_wait3A_536] : memref<8x128x16xf32, #tpu.memory_space<vmem>> -> memref<1x128x16xf32, #tpu.memory_space<vmem>>
      %dma_wait3A_538 = tpu.memref_squeeze %dma_wait3A_537 : memref<1x128x16xf32, #tpu.memory_space<vmem>> -> memref<128x16xf32, #tpu.memory_space<vmem>>
      %dma_wait3A_539 = arith.constant 0 : i32
      %dma_wait3A_540 = tpu.memref_slice %arg7[%add3A_526, %dma_wait3A_539] : memref<80x128xi32, #tpu.memory_space<vmem>> -> memref<1x128xi32, #tpu.memory_space<vmem>>
      %dma_wait3A_541 = tpu.memref_squeeze %dma_wait3A_540 : memref<1x128xi32, #tpu.memory_space<vmem>> -> memref<128xi32, #tpu.memory_space<vmem>>
      %dma_wait3A_542 = arith.constant 0 : i32
      %dma_wait3A_543 = arith.constant 0 : i32
      %dma_wait3A_544 = tpu.memref_slice %arg2[%dma_wait3A_542, %dma_wait3A_543] : memref<10240x16xf32, #tpu.memory_space<hbm>> -> memref<10240x16xf32, #tpu.memory_space<hbm>>
      tpu.wait_indirect_dma semaphore(%arg20 : memref<!tpu.dma_semaphore, #tpu.memory_space<semaphore_mem>>) src(%dma_wait3A_544 : memref<10240x16xf32, #tpu.memory_space<hbm>>) dst(%dma_wait3A_538 : memref<128x16xf32, #tpu.memory_space<vmem>>)
      %dma_start3A_545 = arith.constant 6 : i32
      %dma_start3A_546 = arith.constant 0 : i32
      %dma_start3A_547 = arith.constant 0 : i32
      %dma_start3A_548 = tpu.memref_slice %arg9[%dma_start3A_545, %dma_start3A_546, %dma_start3A_547] : memref<8x128x16xf32, #tpu.memory_space<vmem>> -> memref<1x128x16xf32, #tpu.memory_space<vmem>>
      %dma_start3A_549 = tpu.memref_squeeze %dma_start3A_548 : memref<1x128x16xf32, #tpu.memory_space<vmem>> -> memref<128x16xf32, #tpu.memory_space<vmem>>
      %dma_start3A_550 = arith.constant 0 : i32
      %dma_start3A_551 = tpu.memref_slice %arg8[%add3A_526, %dma_start3A_550] : memref<80x128xi32, #tpu.memory_space<vmem>> -> memref<1x128xi32, #tpu.memory_space<vmem>>
      %dma_start3A_552 = tpu.memref_squeeze %dma_start3A_551 : memref<1x128xi32, #tpu.memory_space<vmem>> -> memref<128xi32, #tpu.memory_space<vmem>>
      %dma_start3A_553 = arith.constant 0 : i32
      %dma_start3A_554 = arith.constant 0 : i32
      %dma_start3A_555 = tpu.memref_slice %arg11[%dma_start3A_553, %dma_start3A_554] : memref<10240x16xf32, #tpu.memory_space<vmem_shared>> -> memref<10240x16xf32, #tpu.memory_space<vmem_shared>>
      tpu.enqueue_indirect_dma source(%dma_start3A_549 : memref<128x16xf32, #tpu.memory_space<vmem>>) target(%dma_start3A_555 : memref<10240x16xf32, #tpu.memory_space<vmem_shared>>) offsets(%dma_start3A_552 : memref<128xi32, #tpu.memory_space<vmem>>) semaphore(%arg28 : memref<!tpu.dma_semaphore, #tpu.memory_space<semaphore_mem>>) {add = true}
      %dma_start3A_556 = arith.constant 0 : i32
      %dma_start3A_557 = tpu.memref_slice %arg8[%add3A_526, %dma_start3A_556] : memref<80x128xi32, #tpu.memory_space<vmem>> -> memref<1x128xi32, #tpu.memory_space<vmem>>
      %dma_start3A_558 = tpu.memref_squeeze %dma_start3A_557 : memref<1x128xi32, #tpu.memory_space<vmem>> -> memref<128xi32, #tpu.memory_space<vmem>>
      %dma_start3A_559 = arith.constant 0 : i32
      %dma_start3A_560 = arith.constant 0 : i32
      %dma_start3A_561 = tpu.memref_slice %arg13[%dma_start3A_559, %dma_start3A_560] : memref<10240x16xf32, #tpu.memory_space<vmem_shared>> -> memref<10240x16xf32, #tpu.memory_space<vmem_shared>>
      tpu.enqueue_indirect_dma source(%arg12 : memref<128x16xf32, #tpu.memory_space<vmem>>) target(%dma_start3A_561 : memref<10240x16xf32, #tpu.memory_space<vmem_shared>>) offsets(%dma_start3A_558 : memref<128xi32, #tpu.memory_space<vmem>>) semaphore(%arg36 : memref<!tpu.dma_semaphore, #tpu.memory_space<semaphore_mem>>) {add = true}
      %mul3A_562 = arith.constant 8 : i32
      %mul3A_563 = arith.muli %mul3A_562, %scan3A_291 : i32
      %add3A_564 = arith.constant 7 : i32
      %add3A_565 = arith.addi %mul3A_563, %add3A_564 : i32
      %add3A_566 = arith.constant 6 : i32
      %add3A_567 = arith.addi %add3A_565, %add3A_566 : i32
      %lt3A_568 = arith.constant 80 : i32
      %lt3A_569 = arith.cmpi slt, %add3A_567, %lt3A_568 : i32
      %convert_element_type3A_570 = arith.extui %lt3A_569 : i1 to i32
      %cond3A_571 = arith.constant 0 : i32
      %cond3A_572 = arith.cmpi ne, %convert_element_type3A_570, %cond3A_571 : i32
      scf.if %cond3A_572 {
        %ge3A = arith.constant 2 : i32
        %ge3A_601 = arith.cmpi sge, %add3A_565, %ge3A : i32
        %convert_element_type3A_602 = arith.extui %ge3A_601 : i1 to i32
        %cond3A_603 = arith.constant 0 : i32
        %cond3A_604 = arith.cmpi ne, %convert_element_type3A_602, %cond3A_603 : i32
        scf.if %cond3A_604 {
          %add3A_618 = arith.constant 6 : i32
          %add3A_619 = arith.addi %add3A_565, %add3A_618 : i32
          %sub3A = arith.constant 8 : i32
          %sub3A_620 = arith.subi %add3A_619, %sub3A : i32
          %dma_wait3A_621 = arith.constant 5 : i32
          %dma_wait3A_622 = arith.constant 0 : i32
          %dma_wait3A_623 = arith.constant 0 : i32
          %dma_wait3A_624 = tpu.memref_slice %arg9[%dma_wait3A_621, %dma_wait3A_622, %dma_wait3A_623] : memref<8x128x16xf32, #tpu.memory_space<vmem>> -> memref<1x128x16xf32, #tpu.memory_space<vmem>>
          %dma_wait3A_625 = tpu.memref_squeeze %dma_wait3A_624 : memref<1x128x16xf32, #tpu.memory_space<vmem>> -> memref<128x16xf32, #tpu.memory_space<vmem>>
          %dma_wait3A_626 = arith.constant 0 : i32
          %dma_wait3A_627 = tpu.memref_slice %arg8[%sub3A_620, %dma_wait3A_626] : memref<80x128xi32, #tpu.memory_space<vmem>> -> memref<1x128xi32, #tpu.memory_space<vmem>>
          %dma_wait3A_628 = tpu.memref_squeeze %dma_wait3A_627 : memref<1x128xi32, #tpu.memory_space<vmem>> -> memref<128xi32, #tpu.memory_space<vmem>>
          %dma_wait3A_629 = arith.constant 0 : i32
          %dma_wait3A_630 = arith.constant 0 : i32
          %dma_wait3A_631 = tpu.memref_slice %arg11[%dma_wait3A_629, %dma_wait3A_630] : memref<10240x16xf32, #tpu.memory_space<vmem_shared>> -> memref<10240x16xf32, #tpu.memory_space<vmem_shared>>
          tpu.wait_indirect_dma semaphore(%arg27 : memref<!tpu.dma_semaphore, #tpu.memory_space<semaphore_mem>>) src(%dma_wait3A_625 : memref<128x16xf32, #tpu.memory_space<vmem>>) dst(%dma_wait3A_631 : memref<10240x16xf32, #tpu.memory_space<vmem_shared>>)
          %dma_wait3A_632 = arith.constant 0 : i32
          %dma_wait3A_633 = tpu.memref_slice %arg8[%sub3A_620, %dma_wait3A_632] : memref<80x128xi32, #tpu.memory_space<vmem>> -> memref<1x128xi32, #tpu.memory_space<vmem>>
          %dma_wait3A_634 = tpu.memref_squeeze %dma_wait3A_633 : memref<1x128xi32, #tpu.memory_space<vmem>> -> memref<128xi32, #tpu.memory_space<vmem>>
          %dma_wait3A_635 = arith.constant 0 : i32
          %dma_wait3A_636 = arith.constant 0 : i32
          %dma_wait3A_637 = tpu.memref_slice %arg13[%dma_wait3A_635, %dma_wait3A_636] : memref<10240x16xf32, #tpu.memory_space<vmem_shared>> -> memref<10240x16xf32, #tpu.memory_space<vmem_shared>>
          tpu.wait_indirect_dma semaphore(%arg35 : memref<!tpu.dma_semaphore, #tpu.memory_space<semaphore_mem>>) src(%arg12 : memref<128x16xf32, #tpu.memory_space<vmem>>) dst(%dma_wait3A_637 : memref<10240x16xf32, #tpu.memory_space<vmem_shared>>)
        } else {
        }
        %add3A_605 = arith.constant 6 : i32
        %add3A_606 = arith.addi %add3A_565, %add3A_605 : i32
        %dma_start3A_607 = arith.constant 5 : i32
        %dma_start3A_608 = arith.constant 0 : i32
        %dma_start3A_609 = arith.constant 0 : i32
        %dma_start3A_610 = tpu.memref_slice %arg9[%dma_start3A_607, %dma_start3A_608, %dma_start3A_609] : memref<8x128x16xf32, #tpu.memory_space<vmem>> -> memref<1x128x16xf32, #tpu.memory_space<vmem>>
        %dma_start3A_611 = tpu.memref_squeeze %dma_start3A_610 : memref<1x128x16xf32, #tpu.memory_space<vmem>> -> memref<128x16xf32, #tpu.memory_space<vmem>>
        %dma_start3A_612 = arith.constant 0 : i32
        %dma_start3A_613 = tpu.memref_slice %arg7[%add3A_606, %dma_start3A_612] : memref<80x128xi32, #tpu.memory_space<vmem>> -> memref<1x128xi32, #tpu.memory_space<vmem>>
        %dma_start3A_614 = tpu.memref_squeeze %dma_start3A_613 : memref<1x128xi32, #tpu.memory_space<vmem>> -> memref<128xi32, #tpu.memory_space<vmem>>
        %dma_start3A_615 = arith.constant 0 : i32
        %dma_start3A_616 = arith.constant 0 : i32
        %dma_start3A_617 = tpu.memref_slice %arg2[%dma_start3A_615, %dma_start3A_616] : memref<10240x16xf32, #tpu.memory_space<hbm>> -> memref<10240x16xf32, #tpu.memory_space<hbm>>
        tpu.enqueue_indirect_dma source(%dma_start3A_617 : memref<10240x16xf32, #tpu.memory_space<hbm>>) target(%dma_start3A_611 : memref<128x16xf32, #tpu.memory_space<vmem>>) offsets(%dma_start3A_614 : memref<128xi32, #tpu.memory_space<vmem>>) semaphore(%arg19 : memref<!tpu.dma_semaphore, #tpu.memory_space<semaphore_mem>>)
      } else {
      }
      %dma_wait3A_573 = arith.constant 7 : i32
      %dma_wait3A_574 = arith.constant 0 : i32
      %dma_wait3A_575 = arith.constant 0 : i32
      %dma_wait3A_576 = tpu.memref_slice %arg9[%dma_wait3A_573, %dma_wait3A_574, %dma_wait3A_575] : memref<8x128x16xf32, #tpu.memory_space<vmem>> -> memref<1x128x16xf32, #tpu.memory_space<vmem>>
      %dma_wait3A_577 = tpu.memref_squeeze %dma_wait3A_576 : memref<1x128x16xf32, #tpu.memory_space<vmem>> -> memref<128x16xf32, #tpu.memory_space<vmem>>
      %dma_wait3A_578 = arith.constant 0 : i32
      %dma_wait3A_579 = tpu.memref_slice %arg7[%add3A_565, %dma_wait3A_578] : memref<80x128xi32, #tpu.memory_space<vmem>> -> memref<1x128xi32, #tpu.memory_space<vmem>>
      %dma_wait3A_580 = tpu.memref_squeeze %dma_wait3A_579 : memref<1x128xi32, #tpu.memory_space<vmem>> -> memref<128xi32, #tpu.memory_space<vmem>>
      %dma_wait3A_581 = arith.constant 0 : i32
      %dma_wait3A_582 = arith.constant 0 : i32
      %dma_wait3A_583 = tpu.memref_slice %arg2[%dma_wait3A_581, %dma_wait3A_582] : memref<10240x16xf32, #tpu.memory_space<hbm>> -> memref<10240x16xf32, #tpu.memory_space<hbm>>
      tpu.wait_indirect_dma semaphore(%arg21 : memref<!tpu.dma_semaphore, #tpu.memory_space<semaphore_mem>>) src(%dma_wait3A_583 : memref<10240x16xf32, #tpu.memory_space<hbm>>) dst(%dma_wait3A_577 : memref<128x16xf32, #tpu.memory_space<vmem>>)
      %dma_start3A_584 = arith.constant 7 : i32
      %dma_start3A_585 = arith.constant 0 : i32
      %dma_start3A_586 = arith.constant 0 : i32
      %dma_start3A_587 = tpu.memref_slice %arg9[%dma_start3A_584, %dma_start3A_585, %dma_start3A_586] : memref<8x128x16xf32, #tpu.memory_space<vmem>> -> memref<1x128x16xf32, #tpu.memory_space<vmem>>
      %dma_start3A_588 = tpu.memref_squeeze %dma_start3A_587 : memref<1x128x16xf32, #tpu.memory_space<vmem>> -> memref<128x16xf32, #tpu.memory_space<vmem>>
      %dma_start3A_589 = arith.constant 0 : i32
      %dma_start3A_590 = tpu.memref_slice %arg8[%add3A_565, %dma_start3A_589] : memref<80x128xi32, #tpu.memory_space<vmem>> -> memref<1x128xi32, #tpu.memory_space<vmem>>
      %dma_start3A_591 = tpu.memref_squeeze %dma_start3A_590 : memref<1x128xi32, #tpu.memory_space<vmem>> -> memref<128xi32, #tpu.memory_space<vmem>>
      %dma_start3A_592 = arith.constant 0 : i32
      %dma_start3A_593 = arith.constant 0 : i32
      %dma_start3A_594 = tpu.memref_slice %arg11[%dma_start3A_592, %dma_start3A_593] : memref<10240x16xf32, #tpu.memory_space<vmem_shared>> -> memref<10240x16xf32, #tpu.memory_space<vmem_shared>>
      tpu.enqueue_indirect_dma source(%dma_start3A_588 : memref<128x16xf32, #tpu.memory_space<vmem>>) target(%dma_start3A_594 : memref<10240x16xf32, #tpu.memory_space<vmem_shared>>) offsets(%dma_start3A_591 : memref<128xi32, #tpu.memory_space<vmem>>) semaphore(%arg29 : memref<!tpu.dma_semaphore, #tpu.memory_space<semaphore_mem>>) {add = true}
      %dma_start3A_595 = arith.constant 0 : i32
      %dma_start3A_596 = tpu.memref_slice %arg8[%add3A_565, %dma_start3A_595] : memref<80x128xi32, #tpu.memory_space<vmem>> -> memref<1x128xi32, #tpu.memory_space<vmem>>
      %dma_start3A_597 = tpu.memref_squeeze %dma_start3A_596 : memref<1x128xi32, #tpu.memory_space<vmem>> -> memref<128xi32, #tpu.memory_space<vmem>>
      %dma_start3A_598 = arith.constant 0 : i32
      %dma_start3A_599 = arith.constant 0 : i32
      %dma_start3A_600 = tpu.memref_slice %arg13[%dma_start3A_598, %dma_start3A_599] : memref<10240x16xf32, #tpu.memory_space<vmem_shared>> -> memref<10240x16xf32, #tpu.memory_space<vmem_shared>>
      tpu.enqueue_indirect_dma source(%arg12 : memref<128x16xf32, #tpu.memory_space<vmem>>) target(%dma_start3A_600 : memref<10240x16xf32, #tpu.memory_space<vmem_shared>>) offsets(%dma_start3A_597 : memref<128xi32, #tpu.memory_space<vmem>>) semaphore(%arg37 : memref<!tpu.dma_semaphore, #tpu.memory_space<semaphore_mem>>) {add = true}
    }
    %scan3A_138 = arith.constant 10 : i32
    %dma_wait3A = arith.constant 0 : i32
    %dma_wait3A_139 = arith.constant 72 : i32
    %dma_wait3A_140 = arith.constant 0 : i32
    %dma_wait3A_141 = arith.constant 0 : i32
    %dma_wait3A_142 = tpu.memref_slice %arg9[%dma_wait3A, %dma_wait3A_140, %dma_wait3A_141] : memref<8x128x16xf32, #tpu.memory_space<vmem>> -> memref<1x128x16xf32, #tpu.memory_space<vmem>>
    %dma_wait3A_143 = tpu.memref_squeeze %dma_wait3A_142 : memref<1x128x16xf32, #tpu.memory_space<vmem>> -> memref<128x16xf32, #tpu.memory_space<vmem>>
    %dma_wait3A_144 = arith.constant 0 : i32
    %dma_wait3A_145 = tpu.memref_slice %arg8[%dma_wait3A_139, %dma_wait3A_144] : memref<80x128xi32, #tpu.memory_space<vmem>> -> memref<1x128xi32, #tpu.memory_space<vmem>>
    %dma_wait3A_146 = tpu.memref_squeeze %dma_wait3A_145 : memref<1x128xi32, #tpu.memory_space<vmem>> -> memref<128xi32, #tpu.memory_space<vmem>>
    %dma_wait3A_147 = arith.constant 0 : i32
    %dma_wait3A_148 = arith.constant 0 : i32
    %dma_wait3A_149 = tpu.memref_slice %arg11[%dma_wait3A_147, %dma_wait3A_148] : memref<10240x16xf32, #tpu.memory_space<vmem_shared>> -> memref<10240x16xf32, #tpu.memory_space<vmem_shared>>
    tpu.wait_indirect_dma semaphore(%arg22 : memref<!tpu.dma_semaphore, #tpu.memory_space<semaphore_mem>>) src(%dma_wait3A_143 : memref<128x16xf32, #tpu.memory_space<vmem>>) dst(%dma_wait3A_149 : memref<10240x16xf32, #tpu.memory_space<vmem_shared>>)
    %dma_wait3A_150 = arith.constant 72 : i32
    %dma_wait3A_151 = arith.constant 0 : i32
    %dma_wait3A_152 = tpu.memref_slice %arg8[%dma_wait3A_150, %dma_wait3A_151] : memref<80x128xi32, #tpu.memory_space<vmem>> -> memref<1x128xi32, #tpu.memory_space<vmem>>
    %dma_wait3A_153 = tpu.memref_squeeze %dma_wait3A_152 : memref<1x128xi32, #tpu.memory_space<vmem>> -> memref<128xi32, #tpu.memory_space<vmem>>
    %dma_wait3A_154 = arith.constant 0 : i32
    %dma_wait3A_155 = arith.constant 0 : i32
    %dma_wait3A_156 = tpu.memref_slice %arg13[%dma_wait3A_154, %dma_wait3A_155] : memref<10240x16xf32, #tpu.memory_space<vmem_shared>> -> memref<10240x16xf32, #tpu.memory_space<vmem_shared>>
    tpu.wait_indirect_dma semaphore(%arg30 : memref<!tpu.dma_semaphore, #tpu.memory_space<semaphore_mem>>) src(%arg12 : memref<128x16xf32, #tpu.memory_space<vmem>>) dst(%dma_wait3A_156 : memref<10240x16xf32, #tpu.memory_space<vmem_shared>>)
    %dma_wait3A_157 = arith.constant 1 : i32
    %dma_wait3A_158 = arith.constant 73 : i32
    %dma_wait3A_159 = arith.constant 0 : i32
    %dma_wait3A_160 = arith.constant 0 : i32
    %dma_wait3A_161 = tpu.memref_slice %arg9[%dma_wait3A_157, %dma_wait3A_159, %dma_wait3A_160] : memref<8x128x16xf32, #tpu.memory_space<vmem>> -> memref<1x128x16xf32, #tpu.memory_space<vmem>>
    %dma_wait3A_162 = tpu.memref_squeeze %dma_wait3A_161 : memref<1x128x16xf32, #tpu.memory_space<vmem>> -> memref<128x16xf32, #tpu.memory_space<vmem>>
    %dma_wait3A_163 = arith.constant 0 : i32
    %dma_wait3A_164 = tpu.memref_slice %arg8[%dma_wait3A_158, %dma_wait3A_163] : memref<80x128xi32, #tpu.memory_space<vmem>> -> memref<1x128xi32, #tpu.memory_space<vmem>>
    %dma_wait3A_165 = tpu.memref_squeeze %dma_wait3A_164 : memref<1x128xi32, #tpu.memory_space<vmem>> -> memref<128xi32, #tpu.memory_space<vmem>>
    %dma_wait3A_166 = arith.constant 0 : i32
    %dma_wait3A_167 = arith.constant 0 : i32
    %dma_wait3A_168 = tpu.memref_slice %arg11[%dma_wait3A_166, %dma_wait3A_167] : memref<10240x16xf32, #tpu.memory_space<vmem_shared>> -> memref<10240x16xf32, #tpu.memory_space<vmem_shared>>
    tpu.wait_indirect_dma semaphore(%arg23 : memref<!tpu.dma_semaphore, #tpu.memory_space<semaphore_mem>>) src(%dma_wait3A_162 : memref<128x16xf32, #tpu.memory_space<vmem>>) dst(%dma_wait3A_168 : memref<10240x16xf32, #tpu.memory_space<vmem_shared>>)
    %dma_wait3A_169 = arith.constant 73 : i32
    %dma_wait3A_170 = arith.constant 0 : i32
    %dma_wait3A_171 = tpu.memref_slice %arg8[%dma_wait3A_169, %dma_wait3A_170] : memref<80x128xi32, #tpu.memory_space<vmem>> -> memref<1x128xi32, #tpu.memory_space<vmem>>
    %dma_wait3A_172 = tpu.memref_squeeze %dma_wait3A_171 : memref<1x128xi32, #tpu.memory_space<vmem>> -> memref<128xi32, #tpu.memory_space<vmem>>
    %dma_wait3A_173 = arith.constant 0 : i32
    %dma_wait3A_174 = arith.constant 0 : i32
    %dma_wait3A_175 = tpu.memref_slice %arg13[%dma_wait3A_173, %dma_wait3A_174] : memref<10240x16xf32, #tpu.memory_space<vmem_shared>> -> memref<10240x16xf32, #tpu.memory_space<vmem_shared>>
    tpu.wait_indirect_dma semaphore(%arg31 : memref<!tpu.dma_semaphore, #tpu.memory_space<semaphore_mem>>) src(%arg12 : memref<128x16xf32, #tpu.memory_space<vmem>>) dst(%dma_wait3A_175 : memref<10240x16xf32, #tpu.memory_space<vmem_shared>>)
    %dma_wait3A_176 = arith.constant 2 : i32
    %dma_wait3A_177 = arith.constant 74 : i32
    %dma_wait3A_178 = arith.constant 0 : i32
    %dma_wait3A_179 = arith.constant 0 : i32
    %dma_wait3A_180 = tpu.memref_slice %arg9[%dma_wait3A_176, %dma_wait3A_178, %dma_wait3A_179] : memref<8x128x16xf32, #tpu.memory_space<vmem>> -> memref<1x128x16xf32, #tpu.memory_space<vmem>>
    %dma_wait3A_181 = tpu.memref_squeeze %dma_wait3A_180 : memref<1x128x16xf32, #tpu.memory_space<vmem>> -> memref<128x16xf32, #tpu.memory_space<vmem>>
    %dma_wait3A_182 = arith.constant 0 : i32
    %dma_wait3A_183 = tpu.memref_slice %arg8[%dma_wait3A_177, %dma_wait3A_182] : memref<80x128xi32, #tpu.memory_space<vmem>> -> memref<1x128xi32, #tpu.memory_space<vmem>>
    %dma_wait3A_184 = tpu.memref_squeeze %dma_wait3A_183 : memref<1x128xi32, #tpu.memory_space<vmem>> -> memref<128xi32, #tpu.memory_space<vmem>>
    %dma_wait3A_185 = arith.constant 0 : i32
    %dma_wait3A_186 = arith.constant 0 : i32
    %dma_wait3A_187 = tpu.memref_slice %arg11[%dma_wait3A_185, %dma_wait3A_186] : memref<10240x16xf32, #tpu.memory_space<vmem_shared>> -> memref<10240x16xf32, #tpu.memory_space<vmem_shared>>
    tpu.wait_indirect_dma semaphore(%arg24 : memref<!tpu.dma_semaphore, #tpu.memory_space<semaphore_mem>>) src(%dma_wait3A_181 : memref<128x16xf32, #tpu.memory_space<vmem>>) dst(%dma_wait3A_187 : memref<10240x16xf32, #tpu.memory_space<vmem_shared>>)
    %dma_wait3A_188 = arith.constant 74 : i32
    %dma_wait3A_189 = arith.constant 0 : i32
    %dma_wait3A_190 = tpu.memref_slice %arg8[%dma_wait3A_188, %dma_wait3A_189] : memref<80x128xi32, #tpu.memory_space<vmem>> -> memref<1x128xi32, #tpu.memory_space<vmem>>
    %dma_wait3A_191 = tpu.memref_squeeze %dma_wait3A_190 : memref<1x128xi32, #tpu.memory_space<vmem>> -> memref<128xi32, #tpu.memory_space<vmem>>
    %dma_wait3A_192 = arith.constant 0 : i32
    %dma_wait3A_193 = arith.constant 0 : i32
    %dma_wait3A_194 = tpu.memref_slice %arg13[%dma_wait3A_192, %dma_wait3A_193] : memref<10240x16xf32, #tpu.memory_space<vmem_shared>> -> memref<10240x16xf32, #tpu.memory_space<vmem_shared>>
    tpu.wait_indirect_dma semaphore(%arg32 : memref<!tpu.dma_semaphore, #tpu.memory_space<semaphore_mem>>) src(%arg12 : memref<128x16xf32, #tpu.memory_space<vmem>>) dst(%dma_wait3A_194 : memref<10240x16xf32, #tpu.memory_space<vmem_shared>>)
    %dma_wait3A_195 = arith.constant 3 : i32
    %dma_wait3A_196 = arith.constant 75 : i32
    %dma_wait3A_197 = arith.constant 0 : i32
    %dma_wait3A_198 = arith.constant 0 : i32
    %dma_wait3A_199 = tpu.memref_slice %arg9[%dma_wait3A_195, %dma_wait3A_197, %dma_wait3A_198] : memref<8x128x16xf32, #tpu.memory_space<vmem>> -> memref<1x128x16xf32, #tpu.memory_space<vmem>>
    %dma_wait3A_200 = tpu.memref_squeeze %dma_wait3A_199 : memref<1x128x16xf32, #tpu.memory_space<vmem>> -> memref<128x16xf32, #tpu.memory_space<vmem>>
    %dma_wait3A_201 = arith.constant 0 : i32
    %dma_wait3A_202 = tpu.memref_slice %arg8[%dma_wait3A_196, %dma_wait3A_201] : memref<80x128xi32, #tpu.memory_space<vmem>> -> memref<1x128xi32, #tpu.memory_space<vmem>>
    %dma_wait3A_203 = tpu.memref_squeeze %dma_wait3A_202 : memref<1x128xi32, #tpu.memory_space<vmem>> -> memref<128xi32, #tpu.memory_space<vmem>>
    %dma_wait3A_204 = arith.constant 0 : i32
    %dma_wait3A_205 = arith.constant 0 : i32
    %dma_wait3A_206 = tpu.memref_slice %arg11[%dma_wait3A_204, %dma_wait3A_205] : memref<10240x16xf32, #tpu.memory_space<vmem_shared>> -> memref<10240x16xf32, #tpu.memory_space<vmem_shared>>
    tpu.wait_indirect_dma semaphore(%arg25 : memref<!tpu.dma_semaphore, #tpu.memory_space<semaphore_mem>>) src(%dma_wait3A_200 : memref<128x16xf32, #tpu.memory_space<vmem>>) dst(%dma_wait3A_206 : memref<10240x16xf32, #tpu.memory_space<vmem_shared>>)
    %dma_wait3A_207 = arith.constant 75 : i32
    %dma_wait3A_208 = arith.constant 0 : i32
    %dma_wait3A_209 = tpu.memref_slice %arg8[%dma_wait3A_207, %dma_wait3A_208] : memref<80x128xi32, #tpu.memory_space<vmem>> -> memref<1x128xi32, #tpu.memory_space<vmem>>
    %dma_wait3A_210 = tpu.memref_squeeze %dma_wait3A_209 : memref<1x128xi32, #tpu.memory_space<vmem>> -> memref<128xi32, #tpu.memory_space<vmem>>
    %dma_wait3A_211 = arith.constant 0 : i32
    %dma_wait3A_212 = arith.constant 0 : i32
    %dma_wait3A_213 = tpu.memref_slice %arg13[%dma_wait3A_211, %dma_wait3A_212] : memref<10240x16xf32, #tpu.memory_space<vmem_shared>> -> memref<10240x16xf32, #tpu.memory_space<vmem_shared>>
    tpu.wait_indirect_dma semaphore(%arg33 : memref<!tpu.dma_semaphore, #tpu.memory_space<semaphore_mem>>) src(%arg12 : memref<128x16xf32, #tpu.memory_space<vmem>>) dst(%dma_wait3A_213 : memref<10240x16xf32, #tpu.memory_space<vmem_shared>>)
    %dma_wait3A_214 = arith.constant 4 : i32
    %dma_wait3A_215 = arith.constant 76 : i32
    %dma_wait3A_216 = arith.constant 0 : i32
    %dma_wait3A_217 = arith.constant 0 : i32
    %dma_wait3A_218 = tpu.memref_slice %arg9[%dma_wait3A_214, %dma_wait3A_216, %dma_wait3A_217] : memref<8x128x16xf32, #tpu.memory_space<vmem>> -> memref<1x128x16xf32, #tpu.memory_space<vmem>>
    %dma_wait3A_219 = tpu.memref_squeeze %dma_wait3A_218 : memref<1x128x16xf32, #tpu.memory_space<vmem>> -> memref<128x16xf32, #tpu.memory_space<vmem>>
    %dma_wait3A_220 = arith.constant 0 : i32
    %dma_wait3A_221 = tpu.memref_slice %arg8[%dma_wait3A_215, %dma_wait3A_220] : memref<80x128xi32, #tpu.memory_space<vmem>> -> memref<1x128xi32, #tpu.memory_space<vmem>>
    %dma_wait3A_222 = tpu.memref_squeeze %dma_wait3A_221 : memref<1x128xi32, #tpu.memory_space<vmem>> -> memref<128xi32, #tpu.memory_space<vmem>>
    %dma_wait3A_223 = arith.constant 0 : i32
    %dma_wait3A_224 = arith.constant 0 : i32
    %dma_wait3A_225 = tpu.memref_slice %arg11[%dma_wait3A_223, %dma_wait3A_224] : memref<10240x16xf32, #tpu.memory_space<vmem_shared>> -> memref<10240x16xf32, #tpu.memory_space<vmem_shared>>
    tpu.wait_indirect_dma semaphore(%arg26 : memref<!tpu.dma_semaphore, #tpu.memory_space<semaphore_mem>>) src(%dma_wait3A_219 : memref<128x16xf32, #tpu.memory_space<vmem>>) dst(%dma_wait3A_225 : memref<10240x16xf32, #tpu.memory_space<vmem_shared>>)
    %dma_wait3A_226 = arith.constant 76 : i32
    %dma_wait3A_227 = arith.constant 0 : i32
    %dma_wait3A_228 = tpu.memref_slice %arg8[%dma_wait3A_226, %dma_wait3A_227] : memref<80x128xi32, #tpu.memory_space<vmem>> -> memref<1x128xi32, #tpu.memory_space<vmem>>
    %dma_wait3A_229 = tpu.memref_squeeze %dma_wait3A_228 : memref<1x128xi32, #tpu.memory_space<vmem>> -> memref<128xi32, #tpu.memory_space<vmem>>
    %dma_wait3A_230 = arith.constant 0 : i32
    %dma_wait3A_231 = arith.constant 0 : i32
    %dma_wait3A_232 = tpu.memref_slice %arg13[%dma_wait3A_230, %dma_wait3A_231] : memref<10240x16xf32, #tpu.memory_space<vmem_shared>> -> memref<10240x16xf32, #tpu.memory_space<vmem_shared>>
    tpu.wait_indirect_dma semaphore(%arg34 : memref<!tpu.dma_semaphore, #tpu.memory_space<semaphore_mem>>) src(%arg12 : memref<128x16xf32, #tpu.memory_space<vmem>>) dst(%dma_wait3A_232 : memref<10240x16xf32, #tpu.memory_space<vmem_shared>>)
    %dma_wait3A_233 = arith.constant 5 : i32
    %dma_wait3A_234 = arith.constant 77 : i32
    %dma_wait3A_235 = arith.constant 0 : i32
    %dma_wait3A_236 = arith.constant 0 : i32
    %dma_wait3A_237 = tpu.memref_slice %arg9[%dma_wait3A_233, %dma_wait3A_235, %dma_wait3A_236] : memref<8x128x16xf32, #tpu.memory_space<vmem>> -> memref<1x128x16xf32, #tpu.memory_space<vmem>>
    %dma_wait3A_238 = tpu.memref_squeeze %dma_wait3A_237 : memref<1x128x16xf32, #tpu.memory_space<vmem>> -> memref<128x16xf32, #tpu.memory_space<vmem>>
    %dma_wait3A_239 = arith.constant 0 : i32
    %dma_wait3A_240 = tpu.memref_slice %arg8[%dma_wait3A_234, %dma_wait3A_239] : memref<80x128xi32, #tpu.memory_space<vmem>> -> memref<1x128xi32, #tpu.memory_space<vmem>>
    %dma_wait3A_241 = tpu.memref_squeeze %dma_wait3A_240 : memref<1x128xi32, #tpu.memory_space<vmem>> -> memref<128xi32, #tpu.memory_space<vmem>>
    %dma_wait3A_242 = arith.constant 0 : i32
    %dma_wait3A_243 = arith.constant 0 : i32
    %dma_wait3A_244 = tpu.memref_slice %arg11[%dma_wait3A_242, %dma_wait3A_243] : memref<10240x16xf32, #tpu.memory_space<vmem_shared>> -> memref<10240x16xf32, #tpu.memory_space<vmem_shared>>
    tpu.wait_indirect_dma semaphore(%arg27 : memref<!tpu.dma_semaphore, #tpu.memory_space<semaphore_mem>>) src(%dma_wait3A_238 : memref<128x16xf32, #tpu.memory_space<vmem>>) dst(%dma_wait3A_244 : memref<10240x16xf32, #tpu.memory_space<vmem_shared>>)
    %dma_wait3A_245 = arith.constant 77 : i32
    %dma_wait3A_246 = arith.constant 0 : i32
    %dma_wait3A_247 = tpu.memref_slice %arg8[%dma_wait3A_245, %dma_wait3A_246] : memref<80x128xi32, #tpu.memory_space<vmem>> -> memref<1x128xi32, #tpu.memory_space<vmem>>
    %dma_wait3A_248 = tpu.memref_squeeze %dma_wait3A_247 : memref<1x128xi32, #tpu.memory_space<vmem>> -> memref<128xi32, #tpu.memory_space<vmem>>
    %dma_wait3A_249 = arith.constant 0 : i32
    %dma_wait3A_250 = arith.constant 0 : i32
    %dma_wait3A_251 = tpu.memref_slice %arg13[%dma_wait3A_249, %dma_wait3A_250] : memref<10240x16xf32, #tpu.memory_space<vmem_shared>> -> memref<10240x16xf32, #tpu.memory_space<vmem_shared>>
    tpu.wait_indirect_dma semaphore(%arg35 : memref<!tpu.dma_semaphore, #tpu.memory_space<semaphore_mem>>) src(%arg12 : memref<128x16xf32, #tpu.memory_space<vmem>>) dst(%dma_wait3A_251 : memref<10240x16xf32, #tpu.memory_space<vmem_shared>>)
    %dma_wait3A_252 = arith.constant 6 : i32
    %dma_wait3A_253 = arith.constant 78 : i32
    %dma_wait3A_254 = arith.constant 0 : i32
    %dma_wait3A_255 = arith.constant 0 : i32
    %dma_wait3A_256 = tpu.memref_slice %arg9[%dma_wait3A_252, %dma_wait3A_254, %dma_wait3A_255] : memref<8x128x16xf32, #tpu.memory_space<vmem>> -> memref<1x128x16xf32, #tpu.memory_space<vmem>>
    %dma_wait3A_257 = tpu.memref_squeeze %dma_wait3A_256 : memref<1x128x16xf32, #tpu.memory_space<vmem>> -> memref<128x16xf32, #tpu.memory_space<vmem>>
    %dma_wait3A_258 = arith.constant 0 : i32
    %dma_wait3A_259 = tpu.memref_slice %arg8[%dma_wait3A_253, %dma_wait3A_258] : memref<80x128xi32, #tpu.memory_space<vmem>> -> memref<1x128xi32, #tpu.memory_space<vmem>>
    %dma_wait3A_260 = tpu.memref_squeeze %dma_wait3A_259 : memref<1x128xi32, #tpu.memory_space<vmem>> -> memref<128xi32, #tpu.memory_space<vmem>>
    %dma_wait3A_261 = arith.constant 0 : i32
    %dma_wait3A_262 = arith.constant 0 : i32
    %dma_wait3A_263 = tpu.memref_slice %arg11[%dma_wait3A_261, %dma_wait3A_262] : memref<10240x16xf32, #tpu.memory_space<vmem_shared>> -> memref<10240x16xf32, #tpu.memory_space<vmem_shared>>
    tpu.wait_indirect_dma semaphore(%arg28 : memref<!tpu.dma_semaphore, #tpu.memory_space<semaphore_mem>>) src(%dma_wait3A_257 : memref<128x16xf32, #tpu.memory_space<vmem>>) dst(%dma_wait3A_263 : memref<10240x16xf32, #tpu.memory_space<vmem_shared>>)
    %dma_wait3A_264 = arith.constant 78 : i32
    %dma_wait3A_265 = arith.constant 0 : i32
    %dma_wait3A_266 = tpu.memref_slice %arg8[%dma_wait3A_264, %dma_wait3A_265] : memref<80x128xi32, #tpu.memory_space<vmem>> -> memref<1x128xi32, #tpu.memory_space<vmem>>
    %dma_wait3A_267 = tpu.memref_squeeze %dma_wait3A_266 : memref<1x128xi32, #tpu.memory_space<vmem>> -> memref<128xi32, #tpu.memory_space<vmem>>
    %dma_wait3A_268 = arith.constant 0 : i32
    %dma_wait3A_269 = arith.constant 0 : i32
    %dma_wait3A_270 = tpu.memref_slice %arg13[%dma_wait3A_268, %dma_wait3A_269] : memref<10240x16xf32, #tpu.memory_space<vmem_shared>> -> memref<10240x16xf32, #tpu.memory_space<vmem_shared>>
    tpu.wait_indirect_dma semaphore(%arg36 : memref<!tpu.dma_semaphore, #tpu.memory_space<semaphore_mem>>) src(%arg12 : memref<128x16xf32, #tpu.memory_space<vmem>>) dst(%dma_wait3A_270 : memref<10240x16xf32, #tpu.memory_space<vmem_shared>>)
    %dma_wait3A_271 = arith.constant 7 : i32
    %dma_wait3A_272 = arith.constant 79 : i32
    %dma_wait3A_273 = arith.constant 0 : i32
    %dma_wait3A_274 = arith.constant 0 : i32
    %dma_wait3A_275 = tpu.memref_slice %arg9[%dma_wait3A_271, %dma_wait3A_273, %dma_wait3A_274] : memref<8x128x16xf32, #tpu.memory_space<vmem>> -> memref<1x128x16xf32, #tpu.memory_space<vmem>>
    %dma_wait3A_276 = tpu.memref_squeeze %dma_wait3A_275 : memref<1x128x16xf32, #tpu.memory_space<vmem>> -> memref<128x16xf32, #tpu.memory_space<vmem>>
    %dma_wait3A_277 = arith.constant 0 : i32
    %dma_wait3A_278 = tpu.memref_slice %arg8[%dma_wait3A_272, %dma_wait3A_277] : memref<80x128xi32, #tpu.memory_space<vmem>> -> memref<1x128xi32, #tpu.memory_space<vmem>>
    %dma_wait3A_279 = tpu.memref_squeeze %dma_wait3A_278 : memref<1x128xi32, #tpu.memory_space<vmem>> -> memref<128xi32, #tpu.memory_space<vmem>>
    %dma_wait3A_280 = arith.constant 0 : i32
    %dma_wait3A_281 = arith.constant 0 : i32
    %dma_wait3A_282 = tpu.memref_slice %arg11[%dma_wait3A_280, %dma_wait3A_281] : memref<10240x16xf32, #tpu.memory_space<vmem_shared>> -> memref<10240x16xf32, #tpu.memory_space<vmem_shared>>
    tpu.wait_indirect_dma semaphore(%arg29 : memref<!tpu.dma_semaphore, #tpu.memory_space<semaphore_mem>>) src(%dma_wait3A_276 : memref<128x16xf32, #tpu.memory_space<vmem>>) dst(%dma_wait3A_282 : memref<10240x16xf32, #tpu.memory_space<vmem_shared>>)
    %dma_wait3A_283 = arith.constant 79 : i32
    %dma_wait3A_284 = arith.constant 0 : i32
    %dma_wait3A_285 = tpu.memref_slice %arg8[%dma_wait3A_283, %dma_wait3A_284] : memref<80x128xi32, #tpu.memory_space<vmem>> -> memref<1x128xi32, #tpu.memory_space<vmem>>
    %dma_wait3A_286 = tpu.memref_squeeze %dma_wait3A_285 : memref<1x128xi32, #tpu.memory_space<vmem>> -> memref<128xi32, #tpu.memory_space<vmem>>
    %dma_wait3A_287 = arith.constant 0 : i32
    %dma_wait3A_288 = arith.constant 0 : i32
    %dma_wait3A_289 = tpu.memref_slice %arg13[%dma_wait3A_287, %dma_wait3A_288] : memref<10240x16xf32, #tpu.memory_space<vmem_shared>> -> memref<10240x16xf32, #tpu.memory_space<vmem_shared>>
    tpu.wait_indirect_dma semaphore(%arg37 : memref<!tpu.dma_semaphore, #tpu.memory_space<semaphore_mem>>) src(%arg12 : memref<128x16xf32, #tpu.memory_space<vmem>>) dst(%dma_wait3A_289 : memref<10240x16xf32, #tpu.memory_space<vmem_shared>>)
    %barrier3A_290 = arith.constant 0 : index
    tpu.barrier barrier_id(%barrier3A_290)
    "tpu.region"() ({
      %run_scoped3A = tpu.sem_alloc : memref<!tpu.dma_semaphore, #tpu.memory_space<semaphore_mem>>
      %dma_start3A_291 = arith.constant 0 : i32
      %dma_start3A_292 = tpu.memref_slice %arg5[%arg0, %mul3A_4, %dma_start3A_291] : memref<2x10240x16xf32, #tpu.memory_space<hbm>> -> memref<1x640x16xf32, #tpu.memory_space<hbm>>
      %dma_start3A_293 = tpu.memref_squeeze %dma_start3A_292 : memref<1x640x16xf32, #tpu.memory_space<hbm>> -> memref<640x16xf32, #tpu.memory_space<hbm>>
      %dma_start3A_294 = arith.constant 0 : i32
      %dma_start3A_295 = tpu.memref_slice %arg11[%mul3A_4, %dma_start3A_294] : memref<10240x16xf32, #tpu.memory_space<vmem_shared>> -> memref<640x16xf32, #tpu.memory_space<vmem_shared>>
      tpu.enqueue_dma source(%dma_start3A_295 : memref<640x16xf32, #tpu.memory_space<vmem_shared>>) target(%dma_start3A_293 : memref<640x16xf32, #tpu.memory_space<hbm>>) target_semaphore(%run_scoped3A : memref<!tpu.dma_semaphore, #tpu.memory_space<semaphore_mem>>)
      %dma_wait3A_296 = arith.constant 0 : i32
      %dma_wait3A_297 = tpu.memref_slice %arg5[%arg0, %mul3A_4, %dma_wait3A_296] : memref<2x10240x16xf32, #tpu.memory_space<hbm>> -> memref<1x640x16xf32, #tpu.memory_space<hbm>>
      %dma_wait3A_298 = tpu.memref_squeeze %dma_wait3A_297 : memref<1x640x16xf32, #tpu.memory_space<hbm>> -> memref<640x16xf32, #tpu.memory_space<hbm>>
      %dma_wait3A_299 = arith.constant 0 : i32
      %dma_wait3A_300 = tpu.memref_slice %arg11[%mul3A_4, %dma_wait3A_299] : memref<10240x16xf32, #tpu.memory_space<vmem_shared>> -> memref<640x16xf32, #tpu.memory_space<vmem_shared>>
      tpu.wait_dma2 semaphore(%run_scoped3A : memref<!tpu.dma_semaphore, #tpu.memory_space<semaphore_mem>>) src(%dma_wait3A_300 : memref<640x16xf32, #tpu.memory_space<vmem_shared>>) dst(%dma_wait3A_298 : memref<640x16xf32, #tpu.memory_space<hbm>>)
      tpu.yield
    }) : () -> ()
    "tpu.region"() ({
      %run_scoped3A = tpu.sem_alloc : memref<!tpu.dma_semaphore, #tpu.memory_space<semaphore_mem>>
      %dma_start3A_291 = arith.constant 0 : i32
      %dma_start3A_292 = tpu.memref_slice %arg6[%arg0, %mul3A_4, %dma_start3A_291] : memref<2x10240x16xf32, #tpu.memory_space<hbm>> -> memref<1x640x16xf32, #tpu.memory_space<hbm>>
      %dma_start3A_293 = tpu.memref_squeeze %dma_start3A_292 : memref<1x640x16xf32, #tpu.memory_space<hbm>> -> memref<640x16xf32, #tpu.memory_space<hbm>>
      %dma_start3A_294 = arith.constant 0 : i32
      %dma_start3A_295 = tpu.memref_slice %arg13[%mul3A_4, %dma_start3A_294] : memref<10240x16xf32, #tpu.memory_space<vmem_shared>> -> memref<640x16xf32, #tpu.memory_space<vmem_shared>>
      tpu.enqueue_dma source(%dma_start3A_295 : memref<640x16xf32, #tpu.memory_space<vmem_shared>>) target(%dma_start3A_293 : memref<640x16xf32, #tpu.memory_space<hbm>>) target_semaphore(%run_scoped3A : memref<!tpu.dma_semaphore, #tpu.memory_space<semaphore_mem>>)
      %dma_wait3A_296 = arith.constant 0 : i32
      %dma_wait3A_297 = tpu.memref_slice %arg6[%arg0, %mul3A_4, %dma_wait3A_296] : memref<2x10240x16xf32, #tpu.memory_space<hbm>> -> memref<1x640x16xf32, #tpu.memory_space<hbm>>
      %dma_wait3A_298 = tpu.memref_squeeze %dma_wait3A_297 : memref<1x640x16xf32, #tpu.memory_space<hbm>> -> memref<640x16xf32, #tpu.memory_space<hbm>>
      %dma_wait3A_299 = arith.constant 0 : i32
      %dma_wait3A_300 = tpu.memref_slice %arg13[%mul3A_4, %dma_wait3A_299] : memref<10240x16xf32, #tpu.memory_space<vmem_shared>> -> memref<640x16xf32, #tpu.memory_space<vmem_shared>>
      tpu.wait_dma2 semaphore(%run_scoped3A : memref<!tpu.dma_semaphore, #tpu.memory_space<semaphore_mem>>) src(%dma_wait3A_300 : memref<640x16xf32, #tpu.memory_space<vmem_shared>>) dst(%dma_wait3A_298 : memref<640x16xf32, #tpu.memory_space<hbm>>)
      tpu.yield
    }) : () -> ()
    return
  }
}

#map = affine_map<(d0, d1) -> (0, 0)>
#map1 = affine_map<(d0, d1) -> (0, 0, 0)>
module attributes {stable_mosaic.version = 14 : i64} {
  func.func @body(%arg0: i32, %arg1: i32, %arg2: memref<10240x16xf32, #tpu.memory_space<hbm>>, %arg3: memref<2560x128xi32, #tpu.memory_space<hbm>>, %arg4: memref<2560x128xi32, #tpu.memory_space<hbm>>, %arg5: memref<2x10240x16xf32, #tpu.memory_space<hbm>>, %arg6: memref<80x128xi32, #tpu.memory_space<vmem>>, %arg7: memref<80x128xi32, #tpu.memory_space<vmem>>, %arg8: memref<8x128x16xf32, #tpu.memory_space<vmem>>, %arg9: memref<128x16xf32, #tpu.memory_space<vmem>>, %arg10: memref<10240x16xf32, #tpu.memory_space<vmem_shared>>, %arg11: memref<!tpu.dma_semaphore, #tpu.memory_space<semaphore_mem>>, %arg12: memref<!tpu.dma_semaphore, #tpu.memory_space<semaphore_mem>>, %arg13: memref<!tpu.dma_semaphore, #tpu.memory_space<semaphore_mem>>, %arg14: memref<!tpu.dma_semaphore, #tpu.memory_space<semaphore_mem>>, %arg15: memref<!tpu.dma_semaphore, #tpu.memory_space<semaphore_mem>>, %arg16: memref<!tpu.dma_semaphore, #tpu.memory_space<semaphore_mem>>, %arg17: memref<!tpu.dma_semaphore, #tpu.memory_space<semaphore_mem>>, %arg18: memref<!tpu.dma_semaphore, #tpu.memory_space<semaphore_mem>>, %arg19: memref<!tpu.dma_semaphore, #tpu.memory_space<semaphore_mem>>, %arg20: memref<!tpu.dma_semaphore, #tpu.memory_space<semaphore_mem>>, %arg21: memref<!tpu.dma_semaphore, #tpu.memory_space<semaphore_mem>>, %arg22: memref<!tpu.dma_semaphore, #tpu.memory_space<semaphore_mem>>, %arg23: memref<!tpu.dma_semaphore, #tpu.memory_space<semaphore_mem>>, %arg24: memref<!tpu.dma_semaphore, #tpu.memory_space<semaphore_mem>>, %arg25: memref<!tpu.dma_semaphore, #tpu.memory_space<semaphore_mem>>, %arg26: memref<!tpu.dma_semaphore, #tpu.memory_space<semaphore_mem>>) attributes {dimension_semantics = [#tpu.dimension_semantics<core_parallel>, #tpu.dimension_semantics<subcore_parallel>], iteration_bounds = array<i64: 2, 16>, scalar_prefetch = 0 : i64, scratch_operands = 21 : i64, tpu.core_type = #tpu.core_type<sc_vector_subcore>, window_params = [{transform_indices = #map}, {transform_indices = #map}, {transform_indices = #map}, {transform_indices = #map1}]} {
    %mul3A = arith.constant 160 : i32
    %mul3A_0 = arith.muli %arg1, %mul3A : i32
    %mul3A_1 = arith.constant 80 : i32
    %mul3A_2 = arith.muli %arg0, %mul3A_1 : i32
    %add3A = arith.addi %mul3A_0, %mul3A_2 : i32
    %mul3A_3 = arith.constant 640 : i32
    %mul3A_4 = arith.muli %arg1, %mul3A_3 : i32
    "tpu.region"() ({
      %run_scoped3A = tpu.sem_alloc : memref<!tpu.dma_semaphore, #tpu.memory_space<semaphore_mem>>
      %dma_start3A_203 = arith.constant 0 : i32
      %dma_start3A_204 = tpu.memref_slice %arg3[%add3A, %dma_start3A_203] : memref<2560x128xi32, #tpu.memory_space<hbm>> -> memref<80x128xi32, #tpu.memory_space<hbm>>
      %dma_start3A_205 = arith.constant 0 : i32
      %dma_start3A_206 = tpu.memref_slice %arg3[%add3A, %dma_start3A_205] : memref<2560x128xi32, #tpu.memory_space<hbm>> -> memref<80x128xi32, #tpu.memory_space<hbm>>
      tpu.enqueue_dma source(%dma_start3A_206 : memref<80x128xi32, #tpu.memory_space<hbm>>) target(%arg6 : memref<80x128xi32, #tpu.memory_space<vmem>>) target_semaphore(%run_scoped3A : memref<!tpu.dma_semaphore, #tpu.memory_space<semaphore_mem>>)
      %dma_wait3A_207 = arith.constant 0 : i32
      %dma_wait3A_208 = tpu.memref_slice %arg3[%add3A, %dma_wait3A_207] : memref<2560x128xi32, #tpu.memory_space<hbm>> -> memref<80x128xi32, #tpu.memory_space<hbm>>
      %dma_wait3A_209 = arith.constant 0 : i32
      %dma_wait3A_210 = tpu.memref_slice %arg3[%add3A, %dma_wait3A_209] : memref<2560x128xi32, #tpu.memory_space<hbm>> -> memref<80x128xi32, #tpu.memory_space<hbm>>
      tpu.wait_dma2 semaphore(%run_scoped3A : memref<!tpu.dma_semaphore, #tpu.memory_space<semaphore_mem>>) src(%dma_wait3A_210 : memref<80x128xi32, #tpu.memory_space<hbm>>) dst(%arg6 : memref<80x128xi32, #tpu.memory_space<vmem>>)
      tpu.yield
    }) : () -> ()
    "tpu.region"() ({
      %run_scoped3A = tpu.sem_alloc : memref<!tpu.dma_semaphore, #tpu.memory_space<semaphore_mem>>
      %dma_start3A_203 = arith.constant 0 : i32
      %dma_start3A_204 = tpu.memref_slice %arg4[%add3A, %dma_start3A_203] : memref<2560x128xi32, #tpu.memory_space<hbm>> -> memref<80x128xi32, #tpu.memory_space<hbm>>
      %dma_start3A_205 = arith.constant 0 : i32
      %dma_start3A_206 = tpu.memref_slice %arg4[%add3A, %dma_start3A_205] : memref<2560x128xi32, #tpu.memory_space<hbm>> -> memref<80x128xi32, #tpu.memory_space<hbm>>
      tpu.enqueue_dma source(%dma_start3A_206 : memref<80x128xi32, #tpu.memory_space<hbm>>) target(%arg7 : memref<80x128xi32, #tpu.memory_space<vmem>>) target_semaphore(%run_scoped3A : memref<!tpu.dma_semaphore, #tpu.memory_space<semaphore_mem>>)
      %dma_wait3A_207 = arith.constant 0 : i32
      %dma_wait3A_208 = tpu.memref_slice %arg4[%add3A, %dma_wait3A_207] : memref<2560x128xi32, #tpu.memory_space<hbm>> -> memref<80x128xi32, #tpu.memory_space<hbm>>
      %dma_wait3A_209 = arith.constant 0 : i32
      %dma_wait3A_210 = tpu.memref_slice %arg4[%add3A, %dma_wait3A_209] : memref<2560x128xi32, #tpu.memory_space<hbm>> -> memref<80x128xi32, #tpu.memory_space<hbm>>
      tpu.wait_dma2 semaphore(%run_scoped3A : memref<!tpu.dma_semaphore, #tpu.memory_space<semaphore_mem>>) src(%dma_wait3A_210 : memref<80x128xi32, #tpu.memory_space<hbm>>) dst(%arg7 : memref<80x128xi32, #tpu.memory_space<vmem>>)
      tpu.yield
    }) : () -> ()
    %scan3A = arith.constant 0 : i32
    %scan3A_5 = arith.constant 0 : i32
    %scan3A_6 = arith.constant 128 : i32
    %scan3A_7 = arith.addi %scan3A_5, %scan3A_6 : i32
    %scan3A_8 = arith.constant 1 : i32
    scf.for %scan3A_203 = %scan3A_5 to %scan3A_7 step %scan3A_8  : i32 {
      %broadcast_in_dim3A = arith.constant 0.000000e+00 : f32
      %broadcast_in_dim3A_204 = vector.broadcast %broadcast_in_dim3A : f32 to vector<16xf32>
      %swap3A = arith.index_cast %scan3A_203 : i32 to index
      %swap3A_205 = arith.constant 0 : index
      %swap3A_206 = tpu.vector_load %arg9[%swap3A, %swap3A_205] {strides = array<i32>} : memref<128x16xf32, #tpu.memory_space<vmem>>, vector<1x16xf32>,
      %swap3A_207 = vector.shape_cast %swap3A_206 : vector<1x16xf32> to vector<16xf32>
      %swap3A_208 = vector.shape_cast %broadcast_in_dim3A_204 : vector<16xf32> to vector<1x16xf32>
      tpu.vector_store %arg9[%swap3A, %swap3A_205], %swap3A_208 {strides = array<i32>} : memref<128x16xf32, #tpu.memory_space<vmem>>, vector<1x16xf32>,
    }
    %scan3A_9 = arith.constant 128 : i32
    %mul3A_10 = arith.constant 640 : i32
    %mul3A_11 = arith.muli %arg1, %mul3A_10 : i32
    %add3A_12 = arith.constant 0 : i32
    %add3A_13 = arith.addi %mul3A_11, %add3A_12 : i32
    "tpu.region"() ({
      %run_scoped3A = tpu.sem_alloc : memref<!tpu.dma_semaphore, #tpu.memory_space<semaphore_mem>>
      %dma_start3A_203 = arith.constant 0 : i32
      %dma_start3A_204 = tpu.memref_slice %arg10[%add3A_13, %dma_start3A_203] : memref<10240x16xf32, #tpu.memory_space<vmem_shared>> -> memref<128x16xf32, #tpu.memory_space<vmem_shared>>
      %dma_start3A_205 = arith.constant 0 : i32
      %dma_start3A_206 = tpu.memref_slice %arg10[%add3A_13, %dma_start3A_205] : memref<10240x16xf32, #tpu.memory_space<vmem_shared>> -> memref<128x16xf32, #tpu.memory_space<vmem_shared>>
      tpu.enqueue_dma source(%arg9 : memref<128x16xf32, #tpu.memory_space<vmem>>) target(%dma_start3A_206 : memref<128x16xf32, #tpu.memory_space<vmem_shared>>) target_semaphore(%run_scoped3A : memref<!tpu.dma_semaphore, #tpu.memory_space<semaphore_mem>>)
      %dma_wait3A_207 = arith.constant 0 : i32
      %dma_wait3A_208 = tpu.memref_slice %arg10[%add3A_13, %dma_wait3A_207] : memref<10240x16xf32, #tpu.memory_space<vmem_shared>> -> memref<128x16xf32, #tpu.memory_space<vmem_shared>>
      %dma_wait3A_209 = arith.constant 0 : i32
      %dma_wait3A_210 = tpu.memref_slice %arg10[%add3A_13, %dma_wait3A_209] : memref<10240x16xf32, #tpu.memory_space<vmem_shared>> -> memref<128x16xf32, #tpu.memory_space<vmem_shared>>
      tpu.wait_dma2 semaphore(%run_scoped3A : memref<!tpu.dma_semaphore, #tpu.memory_space<semaphore_mem>>) src(%arg9 : memref<128x16xf32, #tpu.memory_space<vmem>>) dst(%dma_wait3A_210 : memref<128x16xf32, #tpu.memory_space<vmem_shared>>)
      tpu.yield
    }) : () -> ()
    %mul3A_14 = arith.constant 640 : i32
    %mul3A_15 = arith.muli %arg1, %mul3A_14 : i32
    %add3A_16 = arith.constant 128 : i32
    %add3A_17 = arith.addi %mul3A_15, %add3A_16 : i32
    "tpu.region"() ({
      %run_scoped3A = tpu.sem_alloc : memref<!tpu.dma_semaphore, #tpu.memory_space<semaphore_mem>>
      %dma_start3A_203 = arith.constant 0 : i32
      %dma_start3A_204 = tpu.memref_slice %arg10[%add3A_17, %dma_start3A_203] : memref<10240x16xf32, #tpu.memory_space<vmem_shared>> -> memref<128x16xf32, #tpu.memory_space<vmem_shared>>
      %dma_start3A_205 = arith.constant 0 : i32
      %dma_start3A_206 = tpu.memref_slice %arg10[%add3A_17, %dma_start3A_205] : memref<10240x16xf32, #tpu.memory_space<vmem_shared>> -> memref<128x16xf32, #tpu.memory_space<vmem_shared>>
      tpu.enqueue_dma source(%arg9 : memref<128x16xf32, #tpu.memory_space<vmem>>) target(%dma_start3A_206 : memref<128x16xf32, #tpu.memory_space<vmem_shared>>) target_semaphore(%run_scoped3A : memref<!tpu.dma_semaphore, #tpu.memory_space<semaphore_mem>>)
      %dma_wait3A_207 = arith.constant 0 : i32
      %dma_wait3A_208 = tpu.memref_slice %arg10[%add3A_17, %dma_wait3A_207] : memref<10240x16xf32, #tpu.memory_space<vmem_shared>> -> memref<128x16xf32, #tpu.memory_space<vmem_shared>>
      %dma_wait3A_209 = arith.constant 0 : i32
      %dma_wait3A_210 = tpu.memref_slice %arg10[%add3A_17, %dma_wait3A_209] : memref<10240x16xf32, #tpu.memory_space<vmem_shared>> -> memref<128x16xf32, #tpu.memory_space<vmem_shared>>
      tpu.wait_dma2 semaphore(%run_scoped3A : memref<!tpu.dma_semaphore, #tpu.memory_space<semaphore_mem>>) src(%arg9 : memref<128x16xf32, #tpu.memory_space<vmem>>) dst(%dma_wait3A_210 : memref<128x16xf32, #tpu.memory_space<vmem_shared>>)
      tpu.yield
    }) : () -> ()
    %mul3A_18 = arith.constant 640 : i32
    %mul3A_19 = arith.muli %arg1, %mul3A_18 : i32
    %add3A_20 = arith.constant 256 : i32
    %add3A_21 = arith.addi %mul3A_19, %add3A_20 : i32
    "tpu.region"() ({
      %run_scoped3A = tpu.sem_alloc : memref<!tpu.dma_semaphore, #tpu.memory_space<semaphore_mem>>
      %dma_start3A_203 = arith.constant 0 : i32
      %dma_start3A_204 = tpu.memref_slice %arg10[%add3A_21, %dma_start3A_203] : memref<10240x16xf32, #tpu.memory_space<vmem_shared>> -> memref<128x16xf32, #tpu.memory_space<vmem_shared>>
      %dma_start3A_205 = arith.constant 0 : i32
      %dma_start3A_206 = tpu.memref_slice %arg10[%add3A_21, %dma_start3A_205] : memref<10240x16xf32, #tpu.memory_space<vmem_shared>> -> memref<128x16xf32, #tpu.memory_space<vmem_shared>>
      tpu.enqueue_dma source(%arg9 : memref<128x16xf32, #tpu.memory_space<vmem>>) target(%dma_start3A_206 : memref<128x16xf32, #tpu.memory_space<vmem_shared>>) target_semaphore(%run_scoped3A : memref<!tpu.dma_semaphore, #tpu.memory_space<semaphore_mem>>)
      %dma_wait3A_207 = arith.constant 0 : i32
      %dma_wait3A_208 = tpu.memref_slice %arg10[%add3A_21, %dma_wait3A_207] : memref<10240x16xf32, #tpu.memory_space<vmem_shared>> -> memref<128x16xf32, #tpu.memory_space<vmem_shared>>
      %dma_wait3A_209 = arith.constant 0 : i32
      %dma_wait3A_210 = tpu.memref_slice %arg10[%add3A_21, %dma_wait3A_209] : memref<10240x16xf32, #tpu.memory_space<vmem_shared>> -> memref<128x16xf32, #tpu.memory_space<vmem_shared>>
      tpu.wait_dma2 semaphore(%run_scoped3A : memref<!tpu.dma_semaphore, #tpu.memory_space<semaphore_mem>>) src(%arg9 : memref<128x16xf32, #tpu.memory_space<vmem>>) dst(%dma_wait3A_210 : memref<128x16xf32, #tpu.memory_space<vmem_shared>>)
      tpu.yield
    }) : () -> ()
    %mul3A_22 = arith.constant 640 : i32
    %mul3A_23 = arith.muli %arg1, %mul3A_22 : i32
    %add3A_24 = arith.constant 384 : i32
    %add3A_25 = arith.addi %mul3A_23, %add3A_24 : i32
    "tpu.region"() ({
      %run_scoped3A = tpu.sem_alloc : memref<!tpu.dma_semaphore, #tpu.memory_space<semaphore_mem>>
      %dma_start3A_203 = arith.constant 0 : i32
      %dma_start3A_204 = tpu.memref_slice %arg10[%add3A_25, %dma_start3A_203] : memref<10240x16xf32, #tpu.memory_space<vmem_shared>> -> memref<128x16xf32, #tpu.memory_space<vmem_shared>>
      %dma_start3A_205 = arith.constant 0 : i32
      %dma_start3A_206 = tpu.memref_slice %arg10[%add3A_25, %dma_start3A_205] : memref<10240x16xf32, #tpu.memory_space<vmem_shared>> -> memref<128x16xf32, #tpu.memory_space<vmem_shared>>
      tpu.enqueue_dma source(%arg9 : memref<128x16xf32, #tpu.memory_space<vmem>>) target(%dma_start3A_206 : memref<128x16xf32, #tpu.memory_space<vmem_shared>>) target_semaphore(%run_scoped3A : memref<!tpu.dma_semaphore, #tpu.memory_space<semaphore_mem>>)
      %dma_wait3A_207 = arith.constant 0 : i32
      %dma_wait3A_208 = tpu.memref_slice %arg10[%add3A_25, %dma_wait3A_207] : memref<10240x16xf32, #tpu.memory_space<vmem_shared>> -> memref<128x16xf32, #tpu.memory_space<vmem_shared>>
      %dma_wait3A_209 = arith.constant 0 : i32
      %dma_wait3A_210 = tpu.memref_slice %arg10[%add3A_25, %dma_wait3A_209] : memref<10240x16xf32, #tpu.memory_space<vmem_shared>> -> memref<128x16xf32, #tpu.memory_space<vmem_shared>>
      tpu.wait_dma2 semaphore(%run_scoped3A : memref<!tpu.dma_semaphore, #tpu.memory_space<semaphore_mem>>) src(%arg9 : memref<128x16xf32, #tpu.memory_space<vmem>>) dst(%dma_wait3A_210 : memref<128x16xf32, #tpu.memory_space<vmem_shared>>)
      tpu.yield
    }) : () -> ()
    %mul3A_26 = arith.constant 640 : i32
    %mul3A_27 = arith.muli %arg1, %mul3A_26 : i32
    %add3A_28 = arith.constant 512 : i32
    %add3A_29 = arith.addi %mul3A_27, %add3A_28 : i32
    "tpu.region"() ({
      %run_scoped3A = tpu.sem_alloc : memref<!tpu.dma_semaphore, #tpu.memory_space<semaphore_mem>>
      %dma_start3A_203 = arith.constant 0 : i32
      %dma_start3A_204 = tpu.memref_slice %arg10[%add3A_29, %dma_start3A_203] : memref<10240x16xf32, #tpu.memory_space<vmem_shared>> -> memref<128x16xf32, #tpu.memory_space<vmem_shared>>
      %dma_start3A_205 = arith.constant 0 : i32
      %dma_start3A_206 = tpu.memref_slice %arg10[%add3A_29, %dma_start3A_205] : memref<10240x16xf32, #tpu.memory_space<vmem_shared>> -> memref<128x16xf32, #tpu.memory_space<vmem_shared>>
      tpu.enqueue_dma source(%arg9 : memref<128x16xf32, #tpu.memory_space<vmem>>) target(%dma_start3A_206 : memref<128x16xf32, #tpu.memory_space<vmem_shared>>) target_semaphore(%run_scoped3A : memref<!tpu.dma_semaphore, #tpu.memory_space<semaphore_mem>>)
      %dma_wait3A_207 = arith.constant 0 : i32
      %dma_wait3A_208 = tpu.memref_slice %arg10[%add3A_29, %dma_wait3A_207] : memref<10240x16xf32, #tpu.memory_space<vmem_shared>> -> memref<128x16xf32, #tpu.memory_space<vmem_shared>>
      %dma_wait3A_209 = arith.constant 0 : i32
      %dma_wait3A_210 = tpu.memref_slice %arg10[%add3A_29, %dma_wait3A_209] : memref<10240x16xf32, #tpu.memory_space<vmem_shared>> -> memref<128x16xf32, #tpu.memory_space<vmem_shared>>
      tpu.wait_dma2 semaphore(%run_scoped3A : memref<!tpu.dma_semaphore, #tpu.memory_space<semaphore_mem>>) src(%arg9 : memref<128x16xf32, #tpu.memory_space<vmem>>) dst(%dma_wait3A_210 : memref<128x16xf32, #tpu.memory_space<vmem_shared>>)
      tpu.yield
    }) : () -> ()
    %barrier3A = arith.constant 0 : index
    tpu.barrier barrier_id(%barrier3A)
    %dma_start3A = arith.constant 0 : i32
    %dma_start3A_30 = arith.constant 0 : i32
    %dma_start3A_31 = arith.constant 0 : i32
    %dma_start3A_32 = arith.constant 0 : i32
    %dma_start3A_33 = tpu.memref_slice %arg8[%dma_start3A_30, %dma_start3A_31, %dma_start3A_32] : memref<8x128x16xf32, #tpu.memory_space<vmem>> -> memref<1x128x16xf32, #tpu.memory_space<vmem>>
    %dma_start3A_34 = tpu.memref_squeeze %dma_start3A_33 : memref<1x128x16xf32, #tpu.memory_space<vmem>> -> memref<128x16xf32, #tpu.memory_space<vmem>>
    %dma_start3A_35 = arith.constant 0 : i32
    %dma_start3A_36 = tpu.memref_slice %arg6[%dma_start3A, %dma_start3A_35] : memref<80x128xi32, #tpu.memory_space<vmem>> -> memref<1x128xi32, #tpu.memory_space<vmem>>
    %dma_start3A_37 = tpu.memref_squeeze %dma_start3A_36 : memref<1x128xi32, #tpu.memory_space<vmem>> -> memref<128xi32, #tpu.memory_space<vmem>>
    %dma_start3A_38 = arith.constant 0 : i32
    %dma_start3A_39 = arith.constant 0 : i32
    %dma_start3A_40 = tpu.memref_slice %arg2[%dma_start3A_38, %dma_start3A_39] : memref<10240x16xf32, #tpu.memory_space<hbm>> -> memref<10240x16xf32, #tpu.memory_space<hbm>>
    tpu.enqueue_indirect_dma source(%dma_start3A_40 : memref<10240x16xf32, #tpu.memory_space<hbm>>) target(%dma_start3A_34 : memref<128x16xf32, #tpu.memory_space<vmem>>) offsets(%dma_start3A_37 : memref<128xi32, #tpu.memory_space<vmem>>) semaphore(%arg11 : memref<!tpu.dma_semaphore, #tpu.memory_space<semaphore_mem>>)
    %dma_start3A_41 = arith.constant 1 : i32
    %dma_start3A_42 = arith.constant 1 : i32
    %dma_start3A_43 = arith.constant 0 : i32
    %dma_start3A_44 = arith.constant 0 : i32
    %dma_start3A_45 = tpu.memref_slice %arg8[%dma_start3A_42, %dma_start3A_43, %dma_start3A_44] : memref<8x128x16xf32, #tpu.memory_space<vmem>> -> memref<1x128x16xf32, #tpu.memory_space<vmem>>
    %dma_start3A_46 = tpu.memref_squeeze %dma_start3A_45 : memref<1x128x16xf32, #tpu.memory_space<vmem>> -> memref<128x16xf32, #tpu.memory_space<vmem>>
    %dma_start3A_47 = arith.constant 0 : i32
    %dma_start3A_48 = tpu.memref_slice %arg6[%dma_start3A_41, %dma_start3A_47] : memref<80x128xi32, #tpu.memory_space<vmem>> -> memref<1x128xi32, #tpu.memory_space<vmem>>
    %dma_start3A_49 = tpu.memref_squeeze %dma_start3A_48 : memref<1x128xi32, #tpu.memory_space<vmem>> -> memref<128xi32, #tpu.memory_space<vmem>>
    %dma_start3A_50 = arith.constant 0 : i32
    %dma_start3A_51 = arith.constant 0 : i32
    %dma_start3A_52 = tpu.memref_slice %arg2[%dma_start3A_50, %dma_start3A_51] : memref<10240x16xf32, #tpu.memory_space<hbm>> -> memref<10240x16xf32, #tpu.memory_space<hbm>>
    tpu.enqueue_indirect_dma source(%dma_start3A_52 : memref<10240x16xf32, #tpu.memory_space<hbm>>) target(%dma_start3A_46 : memref<128x16xf32, #tpu.memory_space<vmem>>) offsets(%dma_start3A_49 : memref<128xi32, #tpu.memory_space<vmem>>) semaphore(%arg12 : memref<!tpu.dma_semaphore, #tpu.memory_space<semaphore_mem>>)
    %dma_start3A_53 = arith.constant 2 : i32
    %dma_start3A_54 = arith.constant 2 : i32
    %dma_start3A_55 = arith.constant 0 : i32
    %dma_start3A_56 = arith.constant 0 : i32
    %dma_start3A_57 = tpu.memref_slice %arg8[%dma_start3A_54, %dma_start3A_55, %dma_start3A_56] : memref<8x128x16xf32, #tpu.memory_space<vmem>> -> memref<1x128x16xf32, #tpu.memory_space<vmem>>
    %dma_start3A_58 = tpu.memref_squeeze %dma_start3A_57 : memref<1x128x16xf32, #tpu.memory_space<vmem>> -> memref<128x16xf32, #tpu.memory_space<vmem>>
    %dma_start3A_59 = arith.constant 0 : i32
    %dma_start3A_60 = tpu.memref_slice %arg6[%dma_start3A_53, %dma_start3A_59] : memref<80x128xi32, #tpu.memory_space<vmem>> -> memref<1x128xi32, #tpu.memory_space<vmem>>
    %dma_start3A_61 = tpu.memref_squeeze %dma_start3A_60 : memref<1x128xi32, #tpu.memory_space<vmem>> -> memref<128xi32, #tpu.memory_space<vmem>>
    %dma_start3A_62 = arith.constant 0 : i32
    %dma_start3A_63 = arith.constant 0 : i32
    %dma_start3A_64 = tpu.memref_slice %arg2[%dma_start3A_62, %dma_start3A_63] : memref<10240x16xf32, #tpu.memory_space<hbm>> -> memref<10240x16xf32, #tpu.memory_space<hbm>>
    tpu.enqueue_indirect_dma source(%dma_start3A_64 : memref<10240x16xf32, #tpu.memory_space<hbm>>) target(%dma_start3A_58 : memref<128x16xf32, #tpu.memory_space<vmem>>) offsets(%dma_start3A_61 : memref<128xi32, #tpu.memory_space<vmem>>) semaphore(%arg13 : memref<!tpu.dma_semaphore, #tpu.memory_space<semaphore_mem>>)
    %dma_start3A_65 = arith.constant 3 : i32
    %dma_start3A_66 = arith.constant 3 : i32
    %dma_start3A_67 = arith.constant 0 : i32
    %dma_start3A_68 = arith.constant 0 : i32
    %dma_start3A_69 = tpu.memref_slice %arg8[%dma_start3A_66, %dma_start3A_67, %dma_start3A_68] : memref<8x128x16xf32, #tpu.memory_space<vmem>> -> memref<1x128x16xf32, #tpu.memory_space<vmem>>
    %dma_start3A_70 = tpu.memref_squeeze %dma_start3A_69 : memref<1x128x16xf32, #tpu.memory_space<vmem>> -> memref<128x16xf32, #tpu.memory_space<vmem>>
    %dma_start3A_71 = arith.constant 0 : i32
    %dma_start3A_72 = tpu.memref_slice %arg6[%dma_start3A_65, %dma_start3A_71] : memref<80x128xi32, #tpu.memory_space<vmem>> -> memref<1x128xi32, #tpu.memory_space<vmem>>
    %dma_start3A_73 = tpu.memref_squeeze %dma_start3A_72 : memref<1x128xi32, #tpu.memory_space<vmem>> -> memref<128xi32, #tpu.memory_space<vmem>>
    %dma_start3A_74 = arith.constant 0 : i32
    %dma_start3A_75 = arith.constant 0 : i32
    %dma_start3A_76 = tpu.memref_slice %arg2[%dma_start3A_74, %dma_start3A_75] : memref<10240x16xf32, #tpu.memory_space<hbm>> -> memref<10240x16xf32, #tpu.memory_space<hbm>>
    tpu.enqueue_indirect_dma source(%dma_start3A_76 : memref<10240x16xf32, #tpu.memory_space<hbm>>) target(%dma_start3A_70 : memref<128x16xf32, #tpu.memory_space<vmem>>) offsets(%dma_start3A_73 : memref<128xi32, #tpu.memory_space<vmem>>) semaphore(%arg14 : memref<!tpu.dma_semaphore, #tpu.memory_space<semaphore_mem>>)
    %dma_start3A_77 = arith.constant 4 : i32
    %dma_start3A_78 = arith.constant 4 : i32
    %dma_start3A_79 = arith.constant 0 : i32
    %dma_start3A_80 = arith.constant 0 : i32
    %dma_start3A_81 = tpu.memref_slice %arg8[%dma_start3A_78, %dma_start3A_79, %dma_start3A_80] : memref<8x128x16xf32, #tpu.memory_space<vmem>> -> memref<1x128x16xf32, #tpu.memory_space<vmem>>
    %dma_start3A_82 = tpu.memref_squeeze %dma_start3A_81 : memref<1x128x16xf32, #tpu.memory_space<vmem>> -> memref<128x16xf32, #tpu.memory_space<vmem>>
    %dma_start3A_83 = arith.constant 0 : i32
    %dma_start3A_84 = tpu.memref_slice %arg6[%dma_start3A_77, %dma_start3A_83] : memref<80x128xi32, #tpu.memory_space<vmem>> -> memref<1x128xi32, #tpu.memory_space<vmem>>
    %dma_start3A_85 = tpu.memref_squeeze %dma_start3A_84 : memref<1x128xi32, #tpu.memory_space<vmem>> -> memref<128xi32, #tpu.memory_space<vmem>>
    %dma_start3A_86 = arith.constant 0 : i32
    %dma_start3A_87 = arith.constant 0 : i32
    %dma_start3A_88 = tpu.memref_slice %arg2[%dma_start3A_86, %dma_start3A_87] : memref<10240x16xf32, #tpu.memory_space<hbm>> -> memref<10240x16xf32, #tpu.memory_space<hbm>>
    tpu.enqueue_indirect_dma source(%dma_start3A_88 : memref<10240x16xf32, #tpu.memory_space<hbm>>) target(%dma_start3A_82 : memref<128x16xf32, #tpu.memory_space<vmem>>) offsets(%dma_start3A_85 : memref<128xi32, #tpu.memory_space<vmem>>) semaphore(%arg15 : memref<!tpu.dma_semaphore, #tpu.memory_space<semaphore_mem>>)
    %dma_start3A_89 = arith.constant 5 : i32
    %dma_start3A_90 = arith.constant 5 : i32
    %dma_start3A_91 = arith.constant 0 : i32
    %dma_start3A_92 = arith.constant 0 : i32
    %dma_start3A_93 = tpu.memref_slice %arg8[%dma_start3A_90, %dma_start3A_91, %dma_start3A_92] : memref<8x128x16xf32, #tpu.memory_space<vmem>> -> memref<1x128x16xf32, #tpu.memory_space<vmem>>
    %dma_start3A_94 = tpu.memref_squeeze %dma_start3A_93 : memref<1x128x16xf32, #tpu.memory_space<vmem>> -> memref<128x16xf32, #tpu.memory_space<vmem>>
    %dma_start3A_95 = arith.constant 0 : i32
    %dma_start3A_96 = tpu.memref_slice %arg6[%dma_start3A_89, %dma_start3A_95] : memref<80x128xi32, #tpu.memory_space<vmem>> -> memref<1x128xi32, #tpu.memory_space<vmem>>
    %dma_start3A_97 = tpu.memref_squeeze %dma_start3A_96 : memref<1x128xi32, #tpu.memory_space<vmem>> -> memref<128xi32, #tpu.memory_space<vmem>>
    %dma_start3A_98 = arith.constant 0 : i32
    %dma_start3A_99 = arith.constant 0 : i32
    %dma_start3A_100 = tpu.memref_slice %arg2[%dma_start3A_98, %dma_start3A_99] : memref<10240x16xf32, #tpu.memory_space<hbm>> -> memref<10240x16xf32, #tpu.memory_space<hbm>>
    tpu.enqueue_indirect_dma source(%dma_start3A_100 : memref<10240x16xf32, #tpu.memory_space<hbm>>) target(%dma_start3A_94 : memref<128x16xf32, #tpu.memory_space<vmem>>) offsets(%dma_start3A_97 : memref<128xi32, #tpu.memory_space<vmem>>) semaphore(%arg16 : memref<!tpu.dma_semaphore, #tpu.memory_space<semaphore_mem>>)
    %scan3A_101 = arith.constant 0 : i32
    %scan3A_102 = arith.constant 0 : i32
    %scan3A_103 = arith.constant 10 : i32
    %scan3A_104 = arith.addi %scan3A_102, %scan3A_103 : i32
    %scan3A_105 = arith.constant 1 : i32
    scf.for %scan3A_203 = %scan3A_102 to %scan3A_104 step %scan3A_105  : i32 {
      %mul3A_204 = arith.constant 8 : i32
      %mul3A_205 = arith.muli %mul3A_204, %scan3A_203 : i32
      %add3A_206 = arith.constant 0 : i32
      %add3A_207 = arith.addi %mul3A_205, %add3A_206 : i32
      %add3A_208 = arith.constant 6 : i32
      %add3A_209 = arith.addi %add3A_207, %add3A_208 : i32
      %lt3A = arith.constant 80 : i32
      %lt3A_210 = arith.cmpi slt, %add3A_209, %lt3A : i32
      %convert_element_type3A = arith.extui %lt3A_210 : i1 to i32
      %cond3A = arith.constant 0 : i32
      %cond3A_211 = arith.cmpi ne, %convert_element_type3A, %cond3A : i32
      scf.if %cond3A_211 {
        %ge3A = arith.constant 2 : i32
        %ge3A_465 = arith.cmpi sge, %add3A_207, %ge3A : i32
        %convert_element_type3A_466 = arith.extui %ge3A_465 : i1 to i32
        %cond3A_467 = arith.constant 0 : i32
        %cond3A_468 = arith.cmpi ne, %convert_element_type3A_466, %cond3A_467 : i32
        scf.if %cond3A_468 {
          %add3A_482 = arith.constant 6 : i32
          %add3A_483 = arith.addi %add3A_207, %add3A_482 : i32
          %sub3A = arith.constant 8 : i32
          %sub3A_484 = arith.subi %add3A_483, %sub3A : i32
          %dma_wait3A_485 = arith.constant 6 : i32
          %dma_wait3A_486 = arith.constant 0 : i32
          %dma_wait3A_487 = arith.constant 0 : i32
          %dma_wait3A_488 = tpu.memref_slice %arg8[%dma_wait3A_485, %dma_wait3A_486, %dma_wait3A_487] : memref<8x128x16xf32, #tpu.memory_space<vmem>> -> memref<1x128x16xf32, #tpu.memory_space<vmem>>
          %dma_wait3A_489 = tpu.memref_squeeze %dma_wait3A_488 : memref<1x128x16xf32, #tpu.memory_space<vmem>> -> memref<128x16xf32, #tpu.memory_space<vmem>>
          %dma_wait3A_490 = arith.constant 0 : i32
          %dma_wait3A_491 = tpu.memref_slice %arg7[%sub3A_484, %dma_wait3A_490] : memref<80x128xi32, #tpu.memory_space<vmem>> -> memref<1x128xi32, #tpu.memory_space<vmem>>
          %dma_wait3A_492 = tpu.memref_squeeze %dma_wait3A_491 : memref<1x128xi32, #tpu.memory_space<vmem>> -> memref<128xi32, #tpu.memory_space<vmem>>
          %dma_wait3A_493 = arith.constant 0 : i32
          %dma_wait3A_494 = arith.constant 0 : i32
          %dma_wait3A_495 = tpu.memref_slice %arg10[%dma_wait3A_493, %dma_wait3A_494] : memref<10240x16xf32, #tpu.memory_space<vmem_shared>> -> memref<10240x16xf32, #tpu.memory_space<vmem_shared>>
          tpu.wait_indirect_dma semaphore(%arg25 : memref<!tpu.dma_semaphore, #tpu.memory_space<semaphore_mem>>) src(%dma_wait3A_489 : memref<128x16xf32, #tpu.memory_space<vmem>>) dst(%dma_wait3A_495 : memref<10240x16xf32, #tpu.memory_space<vmem_shared>>)
        } else {
        }
        %add3A_469 = arith.constant 6 : i32
        %add3A_470 = arith.addi %add3A_207, %add3A_469 : i32
        %dma_start3A_471 = arith.constant 6 : i32
        %dma_start3A_472 = arith.constant 0 : i32
        %dma_start3A_473 = arith.constant 0 : i32
        %dma_start3A_474 = tpu.memref_slice %arg8[%dma_start3A_471, %dma_start3A_472, %dma_start3A_473] : memref<8x128x16xf32, #tpu.memory_space<vmem>> -> memref<1x128x16xf32, #tpu.memory_space<vmem>>
        %dma_start3A_475 = tpu.memref_squeeze %dma_start3A_474 : memref<1x128x16xf32, #tpu.memory_space<vmem>> -> memref<128x16xf32, #tpu.memory_space<vmem>>
        %dma_start3A_476 = arith.constant 0 : i32
        %dma_start3A_477 = tpu.memref_slice %arg6[%add3A_470, %dma_start3A_476] : memref<80x128xi32, #tpu.memory_space<vmem>> -> memref<1x128xi32, #tpu.memory_space<vmem>>
        %dma_start3A_478 = tpu.memref_squeeze %dma_start3A_477 : memref<1x128xi32, #tpu.memory_space<vmem>> -> memref<128xi32, #tpu.memory_space<vmem>>
        %dma_start3A_479 = arith.constant 0 : i32
        %dma_start3A_480 = arith.constant 0 : i32
        %dma_start3A_481 = tpu.memref_slice %arg2[%dma_start3A_479, %dma_start3A_480] : memref<10240x16xf32, #tpu.memory_space<hbm>> -> memref<10240x16xf32, #tpu.memory_space<hbm>>
        tpu.enqueue_indirect_dma source(%dma_start3A_481 : memref<10240x16xf32, #tpu.memory_space<hbm>>) target(%dma_start3A_475 : memref<128x16xf32, #tpu.memory_space<vmem>>) offsets(%dma_start3A_478 : memref<128xi32, #tpu.memory_space<vmem>>) semaphore(%arg17 : memref<!tpu.dma_semaphore, #tpu.memory_space<semaphore_mem>>)
      } else {
      }
      %dma_wait3A_212 = arith.constant 0 : i32
      %dma_wait3A_213 = arith.constant 0 : i32
      %dma_wait3A_214 = arith.constant 0 : i32
      %dma_wait3A_215 = tpu.memref_slice %arg8[%dma_wait3A_212, %dma_wait3A_213, %dma_wait3A_214] : memref<8x128x16xf32, #tpu.memory_space<vmem>> -> memref<1x128x16xf32, #tpu.memory_space<vmem>>
      %dma_wait3A_216 = tpu.memref_squeeze %dma_wait3A_215 : memref<1x128x16xf32, #tpu.memory_space<vmem>> -> memref<128x16xf32, #tpu.memory_space<vmem>>
      %dma_wait3A_217 = arith.constant 0 : i32
      %dma_wait3A_218 = tpu.memref_slice %arg6[%add3A_207, %dma_wait3A_217] : memref<80x128xi32, #tpu.memory_space<vmem>> -> memref<1x128xi32, #tpu.memory_space<vmem>>
      %dma_wait3A_219 = tpu.memref_squeeze %dma_wait3A_218 : memref<1x128xi32, #tpu.memory_space<vmem>> -> memref<128xi32, #tpu.memory_space<vmem>>
      %dma_wait3A_220 = arith.constant 0 : i32
      %dma_wait3A_221 = arith.constant 0 : i32
      %dma_wait3A_222 = tpu.memref_slice %arg2[%dma_wait3A_220, %dma_wait3A_221] : memref<10240x16xf32, #tpu.memory_space<hbm>> -> memref<10240x16xf32, #tpu.memory_space<hbm>>
      tpu.wait_indirect_dma semaphore(%arg11 : memref<!tpu.dma_semaphore, #tpu.memory_space<semaphore_mem>>) src(%dma_wait3A_222 : memref<10240x16xf32, #tpu.memory_space<hbm>>) dst(%dma_wait3A_216 : memref<128x16xf32, #tpu.memory_space<vmem>>)
      %dma_start3A_223 = arith.constant 0 : i32
      %dma_start3A_224 = arith.constant 0 : i32
      %dma_start3A_225 = arith.constant 0 : i32
      %dma_start3A_226 = tpu.memref_slice %arg8[%dma_start3A_223, %dma_start3A_224, %dma_start3A_225] : memref<8x128x16xf32, #tpu.memory_space<vmem>> -> memref<1x128x16xf32, #tpu.memory_space<vmem>>
      %dma_start3A_227 = tpu.memref_squeeze %dma_start3A_226 : memref<1x128x16xf32, #tpu.memory_space<vmem>> -> memref<128x16xf32, #tpu.memory_space<vmem>>
      %dma_start3A_228 = arith.constant 0 : i32
      %dma_start3A_229 = tpu.memref_slice %arg7[%add3A_207, %dma_start3A_228] : memref<80x128xi32, #tpu.memory_space<vmem>> -> memref<1x128xi32, #tpu.memory_space<vmem>>
      %dma_start3A_230 = tpu.memref_squeeze %dma_start3A_229 : memref<1x128xi32, #tpu.memory_space<vmem>> -> memref<128xi32, #tpu.memory_space<vmem>>
      %dma_start3A_231 = arith.constant 0 : i32
      %dma_start3A_232 = arith.constant 0 : i32
      %dma_start3A_233 = tpu.memref_slice %arg10[%dma_start3A_231, %dma_start3A_232] : memref<10240x16xf32, #tpu.memory_space<vmem_shared>> -> memref<10240x16xf32, #tpu.memory_space<vmem_shared>>
      tpu.enqueue_indirect_dma source(%dma_start3A_227 : memref<128x16xf32, #tpu.memory_space<vmem>>) target(%dma_start3A_233 : memref<10240x16xf32, #tpu.memory_space<vmem_shared>>) offsets(%dma_start3A_230 : memref<128xi32, #tpu.memory_space<vmem>>) semaphore(%arg19 : memref<!tpu.dma_semaphore, #tpu.memory_space<semaphore_mem>>) {add = true}
      %mul3A_234 = arith.constant 8 : i32
      %mul3A_235 = arith.muli %mul3A_234, %scan3A_203 : i32
      %add3A_236 = arith.constant 1 : i32
      %add3A_237 = arith.addi %mul3A_235, %add3A_236 : i32
      %add3A_238 = arith.constant 6 : i32
      %add3A_239 = arith.addi %add3A_237, %add3A_238 : i32
      %lt3A_240 = arith.constant 80 : i32
      %lt3A_241 = arith.cmpi slt, %add3A_239, %lt3A_240 : i32
      %convert_element_type3A_242 = arith.extui %lt3A_241 : i1 to i32
      %cond3A_243 = arith.constant 0 : i32
      %cond3A_244 = arith.cmpi ne, %convert_element_type3A_242, %cond3A_243 : i32
      scf.if %cond3A_244 {
        %ge3A = arith.constant 2 : i32
        %ge3A_465 = arith.cmpi sge, %add3A_237, %ge3A : i32
        %convert_element_type3A_466 = arith.extui %ge3A_465 : i1 to i32
        %cond3A_467 = arith.constant 0 : i32
        %cond3A_468 = arith.cmpi ne, %convert_element_type3A_466, %cond3A_467 : i32
        scf.if %cond3A_468 {
          %add3A_482 = arith.constant 6 : i32
          %add3A_483 = arith.addi %add3A_237, %add3A_482 : i32
          %sub3A = arith.constant 8 : i32
          %sub3A_484 = arith.subi %add3A_483, %sub3A : i32
          %dma_wait3A_485 = arith.constant 7 : i32
          %dma_wait3A_486 = arith.constant 0 : i32
          %dma_wait3A_487 = arith.constant 0 : i32
          %dma_wait3A_488 = tpu.memref_slice %arg8[%dma_wait3A_485, %dma_wait3A_486, %dma_wait3A_487] : memref<8x128x16xf32, #tpu.memory_space<vmem>> -> memref<1x128x16xf32, #tpu.memory_space<vmem>>
          %dma_wait3A_489 = tpu.memref_squeeze %dma_wait3A_488 : memref<1x128x16xf32, #tpu.memory_space<vmem>> -> memref<128x16xf32, #tpu.memory_space<vmem>>
          %dma_wait3A_490 = arith.constant 0 : i32
          %dma_wait3A_491 = tpu.memref_slice %arg7[%sub3A_484, %dma_wait3A_490] : memref<80x128xi32, #tpu.memory_space<vmem>> -> memref<1x128xi32, #tpu.memory_space<vmem>>
          %dma_wait3A_492 = tpu.memref_squeeze %dma_wait3A_491 : memref<1x128xi32, #tpu.memory_space<vmem>> -> memref<128xi32, #tpu.memory_space<vmem>>
          %dma_wait3A_493 = arith.constant 0 : i32
          %dma_wait3A_494 = arith.constant 0 : i32
          %dma_wait3A_495 = tpu.memref_slice %arg10[%dma_wait3A_493, %dma_wait3A_494] : memref<10240x16xf32, #tpu.memory_space<vmem_shared>> -> memref<10240x16xf32, #tpu.memory_space<vmem_shared>>
          tpu.wait_indirect_dma semaphore(%arg26 : memref<!tpu.dma_semaphore, #tpu.memory_space<semaphore_mem>>) src(%dma_wait3A_489 : memref<128x16xf32, #tpu.memory_space<vmem>>) dst(%dma_wait3A_495 : memref<10240x16xf32, #tpu.memory_space<vmem_shared>>)
        } else {
        }
        %add3A_469 = arith.constant 6 : i32
        %add3A_470 = arith.addi %add3A_237, %add3A_469 : i32
        %dma_start3A_471 = arith.constant 7 : i32
        %dma_start3A_472 = arith.constant 0 : i32
        %dma_start3A_473 = arith.constant 0 : i32
        %dma_start3A_474 = tpu.memref_slice %arg8[%dma_start3A_471, %dma_start3A_472, %dma_start3A_473] : memref<8x128x16xf32, #tpu.memory_space<vmem>> -> memref<1x128x16xf32, #tpu.memory_space<vmem>>
        %dma_start3A_475 = tpu.memref_squeeze %dma_start3A_474 : memref<1x128x16xf32, #tpu.memory_space<vmem>> -> memref<128x16xf32, #tpu.memory_space<vmem>>
        %dma_start3A_476 = arith.constant 0 : i32
        %dma_start3A_477 = tpu.memref_slice %arg6[%add3A_470, %dma_start3A_476] : memref<80x128xi32, #tpu.memory_space<vmem>> -> memref<1x128xi32, #tpu.memory_space<vmem>>
        %dma_start3A_478 = tpu.memref_squeeze %dma_start3A_477 : memref<1x128xi32, #tpu.memory_space<vmem>> -> memref<128xi32, #tpu.memory_space<vmem>>
        %dma_start3A_479 = arith.constant 0 : i32
        %dma_start3A_480 = arith.constant 0 : i32
        %dma_start3A_481 = tpu.memref_slice %arg2[%dma_start3A_479, %dma_start3A_480] : memref<10240x16xf32, #tpu.memory_space<hbm>> -> memref<10240x16xf32, #tpu.memory_space<hbm>>
        tpu.enqueue_indirect_dma source(%dma_start3A_481 : memref<10240x16xf32, #tpu.memory_space<hbm>>) target(%dma_start3A_475 : memref<128x16xf32, #tpu.memory_space<vmem>>) offsets(%dma_start3A_478 : memref<128xi32, #tpu.memory_space<vmem>>) semaphore(%arg18 : memref<!tpu.dma_semaphore, #tpu.memory_space<semaphore_mem>>)
      } else {
      }
      %dma_wait3A_245 = arith.constant 1 : i32
      %dma_wait3A_246 = arith.constant 0 : i32
      %dma_wait3A_247 = arith.constant 0 : i32
      %dma_wait3A_248 = tpu.memref_slice %arg8[%dma_wait3A_245, %dma_wait3A_246, %dma_wait3A_247] : memref<8x128x16xf32, #tpu.memory_space<vmem>> -> memref<1x128x16xf32, #tpu.memory_space<vmem>>
      %dma_wait3A_249 = tpu.memref_squeeze %dma_wait3A_248 : memref<1x128x16xf32, #tpu.memory_space<vmem>> -> memref<128x16xf32, #tpu.memory_space<vmem>>
      %dma_wait3A_250 = arith.constant 0 : i32
      %dma_wait3A_251 = tpu.memref_slice %arg6[%add3A_237, %dma_wait3A_250] : memref<80x128xi32, #tpu.memory_space<vmem>> -> memref<1x128xi32, #tpu.memory_space<vmem>>
      %dma_wait3A_252 = tpu.memref_squeeze %dma_wait3A_251 : memref<1x128xi32, #tpu.memory_space<vmem>> -> memref<128xi32, #tpu.memory_space<vmem>>
      %dma_wait3A_253 = arith.constant 0 : i32
      %dma_wait3A_254 = arith.constant 0 : i32
      %dma_wait3A_255 = tpu.memref_slice %arg2[%dma_wait3A_253, %dma_wait3A_254] : memref<10240x16xf32, #tpu.memory_space<hbm>> -> memref<10240x16xf32, #tpu.memory_space<hbm>>
      tpu.wait_indirect_dma semaphore(%arg12 : memref<!tpu.dma_semaphore, #tpu.memory_space<semaphore_mem>>) src(%dma_wait3A_255 : memref<10240x16xf32, #tpu.memory_space<hbm>>) dst(%dma_wait3A_249 : memref<128x16xf32, #tpu.memory_space<vmem>>)
      %dma_start3A_256 = arith.constant 1 : i32
      %dma_start3A_257 = arith.constant 0 : i32
      %dma_start3A_258 = arith.constant 0 : i32
      %dma_start3A_259 = tpu.memref_slice %arg8[%dma_start3A_256, %dma_start3A_257, %dma_start3A_258] : memref<8x128x16xf32, #tpu.memory_space<vmem>> -> memref<1x128x16xf32, #tpu.memory_space<vmem>>
      %dma_start3A_260 = tpu.memref_squeeze %dma_start3A_259 : memref<1x128x16xf32, #tpu.memory_space<vmem>> -> memref<128x16xf32, #tpu.memory_space<vmem>>
      %dma_start3A_261 = arith.constant 0 : i32
      %dma_start3A_262 = tpu.memref_slice %arg7[%add3A_237, %dma_start3A_261] : memref<80x128xi32, #tpu.memory_space<vmem>> -> memref<1x128xi32, #tpu.memory_space<vmem>>
      %dma_start3A_263 = tpu.memref_squeeze %dma_start3A_262 : memref<1x128xi32, #tpu.memory_space<vmem>> -> memref<128xi32, #tpu.memory_space<vmem>>
      %dma_start3A_264 = arith.constant 0 : i32
      %dma_start3A_265 = arith.constant 0 : i32
      %dma_start3A_266 = tpu.memref_slice %arg10[%dma_start3A_264, %dma_start3A_265] : memref<10240x16xf32, #tpu.memory_space<vmem_shared>> -> memref<10240x16xf32, #tpu.memory_space<vmem_shared>>
      tpu.enqueue_indirect_dma source(%dma_start3A_260 : memref<128x16xf32, #tpu.memory_space<vmem>>) target(%dma_start3A_266 : memref<10240x16xf32, #tpu.memory_space<vmem_shared>>) offsets(%dma_start3A_263 : memref<128xi32, #tpu.memory_space<vmem>>) semaphore(%arg20 : memref<!tpu.dma_semaphore, #tpu.memory_space<semaphore_mem>>) {add = true}
      %mul3A_267 = arith.constant 8 : i32
      %mul3A_268 = arith.muli %mul3A_267, %scan3A_203 : i32
      %add3A_269 = arith.constant 2 : i32
      %add3A_270 = arith.addi %mul3A_268, %add3A_269 : i32
      %add3A_271 = arith.constant 6 : i32
      %add3A_272 = arith.addi %add3A_270, %add3A_271 : i32
      %lt3A_273 = arith.constant 80 : i32
      %lt3A_274 = arith.cmpi slt, %add3A_272, %lt3A_273 : i32
      %convert_element_type3A_275 = arith.extui %lt3A_274 : i1 to i32
      %cond3A_276 = arith.constant 0 : i32
      %cond3A_277 = arith.cmpi ne, %convert_element_type3A_275, %cond3A_276 : i32
      scf.if %cond3A_277 {
        %ge3A = arith.constant 2 : i32
        %ge3A_465 = arith.cmpi sge, %add3A_270, %ge3A : i32
        %convert_element_type3A_466 = arith.extui %ge3A_465 : i1 to i32
        %cond3A_467 = arith.constant 0 : i32
        %cond3A_468 = arith.cmpi ne, %convert_element_type3A_466, %cond3A_467 : i32
        scf.if %cond3A_468 {
          %add3A_482 = arith.constant 6 : i32
          %add3A_483 = arith.addi %add3A_270, %add3A_482 : i32
          %sub3A = arith.constant 8 : i32
          %sub3A_484 = arith.subi %add3A_483, %sub3A : i32
          %dma_wait3A_485 = arith.constant 0 : i32
          %dma_wait3A_486 = arith.constant 0 : i32
          %dma_wait3A_487 = arith.constant 0 : i32
          %dma_wait3A_488 = tpu.memref_slice %arg8[%dma_wait3A_485, %dma_wait3A_486, %dma_wait3A_487] : memref<8x128x16xf32, #tpu.memory_space<vmem>> -> memref<1x128x16xf32, #tpu.memory_space<vmem>>
          %dma_wait3A_489 = tpu.memref_squeeze %dma_wait3A_488 : memref<1x128x16xf32, #tpu.memory_space<vmem>> -> memref<128x16xf32, #tpu.memory_space<vmem>>
          %dma_wait3A_490 = arith.constant 0 : i32
          %dma_wait3A_491 = tpu.memref_slice %arg7[%sub3A_484, %dma_wait3A_490] : memref<80x128xi32, #tpu.memory_space<vmem>> -> memref<1x128xi32, #tpu.memory_space<vmem>>
          %dma_wait3A_492 = tpu.memref_squeeze %dma_wait3A_491 : memref<1x128xi32, #tpu.memory_space<vmem>> -> memref<128xi32, #tpu.memory_space<vmem>>
          %dma_wait3A_493 = arith.constant 0 : i32
          %dma_wait3A_494 = arith.constant 0 : i32
          %dma_wait3A_495 = tpu.memref_slice %arg10[%dma_wait3A_493, %dma_wait3A_494] : memref<10240x16xf32, #tpu.memory_space<vmem_shared>> -> memref<10240x16xf32, #tpu.memory_space<vmem_shared>>
          tpu.wait_indirect_dma semaphore(%arg19 : memref<!tpu.dma_semaphore, #tpu.memory_space<semaphore_mem>>) src(%dma_wait3A_489 : memref<128x16xf32, #tpu.memory_space<vmem>>) dst(%dma_wait3A_495 : memref<10240x16xf32, #tpu.memory_space<vmem_shared>>)
        } else {
        }
        %add3A_469 = arith.constant 6 : i32
        %add3A_470 = arith.addi %add3A_270, %add3A_469 : i32
        %dma_start3A_471 = arith.constant 0 : i32
        %dma_start3A_472 = arith.constant 0 : i32
        %dma_start3A_473 = arith.constant 0 : i32
        %dma_start3A_474 = tpu.memref_slice %arg8[%dma_start3A_471, %dma_start3A_472, %dma_start3A_473] : memref<8x128x16xf32, #tpu.memory_space<vmem>> -> memref<1x128x16xf32, #tpu.memory_space<vmem>>
        %dma_start3A_475 = tpu.memref_squeeze %dma_start3A_474 : memref<1x128x16xf32, #tpu.memory_space<vmem>> -> memref<128x16xf32, #tpu.memory_space<vmem>>
        %dma_start3A_476 = arith.constant 0 : i32
        %dma_start3A_477 = tpu.memref_slice %arg6[%add3A_470, %dma_start3A_476] : memref<80x128xi32, #tpu.memory_space<vmem>> -> memref<1x128xi32, #tpu.memory_space<vmem>>
        %dma_start3A_478 = tpu.memref_squeeze %dma_start3A_477 : memref<1x128xi32, #tpu.memory_space<vmem>> -> memref<128xi32, #tpu.memory_space<vmem>>
        %dma_start3A_479 = arith.constant 0 : i32
        %dma_start3A_480 = arith.constant 0 : i32
        %dma_start3A_481 = tpu.memref_slice %arg2[%dma_start3A_479, %dma_start3A_480] : memref<10240x16xf32, #tpu.memory_space<hbm>> -> memref<10240x16xf32, #tpu.memory_space<hbm>>
        tpu.enqueue_indirect_dma source(%dma_start3A_481 : memref<10240x16xf32, #tpu.memory_space<hbm>>) target(%dma_start3A_475 : memref<128x16xf32, #tpu.memory_space<vmem>>) offsets(%dma_start3A_478 : memref<128xi32, #tpu.memory_space<vmem>>) semaphore(%arg11 : memref<!tpu.dma_semaphore, #tpu.memory_space<semaphore_mem>>)
      } else {
      }
      %dma_wait3A_278 = arith.constant 2 : i32
      %dma_wait3A_279 = arith.constant 0 : i32
      %dma_wait3A_280 = arith.constant 0 : i32
      %dma_wait3A_281 = tpu.memref_slice %arg8[%dma_wait3A_278, %dma_wait3A_279, %dma_wait3A_280] : memref<8x128x16xf32, #tpu.memory_space<vmem>> -> memref<1x128x16xf32, #tpu.memory_space<vmem>>
      %dma_wait3A_282 = tpu.memref_squeeze %dma_wait3A_281 : memref<1x128x16xf32, #tpu.memory_space<vmem>> -> memref<128x16xf32, #tpu.memory_space<vmem>>
      %dma_wait3A_283 = arith.constant 0 : i32
      %dma_wait3A_284 = tpu.memref_slice %arg6[%add3A_270, %dma_wait3A_283] : memref<80x128xi32, #tpu.memory_space<vmem>> -> memref<1x128xi32, #tpu.memory_space<vmem>>
      %dma_wait3A_285 = tpu.memref_squeeze %dma_wait3A_284 : memref<1x128xi32, #tpu.memory_space<vmem>> -> memref<128xi32, #tpu.memory_space<vmem>>
      %dma_wait3A_286 = arith.constant 0 : i32
      %dma_wait3A_287 = arith.constant 0 : i32
      %dma_wait3A_288 = tpu.memref_slice %arg2[%dma_wait3A_286, %dma_wait3A_287] : memref<10240x16xf32, #tpu.memory_space<hbm>> -> memref<10240x16xf32, #tpu.memory_space<hbm>>
      tpu.wait_indirect_dma semaphore(%arg13 : memref<!tpu.dma_semaphore, #tpu.memory_space<semaphore_mem>>) src(%dma_wait3A_288 : memref<10240x16xf32, #tpu.memory_space<hbm>>) dst(%dma_wait3A_282 : memref<128x16xf32, #tpu.memory_space<vmem>>)
      %dma_start3A_289 = arith.constant 2 : i32
      %dma_start3A_290 = arith.constant 0 : i32
      %dma_start3A_291 = arith.constant 0 : i32
      %dma_start3A_292 = tpu.memref_slice %arg8[%dma_start3A_289, %dma_start3A_290, %dma_start3A_291] : memref<8x128x16xf32, #tpu.memory_space<vmem>> -> memref<1x128x16xf32, #tpu.memory_space<vmem>>
      %dma_start3A_293 = tpu.memref_squeeze %dma_start3A_292 : memref<1x128x16xf32, #tpu.memory_space<vmem>> -> memref<128x16xf32, #tpu.memory_space<vmem>>
      %dma_start3A_294 = arith.constant 0 : i32
      %dma_start3A_295 = tpu.memref_slice %arg7[%add3A_270, %dma_start3A_294] : memref<80x128xi32, #tpu.memory_space<vmem>> -> memref<1x128xi32, #tpu.memory_space<vmem>>
      %dma_start3A_296 = tpu.memref_squeeze %dma_start3A_295 : memref<1x128xi32, #tpu.memory_space<vmem>> -> memref<128xi32, #tpu.memory_space<vmem>>
      %dma_start3A_297 = arith.constant 0 : i32
      %dma_start3A_298 = arith.constant 0 : i32
      %dma_start3A_299 = tpu.memref_slice %arg10[%dma_start3A_297, %dma_start3A_298] : memref<10240x16xf32, #tpu.memory_space<vmem_shared>> -> memref<10240x16xf32, #tpu.memory_space<vmem_shared>>
      tpu.enqueue_indirect_dma source(%dma_start3A_293 : memref<128x16xf32, #tpu.memory_space<vmem>>) target(%dma_start3A_299 : memref<10240x16xf32, #tpu.memory_space<vmem_shared>>) offsets(%dma_start3A_296 : memref<128xi32, #tpu.memory_space<vmem>>) semaphore(%arg21 : memref<!tpu.dma_semaphore, #tpu.memory_space<semaphore_mem>>) {add = true}
      %mul3A_300 = arith.constant 8 : i32
      %mul3A_301 = arith.muli %mul3A_300, %scan3A_203 : i32
      %add3A_302 = arith.constant 3 : i32
      %add3A_303 = arith.addi %mul3A_301, %add3A_302 : i32
      %add3A_304 = arith.constant 6 : i32
      %add3A_305 = arith.addi %add3A_303, %add3A_304 : i32
      %lt3A_306 = arith.constant 80 : i32
      %lt3A_307 = arith.cmpi slt, %add3A_305, %lt3A_306 : i32
      %convert_element_type3A_308 = arith.extui %lt3A_307 : i1 to i32
      %cond3A_309 = arith.constant 0 : i32
      %cond3A_310 = arith.cmpi ne, %convert_element_type3A_308, %cond3A_309 : i32
      scf.if %cond3A_310 {
        %ge3A = arith.constant 2 : i32
        %ge3A_465 = arith.cmpi sge, %add3A_303, %ge3A : i32
        %convert_element_type3A_466 = arith.extui %ge3A_465 : i1 to i32
        %cond3A_467 = arith.constant 0 : i32
        %cond3A_468 = arith.cmpi ne, %convert_element_type3A_466, %cond3A_467 : i32
        scf.if %cond3A_468 {
          %add3A_482 = arith.constant 6 : i32
          %add3A_483 = arith.addi %add3A_303, %add3A_482 : i32
          %sub3A = arith.constant 8 : i32
          %sub3A_484 = arith.subi %add3A_483, %sub3A : i32
          %dma_wait3A_485 = arith.constant 1 : i32
          %dma_wait3A_486 = arith.constant 0 : i32
          %dma_wait3A_487 = arith.constant 0 : i32
          %dma_wait3A_488 = tpu.memref_slice %arg8[%dma_wait3A_485, %dma_wait3A_486, %dma_wait3A_487] : memref<8x128x16xf32, #tpu.memory_space<vmem>> -> memref<1x128x16xf32, #tpu.memory_space<vmem>>
          %dma_wait3A_489 = tpu.memref_squeeze %dma_wait3A_488 : memref<1x128x16xf32, #tpu.memory_space<vmem>> -> memref<128x16xf32, #tpu.memory_space<vmem>>
          %dma_wait3A_490 = arith.constant 0 : i32
          %dma_wait3A_491 = tpu.memref_slice %arg7[%sub3A_484, %dma_wait3A_490] : memref<80x128xi32, #tpu.memory_space<vmem>> -> memref<1x128xi32, #tpu.memory_space<vmem>>
          %dma_wait3A_492 = tpu.memref_squeeze %dma_wait3A_491 : memref<1x128xi32, #tpu.memory_space<vmem>> -> memref<128xi32, #tpu.memory_space<vmem>>
          %dma_wait3A_493 = arith.constant 0 : i32
          %dma_wait3A_494 = arith.constant 0 : i32
          %dma_wait3A_495 = tpu.memref_slice %arg10[%dma_wait3A_493, %dma_wait3A_494] : memref<10240x16xf32, #tpu.memory_space<vmem_shared>> -> memref<10240x16xf32, #tpu.memory_space<vmem_shared>>
          tpu.wait_indirect_dma semaphore(%arg20 : memref<!tpu.dma_semaphore, #tpu.memory_space<semaphore_mem>>) src(%dma_wait3A_489 : memref<128x16xf32, #tpu.memory_space<vmem>>) dst(%dma_wait3A_495 : memref<10240x16xf32, #tpu.memory_space<vmem_shared>>)
        } else {
        }
        %add3A_469 = arith.constant 6 : i32
        %add3A_470 = arith.addi %add3A_303, %add3A_469 : i32
        %dma_start3A_471 = arith.constant 1 : i32
        %dma_start3A_472 = arith.constant 0 : i32
        %dma_start3A_473 = arith.constant 0 : i32
        %dma_start3A_474 = tpu.memref_slice %arg8[%dma_start3A_471, %dma_start3A_472, %dma_start3A_473] : memref<8x128x16xf32, #tpu.memory_space<vmem>> -> memref<1x128x16xf32, #tpu.memory_space<vmem>>
        %dma_start3A_475 = tpu.memref_squeeze %dma_start3A_474 : memref<1x128x16xf32, #tpu.memory_space<vmem>> -> memref<128x16xf32, #tpu.memory_space<vmem>>
        %dma_start3A_476 = arith.constant 0 : i32
        %dma_start3A_477 = tpu.memref_slice %arg6[%add3A_470, %dma_start3A_476] : memref<80x128xi32, #tpu.memory_space<vmem>> -> memref<1x128xi32, #tpu.memory_space<vmem>>
        %dma_start3A_478 = tpu.memref_squeeze %dma_start3A_477 : memref<1x128xi32, #tpu.memory_space<vmem>> -> memref<128xi32, #tpu.memory_space<vmem>>
        %dma_start3A_479 = arith.constant 0 : i32
        %dma_start3A_480 = arith.constant 0 : i32
        %dma_start3A_481 = tpu.memref_slice %arg2[%dma_start3A_479, %dma_start3A_480] : memref<10240x16xf32, #tpu.memory_space<hbm>> -> memref<10240x16xf32, #tpu.memory_space<hbm>>
        tpu.enqueue_indirect_dma source(%dma_start3A_481 : memref<10240x16xf32, #tpu.memory_space<hbm>>) target(%dma_start3A_475 : memref<128x16xf32, #tpu.memory_space<vmem>>) offsets(%dma_start3A_478 : memref<128xi32, #tpu.memory_space<vmem>>) semaphore(%arg12 : memref<!tpu.dma_semaphore, #tpu.memory_space<semaphore_mem>>)
      } else {
      }
      %dma_wait3A_311 = arith.constant 3 : i32
      %dma_wait3A_312 = arith.constant 0 : i32
      %dma_wait3A_313 = arith.constant 0 : i32
      %dma_wait3A_314 = tpu.memref_slice %arg8[%dma_wait3A_311, %dma_wait3A_312, %dma_wait3A_313] : memref<8x128x16xf32, #tpu.memory_space<vmem>> -> memref<1x128x16xf32, #tpu.memory_space<vmem>>
      %dma_wait3A_315 = tpu.memref_squeeze %dma_wait3A_314 : memref<1x128x16xf32, #tpu.memory_space<vmem>> -> memref<128x16xf32, #tpu.memory_space<vmem>>
      %dma_wait3A_316 = arith.constant 0 : i32
      %dma_wait3A_317 = tpu.memref_slice %arg6[%add3A_303, %dma_wait3A_316] : memref<80x128xi32, #tpu.memory_space<vmem>> -> memref<1x128xi32, #tpu.memory_space<vmem>>
      %dma_wait3A_318 = tpu.memref_squeeze %dma_wait3A_317 : memref<1x128xi32, #tpu.memory_space<vmem>> -> memref<128xi32, #tpu.memory_space<vmem>>
      %dma_wait3A_319 = arith.constant 0 : i32
      %dma_wait3A_320 = arith.constant 0 : i32
      %dma_wait3A_321 = tpu.memref_slice %arg2[%dma_wait3A_319, %dma_wait3A_320] : memref<10240x16xf32, #tpu.memory_space<hbm>> -> memref<10240x16xf32, #tpu.memory_space<hbm>>
      tpu.wait_indirect_dma semaphore(%arg14 : memref<!tpu.dma_semaphore, #tpu.memory_space<semaphore_mem>>) src(%dma_wait3A_321 : memref<10240x16xf32, #tpu.memory_space<hbm>>) dst(%dma_wait3A_315 : memref<128x16xf32, #tpu.memory_space<vmem>>)
      %dma_start3A_322 = arith.constant 3 : i32
      %dma_start3A_323 = arith.constant 0 : i32
      %dma_start3A_324 = arith.constant 0 : i32
      %dma_start3A_325 = tpu.memref_slice %arg8[%dma_start3A_322, %dma_start3A_323, %dma_start3A_324] : memref<8x128x16xf32, #tpu.memory_space<vmem>> -> memref<1x128x16xf32, #tpu.memory_space<vmem>>
      %dma_start3A_326 = tpu.memref_squeeze %dma_start3A_325 : memref<1x128x16xf32, #tpu.memory_space<vmem>> -> memref<128x16xf32, #tpu.memory_space<vmem>>
      %dma_start3A_327 = arith.constant 0 : i32
      %dma_start3A_328 = tpu.memref_slice %arg7[%add3A_303, %dma_start3A_327] : memref<80x128xi32, #tpu.memory_space<vmem>> -> memref<1x128xi32, #tpu.memory_space<vmem>>
      %dma_start3A_329 = tpu.memref_squeeze %dma_start3A_328 : memref<1x128xi32, #tpu.memory_space<vmem>> -> memref<128xi32, #tpu.memory_space<vmem>>
      %dma_start3A_330 = arith.constant 0 : i32
      %dma_start3A_331 = arith.constant 0 : i32
      %dma_start3A_332 = tpu.memref_slice %arg10[%dma_start3A_330, %dma_start3A_331] : memref<10240x16xf32, #tpu.memory_space<vmem_shared>> -> memref<10240x16xf32, #tpu.memory_space<vmem_shared>>
      tpu.enqueue_indirect_dma source(%dma_start3A_326 : memref<128x16xf32, #tpu.memory_space<vmem>>) target(%dma_start3A_332 : memref<10240x16xf32, #tpu.memory_space<vmem_shared>>) offsets(%dma_start3A_329 : memref<128xi32, #tpu.memory_space<vmem>>) semaphore(%arg22 : memref<!tpu.dma_semaphore, #tpu.memory_space<semaphore_mem>>) {add = true}
      %mul3A_333 = arith.constant 8 : i32
      %mul3A_334 = arith.muli %mul3A_333, %scan3A_203 : i32
      %add3A_335 = arith.constant 4 : i32
      %add3A_336 = arith.addi %mul3A_334, %add3A_335 : i32
      %add3A_337 = arith.constant 6 : i32
      %add3A_338 = arith.addi %add3A_336, %add3A_337 : i32
      %lt3A_339 = arith.constant 80 : i32
      %lt3A_340 = arith.cmpi slt, %add3A_338, %lt3A_339 : i32
      %convert_element_type3A_341 = arith.extui %lt3A_340 : i1 to i32
      %cond3A_342 = arith.constant 0 : i32
      %cond3A_343 = arith.cmpi ne, %convert_element_type3A_341, %cond3A_342 : i32
      scf.if %cond3A_343 {
        %ge3A = arith.constant 2 : i32
        %ge3A_465 = arith.cmpi sge, %add3A_336, %ge3A : i32
        %convert_element_type3A_466 = arith.extui %ge3A_465 : i1 to i32
        %cond3A_467 = arith.constant 0 : i32
        %cond3A_468 = arith.cmpi ne, %convert_element_type3A_466, %cond3A_467 : i32
        scf.if %cond3A_468 {
          %add3A_482 = arith.constant 6 : i32
          %add3A_483 = arith.addi %add3A_336, %add3A_482 : i32
          %sub3A = arith.constant 8 : i32
          %sub3A_484 = arith.subi %add3A_483, %sub3A : i32
          %dma_wait3A_485 = arith.constant 2 : i32
          %dma_wait3A_486 = arith.constant 0 : i32
          %dma_wait3A_487 = arith.constant 0 : i32
          %dma_wait3A_488 = tpu.memref_slice %arg8[%dma_wait3A_485, %dma_wait3A_486, %dma_wait3A_487] : memref<8x128x16xf32, #tpu.memory_space<vmem>> -> memref<1x128x16xf32, #tpu.memory_space<vmem>>
          %dma_wait3A_489 = tpu.memref_squeeze %dma_wait3A_488 : memref<1x128x16xf32, #tpu.memory_space<vmem>> -> memref<128x16xf32, #tpu.memory_space<vmem>>
          %dma_wait3A_490 = arith.constant 0 : i32
          %dma_wait3A_491 = tpu.memref_slice %arg7[%sub3A_484, %dma_wait3A_490] : memref<80x128xi32, #tpu.memory_space<vmem>> -> memref<1x128xi32, #tpu.memory_space<vmem>>
          %dma_wait3A_492 = tpu.memref_squeeze %dma_wait3A_491 : memref<1x128xi32, #tpu.memory_space<vmem>> -> memref<128xi32, #tpu.memory_space<vmem>>
          %dma_wait3A_493 = arith.constant 0 : i32
          %dma_wait3A_494 = arith.constant 0 : i32
          %dma_wait3A_495 = tpu.memref_slice %arg10[%dma_wait3A_493, %dma_wait3A_494] : memref<10240x16xf32, #tpu.memory_space<vmem_shared>> -> memref<10240x16xf32, #tpu.memory_space<vmem_shared>>
          tpu.wait_indirect_dma semaphore(%arg21 : memref<!tpu.dma_semaphore, #tpu.memory_space<semaphore_mem>>) src(%dma_wait3A_489 : memref<128x16xf32, #tpu.memory_space<vmem>>) dst(%dma_wait3A_495 : memref<10240x16xf32, #tpu.memory_space<vmem_shared>>)
        } else {
        }
        %add3A_469 = arith.constant 6 : i32
        %add3A_470 = arith.addi %add3A_336, %add3A_469 : i32
        %dma_start3A_471 = arith.constant 2 : i32
        %dma_start3A_472 = arith.constant 0 : i32
        %dma_start3A_473 = arith.constant 0 : i32
        %dma_start3A_474 = tpu.memref_slice %arg8[%dma_start3A_471, %dma_start3A_472, %dma_start3A_473] : memref<8x128x16xf32, #tpu.memory_space<vmem>> -> memref<1x128x16xf32, #tpu.memory_space<vmem>>
        %dma_start3A_475 = tpu.memref_squeeze %dma_start3A_474 : memref<1x128x16xf32, #tpu.memory_space<vmem>> -> memref<128x16xf32, #tpu.memory_space<vmem>>
        %dma_start3A_476 = arith.constant 0 : i32
        %dma_start3A_477 = tpu.memref_slice %arg6[%add3A_470, %dma_start3A_476] : memref<80x128xi32, #tpu.memory_space<vmem>> -> memref<1x128xi32, #tpu.memory_space<vmem>>
        %dma_start3A_478 = tpu.memref_squeeze %dma_start3A_477 : memref<1x128xi32, #tpu.memory_space<vmem>> -> memref<128xi32, #tpu.memory_space<vmem>>
        %dma_start3A_479 = arith.constant 0 : i32
        %dma_start3A_480 = arith.constant 0 : i32
        %dma_start3A_481 = tpu.memref_slice %arg2[%dma_start3A_479, %dma_start3A_480] : memref<10240x16xf32, #tpu.memory_space<hbm>> -> memref<10240x16xf32, #tpu.memory_space<hbm>>
        tpu.enqueue_indirect_dma source(%dma_start3A_481 : memref<10240x16xf32, #tpu.memory_space<hbm>>) target(%dma_start3A_475 : memref<128x16xf32, #tpu.memory_space<vmem>>) offsets(%dma_start3A_478 : memref<128xi32, #tpu.memory_space<vmem>>) semaphore(%arg13 : memref<!tpu.dma_semaphore, #tpu.memory_space<semaphore_mem>>)
      } else {
      }
      %dma_wait3A_344 = arith.constant 4 : i32
      %dma_wait3A_345 = arith.constant 0 : i32
      %dma_wait3A_346 = arith.constant 0 : i32
      %dma_wait3A_347 = tpu.memref_slice %arg8[%dma_wait3A_344, %dma_wait3A_345, %dma_wait3A_346] : memref<8x128x16xf32, #tpu.memory_space<vmem>> -> memref<1x128x16xf32, #tpu.memory_space<vmem>>
      %dma_wait3A_348 = tpu.memref_squeeze %dma_wait3A_347 : memref<1x128x16xf32, #tpu.memory_space<vmem>> -> memref<128x16xf32, #tpu.memory_space<vmem>>
      %dma_wait3A_349 = arith.constant 0 : i32
      %dma_wait3A_350 = tpu.memref_slice %arg6[%add3A_336, %dma_wait3A_349] : memref<80x128xi32, #tpu.memory_space<vmem>> -> memref<1x128xi32, #tpu.memory_space<vmem>>
      %dma_wait3A_351 = tpu.memref_squeeze %dma_wait3A_350 : memref<1x128xi32, #tpu.memory_space<vmem>> -> memref<128xi32, #tpu.memory_space<vmem>>
      %dma_wait3A_352 = arith.constant 0 : i32
      %dma_wait3A_353 = arith.constant 0 : i32
      %dma_wait3A_354 = tpu.memref_slice %arg2[%dma_wait3A_352, %dma_wait3A_353] : memref<10240x16xf32, #tpu.memory_space<hbm>> -> memref<10240x16xf32, #tpu.memory_space<hbm>>
      tpu.wait_indirect_dma semaphore(%arg15 : memref<!tpu.dma_semaphore, #tpu.memory_space<semaphore_mem>>) src(%dma_wait3A_354 : memref<10240x16xf32, #tpu.memory_space<hbm>>) dst(%dma_wait3A_348 : memref<128x16xf32, #tpu.memory_space<vmem>>)
      %dma_start3A_355 = arith.constant 4 : i32
      %dma_start3A_356 = arith.constant 0 : i32
      %dma_start3A_357 = arith.constant 0 : i32
      %dma_start3A_358 = tpu.memref_slice %arg8[%dma_start3A_355, %dma_start3A_356, %dma_start3A_357] : memref<8x128x16xf32, #tpu.memory_space<vmem>> -> memref<1x128x16xf32, #tpu.memory_space<vmem>>
      %dma_start3A_359 = tpu.memref_squeeze %dma_start3A_358 : memref<1x128x16xf32, #tpu.memory_space<vmem>> -> memref<128x16xf32, #tpu.memory_space<vmem>>
      %dma_start3A_360 = arith.constant 0 : i32
      %dma_start3A_361 = tpu.memref_slice %arg7[%add3A_336, %dma_start3A_360] : memref<80x128xi32, #tpu.memory_space<vmem>> -> memref<1x128xi32, #tpu.memory_space<vmem>>
      %dma_start3A_362 = tpu.memref_squeeze %dma_start3A_361 : memref<1x128xi32, #tpu.memory_space<vmem>> -> memref<128xi32, #tpu.memory_space<vmem>>
      %dma_start3A_363 = arith.constant 0 : i32
      %dma_start3A_364 = arith.constant 0 : i32
      %dma_start3A_365 = tpu.memref_slice %arg10[%dma_start3A_363, %dma_start3A_364] : memref<10240x16xf32, #tpu.memory_space<vmem_shared>> -> memref<10240x16xf32, #tpu.memory_space<vmem_shared>>
      tpu.enqueue_indirect_dma source(%dma_start3A_359 : memref<128x16xf32, #tpu.memory_space<vmem>>) target(%dma_start3A_365 : memref<10240x16xf32, #tpu.memory_space<vmem_shared>>) offsets(%dma_start3A_362 : memref<128xi32, #tpu.memory_space<vmem>>) semaphore(%arg23 : memref<!tpu.dma_semaphore, #tpu.memory_space<semaphore_mem>>) {add = true}
      %mul3A_366 = arith.constant 8 : i32
      %mul3A_367 = arith.muli %mul3A_366, %scan3A_203 : i32
      %add3A_368 = arith.constant 5 : i32
      %add3A_369 = arith.addi %mul3A_367, %add3A_368 : i32
      %add3A_370 = arith.constant 6 : i32
      %add3A_371 = arith.addi %add3A_369, %add3A_370 : i32
      %lt3A_372 = arith.constant 80 : i32
      %lt3A_373 = arith.cmpi slt, %add3A_371, %lt3A_372 : i32
      %convert_element_type3A_374 = arith.extui %lt3A_373 : i1 to i32
      %cond3A_375 = arith.constant 0 : i32
      %cond3A_376 = arith.cmpi ne, %convert_element_type3A_374, %cond3A_375 : i32
      scf.if %cond3A_376 {
        %ge3A = arith.constant 2 : i32
        %ge3A_465 = arith.cmpi sge, %add3A_369, %ge3A : i32
        %convert_element_type3A_466 = arith.extui %ge3A_465 : i1 to i32
        %cond3A_467 = arith.constant 0 : i32
        %cond3A_468 = arith.cmpi ne, %convert_element_type3A_466, %cond3A_467 : i32
        scf.if %cond3A_468 {
          %add3A_482 = arith.constant 6 : i32
          %add3A_483 = arith.addi %add3A_369, %add3A_482 : i32
          %sub3A = arith.constant 8 : i32
          %sub3A_484 = arith.subi %add3A_483, %sub3A : i32
          %dma_wait3A_485 = arith.constant 3 : i32
          %dma_wait3A_486 = arith.constant 0 : i32
          %dma_wait3A_487 = arith.constant 0 : i32
          %dma_wait3A_488 = tpu.memref_slice %arg8[%dma_wait3A_485, %dma_wait3A_486, %dma_wait3A_487] : memref<8x128x16xf32, #tpu.memory_space<vmem>> -> memref<1x128x16xf32, #tpu.memory_space<vmem>>
          %dma_wait3A_489 = tpu.memref_squeeze %dma_wait3A_488 : memref<1x128x16xf32, #tpu.memory_space<vmem>> -> memref<128x16xf32, #tpu.memory_space<vmem>>
          %dma_wait3A_490 = arith.constant 0 : i32
          %dma_wait3A_491 = tpu.memref_slice %arg7[%sub3A_484, %dma_wait3A_490] : memref<80x128xi32, #tpu.memory_space<vmem>> -> memref<1x128xi32, #tpu.memory_space<vmem>>
          %dma_wait3A_492 = tpu.memref_squeeze %dma_wait3A_491 : memref<1x128xi32, #tpu.memory_space<vmem>> -> memref<128xi32, #tpu.memory_space<vmem>>
          %dma_wait3A_493 = arith.constant 0 : i32
          %dma_wait3A_494 = arith.constant 0 : i32
          %dma_wait3A_495 = tpu.memref_slice %arg10[%dma_wait3A_493, %dma_wait3A_494] : memref<10240x16xf32, #tpu.memory_space<vmem_shared>> -> memref<10240x16xf32, #tpu.memory_space<vmem_shared>>
          tpu.wait_indirect_dma semaphore(%arg22 : memref<!tpu.dma_semaphore, #tpu.memory_space<semaphore_mem>>) src(%dma_wait3A_489 : memref<128x16xf32, #tpu.memory_space<vmem>>) dst(%dma_wait3A_495 : memref<10240x16xf32, #tpu.memory_space<vmem_shared>>)
        } else {
        }
        %add3A_469 = arith.constant 6 : i32
        %add3A_470 = arith.addi %add3A_369, %add3A_469 : i32
        %dma_start3A_471 = arith.constant 3 : i32
        %dma_start3A_472 = arith.constant 0 : i32
        %dma_start3A_473 = arith.constant 0 : i32
        %dma_start3A_474 = tpu.memref_slice %arg8[%dma_start3A_471, %dma_start3A_472, %dma_start3A_473] : memref<8x128x16xf32, #tpu.memory_space<vmem>> -> memref<1x128x16xf32, #tpu.memory_space<vmem>>
        %dma_start3A_475 = tpu.memref_squeeze %dma_start3A_474 : memref<1x128x16xf32, #tpu.memory_space<vmem>> -> memref<128x16xf32, #tpu.memory_space<vmem>>
        %dma_start3A_476 = arith.constant 0 : i32
        %dma_start3A_477 = tpu.memref_slice %arg6[%add3A_470, %dma_start3A_476] : memref<80x128xi32, #tpu.memory_space<vmem>> -> memref<1x128xi32, #tpu.memory_space<vmem>>
        %dma_start3A_478 = tpu.memref_squeeze %dma_start3A_477 : memref<1x128xi32, #tpu.memory_space<vmem>> -> memref<128xi32, #tpu.memory_space<vmem>>
        %dma_start3A_479 = arith.constant 0 : i32
        %dma_start3A_480 = arith.constant 0 : i32
        %dma_start3A_481 = tpu.memref_slice %arg2[%dma_start3A_479, %dma_start3A_480] : memref<10240x16xf32, #tpu.memory_space<hbm>> -> memref<10240x16xf32, #tpu.memory_space<hbm>>
        tpu.enqueue_indirect_dma source(%dma_start3A_481 : memref<10240x16xf32, #tpu.memory_space<hbm>>) target(%dma_start3A_475 : memref<128x16xf32, #tpu.memory_space<vmem>>) offsets(%dma_start3A_478 : memref<128xi32, #tpu.memory_space<vmem>>) semaphore(%arg14 : memref<!tpu.dma_semaphore, #tpu.memory_space<semaphore_mem>>)
      } else {
      }
      %dma_wait3A_377 = arith.constant 5 : i32
      %dma_wait3A_378 = arith.constant 0 : i32
      %dma_wait3A_379 = arith.constant 0 : i32
      %dma_wait3A_380 = tpu.memref_slice %arg8[%dma_wait3A_377, %dma_wait3A_378, %dma_wait3A_379] : memref<8x128x16xf32, #tpu.memory_space<vmem>> -> memref<1x128x16xf32, #tpu.memory_space<vmem>>
      %dma_wait3A_381 = tpu.memref_squeeze %dma_wait3A_380 : memref<1x128x16xf32, #tpu.memory_space<vmem>> -> memref<128x16xf32, #tpu.memory_space<vmem>>
      %dma_wait3A_382 = arith.constant 0 : i32
      %dma_wait3A_383 = tpu.memref_slice %arg6[%add3A_369, %dma_wait3A_382] : memref<80x128xi32, #tpu.memory_space<vmem>> -> memref<1x128xi32, #tpu.memory_space<vmem>>
      %dma_wait3A_384 = tpu.memref_squeeze %dma_wait3A_383 : memref<1x128xi32, #tpu.memory_space<vmem>> -> memref<128xi32, #tpu.memory_space<vmem>>
      %dma_wait3A_385 = arith.constant 0 : i32
      %dma_wait3A_386 = arith.constant 0 : i32
      %dma_wait3A_387 = tpu.memref_slice %arg2[%dma_wait3A_385, %dma_wait3A_386] : memref<10240x16xf32, #tpu.memory_space<hbm>> -> memref<10240x16xf32, #tpu.memory_space<hbm>>
      tpu.wait_indirect_dma semaphore(%arg16 : memref<!tpu.dma_semaphore, #tpu.memory_space<semaphore_mem>>) src(%dma_wait3A_387 : memref<10240x16xf32, #tpu.memory_space<hbm>>) dst(%dma_wait3A_381 : memref<128x16xf32, #tpu.memory_space<vmem>>)
      %dma_start3A_388 = arith.constant 5 : i32
      %dma_start3A_389 = arith.constant 0 : i32
      %dma_start3A_390 = arith.constant 0 : i32
      %dma_start3A_391 = tpu.memref_slice %arg8[%dma_start3A_388, %dma_start3A_389, %dma_start3A_390] : memref<8x128x16xf32, #tpu.memory_space<vmem>> -> memref<1x128x16xf32, #tpu.memory_space<vmem>>
      %dma_start3A_392 = tpu.memref_squeeze %dma_start3A_391 : memref<1x128x16xf32, #tpu.memory_space<vmem>> -> memref<128x16xf32, #tpu.memory_space<vmem>>
      %dma_start3A_393 = arith.constant 0 : i32
      %dma_start3A_394 = tpu.memref_slice %arg7[%add3A_369, %dma_start3A_393] : memref<80x128xi32, #tpu.memory_space<vmem>> -> memref<1x128xi32, #tpu.memory_space<vmem>>
      %dma_start3A_395 = tpu.memref_squeeze %dma_start3A_394 : memref<1x128xi32, #tpu.memory_space<vmem>> -> memref<128xi32, #tpu.memory_space<vmem>>
      %dma_start3A_396 = arith.constant 0 : i32
      %dma_start3A_397 = arith.constant 0 : i32
      %dma_start3A_398 = tpu.memref_slice %arg10[%dma_start3A_396, %dma_start3A_397] : memref<10240x16xf32, #tpu.memory_space<vmem_shared>> -> memref<10240x16xf32, #tpu.memory_space<vmem_shared>>
      tpu.enqueue_indirect_dma source(%dma_start3A_392 : memref<128x16xf32, #tpu.memory_space<vmem>>) target(%dma_start3A_398 : memref<10240x16xf32, #tpu.memory_space<vmem_shared>>) offsets(%dma_start3A_395 : memref<128xi32, #tpu.memory_space<vmem>>) semaphore(%arg24 : memref<!tpu.dma_semaphore, #tpu.memory_space<semaphore_mem>>) {add = true}
      %mul3A_399 = arith.constant 8 : i32
      %mul3A_400 = arith.muli %mul3A_399, %scan3A_203 : i32
      %add3A_401 = arith.constant 6 : i32
      %add3A_402 = arith.addi %mul3A_400, %add3A_401 : i32
      %add3A_403 = arith.constant 6 : i32
      %add3A_404 = arith.addi %add3A_402, %add3A_403 : i32
      %lt3A_405 = arith.constant 80 : i32
      %lt3A_406 = arith.cmpi slt, %add3A_404, %lt3A_405 : i32
      %convert_element_type3A_407 = arith.extui %lt3A_406 : i1 to i32
      %cond3A_408 = arith.constant 0 : i32
      %cond3A_409 = arith.cmpi ne, %convert_element_type3A_407, %cond3A_408 : i32
      scf.if %cond3A_409 {
        %ge3A = arith.constant 2 : i32
        %ge3A_465 = arith.cmpi sge, %add3A_402, %ge3A : i32
        %convert_element_type3A_466 = arith.extui %ge3A_465 : i1 to i32
        %cond3A_467 = arith.constant 0 : i32
        %cond3A_468 = arith.cmpi ne, %convert_element_type3A_466, %cond3A_467 : i32
        scf.if %cond3A_468 {
          %add3A_482 = arith.constant 6 : i32
          %add3A_483 = arith.addi %add3A_402, %add3A_482 : i32
          %sub3A = arith.constant 8 : i32
          %sub3A_484 = arith.subi %add3A_483, %sub3A : i32
          %dma_wait3A_485 = arith.constant 4 : i32
          %dma_wait3A_486 = arith.constant 0 : i32
          %dma_wait3A_487 = arith.constant 0 : i32
          %dma_wait3A_488 = tpu.memref_slice %arg8[%dma_wait3A_485, %dma_wait3A_486, %dma_wait3A_487] : memref<8x128x16xf32, #tpu.memory_space<vmem>> -> memref<1x128x16xf32, #tpu.memory_space<vmem>>
          %dma_wait3A_489 = tpu.memref_squeeze %dma_wait3A_488 : memref<1x128x16xf32, #tpu.memory_space<vmem>> -> memref<128x16xf32, #tpu.memory_space<vmem>>
          %dma_wait3A_490 = arith.constant 0 : i32
          %dma_wait3A_491 = tpu.memref_slice %arg7[%sub3A_484, %dma_wait3A_490] : memref<80x128xi32, #tpu.memory_space<vmem>> -> memref<1x128xi32, #tpu.memory_space<vmem>>
          %dma_wait3A_492 = tpu.memref_squeeze %dma_wait3A_491 : memref<1x128xi32, #tpu.memory_space<vmem>> -> memref<128xi32, #tpu.memory_space<vmem>>
          %dma_wait3A_493 = arith.constant 0 : i32
          %dma_wait3A_494 = arith.constant 0 : i32
          %dma_wait3A_495 = tpu.memref_slice %arg10[%dma_wait3A_493, %dma_wait3A_494] : memref<10240x16xf32, #tpu.memory_space<vmem_shared>> -> memref<10240x16xf32, #tpu.memory_space<vmem_shared>>
          tpu.wait_indirect_dma semaphore(%arg23 : memref<!tpu.dma_semaphore, #tpu.memory_space<semaphore_mem>>) src(%dma_wait3A_489 : memref<128x16xf32, #tpu.memory_space<vmem>>) dst(%dma_wait3A_495 : memref<10240x16xf32, #tpu.memory_space<vmem_shared>>)
        } else {
        }
        %add3A_469 = arith.constant 6 : i32
        %add3A_470 = arith.addi %add3A_402, %add3A_469 : i32
        %dma_start3A_471 = arith.constant 4 : i32
        %dma_start3A_472 = arith.constant 0 : i32
        %dma_start3A_473 = arith.constant 0 : i32
        %dma_start3A_474 = tpu.memref_slice %arg8[%dma_start3A_471, %dma_start3A_472, %dma_start3A_473] : memref<8x128x16xf32, #tpu.memory_space<vmem>> -> memref<1x128x16xf32, #tpu.memory_space<vmem>>
        %dma_start3A_475 = tpu.memref_squeeze %dma_start3A_474 : memref<1x128x16xf32, #tpu.memory_space<vmem>> -> memref<128x16xf32, #tpu.memory_space<vmem>>
        %dma_start3A_476 = arith.constant 0 : i32
        %dma_start3A_477 = tpu.memref_slice %arg6[%add3A_470, %dma_start3A_476] : memref<80x128xi32, #tpu.memory_space<vmem>> -> memref<1x128xi32, #tpu.memory_space<vmem>>
        %dma_start3A_478 = tpu.memref_squeeze %dma_start3A_477 : memref<1x128xi32, #tpu.memory_space<vmem>> -> memref<128xi32, #tpu.memory_space<vmem>>
        %dma_start3A_479 = arith.constant 0 : i32
        %dma_start3A_480 = arith.constant 0 : i32
        %dma_start3A_481 = tpu.memref_slice %arg2[%dma_start3A_479, %dma_start3A_480] : memref<10240x16xf32, #tpu.memory_space<hbm>> -> memref<10240x16xf32, #tpu.memory_space<hbm>>
        tpu.enqueue_indirect_dma source(%dma_start3A_481 : memref<10240x16xf32, #tpu.memory_space<hbm>>) target(%dma_start3A_475 : memref<128x16xf32, #tpu.memory_space<vmem>>) offsets(%dma_start3A_478 : memref<128xi32, #tpu.memory_space<vmem>>) semaphore(%arg15 : memref<!tpu.dma_semaphore, #tpu.memory_space<semaphore_mem>>)
      } else {
      }
      %dma_wait3A_410 = arith.constant 6 : i32
      %dma_wait3A_411 = arith.constant 0 : i32
      %dma_wait3A_412 = arith.constant 0 : i32
      %dma_wait3A_413 = tpu.memref_slice %arg8[%dma_wait3A_410, %dma_wait3A_411, %dma_wait3A_412] : memref<8x128x16xf32, #tpu.memory_space<vmem>> -> memref<1x128x16xf32, #tpu.memory_space<vmem>>
      %dma_wait3A_414 = tpu.memref_squeeze %dma_wait3A_413 : memref<1x128x16xf32, #tpu.memory_space<vmem>> -> memref<128x16xf32, #tpu.memory_space<vmem>>
      %dma_wait3A_415 = arith.constant 0 : i32
      %dma_wait3A_416 = tpu.memref_slice %arg6[%add3A_402, %dma_wait3A_415] : memref<80x128xi32, #tpu.memory_space<vmem>> -> memref<1x128xi32, #tpu.memory_space<vmem>>
      %dma_wait3A_417 = tpu.memref_squeeze %dma_wait3A_416 : memref<1x128xi32, #tpu.memory_space<vmem>> -> memref<128xi32, #tpu.memory_space<vmem>>
      %dma_wait3A_418 = arith.constant 0 : i32
      %dma_wait3A_419 = arith.constant 0 : i32
      %dma_wait3A_420 = tpu.memref_slice %arg2[%dma_wait3A_418, %dma_wait3A_419] : memref<10240x16xf32, #tpu.memory_space<hbm>> -> memref<10240x16xf32, #tpu.memory_space<hbm>>
      tpu.wait_indirect_dma semaphore(%arg17 : memref<!tpu.dma_semaphore, #tpu.memory_space<semaphore_mem>>) src(%dma_wait3A_420 : memref<10240x16xf32, #tpu.memory_space<hbm>>) dst(%dma_wait3A_414 : memref<128x16xf32, #tpu.memory_space<vmem>>)
      %dma_start3A_421 = arith.constant 6 : i32
      %dma_start3A_422 = arith.constant 0 : i32
      %dma_start3A_423 = arith.constant 0 : i32
      %dma_start3A_424 = tpu.memref_slice %arg8[%dma_start3A_421, %dma_start3A_422, %dma_start3A_423] : memref<8x128x16xf32, #tpu.memory_space<vmem>> -> memref<1x128x16xf32, #tpu.memory_space<vmem>>
      %dma_start3A_425 = tpu.memref_squeeze %dma_start3A_424 : memref<1x128x16xf32, #tpu.memory_space<vmem>> -> memref<128x16xf32, #tpu.memory_space<vmem>>
      %dma_start3A_426 = arith.constant 0 : i32
      %dma_start3A_427 = tpu.memref_slice %arg7[%add3A_402, %dma_start3A_426] : memref<80x128xi32, #tpu.memory_space<vmem>> -> memref<1x128xi32, #tpu.memory_space<vmem>>
      %dma_start3A_428 = tpu.memref_squeeze %dma_start3A_427 : memref<1x128xi32, #tpu.memory_space<vmem>> -> memref<128xi32, #tpu.memory_space<vmem>>
      %dma_start3A_429 = arith.constant 0 : i32
      %dma_start3A_430 = arith.constant 0 : i32
      %dma_start3A_431 = tpu.memref_slice %arg10[%dma_start3A_429, %dma_start3A_430] : memref<10240x16xf32, #tpu.memory_space<vmem_shared>> -> memref<10240x16xf32, #tpu.memory_space<vmem_shared>>
      tpu.enqueue_indirect_dma source(%dma_start3A_425 : memref<128x16xf32, #tpu.memory_space<vmem>>) target(%dma_start3A_431 : memref<10240x16xf32, #tpu.memory_space<vmem_shared>>) offsets(%dma_start3A_428 : memref<128xi32, #tpu.memory_space<vmem>>) semaphore(%arg25 : memref<!tpu.dma_semaphore, #tpu.memory_space<semaphore_mem>>) {add = true}
      %mul3A_432 = arith.constant 8 : i32
      %mul3A_433 = arith.muli %mul3A_432, %scan3A_203 : i32
      %add3A_434 = arith.constant 7 : i32
      %add3A_435 = arith.addi %mul3A_433, %add3A_434 : i32
      %add3A_436 = arith.constant 6 : i32
      %add3A_437 = arith.addi %add3A_435, %add3A_436 : i32
      %lt3A_438 = arith.constant 80 : i32
      %lt3A_439 = arith.cmpi slt, %add3A_437, %lt3A_438 : i32
      %convert_element_type3A_440 = arith.extui %lt3A_439 : i1 to i32
      %cond3A_441 = arith.constant 0 : i32
      %cond3A_442 = arith.cmpi ne, %convert_element_type3A_440, %cond3A_441 : i32
      scf.if %cond3A_442 {
        %ge3A = arith.constant 2 : i32
        %ge3A_465 = arith.cmpi sge, %add3A_435, %ge3A : i32
        %convert_element_type3A_466 = arith.extui %ge3A_465 : i1 to i32
        %cond3A_467 = arith.constant 0 : i32
        %cond3A_468 = arith.cmpi ne, %convert_element_type3A_466, %cond3A_467 : i32
        scf.if %cond3A_468 {
          %add3A_482 = arith.constant 6 : i32
          %add3A_483 = arith.addi %add3A_435, %add3A_482 : i32
          %sub3A = arith.constant 8 : i32
          %sub3A_484 = arith.subi %add3A_483, %sub3A : i32
          %dma_wait3A_485 = arith.constant 5 : i32
          %dma_wait3A_486 = arith.constant 0 : i32
          %dma_wait3A_487 = arith.constant 0 : i32
          %dma_wait3A_488 = tpu.memref_slice %arg8[%dma_wait3A_485, %dma_wait3A_486, %dma_wait3A_487] : memref<8x128x16xf32, #tpu.memory_space<vmem>> -> memref<1x128x16xf32, #tpu.memory_space<vmem>>
          %dma_wait3A_489 = tpu.memref_squeeze %dma_wait3A_488 : memref<1x128x16xf32, #tpu.memory_space<vmem>> -> memref<128x16xf32, #tpu.memory_space<vmem>>
          %dma_wait3A_490 = arith.constant 0 : i32
          %dma_wait3A_491 = tpu.memref_slice %arg7[%sub3A_484, %dma_wait3A_490] : memref<80x128xi32, #tpu.memory_space<vmem>> -> memref<1x128xi32, #tpu.memory_space<vmem>>
          %dma_wait3A_492 = tpu.memref_squeeze %dma_wait3A_491 : memref<1x128xi32, #tpu.memory_space<vmem>> -> memref<128xi32, #tpu.memory_space<vmem>>
          %dma_wait3A_493 = arith.constant 0 : i32
          %dma_wait3A_494 = arith.constant 0 : i32
          %dma_wait3A_495 = tpu.memref_slice %arg10[%dma_wait3A_493, %dma_wait3A_494] : memref<10240x16xf32, #tpu.memory_space<vmem_shared>> -> memref<10240x16xf32, #tpu.memory_space<vmem_shared>>
          tpu.wait_indirect_dma semaphore(%arg24 : memref<!tpu.dma_semaphore, #tpu.memory_space<semaphore_mem>>) src(%dma_wait3A_489 : memref<128x16xf32, #tpu.memory_space<vmem>>) dst(%dma_wait3A_495 : memref<10240x16xf32, #tpu.memory_space<vmem_shared>>)
        } else {
        }
        %add3A_469 = arith.constant 6 : i32
        %add3A_470 = arith.addi %add3A_435, %add3A_469 : i32
        %dma_start3A_471 = arith.constant 5 : i32
        %dma_start3A_472 = arith.constant 0 : i32
        %dma_start3A_473 = arith.constant 0 : i32
        %dma_start3A_474 = tpu.memref_slice %arg8[%dma_start3A_471, %dma_start3A_472, %dma_start3A_473] : memref<8x128x16xf32, #tpu.memory_space<vmem>> -> memref<1x128x16xf32, #tpu.memory_space<vmem>>
        %dma_start3A_475 = tpu.memref_squeeze %dma_start3A_474 : memref<1x128x16xf32, #tpu.memory_space<vmem>> -> memref<128x16xf32, #tpu.memory_space<vmem>>
        %dma_start3A_476 = arith.constant 0 : i32
        %dma_start3A_477 = tpu.memref_slice %arg6[%add3A_470, %dma_start3A_476] : memref<80x128xi32, #tpu.memory_space<vmem>> -> memref<1x128xi32, #tpu.memory_space<vmem>>
        %dma_start3A_478 = tpu.memref_squeeze %dma_start3A_477 : memref<1x128xi32, #tpu.memory_space<vmem>> -> memref<128xi32, #tpu.memory_space<vmem>>
        %dma_start3A_479 = arith.constant 0 : i32
        %dma_start3A_480 = arith.constant 0 : i32
        %dma_start3A_481 = tpu.memref_slice %arg2[%dma_start3A_479, %dma_start3A_480] : memref<10240x16xf32, #tpu.memory_space<hbm>> -> memref<10240x16xf32, #tpu.memory_space<hbm>>
        tpu.enqueue_indirect_dma source(%dma_start3A_481 : memref<10240x16xf32, #tpu.memory_space<hbm>>) target(%dma_start3A_475 : memref<128x16xf32, #tpu.memory_space<vmem>>) offsets(%dma_start3A_478 : memref<128xi32, #tpu.memory_space<vmem>>) semaphore(%arg16 : memref<!tpu.dma_semaphore, #tpu.memory_space<semaphore_mem>>)
      } else {
      }
      %dma_wait3A_443 = arith.constant 7 : i32
      %dma_wait3A_444 = arith.constant 0 : i32
      %dma_wait3A_445 = arith.constant 0 : i32
      %dma_wait3A_446 = tpu.memref_slice %arg8[%dma_wait3A_443, %dma_wait3A_444, %dma_wait3A_445] : memref<8x128x16xf32, #tpu.memory_space<vmem>> -> memref<1x128x16xf32, #tpu.memory_space<vmem>>
      %dma_wait3A_447 = tpu.memref_squeeze %dma_wait3A_446 : memref<1x128x16xf32, #tpu.memory_space<vmem>> -> memref<128x16xf32, #tpu.memory_space<vmem>>
      %dma_wait3A_448 = arith.constant 0 : i32
      %dma_wait3A_449 = tpu.memref_slice %arg6[%add3A_435, %dma_wait3A_448] : memref<80x128xi32, #tpu.memory_space<vmem>> -> memref<1x128xi32, #tpu.memory_space<vmem>>
      %dma_wait3A_450 = tpu.memref_squeeze %dma_wait3A_449 : memref<1x128xi32, #tpu.memory_space<vmem>> -> memref<128xi32, #tpu.memory_space<vmem>>
      %dma_wait3A_451 = arith.constant 0 : i32
      %dma_wait3A_452 = arith.constant 0 : i32
      %dma_wait3A_453 = tpu.memref_slice %arg2[%dma_wait3A_451, %dma_wait3A_452] : memref<10240x16xf32, #tpu.memory_space<hbm>> -> memref<10240x16xf32, #tpu.memory_space<hbm>>
      tpu.wait_indirect_dma semaphore(%arg18 : memref<!tpu.dma_semaphore, #tpu.memory_space<semaphore_mem>>) src(%dma_wait3A_453 : memref<10240x16xf32, #tpu.memory_space<hbm>>) dst(%dma_wait3A_447 : memref<128x16xf32, #tpu.memory_space<vmem>>)
      %dma_start3A_454 = arith.constant 7 : i32
      %dma_start3A_455 = arith.constant 0 : i32
      %dma_start3A_456 = arith.constant 0 : i32
      %dma_start3A_457 = tpu.memref_slice %arg8[%dma_start3A_454, %dma_start3A_455, %dma_start3A_456] : memref<8x128x16xf32, #tpu.memory_space<vmem>> -> memref<1x128x16xf32, #tpu.memory_space<vmem>>
      %dma_start3A_458 = tpu.memref_squeeze %dma_start3A_457 : memref<1x128x16xf32, #tpu.memory_space<vmem>> -> memref<128x16xf32, #tpu.memory_space<vmem>>
      %dma_start3A_459 = arith.constant 0 : i32
      %dma_start3A_460 = tpu.memref_slice %arg7[%add3A_435, %dma_start3A_459] : memref<80x128xi32, #tpu.memory_space<vmem>> -> memref<1x128xi32, #tpu.memory_space<vmem>>
      %dma_start3A_461 = tpu.memref_squeeze %dma_start3A_460 : memref<1x128xi32, #tpu.memory_space<vmem>> -> memref<128xi32, #tpu.memory_space<vmem>>
      %dma_start3A_462 = arith.constant 0 : i32
      %dma_start3A_463 = arith.constant 0 : i32
      %dma_start3A_464 = tpu.memref_slice %arg10[%dma_start3A_462, %dma_start3A_463] : memref<10240x16xf32, #tpu.memory_space<vmem_shared>> -> memref<10240x16xf32, #tpu.memory_space<vmem_shared>>
      tpu.enqueue_indirect_dma source(%dma_start3A_458 : memref<128x16xf32, #tpu.memory_space<vmem>>) target(%dma_start3A_464 : memref<10240x16xf32, #tpu.memory_space<vmem_shared>>) offsets(%dma_start3A_461 : memref<128xi32, #tpu.memory_space<vmem>>) semaphore(%arg26 : memref<!tpu.dma_semaphore, #tpu.memory_space<semaphore_mem>>) {add = true}
    }
    %scan3A_106 = arith.constant 10 : i32
    %dma_wait3A = arith.constant 0 : i32
    %dma_wait3A_107 = arith.constant 72 : i32
    %dma_wait3A_108 = arith.constant 0 : i32
    %dma_wait3A_109 = arith.constant 0 : i32
    %dma_wait3A_110 = tpu.memref_slice %arg8[%dma_wait3A, %dma_wait3A_108, %dma_wait3A_109] : memref<8x128x16xf32, #tpu.memory_space<vmem>> -> memref<1x128x16xf32, #tpu.memory_space<vmem>>
    %dma_wait3A_111 = tpu.memref_squeeze %dma_wait3A_110 : memref<1x128x16xf32, #tpu.memory_space<vmem>> -> memref<128x16xf32, #tpu.memory_space<vmem>>
    %dma_wait3A_112 = arith.constant 0 : i32
    %dma_wait3A_113 = tpu.memref_slice %arg7[%dma_wait3A_107, %dma_wait3A_112] : memref<80x128xi32, #tpu.memory_space<vmem>> -> memref<1x128xi32, #tpu.memory_space<vmem>>
    %dma_wait3A_114 = tpu.memref_squeeze %dma_wait3A_113 : memref<1x128xi32, #tpu.memory_space<vmem>> -> memref<128xi32, #tpu.memory_space<vmem>>
    %dma_wait3A_115 = arith.constant 0 : i32
    %dma_wait3A_116 = arith.constant 0 : i32
    %dma_wait3A_117 = tpu.memref_slice %arg10[%dma_wait3A_115, %dma_wait3A_116] : memref<10240x16xf32, #tpu.memory_space<vmem_shared>> -> memref<10240x16xf32, #tpu.memory_space<vmem_shared>>
    tpu.wait_indirect_dma semaphore(%arg19 : memref<!tpu.dma_semaphore, #tpu.memory_space<semaphore_mem>>) src(%dma_wait3A_111 : memref<128x16xf32, #tpu.memory_space<vmem>>) dst(%dma_wait3A_117 : memref<10240x16xf32, #tpu.memory_space<vmem_shared>>)
    %dma_wait3A_118 = arith.constant 1 : i32
    %dma_wait3A_119 = arith.constant 73 : i32
    %dma_wait3A_120 = arith.constant 0 : i32
    %dma_wait3A_121 = arith.constant 0 : i32
    %dma_wait3A_122 = tpu.memref_slice %arg8[%dma_wait3A_118, %dma_wait3A_120, %dma_wait3A_121] : memref<8x128x16xf32, #tpu.memory_space<vmem>> -> memref<1x128x16xf32, #tpu.memory_space<vmem>>
    %dma_wait3A_123 = tpu.memref_squeeze %dma_wait3A_122 : memref<1x128x16xf32, #tpu.memory_space<vmem>> -> memref<128x16xf32, #tpu.memory_space<vmem>>
    %dma_wait3A_124 = arith.constant 0 : i32
    %dma_wait3A_125 = tpu.memref_slice %arg7[%dma_wait3A_119, %dma_wait3A_124] : memref<80x128xi32, #tpu.memory_space<vmem>> -> memref<1x128xi32, #tpu.memory_space<vmem>>
    %dma_wait3A_126 = tpu.memref_squeeze %dma_wait3A_125 : memref<1x128xi32, #tpu.memory_space<vmem>> -> memref<128xi32, #tpu.memory_space<vmem>>
    %dma_wait3A_127 = arith.constant 0 : i32
    %dma_wait3A_128 = arith.constant 0 : i32
    %dma_wait3A_129 = tpu.memref_slice %arg10[%dma_wait3A_127, %dma_wait3A_128] : memref<10240x16xf32, #tpu.memory_space<vmem_shared>> -> memref<10240x16xf32, #tpu.memory_space<vmem_shared>>
    tpu.wait_indirect_dma semaphore(%arg20 : memref<!tpu.dma_semaphore, #tpu.memory_space<semaphore_mem>>) src(%dma_wait3A_123 : memref<128x16xf32, #tpu.memory_space<vmem>>) dst(%dma_wait3A_129 : memref<10240x16xf32, #tpu.memory_space<vmem_shared>>)
    %dma_wait3A_130 = arith.constant 2 : i32
    %dma_wait3A_131 = arith.constant 74 : i32
    %dma_wait3A_132 = arith.constant 0 : i32
    %dma_wait3A_133 = arith.constant 0 : i32
    %dma_wait3A_134 = tpu.memref_slice %arg8[%dma_wait3A_130, %dma_wait3A_132, %dma_wait3A_133] : memref<8x128x16xf32, #tpu.memory_space<vmem>> -> memref<1x128x16xf32, #tpu.memory_space<vmem>>
    %dma_wait3A_135 = tpu.memref_squeeze %dma_wait3A_134 : memref<1x128x16xf32, #tpu.memory_space<vmem>> -> memref<128x16xf32, #tpu.memory_space<vmem>>
    %dma_wait3A_136 = arith.constant 0 : i32
    %dma_wait3A_137 = tpu.memref_slice %arg7[%dma_wait3A_131, %dma_wait3A_136] : memref<80x128xi32, #tpu.memory_space<vmem>> -> memref<1x128xi32, #tpu.memory_space<vmem>>
    %dma_wait3A_138 = tpu.memref_squeeze %dma_wait3A_137 : memref<1x128xi32, #tpu.memory_space<vmem>> -> memref<128xi32, #tpu.memory_space<vmem>>
    %dma_wait3A_139 = arith.constant 0 : i32
    %dma_wait3A_140 = arith.constant 0 : i32
    %dma_wait3A_141 = tpu.memref_slice %arg10[%dma_wait3A_139, %dma_wait3A_140] : memref<10240x16xf32, #tpu.memory_space<vmem_shared>> -> memref<10240x16xf32, #tpu.memory_space<vmem_shared>>
    tpu.wait_indirect_dma semaphore(%arg21 : memref<!tpu.dma_semaphore, #tpu.memory_space<semaphore_mem>>) src(%dma_wait3A_135 : memref<128x16xf32, #tpu.memory_space<vmem>>) dst(%dma_wait3A_141 : memref<10240x16xf32, #tpu.memory_space<vmem_shared>>)
    %dma_wait3A_142 = arith.constant 3 : i32
    %dma_wait3A_143 = arith.constant 75 : i32
    %dma_wait3A_144 = arith.constant 0 : i32
    %dma_wait3A_145 = arith.constant 0 : i32
    %dma_wait3A_146 = tpu.memref_slice %arg8[%dma_wait3A_142, %dma_wait3A_144, %dma_wait3A_145] : memref<8x128x16xf32, #tpu.memory_space<vmem>> -> memref<1x128x16xf32, #tpu.memory_space<vmem>>
    %dma_wait3A_147 = tpu.memref_squeeze %dma_wait3A_146 : memref<1x128x16xf32, #tpu.memory_space<vmem>> -> memref<128x16xf32, #tpu.memory_space<vmem>>
    %dma_wait3A_148 = arith.constant 0 : i32
    %dma_wait3A_149 = tpu.memref_slice %arg7[%dma_wait3A_143, %dma_wait3A_148] : memref<80x128xi32, #tpu.memory_space<vmem>> -> memref<1x128xi32, #tpu.memory_space<vmem>>
    %dma_wait3A_150 = tpu.memref_squeeze %dma_wait3A_149 : memref<1x128xi32, #tpu.memory_space<vmem>> -> memref<128xi32, #tpu.memory_space<vmem>>
    %dma_wait3A_151 = arith.constant 0 : i32
    %dma_wait3A_152 = arith.constant 0 : i32
    %dma_wait3A_153 = tpu.memref_slice %arg10[%dma_wait3A_151, %dma_wait3A_152] : memref<10240x16xf32, #tpu.memory_space<vmem_shared>> -> memref<10240x16xf32, #tpu.memory_space<vmem_shared>>
    tpu.wait_indirect_dma semaphore(%arg22 : memref<!tpu.dma_semaphore, #tpu.memory_space<semaphore_mem>>) src(%dma_wait3A_147 : memref<128x16xf32, #tpu.memory_space<vmem>>) dst(%dma_wait3A_153 : memref<10240x16xf32, #tpu.memory_space<vmem_shared>>)
    %dma_wait3A_154 = arith.constant 4 : i32
    %dma_wait3A_155 = arith.constant 76 : i32
    %dma_wait3A_156 = arith.constant 0 : i32
    %dma_wait3A_157 = arith.constant 0 : i32
    %dma_wait3A_158 = tpu.memref_slice %arg8[%dma_wait3A_154, %dma_wait3A_156, %dma_wait3A_157] : memref<8x128x16xf32, #tpu.memory_space<vmem>> -> memref<1x128x16xf32, #tpu.memory_space<vmem>>
    %dma_wait3A_159 = tpu.memref_squeeze %dma_wait3A_158 : memref<1x128x16xf32, #tpu.memory_space<vmem>> -> memref<128x16xf32, #tpu.memory_space<vmem>>
    %dma_wait3A_160 = arith.constant 0 : i32
    %dma_wait3A_161 = tpu.memref_slice %arg7[%dma_wait3A_155, %dma_wait3A_160] : memref<80x128xi32, #tpu.memory_space<vmem>> -> memref<1x128xi32, #tpu.memory_space<vmem>>
    %dma_wait3A_162 = tpu.memref_squeeze %dma_wait3A_161 : memref<1x128xi32, #tpu.memory_space<vmem>> -> memref<128xi32, #tpu.memory_space<vmem>>
    %dma_wait3A_163 = arith.constant 0 : i32
    %dma_wait3A_164 = arith.constant 0 : i32
    %dma_wait3A_165 = tpu.memref_slice %arg10[%dma_wait3A_163, %dma_wait3A_164] : memref<10240x16xf32, #tpu.memory_space<vmem_shared>> -> memref<10240x16xf32, #tpu.memory_space<vmem_shared>>
    tpu.wait_indirect_dma semaphore(%arg23 : memref<!tpu.dma_semaphore, #tpu.memory_space<semaphore_mem>>) src(%dma_wait3A_159 : memref<128x16xf32, #tpu.memory_space<vmem>>) dst(%dma_wait3A_165 : memref<10240x16xf32, #tpu.memory_space<vmem_shared>>)
    %dma_wait3A_166 = arith.constant 5 : i32
    %dma_wait3A_167 = arith.constant 77 : i32
    %dma_wait3A_168 = arith.constant 0 : i32
    %dma_wait3A_169 = arith.constant 0 : i32
    %dma_wait3A_170 = tpu.memref_slice %arg8[%dma_wait3A_166, %dma_wait3A_168, %dma_wait3A_169] : memref<8x128x16xf32, #tpu.memory_space<vmem>> -> memref<1x128x16xf32, #tpu.memory_space<vmem>>
    %dma_wait3A_171 = tpu.memref_squeeze %dma_wait3A_170 : memref<1x128x16xf32, #tpu.memory_space<vmem>> -> memref<128x16xf32, #tpu.memory_space<vmem>>
    %dma_wait3A_172 = arith.constant 0 : i32
    %dma_wait3A_173 = tpu.memref_slice %arg7[%dma_wait3A_167, %dma_wait3A_172] : memref<80x128xi32, #tpu.memory_space<vmem>> -> memref<1x128xi32, #tpu.memory_space<vmem>>
    %dma_wait3A_174 = tpu.memref_squeeze %dma_wait3A_173 : memref<1x128xi32, #tpu.memory_space<vmem>> -> memref<128xi32, #tpu.memory_space<vmem>>
    %dma_wait3A_175 = arith.constant 0 : i32
    %dma_wait3A_176 = arith.constant 0 : i32
    %dma_wait3A_177 = tpu.memref_slice %arg10[%dma_wait3A_175, %dma_wait3A_176] : memref<10240x16xf32, #tpu.memory_space<vmem_shared>> -> memref<10240x16xf32, #tpu.memory_space<vmem_shared>>
    tpu.wait_indirect_dma semaphore(%arg24 : memref<!tpu.dma_semaphore, #tpu.memory_space<semaphore_mem>>) src(%dma_wait3A_171 : memref<128x16xf32, #tpu.memory_space<vmem>>) dst(%dma_wait3A_177 : memref<10240x16xf32, #tpu.memory_space<vmem_shared>>)
    %dma_wait3A_178 = arith.constant 6 : i32
    %dma_wait3A_179 = arith.constant 78 : i32
    %dma_wait3A_180 = arith.constant 0 : i32
    %dma_wait3A_181 = arith.constant 0 : i32
    %dma_wait3A_182 = tpu.memref_slice %arg8[%dma_wait3A_178, %dma_wait3A_180, %dma_wait3A_181] : memref<8x128x16xf32, #tpu.memory_space<vmem>> -> memref<1x128x16xf32, #tpu.memory_space<vmem>>
    %dma_wait3A_183 = tpu.memref_squeeze %dma_wait3A_182 : memref<1x128x16xf32, #tpu.memory_space<vmem>> -> memref<128x16xf32, #tpu.memory_space<vmem>>
    %dma_wait3A_184 = arith.constant 0 : i32
    %dma_wait3A_185 = tpu.memref_slice %arg7[%dma_wait3A_179, %dma_wait3A_184] : memref<80x128xi32, #tpu.memory_space<vmem>> -> memref<1x128xi32, #tpu.memory_space<vmem>>
    %dma_wait3A_186 = tpu.memref_squeeze %dma_wait3A_185 : memref<1x128xi32, #tpu.memory_space<vmem>> -> memref<128xi32, #tpu.memory_space<vmem>>
    %dma_wait3A_187 = arith.constant 0 : i32
    %dma_wait3A_188 = arith.constant 0 : i32
    %dma_wait3A_189 = tpu.memref_slice %arg10[%dma_wait3A_187, %dma_wait3A_188] : memref<10240x16xf32, #tpu.memory_space<vmem_shared>> -> memref<10240x16xf32, #tpu.memory_space<vmem_shared>>
    tpu.wait_indirect_dma semaphore(%arg25 : memref<!tpu.dma_semaphore, #tpu.memory_space<semaphore_mem>>) src(%dma_wait3A_183 : memref<128x16xf32, #tpu.memory_space<vmem>>) dst(%dma_wait3A_189 : memref<10240x16xf32, #tpu.memory_space<vmem_shared>>)
    %dma_wait3A_190 = arith.constant 7 : i32
    %dma_wait3A_191 = arith.constant 79 : i32
    %dma_wait3A_192 = arith.constant 0 : i32
    %dma_wait3A_193 = arith.constant 0 : i32
    %dma_wait3A_194 = tpu.memref_slice %arg8[%dma_wait3A_190, %dma_wait3A_192, %dma_wait3A_193] : memref<8x128x16xf32, #tpu.memory_space<vmem>> -> memref<1x128x16xf32, #tpu.memory_space<vmem>>
    %dma_wait3A_195 = tpu.memref_squeeze %dma_wait3A_194 : memref<1x128x16xf32, #tpu.memory_space<vmem>> -> memref<128x16xf32, #tpu.memory_space<vmem>>
    %dma_wait3A_196 = arith.constant 0 : i32
    %dma_wait3A_197 = tpu.memref_slice %arg7[%dma_wait3A_191, %dma_wait3A_196] : memref<80x128xi32, #tpu.memory_space<vmem>> -> memref<1x128xi32, #tpu.memory_space<vmem>>
    %dma_wait3A_198 = tpu.memref_squeeze %dma_wait3A_197 : memref<1x128xi32, #tpu.memory_space<vmem>> -> memref<128xi32, #tpu.memory_space<vmem>>
    %dma_wait3A_199 = arith.constant 0 : i32
    %dma_wait3A_200 = arith.constant 0 : i32
    %dma_wait3A_201 = tpu.memref_slice %arg10[%dma_wait3A_199, %dma_wait3A_200] : memref<10240x16xf32, #tpu.memory_space<vmem_shared>> -> memref<10240x16xf32, #tpu.memory_space<vmem_shared>>
    tpu.wait_indirect_dma semaphore(%arg26 : memref<!tpu.dma_semaphore, #tpu.memory_space<semaphore_mem>>) src(%dma_wait3A_195 : memref<128x16xf32, #tpu.memory_space<vmem>>) dst(%dma_wait3A_201 : memref<10240x16xf32, #tpu.memory_space<vmem_shared>>)
    %barrier3A_202 = arith.constant 0 : index
    tpu.barrier barrier_id(%barrier3A_202)
    "tpu.region"() ({
      %run_scoped3A = tpu.sem_alloc : memref<!tpu.dma_semaphore, #tpu.memory_space<semaphore_mem>>
      %dma_start3A_203 = arith.constant 0 : i32
      %dma_start3A_204 = tpu.memref_slice %arg5[%arg0, %mul3A_4, %dma_start3A_203] : memref<2x10240x16xf32, #tpu.memory_space<hbm>> -> memref<1x640x16xf32, #tpu.memory_space<hbm>>
      %dma_start3A_205 = tpu.memref_squeeze %dma_start3A_204 : memref<1x640x16xf32, #tpu.memory_space<hbm>> -> memref<640x16xf32, #tpu.memory_space<hbm>>
      %dma_start3A_206 = arith.constant 0 : i32
      %dma_start3A_207 = tpu.memref_slice %arg10[%mul3A_4, %dma_start3A_206] : memref<10240x16xf32, #tpu.memory_space<vmem_shared>> -> memref<640x16xf32, #tpu.memory_space<vmem_shared>>
      tpu.enqueue_dma source(%dma_start3A_207 : memref<640x16xf32, #tpu.memory_space<vmem_shared>>) target(%dma_start3A_205 : memref<640x16xf32, #tpu.memory_space<hbm>>) target_semaphore(%run_scoped3A : memref<!tpu.dma_semaphore, #tpu.memory_space<semaphore_mem>>)
      %dma_wait3A_208 = arith.constant 0 : i32
      %dma_wait3A_209 = tpu.memref_slice %arg5[%arg0, %mul3A_4, %dma_wait3A_208] : memref<2x10240x16xf32, #tpu.memory_space<hbm>> -> memref<1x640x16xf32, #tpu.memory_space<hbm>>
      %dma_wait3A_210 = tpu.memref_squeeze %dma_wait3A_209 : memref<1x640x16xf32, #tpu.memory_space<hbm>> -> memref<640x16xf32, #tpu.memory_space<hbm>>
      %dma_wait3A_211 = arith.constant 0 : i32
      %dma_wait3A_212 = tpu.memref_slice %arg10[%mul3A_4, %dma_wait3A_211] : memref<10240x16xf32, #tpu.memory_space<vmem_shared>> -> memref<640x16xf32, #tpu.memory_space<vmem_shared>>
      tpu.wait_dma2 semaphore(%run_scoped3A : memref<!tpu.dma_semaphore, #tpu.memory_space<semaphore_mem>>) src(%dma_wait3A_212 : memref<640x16xf32, #tpu.memory_space<vmem_shared>>) dst(%dma_wait3A_210 : memref<640x16xf32, #tpu.memory_space<hbm>>)
      tpu.yield
    }) : () -> ()
    return
  }
}

module attributes {stable_mosaic.version = 14 : i64} {
  func.func @_tc1_body(%arg0: i32, %arg1: memref<8x256x128xf32, #tpu.memory_space<vmem>>, %arg2: memref<128x128xf32, #tpu.memory_space<vmem>>, %arg3: memref<128xf32, #tpu.memory_space<vmem>>, %arg4: memref<128x16xf32, #tpu.memory_space<vmem>>, %arg5: memref<128x16xf32, #tpu.memory_space<vmem>>, %arg6: memref<256x128xf32, #tpu.memory_space<vmem>>, %arg7: memref<256x128xf32, #tpu.memory_space<vmem>>) attributes {dimension_semantics = [#tpu.dimension_semantics<arbitrary>], iteration_bounds = array<i64: 5>, scalar_prefetch = 0 : i64, scratch_operands = 0 : i64, tpu.core_type = #tpu.core_type<tc>, window_params = [{transform_indices = @transform_0, window_bounds = array<i64: 8, 256, 128>}, {pipeline_mode = #tpu.pipeline_mode<synchronous>, transform_indices = @transform_1, window_bounds = array<i64: 128, 128>}, {pipeline_mode = #tpu.pipeline_mode<synchronous>, transform_indices = @transform_2, window_bounds = array<i64: 128>}, {pipeline_mode = #tpu.pipeline_mode<synchronous>, transform_indices = @transform_3, window_bounds = array<i64: 128, 16>}, {pipeline_mode = #tpu.pipeline_mode<synchronous>, transform_indices = @transform_4, window_bounds = array<i64: 128, 16>}, {transform_indices = @transform_5, window_bounds = array<i64: 256, 128>}, {transform_indices = @transform_6, window_bounds = array<i64: 256, 128>}]} {
    %get3A = arith.constant 0 : index
    %get3A_0 = arith.constant 0 : index
    %get3A_1 = arith.constant 0 : index
    %get3A_2 = vector.load %arg1[%get3A, %get3A_0, %get3A_1] : memref<8x256x128xf32, #tpu.memory_space<vmem>>, vector<8x256x128xf32>
    %reshape3A = vector.shape_cast %get3A_2 : vector<8x256x128xf32> to vector<2048x128xf32>
    %get3A_3 = arith.constant 0 : index
    %get3A_4 = arith.constant 0 : index
    %get3A_5 = vector.load %arg2[%get3A_3, %get3A_4] : memref<128x128xf32, #tpu.memory_space<vmem>>, vector<128x128xf32>
    %dot_general3A = arith.constant dense<0.000000e+00> : vector<2048x128xf32>
    %dot_general3A_6 = tpu.matmul %reshape3A, %get3A_5, %dot_general3A {dimension_numbers = #tpu.dot_dimension_numbers<[1], [0], [0], [1], [0, 0, 1, 1], [], []>, transpose_lhs_hint = false} : vector<2048x128xf32>, vector<128x128xf32>, vector<2048x128xf32> -> vector<2048x128xf32>
    %get3A_7 = arith.constant 0 : index
    %get3A_8 = vector.load %arg3[%get3A_7] : memref<128xf32, #tpu.memory_space<vmem>>, vector<128xf32>
    %broadcast_in_dim3A = vector.shape_cast %get3A_8 : vector<128xf32> to vector<1x128xf32>
    %add3A = vector.broadcast %broadcast_in_dim3A : vector<1x128xf32> to vector<2048x128xf32>
    %add3A_9 = arith.addf %dot_general3A_6, %add3A : vector<2048x128xf32>
    %get3A_10 = arith.constant 0 : index
    %get3A_11 = arith.constant 0 : index
    %get3A_12 = vector.load %arg4[%get3A_10, %get3A_11] : memref<128x16xf32, #tpu.memory_space<vmem>>, vector<128x16xf32>
    %dot_general3A_13 = arith.constant dense<0.000000e+00> : vector<2048x16xf32>
    %dot_general3A_14 = tpu.matmul %add3A_9, %get3A_12, %dot_general3A_13 {dimension_numbers = #tpu.dot_dimension_numbers<[1], [0], [0], [1], [0, 0, 1, 1], [], []>, transpose_lhs_hint = false} : vector<2048x128xf32>, vector<128x16xf32>, vector<2048x16xf32> -> vector<2048x16xf32>
    %get3A_15 = arith.constant 0 : index
    %get3A_16 = arith.constant 0 : index
    %get3A_17 = vector.load %arg5[%get3A_15, %get3A_16] : memref<128x16xf32, #tpu.memory_space<vmem>>, vector<128x16xf32>
    %dot_general3A_18 = arith.constant dense<0.000000e+00> : vector<2048x16xf32>
    %dot_general3A_19 = tpu.matmul %add3A_9, %get3A_17, %dot_general3A_18 {dimension_numbers = #tpu.dot_dimension_numbers<[1], [0], [0], [1], [0, 0, 1, 1], [], []>, transpose_lhs_hint = false} : vector<2048x128xf32>, vector<128x16xf32>, vector<2048x16xf32> -> vector<2048x16xf32>
    %slice3A = vector.extract_strided_slice %dot_general3A_14 {offsets = [0, 0], sizes = [256, 16], strides = [1, 1]} : vector<2048x16xf32> to vector<256x16xf32>
    %slice3A_20 = vector.extract_strided_slice %dot_general3A_14 {offsets = [256, 0], sizes = [256, 16], strides = [1, 1]} : vector<2048x16xf32> to vector<256x16xf32>
    %slice3A_21 = vector.extract_strided_slice %dot_general3A_14 {offsets = [512, 0], sizes = [256, 16], strides = [1, 1]} : vector<2048x16xf32> to vector<256x16xf32>
    %slice3A_22 = vector.extract_strided_slice %dot_general3A_14 {offsets = [768, 0], sizes = [256, 16], strides = [1, 1]} : vector<2048x16xf32> to vector<256x16xf32>
    %slice3A_23 = vector.extract_strided_slice %dot_general3A_14 {offsets = [1024, 0], sizes = [256, 16], strides = [1, 1]} : vector<2048x16xf32> to vector<256x16xf32>
    %slice3A_24 = vector.extract_strided_slice %dot_general3A_14 {offsets = [1280, 0], sizes = [256, 16], strides = [1, 1]} : vector<2048x16xf32> to vector<256x16xf32>
    %slice3A_25 = vector.extract_strided_slice %dot_general3A_14 {offsets = [1536, 0], sizes = [256, 16], strides = [1, 1]} : vector<2048x16xf32> to vector<256x16xf32>
    %slice3A_26 = vector.extract_strided_slice %dot_general3A_14 {offsets = [1792, 0], sizes = [256, 16], strides = [1, 1]} : vector<2048x16xf32> to vector<256x16xf32>
    %concatenate3A = tpu.concatenate %slice3A, %slice3A_20, %slice3A_21, %slice3A_22, %slice3A_23, %slice3A_24, %slice3A_25, %slice3A_26 in 1 : vector<256x16xf32>, vector<256x16xf32>, vector<256x16xf32>, vector<256x16xf32>, vector<256x16xf32>, vector<256x16xf32>, vector<256x16xf32>, vector<256x16xf32> -> vector<256x128xf32>
    %swap3A = arith.constant 0 : index
    %swap3A_27 = arith.constant 0 : index
    %swap3A_28 = vector.load %arg6[%swap3A, %swap3A_27] : memref<256x128xf32, #tpu.memory_space<vmem>>, vector<256x128xf32>
    tpu.vector_store %arg6[%swap3A, %swap3A_27], %concatenate3A {strides = array<i32>} : memref<256x128xf32, #tpu.memory_space<vmem>>, vector<256x128xf32>,
    %slice3A_29 = vector.extract_strided_slice %dot_general3A_19 {offsets = [0, 0], sizes = [256, 16], strides = [1, 1]} : vector<2048x16xf32> to vector<256x16xf32>
    %slice3A_30 = vector.extract_strided_slice %dot_general3A_19 {offsets = [256, 0], sizes = [256, 16], strides = [1, 1]} : vector<2048x16xf32> to vector<256x16xf32>
    %slice3A_31 = vector.extract_strided_slice %dot_general3A_19 {offsets = [512, 0], sizes = [256, 16], strides = [1, 1]} : vector<2048x16xf32> to vector<256x16xf32>
    %slice3A_32 = vector.extract_strided_slice %dot_general3A_19 {offsets = [768, 0], sizes = [256, 16], strides = [1, 1]} : vector<2048x16xf32> to vector<256x16xf32>
    %slice3A_33 = vector.extract_strided_slice %dot_general3A_19 {offsets = [1024, 0], sizes = [256, 16], strides = [1, 1]} : vector<2048x16xf32> to vector<256x16xf32>
    %slice3A_34 = vector.extract_strided_slice %dot_general3A_19 {offsets = [1280, 0], sizes = [256, 16], strides = [1, 1]} : vector<2048x16xf32> to vector<256x16xf32>
    %slice3A_35 = vector.extract_strided_slice %dot_general3A_19 {offsets = [1536, 0], sizes = [256, 16], strides = [1, 1]} : vector<2048x16xf32> to vector<256x16xf32>
    %slice3A_36 = vector.extract_strided_slice %dot_general3A_19 {offsets = [1792, 0], sizes = [256, 16], strides = [1, 1]} : vector<2048x16xf32> to vector<256x16xf32>
    %concatenate3A_37 = tpu.concatenate %slice3A_29, %slice3A_30, %slice3A_31, %slice3A_32, %slice3A_33, %slice3A_34, %slice3A_35, %slice3A_36 in 1 : vector<256x16xf32>, vector<256x16xf32>, vector<256x16xf32>, vector<256x16xf32>, vector<256x16xf32>, vector<256x16xf32>, vector<256x16xf32>, vector<256x16xf32> -> vector<256x128xf32>
    %swap3A_38 = arith.constant 0 : index
    %swap3A_39 = arith.constant 0 : index
    %swap3A_40 = vector.load %arg7[%swap3A_38, %swap3A_39] : memref<256x128xf32, #tpu.memory_space<vmem>>, vector<256x128xf32>
    tpu.vector_store %arg7[%swap3A_38, %swap3A_39], %concatenate3A_37 {strides = array<i32>} : memref<256x128xf32, #tpu.memory_space<vmem>>, vector<256x128xf32>,
    return
  }
  func.func @transform_0(%arg0: i32) -> (i32, i32, i32) {
    %c0_i32 = arith.constant 0 : i32
    %c0_i32_0 = arith.constant 0 : i32
    %c0_i32_1 = arith.constant 0 : i32
    return %c0_i32, %arg0, %c0_i32_0 : i32, i32, i32
  }
  func.func @transform_1(%arg0: i32) -> (i32, i32) {
    %c0_i32 = arith.constant 0 : i32
    %c0_i32_0 = arith.constant 0 : i32
    %c0_i32_1 = arith.constant 0 : i32
    return %c0_i32, %c0_i32_0 : i32, i32
  }
  func.func @transform_2(%arg0: i32) -> i32 {
    %c0_i32 = arith.constant 0 : i32
    %c0_i32_0 = arith.constant 0 : i32
    return %c0_i32 : i32
  }
  func.func @transform_3(%arg0: i32) -> (i32, i32) {
    %c0_i32 = arith.constant 0 : i32
    %c0_i32_0 = arith.constant 0 : i32
    %c0_i32_1 = arith.constant 0 : i32
    return %c0_i32, %c0_i32_0 : i32, i32
  }
  func.func @transform_4(%arg0: i32) -> (i32, i32) {
    %c0_i32 = arith.constant 0 : i32
    %c0_i32_0 = arith.constant 0 : i32
    %c0_i32_1 = arith.constant 0 : i32
    return %c0_i32, %c0_i32_0 : i32, i32
  }
  func.func @transform_5(%arg0: i32) -> (i32, i32) {
    %c0_i32 = arith.constant 0 : i32
    %c0_i32_0 = arith.constant 0 : i32
    return %arg0, %c0_i32 : i32, i32
  }
  func.func @transform_6(%arg0: i32) -> (i32, i32) {
    %c0_i32 = arith.constant 0 : i32
    %c0_i32_0 = arith.constant 0 : i32
    return %arg0, %c0_i32 : i32, i32
  }
}

module attributes {stable_mosaic.version = 14 : i64} {
  func.func @_tc2_body(%arg0: i32, %arg1: memref<256x128xf32, #tpu.memory_space<vmem>>, %arg2: memref<2x256x128xf32, #tpu.memory_space<vmem>>, %arg3: memref<2x256x128xf32, #tpu.memory_space<vmem>>, %arg4: memref<128xf32, #tpu.memory_space<vmem>>, %arg5: memref<256x128xf32, #tpu.memory_space<vmem>>) attributes {dimension_semantics = [#tpu.dimension_semantics<arbitrary>], iteration_bounds = array<i64: 5>, scalar_prefetch = 0 : i64, scratch_operands = 0 : i64, tpu.core_type = #tpu.core_type<tc>, window_params = [{transform_indices = @transform_0, window_bounds = array<i64: 256, 128>}, {transform_indices = @transform_1, window_bounds = array<i64: 2, 256, 128>}, {transform_indices = @transform_2, window_bounds = array<i64: 2, 256, 128>}, {pipeline_mode = #tpu.pipeline_mode<synchronous>, transform_indices = @transform_3, window_bounds = array<i64: 128>}, {transform_indices = @transform_4, window_bounds = array<i64: 256, 128>}]} {
    %get3A = arith.constant 0 : index
    %get3A_0 = arith.constant 0 : index
    %get3A_1 = arith.constant 0 : index
    %get3A_2 = vector.load %arg2[%get3A, %get3A_0, %get3A_1] : memref<2x256x128xf32, #tpu.memory_space<vmem>>, vector<1x256x128xf32>
    %get3A_3 = vector.shape_cast %get3A_2 : vector<1x256x128xf32> to vector<256x128xf32>
    %get3A_4 = arith.constant 1 : index
    %get3A_5 = arith.constant 0 : index
    %get3A_6 = arith.constant 0 : index
    %get3A_7 = vector.load %arg2[%get3A_4, %get3A_5, %get3A_6] : memref<2x256x128xf32, #tpu.memory_space<vmem>>, vector<1x256x128xf32>
    %get3A_8 = vector.shape_cast %get3A_7 : vector<1x256x128xf32> to vector<256x128xf32>
    %add3A = arith.addf %get3A_3, %get3A_8 : vector<256x128xf32>
    %get3A_9 = arith.constant 0 : index
    %get3A_10 = arith.constant 0 : index
    %get3A_11 = arith.constant 0 : index
    %get3A_12 = vector.load %arg3[%get3A_9, %get3A_10, %get3A_11] : memref<2x256x128xf32, #tpu.memory_space<vmem>>, vector<1x256x128xf32>
    %get3A_13 = vector.shape_cast %get3A_12 : vector<1x256x128xf32> to vector<256x128xf32>
    %get3A_14 = arith.constant 1 : index
    %get3A_15 = arith.constant 0 : index
    %get3A_16 = arith.constant 0 : index
    %get3A_17 = vector.load %arg3[%get3A_14, %get3A_15, %get3A_16] : memref<2x256x128xf32, #tpu.memory_space<vmem>>, vector<1x256x128xf32>
    %get3A_18 = vector.shape_cast %get3A_17 : vector<1x256x128xf32> to vector<256x128xf32>
    %add3A_19 = arith.addf %get3A_13, %get3A_18 : vector<256x128xf32>
    %get3A_20 = arith.constant 0 : index
    %get3A_21 = arith.constant 0 : index
    %get3A_22 = vector.load %arg1[%get3A_20, %get3A_21] : memref<256x128xf32, #tpu.memory_space<vmem>>, vector<256x128xf32>
    %get3A_23 = arith.constant 0 : index
    %get3A_24 = vector.load %arg4[%get3A_23] : memref<128xf32, #tpu.memory_space<vmem>>, vector<128xf32>
    %broadcast_in_dim3A = vector.shape_cast %get3A_24 : vector<128xf32> to vector<1x128xf32>
    %add3A_25 = vector.broadcast %broadcast_in_dim3A : vector<1x128xf32> to vector<256x128xf32>
    %add3A_26 = arith.addf %get3A_22, %add3A_25 : vector<256x128xf32>
    %max3A = arith.constant 1.000000e+00 : f32
    %max3A_27 = vector.broadcast %max3A : f32 to vector<256x128xf32>
    %max3A_28 = arith.maximumf %add3A_19, %max3A_27 : vector<256x128xf32>
    %div3A = arith.divf %add3A, %max3A_28 : vector<256x128xf32>
    %add3A_29 = arith.addf %add3A_26, %div3A : vector<256x128xf32>
    %tanh3A = math.tanh %add3A_29 : vector<256x128xf32>
    %swap3A = arith.constant 0 : index
    %swap3A_30 = arith.constant 0 : index
    %swap3A_31 = vector.load %arg5[%swap3A, %swap3A_30] : memref<256x128xf32, #tpu.memory_space<vmem>>, vector<256x128xf32>
    tpu.vector_store %arg5[%swap3A, %swap3A_30], %tanh3A {strides = array<i32>} : memref<256x128xf32, #tpu.memory_space<vmem>>, vector<256x128xf32>,
    return
  }
  func.func @transform_0(%arg0: i32) -> (i32, i32) {
    %c0_i32 = arith.constant 0 : i32
    %c0_i32_0 = arith.constant 0 : i32
    return %arg0, %c0_i32 : i32, i32
  }
  func.func @transform_1(%arg0: i32) -> (i32, i32, i32) {
    %c0_i32 = arith.constant 0 : i32
    %c0_i32_0 = arith.constant 0 : i32
    %c0_i32_1 = arith.constant 0 : i32
    return %c0_i32, %arg0, %c0_i32_0 : i32, i32, i32
  }
  func.func @transform_2(%arg0: i32) -> (i32, i32, i32) {
    %c0_i32 = arith.constant 0 : i32
    %c0_i32_0 = arith.constant 0 : i32
    %c0_i32_1 = arith.constant 0 : i32
    return %c0_i32, %arg0, %c0_i32_0 : i32, i32, i32
  }
  func.func @transform_3(%arg0: i32) -> i32 {
    %c0_i32 = arith.constant 0 : i32
    %c0_i32_0 = arith.constant 0 : i32
    return %c0_i32 : i32
  }
  func.func @transform_4(%arg0: i32) -> (i32, i32) {
    %c0_i32 = arith.constant 0 : i32
    %c0_i32_0 = arith.constant 0 : i32
    return %arg0, %c0_i32 : i32, i32
  }
}

module attributes {stable_mosaic.version = 14 : i64} {
  func.func @_tc3_body(%arg0: i32, %arg1: memref<256x128xf32, #tpu.memory_space<vmem>>, %arg2: memref<2x256x128xf32, #tpu.memory_space<vmem>>, %arg3: memref<2x256x128xf32, #tpu.memory_space<vmem>>, %arg4: memref<16x128xf32, #tpu.memory_space<vmem>>, %arg5: memref<16x128xf32, #tpu.memory_space<vmem>>, %arg6: memref<128xf32, #tpu.memory_space<vmem>>, %arg7: memref<8x256x128xf32, #tpu.memory_space<vmem>>) attributes {dimension_semantics = [#tpu.dimension_semantics<arbitrary>], iteration_bounds = array<i64: 5>, scalar_prefetch = 0 : i64, scratch_operands = 0 : i64, tpu.core_type = #tpu.core_type<tc>, window_params = [{transform_indices = @transform_0, window_bounds = array<i64: 256, 128>}, {transform_indices = @transform_1, window_bounds = array<i64: 2, 256, 128>}, {transform_indices = @transform_2, window_bounds = array<i64: 2, 256, 128>}, {pipeline_mode = #tpu.pipeline_mode<synchronous>, transform_indices = @transform_3, window_bounds = array<i64: 16, 128>}, {pipeline_mode = #tpu.pipeline_mode<synchronous>, transform_indices = @transform_4, window_bounds = array<i64: 16, 128>}, {pipeline_mode = #tpu.pipeline_mode<synchronous>, transform_indices = @transform_5, window_bounds = array<i64: 128>}, {transform_indices = @transform_6, window_bounds = array<i64: 8, 256, 128>}]} {
    %get3A = arith.constant 0 : index
    %get3A_0 = arith.constant 0 : index
    %get3A_1 = vector.load %arg1[%get3A, %get3A_0] : memref<256x128xf32, #tpu.memory_space<vmem>>, vector<256x128xf32>
    %get3A_2 = arith.constant 0 : index
    %get3A_3 = arith.constant 0 : index
    %get3A_4 = arith.constant 0 : index
    %get3A_5 = vector.load %arg2[%get3A_2, %get3A_3, %get3A_4] : memref<2x256x128xf32, #tpu.memory_space<vmem>>, vector<1x256x128xf32>
    %get3A_6 = vector.shape_cast %get3A_5 : vector<1x256x128xf32> to vector<256x128xf32>
    %get3A_7 = arith.constant 1 : index
    %get3A_8 = arith.constant 0 : index
    %get3A_9 = arith.constant 0 : index
    %get3A_10 = vector.load %arg2[%get3A_7, %get3A_8, %get3A_9] : memref<2x256x128xf32, #tpu.memory_space<vmem>>, vector<1x256x128xf32>
    %get3A_11 = vector.shape_cast %get3A_10 : vector<1x256x128xf32> to vector<256x128xf32>
    %add3A = arith.addf %get3A_6, %get3A_11 : vector<256x128xf32>
    %get3A_12 = arith.constant 0 : index
    %get3A_13 = arith.constant 0 : index
    %get3A_14 = arith.constant 0 : index
    %get3A_15 = vector.load %arg3[%get3A_12, %get3A_13, %get3A_14] : memref<2x256x128xf32, #tpu.memory_space<vmem>>, vector<1x256x128xf32>
    %get3A_16 = vector.shape_cast %get3A_15 : vector<1x256x128xf32> to vector<256x128xf32>
    %get3A_17 = arith.constant 1 : index
    %get3A_18 = arith.constant 0 : index
    %get3A_19 = arith.constant 0 : index
    %get3A_20 = vector.load %arg3[%get3A_17, %get3A_18, %get3A_19] : memref<2x256x128xf32, #tpu.memory_space<vmem>>, vector<1x256x128xf32>
    %get3A_21 = vector.shape_cast %get3A_20 : vector<1x256x128xf32> to vector<256x128xf32>
    %add3A_22 = arith.addf %get3A_16, %get3A_21 : vector<256x128xf32>
    %max3A = arith.constant 1.000000e+00 : f32
    %max3A_23 = vector.broadcast %max3A : f32 to vector<256x128xf32>
    %max3A_24 = arith.maximumf %add3A_22, %max3A_23 : vector<256x128xf32>
    %div3A = arith.divf %add3A, %max3A_24 : vector<256x128xf32>
    %slice3A = vector.extract_strided_slice %get3A_1 {offsets = [0, 0], sizes = [256, 16], strides = [1, 1]} : vector<256x128xf32> to vector<256x16xf32>
    %slice3A_25 = vector.extract_strided_slice %div3A {offsets = [0, 0], sizes = [256, 16], strides = [1, 1]} : vector<256x128xf32> to vector<256x16xf32>
    %get3A_26 = arith.constant 0 : index
    %get3A_27 = arith.constant 0 : index
    %get3A_28 = vector.load %arg4[%get3A_26, %get3A_27] : memref<16x128xf32, #tpu.memory_space<vmem>>, vector<16x128xf32>
    %dot_general3A = arith.constant dense<0.000000e+00> : vector<256x128xf32>
    %dot_general3A_29 = tpu.matmul %slice3A, %get3A_28, %dot_general3A {dimension_numbers = #tpu.dot_dimension_numbers<[1], [0], [0], [1], [0, 0, 1, 1], [], []>, transpose_lhs_hint = false} : vector<256x16xf32>, vector<16x128xf32>, vector<256x128xf32> -> vector<256x128xf32>
    %get3A_30 = arith.constant 0 : index
    %get3A_31 = arith.constant 0 : index
    %get3A_32 = vector.load %arg5[%get3A_30, %get3A_31] : memref<16x128xf32, #tpu.memory_space<vmem>>, vector<16x128xf32>
    %dot_general3A_33 = arith.constant dense<0.000000e+00> : vector<256x128xf32>
    %dot_general3A_34 = tpu.matmul %slice3A_25, %get3A_32, %dot_general3A_33 {dimension_numbers = #tpu.dot_dimension_numbers<[1], [0], [0], [1], [0, 0, 1, 1], [], []>, transpose_lhs_hint = false} : vector<256x16xf32>, vector<16x128xf32>, vector<256x128xf32> -> vector<256x128xf32>
    %add3A_35 = arith.addf %dot_general3A_29, %dot_general3A_34 : vector<256x128xf32>
    %get3A_36 = arith.constant 0 : index
    %get3A_37 = vector.load %arg6[%get3A_36] : memref<128xf32, #tpu.memory_space<vmem>>, vector<128xf32>
    %broadcast_in_dim3A = vector.shape_cast %get3A_37 : vector<128xf32> to vector<1x128xf32>
    %add3A_38 = vector.broadcast %broadcast_in_dim3A : vector<1x128xf32> to vector<256x128xf32>
    %add3A_39 = arith.addf %add3A_35, %add3A_38 : vector<256x128xf32>
    %tanh3A = math.tanh %add3A_39 : vector<256x128xf32>
    %swap3A = arith.constant 0 : index
    %swap3A_40 = arith.constant 0 : index
    %swap3A_41 = arith.constant 0 : index
    %swap3A_42 = vector.load %arg7[%swap3A, %swap3A_40, %swap3A_41] : memref<8x256x128xf32, #tpu.memory_space<vmem>>, vector<1x256x128xf32>
    %swap3A_43 = vector.shape_cast %swap3A_42 : vector<1x256x128xf32> to vector<256x128xf32>
    %swap3A_44 = vector.shape_cast %tanh3A : vector<256x128xf32> to vector<1x256x128xf32>
    tpu.vector_store %arg7[%swap3A, %swap3A_40, %swap3A_41], %swap3A_44 {strides = array<i32>} : memref<8x256x128xf32, #tpu.memory_space<vmem>>, vector<1x256x128xf32>,
    %slice3A_45 = vector.extract_strided_slice %get3A_1 {offsets = [0, 16], sizes = [256, 16], strides = [1, 1]} : vector<256x128xf32> to vector<256x16xf32>
    %slice3A_46 = vector.extract_strided_slice %div3A {offsets = [0, 16], sizes = [256, 16], strides = [1, 1]} : vector<256x128xf32> to vector<256x16xf32>
    %get3A_47 = arith.constant 0 : index
    %get3A_48 = arith.constant 0 : index
    %get3A_49 = vector.load %arg4[%get3A_47, %get3A_48] : memref<16x128xf32, #tpu.memory_space<vmem>>, vector<16x128xf32>
    %dot_general3A_50 = arith.constant dense<0.000000e+00> : vector<256x128xf32>
    %dot_general3A_51 = tpu.matmul %slice3A_45, %get3A_49, %dot_general3A_50 {dimension_numbers = #tpu.dot_dimension_numbers<[1], [0], [0], [1], [0, 0, 1, 1], [], []>, transpose_lhs_hint = false} : vector<256x16xf32>, vector<16x128xf32>, vector<256x128xf32> -> vector<256x128xf32>
    %get3A_52 = arith.constant 0 : index
    %get3A_53 = arith.constant 0 : index
    %get3A_54 = vector.load %arg5[%get3A_52, %get3A_53] : memref<16x128xf32, #tpu.memory_space<vmem>>, vector<16x128xf32>
    %dot_general3A_55 = arith.constant dense<0.000000e+00> : vector<256x128xf32>
    %dot_general3A_56 = tpu.matmul %slice3A_46, %get3A_54, %dot_general3A_55 {dimension_numbers = #tpu.dot_dimension_numbers<[1], [0], [0], [1], [0, 0, 1, 1], [], []>, transpose_lhs_hint = false} : vector<256x16xf32>, vector<16x128xf32>, vector<256x128xf32> -> vector<256x128xf32>
    %add3A_57 = arith.addf %dot_general3A_51, %dot_general3A_56 : vector<256x128xf32>
    %get3A_58 = arith.constant 0 : index
    %get3A_59 = vector.load %arg6[%get3A_58] : memref<128xf32, #tpu.memory_space<vmem>>, vector<128xf32>
    %broadcast_in_dim3A_60 = vector.shape_cast %get3A_59 : vector<128xf32> to vector<1x128xf32>
    %add3A_61 = vector.broadcast %broadcast_in_dim3A_60 : vector<1x128xf32> to vector<256x128xf32>
    %add3A_62 = arith.addf %add3A_57, %add3A_61 : vector<256x128xf32>
    %tanh3A_63 = math.tanh %add3A_62 : vector<256x128xf32>
    %swap3A_64 = arith.constant 1 : index
    %swap3A_65 = arith.constant 0 : index
    %swap3A_66 = arith.constant 0 : index
    %swap3A_67 = vector.load %arg7[%swap3A_64, %swap3A_65, %swap3A_66] : memref<8x256x128xf32, #tpu.memory_space<vmem>>, vector<1x256x128xf32>
    %swap3A_68 = vector.shape_cast %swap3A_67 : vector<1x256x128xf32> to vector<256x128xf32>
    %swap3A_69 = vector.shape_cast %tanh3A_63 : vector<256x128xf32> to vector<1x256x128xf32>
    tpu.vector_store %arg7[%swap3A_64, %swap3A_65, %swap3A_66], %swap3A_69 {strides = array<i32>} : memref<8x256x128xf32, #tpu.memory_space<vmem>>, vector<1x256x128xf32>,
    %slice3A_70 = vector.extract_strided_slice %get3A_1 {offsets = [0, 32], sizes = [256, 16], strides = [1, 1]} : vector<256x128xf32> to vector<256x16xf32>
    %slice3A_71 = vector.extract_strided_slice %div3A {offsets = [0, 32], sizes = [256, 16], strides = [1, 1]} : vector<256x128xf32> to vector<256x16xf32>
    %get3A_72 = arith.constant 0 : index
    %get3A_73 = arith.constant 0 : index
    %get3A_74 = vector.load %arg4[%get3A_72, %get3A_73] : memref<16x128xf32, #tpu.memory_space<vmem>>, vector<16x128xf32>
    %dot_general3A_75 = arith.constant dense<0.000000e+00> : vector<256x128xf32>
    %dot_general3A_76 = tpu.matmul %slice3A_70, %get3A_74, %dot_general3A_75 {dimension_numbers = #tpu.dot_dimension_numbers<[1], [0], [0], [1], [0, 0, 1, 1], [], []>, transpose_lhs_hint = false} : vector<256x16xf32>, vector<16x128xf32>, vector<256x128xf32> -> vector<256x128xf32>
    %get3A_77 = arith.constant 0 : index
    %get3A_78 = arith.constant 0 : index
    %get3A_79 = vector.load %arg5[%get3A_77, %get3A_78] : memref<16x128xf32, #tpu.memory_space<vmem>>, vector<16x128xf32>
    %dot_general3A_80 = arith.constant dense<0.000000e+00> : vector<256x128xf32>
    %dot_general3A_81 = tpu.matmul %slice3A_71, %get3A_79, %dot_general3A_80 {dimension_numbers = #tpu.dot_dimension_numbers<[1], [0], [0], [1], [0, 0, 1, 1], [], []>, transpose_lhs_hint = false} : vector<256x16xf32>, vector<16x128xf32>, vector<256x128xf32> -> vector<256x128xf32>
    %add3A_82 = arith.addf %dot_general3A_76, %dot_general3A_81 : vector<256x128xf32>
    %get3A_83 = arith.constant 0 : index
    %get3A_84 = vector.load %arg6[%get3A_83] : memref<128xf32, #tpu.memory_space<vmem>>, vector<128xf32>
    %broadcast_in_dim3A_85 = vector.shape_cast %get3A_84 : vector<128xf32> to vector<1x128xf32>
    %add3A_86 = vector.broadcast %broadcast_in_dim3A_85 : vector<1x128xf32> to vector<256x128xf32>
    %add3A_87 = arith.addf %add3A_82, %add3A_86 : vector<256x128xf32>
    %tanh3A_88 = math.tanh %add3A_87 : vector<256x128xf32>
    %swap3A_89 = arith.constant 2 : index
    %swap3A_90 = arith.constant 0 : index
    %swap3A_91 = arith.constant 0 : index
    %swap3A_92 = vector.load %arg7[%swap3A_89, %swap3A_90, %swap3A_91] : memref<8x256x128xf32, #tpu.memory_space<vmem>>, vector<1x256x128xf32>
    %swap3A_93 = vector.shape_cast %swap3A_92 : vector<1x256x128xf32> to vector<256x128xf32>
    %swap3A_94 = vector.shape_cast %tanh3A_88 : vector<256x128xf32> to vector<1x256x128xf32>
    tpu.vector_store %arg7[%swap3A_89, %swap3A_90, %swap3A_91], %swap3A_94 {strides = array<i32>} : memref<8x256x128xf32, #tpu.memory_space<vmem>>, vector<1x256x128xf32>,
    %slice3A_95 = vector.extract_strided_slice %get3A_1 {offsets = [0, 48], sizes = [256, 16], strides = [1, 1]} : vector<256x128xf32> to vector<256x16xf32>
    %slice3A_96 = vector.extract_strided_slice %div3A {offsets = [0, 48], sizes = [256, 16], strides = [1, 1]} : vector<256x128xf32> to vector<256x16xf32>
    %get3A_97 = arith.constant 0 : index
    %get3A_98 = arith.constant 0 : index
    %get3A_99 = vector.load %arg4[%get3A_97, %get3A_98] : memref<16x128xf32, #tpu.memory_space<vmem>>, vector<16x128xf32>
    %dot_general3A_100 = arith.constant dense<0.000000e+00> : vector<256x128xf32>
    %dot_general3A_101 = tpu.matmul %slice3A_95, %get3A_99, %dot_general3A_100 {dimension_numbers = #tpu.dot_dimension_numbers<[1], [0], [0], [1], [0, 0, 1, 1], [], []>, transpose_lhs_hint = false} : vector<256x16xf32>, vector<16x128xf32>, vector<256x128xf32> -> vector<256x128xf32>
    %get3A_102 = arith.constant 0 : index
    %get3A_103 = arith.constant 0 : index
    %get3A_104 = vector.load %arg5[%get3A_102, %get3A_103] : memref<16x128xf32, #tpu.memory_space<vmem>>, vector<16x128xf32>
    %dot_general3A_105 = arith.constant dense<0.000000e+00> : vector<256x128xf32>
    %dot_general3A_106 = tpu.matmul %slice3A_96, %get3A_104, %dot_general3A_105 {dimension_numbers = #tpu.dot_dimension_numbers<[1], [0], [0], [1], [0, 0, 1, 1], [], []>, transpose_lhs_hint = false} : vector<256x16xf32>, vector<16x128xf32>, vector<256x128xf32> -> vector<256x128xf32>
    %add3A_107 = arith.addf %dot_general3A_101, %dot_general3A_106 : vector<256x128xf32>
    %get3A_108 = arith.constant 0 : index
    %get3A_109 = vector.load %arg6[%get3A_108] : memref<128xf32, #tpu.memory_space<vmem>>, vector<128xf32>
    %broadcast_in_dim3A_110 = vector.shape_cast %get3A_109 : vector<128xf32> to vector<1x128xf32>
    %add3A_111 = vector.broadcast %broadcast_in_dim3A_110 : vector<1x128xf32> to vector<256x128xf32>
    %add3A_112 = arith.addf %add3A_107, %add3A_111 : vector<256x128xf32>
    %tanh3A_113 = math.tanh %add3A_112 : vector<256x128xf32>
    %swap3A_114 = arith.constant 3 : index
    %swap3A_115 = arith.constant 0 : index
    %swap3A_116 = arith.constant 0 : index
    %swap3A_117 = vector.load %arg7[%swap3A_114, %swap3A_115, %swap3A_116] : memref<8x256x128xf32, #tpu.memory_space<vmem>>, vector<1x256x128xf32>
    %swap3A_118 = vector.shape_cast %swap3A_117 : vector<1x256x128xf32> to vector<256x128xf32>
    %swap3A_119 = vector.shape_cast %tanh3A_113 : vector<256x128xf32> to vector<1x256x128xf32>
    tpu.vector_store %arg7[%swap3A_114, %swap3A_115, %swap3A_116], %swap3A_119 {strides = array<i32>} : memref<8x256x128xf32, #tpu.memory_space<vmem>>, vector<1x256x128xf32>,
    %slice3A_120 = vector.extract_strided_slice %get3A_1 {offsets = [0, 64], sizes = [256, 16], strides = [1, 1]} : vector<256x128xf32> to vector<256x16xf32>
    %slice3A_121 = vector.extract_strided_slice %div3A {offsets = [0, 64], sizes = [256, 16], strides = [1, 1]} : vector<256x128xf32> to vector<256x16xf32>
    %get3A_122 = arith.constant 0 : index
    %get3A_123 = arith.constant 0 : index
    %get3A_124 = vector.load %arg4[%get3A_122, %get3A_123] : memref<16x128xf32, #tpu.memory_space<vmem>>, vector<16x128xf32>
    %dot_general3A_125 = arith.constant dense<0.000000e+00> : vector<256x128xf32>
    %dot_general3A_126 = tpu.matmul %slice3A_120, %get3A_124, %dot_general3A_125 {dimension_numbers = #tpu.dot_dimension_numbers<[1], [0], [0], [1], [0, 0, 1, 1], [], []>, transpose_lhs_hint = false} : vector<256x16xf32>, vector<16x128xf32>, vector<256x128xf32> -> vector<256x128xf32>
    %get3A_127 = arith.constant 0 : index
    %get3A_128 = arith.constant 0 : index
    %get3A_129 = vector.load %arg5[%get3A_127, %get3A_128] : memref<16x128xf32, #tpu.memory_space<vmem>>, vector<16x128xf32>
    %dot_general3A_130 = arith.constant dense<0.000000e+00> : vector<256x128xf32>
    %dot_general3A_131 = tpu.matmul %slice3A_121, %get3A_129, %dot_general3A_130 {dimension_numbers = #tpu.dot_dimension_numbers<[1], [0], [0], [1], [0, 0, 1, 1], [], []>, transpose_lhs_hint = false} : vector<256x16xf32>, vector<16x128xf32>, vector<256x128xf32> -> vector<256x128xf32>
    %add3A_132 = arith.addf %dot_general3A_126, %dot_general3A_131 : vector<256x128xf32>
    %get3A_133 = arith.constant 0 : index
    %get3A_134 = vector.load %arg6[%get3A_133] : memref<128xf32, #tpu.memory_space<vmem>>, vector<128xf32>
    %broadcast_in_dim3A_135 = vector.shape_cast %get3A_134 : vector<128xf32> to vector<1x128xf32>
    %add3A_136 = vector.broadcast %broadcast_in_dim3A_135 : vector<1x128xf32> to vector<256x128xf32>
    %add3A_137 = arith.addf %add3A_132, %add3A_136 : vector<256x128xf32>
    %tanh3A_138 = math.tanh %add3A_137 : vector<256x128xf32>
    %swap3A_139 = arith.constant 4 : index
    %swap3A_140 = arith.constant 0 : index
    %swap3A_141 = arith.constant 0 : index
    %swap3A_142 = vector.load %arg7[%swap3A_139, %swap3A_140, %swap3A_141] : memref<8x256x128xf32, #tpu.memory_space<vmem>>, vector<1x256x128xf32>
    %swap3A_143 = vector.shape_cast %swap3A_142 : vector<1x256x128xf32> to vector<256x128xf32>
    %swap3A_144 = vector.shape_cast %tanh3A_138 : vector<256x128xf32> to vector<1x256x128xf32>
    tpu.vector_store %arg7[%swap3A_139, %swap3A_140, %swap3A_141], %swap3A_144 {strides = array<i32>} : memref<8x256x128xf32, #tpu.memory_space<vmem>>, vector<1x256x128xf32>,
    %slice3A_145 = vector.extract_strided_slice %get3A_1 {offsets = [0, 80], sizes = [256, 16], strides = [1, 1]} : vector<256x128xf32> to vector<256x16xf32>
    %slice3A_146 = vector.extract_strided_slice %div3A {offsets = [0, 80], sizes = [256, 16], strides = [1, 1]} : vector<256x128xf32> to vector<256x16xf32>
    %get3A_147 = arith.constant 0 : index
    %get3A_148 = arith.constant 0 : index
    %get3A_149 = vector.load %arg4[%get3A_147, %get3A_148] : memref<16x128xf32, #tpu.memory_space<vmem>>, vector<16x128xf32>
    %dot_general3A_150 = arith.constant dense<0.000000e+00> : vector<256x128xf32>
    %dot_general3A_151 = tpu.matmul %slice3A_145, %get3A_149, %dot_general3A_150 {dimension_numbers = #tpu.dot_dimension_numbers<[1], [0], [0], [1], [0, 0, 1, 1], [], []>, transpose_lhs_hint = false} : vector<256x16xf32>, vector<16x128xf32>, vector<256x128xf32> -> vector<256x128xf32>
    %get3A_152 = arith.constant 0 : index
    %get3A_153 = arith.constant 0 : index
    %get3A_154 = vector.load %arg5[%get3A_152, %get3A_153] : memref<16x128xf32, #tpu.memory_space<vmem>>, vector<16x128xf32>
    %dot_general3A_155 = arith.constant dense<0.000000e+00> : vector<256x128xf32>
    %dot_general3A_156 = tpu.matmul %slice3A_146, %get3A_154, %dot_general3A_155 {dimension_numbers = #tpu.dot_dimension_numbers<[1], [0], [0], [1], [0, 0, 1, 1], [], []>, transpose_lhs_hint = false} : vector<256x16xf32>, vector<16x128xf32>, vector<256x128xf32> -> vector<256x128xf32>
    %add3A_157 = arith.addf %dot_general3A_151, %dot_general3A_156 : vector<256x128xf32>
    %get3A_158 = arith.constant 0 : index
    %get3A_159 = vector.load %arg6[%get3A_158] : memref<128xf32, #tpu.memory_space<vmem>>, vector<128xf32>
    %broadcast_in_dim3A_160 = vector.shape_cast %get3A_159 : vector<128xf32> to vector<1x128xf32>
    %add3A_161 = vector.broadcast %broadcast_in_dim3A_160 : vector<1x128xf32> to vector<256x128xf32>
    %add3A_162 = arith.addf %add3A_157, %add3A_161 : vector<256x128xf32>
    %tanh3A_163 = math.tanh %add3A_162 : vector<256x128xf32>
    %swap3A_164 = arith.constant 5 : index
    %swap3A_165 = arith.constant 0 : index
    %swap3A_166 = arith.constant 0 : index
    %swap3A_167 = vector.load %arg7[%swap3A_164, %swap3A_165, %swap3A_166] : memref<8x256x128xf32, #tpu.memory_space<vmem>>, vector<1x256x128xf32>
    %swap3A_168 = vector.shape_cast %swap3A_167 : vector<1x256x128xf32> to vector<256x128xf32>
    %swap3A_169 = vector.shape_cast %tanh3A_163 : vector<256x128xf32> to vector<1x256x128xf32>
    tpu.vector_store %arg7[%swap3A_164, %swap3A_165, %swap3A_166], %swap3A_169 {strides = array<i32>} : memref<8x256x128xf32, #tpu.memory_space<vmem>>, vector<1x256x128xf32>,
    %slice3A_170 = vector.extract_strided_slice %get3A_1 {offsets = [0, 96], sizes = [256, 16], strides = [1, 1]} : vector<256x128xf32> to vector<256x16xf32>
    %slice3A_171 = vector.extract_strided_slice %div3A {offsets = [0, 96], sizes = [256, 16], strides = [1, 1]} : vector<256x128xf32> to vector<256x16xf32>
    %get3A_172 = arith.constant 0 : index
    %get3A_173 = arith.constant 0 : index
    %get3A_174 = vector.load %arg4[%get3A_172, %get3A_173] : memref<16x128xf32, #tpu.memory_space<vmem>>, vector<16x128xf32>
    %dot_general3A_175 = arith.constant dense<0.000000e+00> : vector<256x128xf32>
    %dot_general3A_176 = tpu.matmul %slice3A_170, %get3A_174, %dot_general3A_175 {dimension_numbers = #tpu.dot_dimension_numbers<[1], [0], [0], [1], [0, 0, 1, 1], [], []>, transpose_lhs_hint = false} : vector<256x16xf32>, vector<16x128xf32>, vector<256x128xf32> -> vector<256x128xf32>
    %get3A_177 = arith.constant 0 : index
    %get3A_178 = arith.constant 0 : index
    %get3A_179 = vector.load %arg5[%get3A_177, %get3A_178] : memref<16x128xf32, #tpu.memory_space<vmem>>, vector<16x128xf32>
    %dot_general3A_180 = arith.constant dense<0.000000e+00> : vector<256x128xf32>
    %dot_general3A_181 = tpu.matmul %slice3A_171, %get3A_179, %dot_general3A_180 {dimension_numbers = #tpu.dot_dimension_numbers<[1], [0], [0], [1], [0, 0, 1, 1], [], []>, transpose_lhs_hint = false} : vector<256x16xf32>, vector<16x128xf32>, vector<256x128xf32> -> vector<256x128xf32>
    %add3A_182 = arith.addf %dot_general3A_176, %dot_general3A_181 : vector<256x128xf32>
    %get3A_183 = arith.constant 0 : index
    %get3A_184 = vector.load %arg6[%get3A_183] : memref<128xf32, #tpu.memory_space<vmem>>, vector<128xf32>
    %broadcast_in_dim3A_185 = vector.shape_cast %get3A_184 : vector<128xf32> to vector<1x128xf32>
    %add3A_186 = vector.broadcast %broadcast_in_dim3A_185 : vector<1x128xf32> to vector<256x128xf32>
    %add3A_187 = arith.addf %add3A_182, %add3A_186 : vector<256x128xf32>
    %tanh3A_188 = math.tanh %add3A_187 : vector<256x128xf32>
    %swap3A_189 = arith.constant 6 : index
    %swap3A_190 = arith.constant 0 : index
    %swap3A_191 = arith.constant 0 : index
    %swap3A_192 = vector.load %arg7[%swap3A_189, %swap3A_190, %swap3A_191] : memref<8x256x128xf32, #tpu.memory_space<vmem>>, vector<1x256x128xf32>
    %swap3A_193 = vector.shape_cast %swap3A_192 : vector<1x256x128xf32> to vector<256x128xf32>
    %swap3A_194 = vector.shape_cast %tanh3A_188 : vector<256x128xf32> to vector<1x256x128xf32>
    tpu.vector_store %arg7[%swap3A_189, %swap3A_190, %swap3A_191], %swap3A_194 {strides = array<i32>} : memref<8x256x128xf32, #tpu.memory_space<vmem>>, vector<1x256x128xf32>,
    %slice3A_195 = vector.extract_strided_slice %get3A_1 {offsets = [0, 112], sizes = [256, 16], strides = [1, 1]} : vector<256x128xf32> to vector<256x16xf32>
    %slice3A_196 = vector.extract_strided_slice %div3A {offsets = [0, 112], sizes = [256, 16], strides = [1, 1]} : vector<256x128xf32> to vector<256x16xf32>
    %get3A_197 = arith.constant 0 : index
    %get3A_198 = arith.constant 0 : index
    %get3A_199 = vector.load %arg4[%get3A_197, %get3A_198] : memref<16x128xf32, #tpu.memory_space<vmem>>, vector<16x128xf32>
    %dot_general3A_200 = arith.constant dense<0.000000e+00> : vector<256x128xf32>
    %dot_general3A_201 = tpu.matmul %slice3A_195, %get3A_199, %dot_general3A_200 {dimension_numbers = #tpu.dot_dimension_numbers<[1], [0], [0], [1], [0, 0, 1, 1], [], []>, transpose_lhs_hint = false} : vector<256x16xf32>, vector<16x128xf32>, vector<256x128xf32> -> vector<256x128xf32>
    %get3A_202 = arith.constant 0 : index
    %get3A_203 = arith.constant 0 : index
    %get3A_204 = vector.load %arg5[%get3A_202, %get3A_203] : memref<16x128xf32, #tpu.memory_space<vmem>>, vector<16x128xf32>
    %dot_general3A_205 = arith.constant dense<0.000000e+00> : vector<256x128xf32>
    %dot_general3A_206 = tpu.matmul %slice3A_196, %get3A_204, %dot_general3A_205 {dimension_numbers = #tpu.dot_dimension_numbers<[1], [0], [0], [1], [0, 0, 1, 1], [], []>, transpose_lhs_hint = false} : vector<256x16xf32>, vector<16x128xf32>, vector<256x128xf32> -> vector<256x128xf32>
    %add3A_207 = arith.addf %dot_general3A_201, %dot_general3A_206 : vector<256x128xf32>
    %get3A_208 = arith.constant 0 : index
    %get3A_209 = vector.load %arg6[%get3A_208] : memref<128xf32, #tpu.memory_space<vmem>>, vector<128xf32>
    %broadcast_in_dim3A_210 = vector.shape_cast %get3A_209 : vector<128xf32> to vector<1x128xf32>
    %add3A_211 = vector.broadcast %broadcast_in_dim3A_210 : vector<1x128xf32> to vector<256x128xf32>
    %add3A_212 = arith.addf %add3A_207, %add3A_211 : vector<256x128xf32>
    %tanh3A_213 = math.tanh %add3A_212 : vector<256x128xf32>
    %swap3A_214 = arith.constant 7 : index
    %swap3A_215 = arith.constant 0 : index
    %swap3A_216 = arith.constant 0 : index
    %swap3A_217 = vector.load %arg7[%swap3A_214, %swap3A_215, %swap3A_216] : memref<8x256x128xf32, #tpu.memory_space<vmem>>, vector<1x256x128xf32>
    %swap3A_218 = vector.shape_cast %swap3A_217 : vector<1x256x128xf32> to vector<256x128xf32>
    %swap3A_219 = vector.shape_cast %tanh3A_213 : vector<256x128xf32> to vector<1x256x128xf32>
    tpu.vector_store %arg7[%swap3A_214, %swap3A_215, %swap3A_216], %swap3A_219 {strides = array<i32>} : memref<8x256x128xf32, #tpu.memory_space<vmem>>, vector<1x256x128xf32>,
    return
  }
  func.func @transform_0(%arg0: i32) -> (i32, i32) {
    %c0_i32 = arith.constant 0 : i32
    %c0_i32_0 = arith.constant 0 : i32
    return %arg0, %c0_i32 : i32, i32
  }
  func.func @transform_1(%arg0: i32) -> (i32, i32, i32) {
    %c0_i32 = arith.constant 0 : i32
    %c0_i32_0 = arith.constant 0 : i32
    %c0_i32_1 = arith.constant 0 : i32
    return %c0_i32, %arg0, %c0_i32_0 : i32, i32, i32
  }
  func.func @transform_2(%arg0: i32) -> (i32, i32, i32) {
    %c0_i32 = arith.constant 0 : i32
    %c0_i32_0 = arith.constant 0 : i32
    %c0_i32_1 = arith.constant 0 : i32
    return %c0_i32, %arg0, %c0_i32_0 : i32, i32, i32
  }
  func.func @transform_3(%arg0: i32) -> (i32, i32) {
    %c0_i32 = arith.constant 0 : i32
    %c0_i32_0 = arith.constant 0 : i32
    %c0_i32_1 = arith.constant 0 : i32
    return %c0_i32, %c0_i32_0 : i32, i32
  }
  func.func @transform_4(%arg0: i32) -> (i32, i32) {
    %c0_i32 = arith.constant 0 : i32
    %c0_i32_0 = arith.constant 0 : i32
    %c0_i32_1 = arith.constant 0 : i32
    return %c0_i32, %c0_i32_0 : i32, i32
  }
  func.func @transform_5(%arg0: i32) -> i32 {
    %c0_i32 = arith.constant 0 : i32
    %c0_i32_0 = arith.constant 0 : i32
    return %c0_i32 : i32
  }
  func.func @transform_6(%arg0: i32) -> (i32, i32, i32) {
    %c0_i32 = arith.constant 0 : i32
    %c0_i32_0 = arith.constant 0 : i32
    %c0_i32_1 = arith.constant 0 : i32
    return %c0_i32, %arg0, %c0_i32_0 : i32, i32, i32
  }
}

</mosaic_0001>

<sc_bundles>
// kernel: kernel.10.cloned.1.call-start
scs
__scs_entry_jumppad:
0x0: {  	(pc) =	sbr.rel $0x88, $3  }
0x1: {  	(tag) =	ssettag $0x0;
	lr =	simm.s32 $0x1  }
0x2: {  	[smem:$0x3F97] =	sst lr;
	_ =	strace $0xD0000000  }
0x3: {  	_ = 	snop  }
0x4: {  	_ = 	snop  }
0x5: {  	_ = 	snop  }
0x6: {  	_ = 	snop  }
0x7: {  	_ = 	snop  }
__scs_overlays_trampoline_lowered:
0x8: {  	[smem:$0x3FA6] =	sst s0  }
0x9: {  	[smem:$0x3FA7] =	sst s1  }
0xa: {  	[smem:$0x3FA8] =	sst s2  }
0xb: {  	[smem:$0x3FA9] =	sst s3  }
0xc: {  	[smem:$0x3FAA] =	sst s4  }
0xd: {  	[smem:$0x3FAB] =	sst s5  }
0xe: {  	[smem:$0x3FAC] =	sst s6  }
0xf: {  	[smem:$0x3FAD] =	sst s7  }
0x10: {  	[smem:$0x3FAE] =	sst s8  }
0x11: {  	[smem:$0x3FAF] =	sst s9;
	s0 =	simm.s32 @!p0 $0x0  }
0x12: {  	s1 =	sld [smem:$0x3F95];
	s0 =	simm.s32 @p0 $0x1  }
0x13: {  	[smem:$0x3FB0] =	sst s0;
	s0 =	simm.s32 @!p1 $0x0  }
0x14: {  	s2 =	sld [smem:$0x3F94];
	s0 =	simm.s32 @p1 $0x1  }
0x15: {  	[smem:$0x3FB1] =	sst s0;
	s0 =	simm.s32 @!p2 $0x0  }
0x16: {  	s3 =	sld [smem:$0x3FDB];
	s0 =	simm.s32 @p2 $0x1  }
0x17: {  	s4 =	simm.s32 $0x1BF5;
	[smem:$0x3FB3] =	sst s0  }
0x18: {  	s0 =	sld [smem:$0x3F96];
	_ =	swait.ge [sflag:s4], $0x0  }
0x19: {  	s7 =	sld [smem:$0x3F97]  }
0x1a: {  	s8 =	sadd.s32 $0xFFFFE003, lr  }
0x1b: {  	s9 =	sadd.s32 $0xFFFFFEF7, lr;
	s5 =	simm.s32 $0xFFFFFFFF;
	p2 =	slt.u32 s8, $0xFFFFF086  }
0x1c: {  	p1 =	slt.u32 s9, $0xF7A;
	s5 =	simm.s32 @!p2 $0x0  }
0x1d: {  	s5 =	simm.s32 @p1 $0x1;
	p0 =	seq.s32 s7, s2  }
0x1e: {  	s7 =	smul.u32 @!p0 $0xF7A, s2;
	p2 =	seq.s32 @!p0 s5, $0x0  }
0x1f: {  	s9 =	smul.u32 $0xF7A, s1;
	s8 =	simm.s32 @!p0 $0x1BF5;
	p2 =	por !p2, p0  }
0x20: {  	[sflag:s8] =	ssyncset.s32 @!p0 $0xFFFFF086;
	s6 =	sadd.s32 @!p0 s3, s7;
	s7 =	simm.s32 @!p0 $0x108  }
0x21: {  	s3 =	sadd.s32 s3, s9;
	s6 =	sadd.s32 @!p0 $0x88, s6;
	s7 =	simm.s32 @p2 $0x1082  }
0x22: {  	[simem:s7], [sflag:s8] =	dma.local @!p0 [hbm:s6], $0xF7A  }
0x23: {  	s9 =	sor.u32 $0xD0000000, s2;
	s6 =	simm.s32 $0x108;
	_ =	swait.ge @!p0 [sflag:s8], $0x0  }
0x24: {  	s3 =	sadd.s32 $0x88, s3;
	s6 =	simm.s32 @!p1 $0x1082;
	[sflag:s4] =	ssyncset.s32 $0xFFFFF086  }
0x25: {  	[simem:s6], [sflag:s4] =	dma.local [hbm:s3], $0xF7A  }
0x26: {  	[smem:$0x3F97] =	sst s1;
	(tag) =	ssettag s2;
	_ =	strace s9  }
0x27: {  	s1 =	sld [smem:$0x3FA7]  }
0x28: {  	s2 =	sld [smem:$0x3FA8]  }
0x29: {  	s4 =	sld [smem:$0x3FAA]  }
0x2a: {  	p0 =	seq.s32 s5, $0x0;
	s5 =	sld [smem:$0x3FAB]  }
0x2b: {  	s6 =	sld [smem:$0x3FAC]  }
0x2c: {  	s7 =	sld [smem:$0x3FAD]  }
0x2d: {  	s3 =	simm.s32 $0x108;
	s8 =	sld [smem:$0x3FAE]  }
0x2e: {  	s3 =	simm.s32 @!p0 $0x1082;
	s9 =	sld [smem:$0x3FAF]  }
0x2f: {  	lr =	sadd.s32 s0, s3;
	s0 =	sld [smem:$0x3FA6]  }
0x30: {  	s3 =	sld [smem:$0x3FA9]  }
0x31: {  	[smem:$0x3FB2] =	sst s10  }
0x32: {  	s10 =	sld [smem:$0x3FB0];
	_ =	sdelay $0x3  }
0x33: {  	p0 =	seq.s32 s10, $0x1;
	s10 =	sld [smem:$0x3FB2];
	_ =	sdelay $0x3  }
0x34: {  	[smem:$0x3FB2] =	sst s10  }
0x35: {  	s10 =	sld [smem:$0x3FB1];
	_ =	sdelay $0x3  }
0x36: {  	p1 =	seq.s32 s10, $0x1;
	s10 =	sld [smem:$0x3FB2];
	_ =	sdelay $0x3  }
0x37: {  	[smem:$0x3FB2] =	sst s10  }
0x38: {  	s10 =	sld [smem:$0x3FB3]  }
0x39: {  	_ = 	snop;
	(pc) =	sbr.ind lr, $3  }
0x3a: {  	_ = 	snop  }
0x3b: {  	_ = 	snop  }
0x3c: {  	p2 =	seq.s32 s10, $0x1;
	s10 =	sld [smem:$0x3FB2]  }
0x3d: {  	_ =	shalt  }
0x3e: {  	_ =	shalt  }
0x3f: {  	_ =	shalt  }
0x40: {  	_ =	shalt  }
0x41: {  	_ =	shalt  }
0x42: {  	_ =	shalt  }
0x43: {  	_ =	shalt  }
0x44: {  	_ =	shalt  }
0x45: {  	_ =	shalt  }
0x46: {  	_ =	shalt  }
0x47: {  	_ =	shalt  }
0x48: {  	_ =	shalt  }
0x49: {  	_ =	shalt  }
0x4a: {  	_ =	shalt  }
0x4b: {  	_ =	shalt  }
0x4c: {  	_ =	shalt  }
0x4d: {  	_ =	shalt  }
0x4e: {  	_ =	shalt  }
0x4f: {  	_ =	shalt  }
0x50: {  	_ =	shalt  }
0x51: {  	_ =	shalt  }
0x52: {  	_ =	shalt  }
0x53: {  	_ =	shalt  }
0x54: {  	_ =	shalt  }
0x55: {  	_ =	shalt  }
0x56: {  	_ =	shalt  }
0x57: {  	_ =	shalt  }
0x58: {  	_ =	shalt  }
0x59: {  	_ =	shalt  }
0x5a: {  	_ =	shalt  }
0x5b: {  	_ =	shalt  }
0x5c: {  	_ =	shalt  }
0x5d: {  	_ =	shalt  }
0x5e: {  	_ =	shalt  }
0x5f: {  	_ =	shalt  }
0x60: {  	_ =	shalt  }
0x61: {  	_ =	shalt  }
0x62: {  	_ =	shalt  }
0x63: {  	_ =	shalt  }
0x64: {  	_ =	shalt  }
0x65: {  	_ =	shalt  }
0x66: {  	_ =	shalt  }
0x67: {  	_ =	shalt  }
0x68: {  	_ =	shalt  }
0x69: {  	_ =	shalt  }
0x6a: {  	_ =	shalt  }
0x6b: {  	_ =	shalt  }
0x6c: {  	_ =	shalt  }
0x6d: {  	_ =	shalt  }
0x6e: {  	_ =	shalt  }
0x6f: {  	_ =	shalt  }
0x70: {  	_ =	shalt  }
0x71: {  	_ =	shalt  }
0x72: {  	_ =	shalt  }
0x73: {  	_ =	shalt  }
0x74: {  	_ =	shalt  }
0x75: {  	_ =	shalt  }
0x76: {  	_ =	shalt  }
0x77: {  	_ =	shalt  }
0x78: {  	_ =	shalt  }
0x79: {  	_ =	shalt  }
0x7a: {  	_ =	shalt  }
0x7b: {  	_ =	shalt  }
0x7c: {  	_ =	shalt  }
0x7d: {  	_ =	shalt  }
0x7e: {  	_ =	shalt  }
0x7f: {  	_ =	shalt  }
0x80: {  	_ =	shalt  }
0x81: {  	_ =	shalt  }
0x82: {  	_ =	shalt  }
0x83: {  	_ =	shalt  }
0x84: {  	_ =	shalt  }
0x85: {  	_ =	shalt  }
0x86: {  	_ =	shalt  }
0x87: {  	_ =	shalt  }
.Lfunc_end0:
.L_simem_size_0:
called_computation.1_lowered:
.L_overlay_start_0:
0x88: {  	s2 =	sld [smem:$0x3FD9]  }
0x89: {  	s3 =	sld [smem:$0x3FFE];
	_ =	sdelay $0x1  }
0x8a: {  	s1 =	srdreg.scid  }
0x8b: {  	s0 =	sand.u32 $0x1, s1  }
0x8c: {  	s17 =	sshll.u32 s0, $0xA;
	s2 =	sadd.s32 s3, s2  }
0x8d: {  	s2 =	sadd.s32 s2, s17  }
0x8e: {  	[smem:$0x3FBE] =	sst s2  }
0x8f: {  	_ = 	snop  }
0x90: {  	s2 =	sld [smem:$0x3FD0];
	(tm) =	ssettm $0x1  }
0x91: {  	s18 =	sld [smem:$0x3FFB];
	_ =	sdelay $0x3  }
0x92: {  	_ =	strace s18  }
0x93: {  	s3 =	sld [smem:$0x3FFC];
	_ =	sdelay $0x3  }
0x94: {  	_ =	strace s3  }
0x95: {  	s3 =	sld [smem:$0x3FFD];
	_ =	sdelay $0x3  }
0x96: {  	_ =	strace s3  }
0x97: {  	_ =	strace $0x8FFFFFFF  }
0x98: {  	s19 =	sld [smem:$0x3FDB];
	_ =	sdelay $0x1  }
0x99: {  	s4 =	simm.s32 $_scs_section_size  }
0x9a: {  	s5 =	simm.s32 $_size__tile_overlayer_lowered;
	s6 =	simm.s32 $_tile_overlayer_lowered  }
0x9b: {  	s22 =	simm.s32 $0x1BFF;
	s21 =	sshll.u32 s6, $0x1;
	s3 =	sadd.s32 s4, s19  }
0x9c: {  	s7 =	simm.s32 $0x0;
	s20 =	sshll.u32 s5, $0x1;
	s5 =	sadd.s32 s21, s3  }
0x9d: {  	[timem:s7], [sflag:s22] =	dma.local [hbm:s5], s20  }
0x9e: {  	_ =	swait.ge [sflag:s22], s20  }
0x9f: {  	s4 =	ssub.s32 $0x0, s20;
	[sflag:s22] =	ssyncset.done $0x0  }
0xa0: {  	[sflag:s22] =	ssyncadd.s32 s4;
	_ =	sdelay $0x1  }
0xa1: {  	s23 =	simm.s32 $0x1B8B  }
0xa2: {  	_ =	swait.ge [sflag:s23], $0x1  }
0xa3: {  	[sflag:s23] =	ssyncset.done $0x0  }
0xa4: {  	s25 =	simm.s32 $0x1B8E;
	s24 =	sld [smem:$0x3FFE];
	[sflag:s23] =	ssyncadd.s32 $0xFFFFFFFF  }
0xa5: {  	s26 =	simm.s32 $execute0_lowered;
	[smem:$0x3FD2] =	sst s25  }
0xa6: {  	s5 =	sshll.u32 s26, $0x1;
	_ =	strace $0x80000049;
	[dreg:$0x1] =	wrdreg $0xFFFFFFFF  }
0xa7: {  	s28 =	simm.s32 $_size_execute0_lowered;
	s3 =	sadd.s32 s3, s5;
	[dreg:$0x0] =	wrdreg $0x0  }
0xa8: {  	s5 =	sshll.u32 s28, $0x1;
	[dreg:$0x2] =	wrdreg s3  }
0xa9: {  	[dreg:$0x3] =	wrdreg s5  }
0xaa: {  	[dreg:$0x4] =	wrdreg $0xC0  }
0xab: {  	_ =	task [dreg:s7], $0x5FFFF  }
0xac: {  	[dreg:$0x1] =	wrdreg $0xFFFFFFFF  }
0xad: {  	[dreg:$0x0] =	wrdreg $0x60  }
0xae: {  	[dreg:$0x2] =	wrdreg s24  }
0xaf: {  	[dreg:$0x3] =	wrdreg s2  }
0xb0: {  	[dreg:$0x4] =	wrdreg $0x98000  }
0xb1: {  	[dreg:$0x5] =	wrdreg $0x9  }
0xb2: {  	_ =	task.clear_ibuf [dreg:s7], $0x6FFFF;
	_ =	strace $0x90000049  }
0xb3: {  	s29 =	simm.s32 $0x9;
	_ =	strace $0x8000004B  }
0xb4: {  	_ =	swait.ge [sflag:s29], $0x1  }
0xb5: {  	[sflag:s29] =	ssyncadd.s32 $0xFFFFFFFF  }
0xb6: {  	_ =	strace $0x9000004B  }
0xb7: {  	_ =	sfence  }
0xb8: {  	s30 =	sld [smem:$0x0];
	_ =	sdelay $0x2  }
0xb9: {  	s31 =	sshll.u32 s1, $0xD;
	s1 =	sshrl.u32 s1, $0x2  }
0xba: {  	s3 =	sand.u32 $0x4000, s31;
	s1 =	sadd.s32 s1, s30  }
0xbb: {  	s0 =	sor.u32 s3, s0;
	s1 =	sshll.u32 s1, $0x11  }
0xbc: {  	s0 =	sor.u32 s1, s0  }
0xbd: {  	s0 =	sadd.s32 $0x8F2B, s0  }
0xbe: {  	[sflag:s0] =	ssyncadd.remote.s32 $0x1  }
0xbf: {  	_ =	sfence.sel $0xFFFF  }
0xc0: {  	[dreg:$0x0] =	wrdreg $0xFFFFFFFF;
	(pc) =	sbr.abs _section_cstart, $3  }
0xc1: {  	[dreg:$0x1] =	wrdreg $0xFFFFFFFF  }
0xc2: {  	_ =	task.clear_ibuf [dreg:s7], $0x2FFFF;
	_ =	strace $0x9FFFFFFF  }
0xc3: {  	(tm) =	ssettm $0x7FFFFFFF  }
tec
execute0_lowered:
.L_overlay_start_1:
0x0: {  	(tag) =	ssettag $0x1  }
0x1: {  	s0 =	rddreg [dreg:$0x0]  }
0x2: {  	s1 =	srdreg.scid;
	s3 =	rddreg [dreg:$0x1]  }
0x3: {  	s9 =	stileid.u32;
	s2 =	rddreg [dreg:$0x2]  }
0x4: {  	s4 =	simm.s32 $0x0;
	s13 =	simm.s32 $0x5000;
	s26 =	simm.s32 $0x8000  }
0x5: {  	s28 =	simm.s32 $0x7800;
	s29 =	simm.s32 $0x1;
	s5 =	smul.u32 $0xA0, s9  }
0x6: {  	s30 =	simm.s32 $0x8800;
	s31 =	simm.s32 $0x2;
	s7 =	smul.u32 $0x2800, s9  }
0x7: {  	s15 =	simm.s32 $0x6;
	s1 =	sand.u32 $0x1, s1;
	s17 =	smul.u32 $0xA000, s9  }
0x8: {  	[smem:$0x7FF] =	sst s4;
	s4 =	sadd.s32 $0xCA00, s0;
	s6 =	smul.u32 $0x50, s1  }
0x9: {  	s8 =	smul.u32 $0x28000, s1;
	_ =	strace $0x8000004A;
	s1 =	ssub.s32 $0x2, s1  }
0xa: {  	[dreg:$0x4] =	wrdreg s26;
	s19 =	sshrl.u32 s1, $0x1;
	s5 =	sadd.s32 s6, s5  }
0xb: {  	s16 =	sadd.s32 s7, s8;
	s8 =	sshrl.u32 s17, $0x2;
	s1 =	ssub.s32 s1, s19  }
0xc: {  	s17 =	simm.s32 $0x80;
	s5 =	sshll.u32 s5, $0x4;
	s25 =	smax.u32 s1, $0x1  }
0xd: {  	s20 =	sadd.s32 s8, s2;
	s3 =	sadd.s32 s3, s5;
	[dreg:$0xd] =	wrdreg s25  }
0xe: {  	s19 =	simm.s32 $0x5800;
	s22 =	sadd.s32 $0x800, s20;
	[dreg:$0x5] =	wrdreg s3  }
0xf: {  	s6 =	sshrl.u32 s16, $0x3;
	s23 =	sadd.s32 $0x1000, s20;
	[dreg:$0x8] =	wrdreg s22  }
0x10: {  	s1 =	simm.s32 $0x4;
	s24 =	sadd.s32 $0x1800, s20;
	[dreg:$0x9] =	wrdreg s23  }
0x11: {  	s18 =	sadd.s32 s5, s0;
	s5 =	sadd.s32 s7, s2;
	[dreg:$0xa] =	wrdreg s24  }
0x12: {  	s0 =	sadd.s32 s6, s0;
	s21 =	sadd.s32 $0x2A00, s18;
	[dreg:$0x7] =	wrdreg s5  }
0x13: {  	s6 =	simm.s32 $0x11;
	s3 =	sadd.s32 $0x2000, s20;
	[dreg:$0x6] =	wrdreg s21  }
0x14: {  	s0 =	sadd.s32 $0x11A00, s0;
	s23 =	simm.s32 $0x6800;
	[dreg:$0xb] =	wrdreg s3  }
0x15: {  	v0 =	vimm.f32 $0.0e+00;
	s20 =	simm.s32 $0x8;
	[dreg:$0xc] =	wrdreg s0;
	s3 =	simm.s32 $0x0  }
.LBB2_1:
0x16: {  	[dreg:$0xe] =	wrdreg s3  }
0x17: {  	s0 =	simm.s32 $0x0;
	s25 =	rddreg [dreg:$0x5]  }
0x18: {  	[tilespmem:s0], [sflag:$0x11] =	stream.linear.gather [hbm4b:s25+s0], $0x2800, $0x38;
	[tilespmem:$0xC000] =	vst v63  }
0x19: {  	_ =	swait.ge [sflag:s6], $0x2800  }
0x1a: {  	[sflag:s6] =	ssyncset.done $0x0  }
0x1b: {  	s7 =	simm.s32 $0x2800;
	s26 =	rddreg [dreg:$0x6];
	[sflag:s6] =	ssyncadd.s32 $0xFFFFD800  }
0x1c: {  	[tilespmem:s7], [sflag:$0x11] =	stream.linear.gather [hbm4b:s26+s0], $0x2800, $0x38;
	[tilespmem:$0xC000] =	vst v63  }
0x1d: {  	_ =	swait.ge [sflag:s6], $0x2800  }
0x1e: {  	[sflag:s6] =	ssyncset.done $0x0  }
0x1f: {  	s8 =	simm.s32 $0x0;
	s0 =	simm.s32 $0x40;
	[sflag:s6] =	ssyncadd.s32 $0xFFFFD800  }
.LBB2_2:
0x20: {  	p0 =	sne.s32 s0, $0x1FC0;
	[tilespmem:s8+$0x9000] =	vst v0;
	s8 =	smov.u32 s0;
	s0 =	sadd.s32 $0x40, s0  }
.Ltmp0:
0x21: {  	(pc) =	sbr.rel @p0 .LBB2_2-.Ltmp0, $2  }
0x22: {  	_ =	sdelay $0x2  }
0x23: {  	s8 =	sshra.s32 s8, $0x2  }
0x24: {  	[tilespmem:s8+$0x9000] =	vst v0;
	s3 =	simm.s32 $0x9000  }
0x25: {  	[spmem:s5] =	stream.linear.scatter [tilespmem:s3], [sflag:$0x11], $0x800, $0x38;
	[tilespmem:$0xC000] =	vst v63  }
0x26: {  	_ =	swait.ge [sflag:s6], $0x800  }
0x27: {  	[sflag:s6] =	ssyncset.done $0x0  }
0x28: {  	s0 =	rddreg [dreg:$0x8];
	[sflag:s6] =	ssyncadd.s32 $0xFFFFF800  }
0x29: {  	[spmem:s0] =	stream.linear.scatter [tilespmem:s3], [sflag:$0x11], $0x800, $0x38;
	[tilespmem:$0xC000] =	vst v63  }
0x2a: {  	_ =	swait.ge [sflag:s6], $0x800  }
0x2b: {  	[sflag:s6] =	ssyncset.done $0x0  }
0x2c: {  	s25 =	rddreg [dreg:$0x9];
	[sflag:s6] =	ssyncadd.s32 $0xFFFFF800  }
0x2d: {  	[spmem:s25] =	stream.linear.scatter [tilespmem:s3], [sflag:$0x11], $0x800, $0x38;
	[tilespmem:$0xC000] =	vst v63  }
0x2e: {  	_ =	swait.ge [sflag:s6], $0x800  }
0x2f: {  	[sflag:s6] =	ssyncset.done $0x0  }
0x30: {  	s26 =	rddreg [dreg:$0xa];
	[sflag:s6] =	ssyncadd.s32 $0xFFFFF800  }
0x31: {  	[spmem:s26] =	stream.linear.scatter [tilespmem:s3], [sflag:$0x11], $0x800, $0x38;
	[tilespmem:$0xC000] =	vst v63  }
0x32: {  	_ =	swait.ge [sflag:s6], $0x800  }
0x33: {  	[sflag:s6] =	ssyncset.done $0x0  }
0x34: {  	s5 =	rddreg [dreg:$0xb];
	[sflag:s6] =	ssyncadd.s32 $0xFFFFF800  }
0x35: {  	[spmem:s5] =	stream.linear.scatter [tilespmem:s3], [sflag:$0x11], $0x800, $0x38;
	[tilespmem:$0xC000] =	vst v63  }
0x36: {  	_ =	swait.ge [sflag:s6], $0x800  }
0x37: {  	[sflag:s6] =	ssyncset.done $0x0  }
0x38: {  	[sflag:s6] =	ssyncadd.s32 $0xFFFFF800  }
0x39: {  	s7 =	simm.s32 $0x0;
	[bflag:$0x0] =	sbarrier.arrive $0xFFFF  }
0x3a: {  	[tilespmem:s13], [sflag:$0x1] =	stream.indirect.gather [hbm4b:s4+s17], $0x10, s7, s17, $0xb8;
	[tilespmem:$0xC000] =	vst v63  }
0x3b: {  	_ = 	snop  }
0x3c: {  	[tilespmem:s19], [sflag:$0x2] =	stream.indirect.gather [hbm4b:s4+s17], $0x10, s17, s17, $0xb8;
	[tilespmem:$0xC000] =	vst v63  }
0x3d: {  	s8 =	simm.s32 $0x100;
	s9 =	simm.s32 $0x6000  }
0x3e: {  	[tilespmem:s9], [sflag:$0x3] =	stream.indirect.gather [hbm4b:s4+s17], $0x10, s8, s17, $0xb8;
	[tilespmem:$0xC000] =	vst v63  }
0x3f: {  	s10 =	simm.s32 $0x180  }
0x40: {  	[tilespmem:s23], [sflag:$0x4] =	stream.indirect.gather [hbm4b:s4+s17], $0x10, s10, s17, $0xb8;
	[tilespmem:$0xC000] =	vst v63  }
0x41: {  	s11 =	simm.s32 $0x200;
	s12 =	simm.s32 $0x7000;
	p0 =	por $0x1, $0x1  }
0x42: {  	[tilespmem:s12], [sflag:$0x5] =	stream.indirect.gather [hbm4b:s4+s17], $0x10, s11, s17, $0xb8;
	[tilespmem:$0xC000] =	vst v63  }
0x43: {  	s14 =	simm.s32 $0x280;
	s0 =	simm.s32 @!p0 $0xF  }
0x44: {  	[tilespmem:s28], [sflag:$0x6] =	stream.indirect.gather [hbm4b:s4+s17], $0x10, s14, s17, $0xb8;
	[tilespmem:$0xC000] =	vst v63  }
0x45: {  	_ =	swait.ge @!p0 [sflag:s0], $0x800  }
0x46: {  	[sflag:s0] =	ssyncset.done @!p0 $0x0  }
0x47: {  	s18 =	simm.s32 $0x300;
	s16 =	rddreg [dreg:$0x4];
	[sflag:s0] =	ssyncadd.s32 @!p0 $0xFFFFF800  }
0x48: {  	[tilespmem:s16], [sflag:$0x7] =	stream.indirect.gather [hbm4b:s4+s17], $0x10, s18, s17, $0xb8;
	[tilespmem:$0xC000] =	vst v63  }
0x49: {  	_ =	swait.ge [sflag:s29], $0x800  }
0x4a: {  	[sflag:s29] =	ssyncset.done $0x0  }
0x4b: {  	s21 =	simm.s32 $0x2800;
	s8 =	simm.s32 @!p0 $0x10;
	[sflag:s29] =	ssyncadd.s32 $0xFFFFF800  }
0x4c: {  	[spmem:s2] =	stream.indirect.scatter.add.f32 [tilespmem:s13], [sflag:$0x9], $0x10, s21, s17, $0xb8;
	[tilespmem:$0xC000] =	vst v63  }
0x4d: {  	_ =	swait.ge @!p0 [sflag:s8], $0x800  }
0x4e: {  	[sflag:s8] =	ssyncset.done @!p0 $0x0  }
0x4f: {  	s22 =	simm.s32 $0x380;
	[sflag:s8] =	ssyncadd.s32 @!p0 $0xFFFFF800  }
0x50: {  	[tilespmem:s30], [sflag:$0x8] =	stream.indirect.gather [hbm4b:s4+s17], $0x10, s22, s17, $0xb8;
	[tilespmem:$0xC000] =	vst v63  }
0x51: {  	_ =	swait.ge [sflag:s31], $0x800  }
0x52: {  	p0 =	por $0x0, $0x0;
	[sflag:s31] =	ssyncset.done $0x0  }
0x53: {  	s24 =	simm.s32 $0x2880;
	s8 =	simm.s32 @p0 $0x3;
	[sflag:s31] =	ssyncadd.s32 $0xFFFFF800  }
0x54: {  	[spmem:s2] =	stream.indirect.scatter.add.f32 [tilespmem:s19], [sflag:$0xA], $0x10, s24, s17, $0xb8;
	[tilespmem:$0xC000] =	vst v63  }
0x55: {  	_ =	swait.ge @p0 [sflag:s8], $0x800  }
0x56: {  	s0 =	simm.s32 @p0 $0x2900;
	s9 =	simm.s32 @p0 $0x80;
	[sflag:s8] =	ssyncset.done @p0 $0x0  }
0x57: {  	s10 =	simm.s32 @p0 $0x6000;
	s11 =	simm.s32 @!p0 $0x9;
	[sflag:s8] =	ssyncadd.s32 @p0 $0xFFFFF800  }
0x58: {  	[spmem:s2] =	stream.indirect.scatter.add.f32 @p0 [tilespmem:s10], [sflag:$0xB], $0x10, s0, s9, $0xb8;
	[tilespmem:$0xC000] =	vst v63  }
0x59: {  	_ =	swait.ge @!p0 [sflag:s11], $0x800  }
0x5a: {  	s8 =	simm.s32 @!p0 $0x80;
	s0 =	simm.s32 @!p0 $0x400;
	[sflag:s11] =	ssyncset.done @!p0 $0x0  }
0x5b: {  	s10 =	simm.s32 @!p0 $0x5000;
	[sflag:s11] =	ssyncadd.s32 @!p0 $0xFFFFF800;
	s11 =	simm.s32 @!p0 $0x3  }
0x5c: {  	[tilespmem:s10], [sflag:$0x1] =	stream.indirect.gather @!p0 [hbm4b:s4+s8], $0x10, s0, s8, $0xb8;
	[tilespmem:$0xC000] =	vst v63  }
0x5d: {  	_ =	swait.ge @!p0 [sflag:s11], $0x800  }
0x5e: {  	s0 =	simm.s32 @!p0 $0x2900;
	[sflag:s11] =	ssyncset.done @!p0 $0x0  }
0x5f: {  	s10 =	simm.s32 @!p0 $0x6000;
	[sflag:s11] =	ssyncadd.s32 @!p0 $0xFFFFF800;
	s11 =	simm.s32 @!p0 $0xA  }
0x60: {  	[spmem:s2] =	stream.indirect.scatter.add.f32 @!p0 [tilespmem:s10], [sflag:$0xB], $0x10, s0, s8, $0xb8;
	[tilespmem:$0xC000] =	vst v63  }
0x61: {  	_ =	swait.ge @!p0 [sflag:s11], $0x800  }
0x62: {  	[sflag:s11] =	ssyncset.done @!p0 $0x0  }
0x63: {  	s0 =	simm.s32 @!p0 $0x480;
	[sflag:s11] =	ssyncadd.s32 @!p0 $0xFFFFF800;
	s11 =	simm.s32 @!p0 $0x5800  }
0x64: {  	[tilespmem:s11], [sflag:$0x2] =	stream.indirect.gather @!p0 [hbm4b:s4+s8], $0x10, s0, s8, $0xb8;
	[tilespmem:$0xC000] =	vst v63  }
0x65: {  	_ =	swait.ge [sflag:s1], $0x800  }
0x66: {  	[sflag:s1] =	ssyncset.done $0x0  }
0x67: {  	s25 =	simm.s32 $0x2980;
	s11 =	simm.s32 @p0 $0x5;
	[sflag:s1] =	ssyncadd.s32 $0xFFFFF800  }
0x68: {  	[spmem:s2] =	stream.indirect.scatter.add.f32 [tilespmem:s23], [sflag:$0xC], $0x10, s25, s17, $0xb8;
	[tilespmem:$0xC000] =	vst v63  }
0x69: {  	_ =	swait.ge @p0 [sflag:s11], $0x800  }
0x6a: {  	[sflag:s11] =	ssyncset.done @p0 $0x0  }
0x6b: {  	s0 =	simm.s32 @p0 $0x2A00;
	[sflag:s11] =	ssyncadd.s32 @p0 $0xFFFFF800;
	s11 =	simm.s32 @p0 $0x7000  }
0x6c: {  	[spmem:s2] =	stream.indirect.scatter.add.f32 @p0 [tilespmem:s11], [sflag:$0xD], $0x10, s0, s9, $0xb8;
	[tilespmem:$0xC000] =	vst v63  }
0x6d: {  	s0 =	simm.s32 @!p0 $0xB  }
0x6e: {  	_ =	swait.ge @!p0 [sflag:s0], $0x800  }
0x6f: {  	[sflag:s0] =	ssyncset.done @!p0 $0x0  }
0x70: {  	s11 =	simm.s32 @!p0 $0x500;
	[sflag:s0] =	ssyncadd.s32 @!p0 $0xFFFFF800;
	s0 =	simm.s32 @!p0 $0x5  }
0x71: {  	[tilespmem:s10], [sflag:$0x3] =	stream.indirect.gather @!p0 [hbm4b:s4+s8], $0x10, s11, s8, $0xb8;
	[tilespmem:$0xC000] =	vst v63  }
0x72: {  	_ =	swait.ge @!p0 [sflag:s0], $0x800  }
0x73: {  	s10 =	simm.s32 @!p0 $0x2A00;
	[sflag:s0] =	ssyncset.done @!p0 $0x0  }
0x74: {  	s11 =	simm.s32 @!p0 $0x7000;
	[sflag:s0] =	ssyncadd.s32 @!p0 $0xFFFFF800;
	s0 =	simm.s32 @!p0 $0xC  }
0x75: {  	[spmem:s2] =	stream.indirect.scatter.add.f32 @!p0 [tilespmem:s11], [sflag:$0xD], $0x10, s10, s8, $0xb8;
	[tilespmem:$0xC000] =	vst v63  }
0x76: {  	_ =	swait.ge @!p0 [sflag:s0], $0x800  }
0x77: {  	[sflag:s0] =	ssyncset.done @!p0 $0x0  }
0x78: {  	s10 =	simm.s32 @!p0 $0x580;
	[sflag:s0] =	ssyncadd.s32 @!p0 $0xFFFFF800;
	s0 =	simm.s32 @!p0 $0x6800  }
0x79: {  	[tilespmem:s0], [sflag:$0x4] =	stream.indirect.gather @!p0 [hbm4b:s4+s8], $0x10, s10, s8, $0xb8;
	[tilespmem:$0xC000] =	vst v63  }
0x7a: {  	_ =	swait.ge [sflag:s15], $0x800  }
0x7b: {  	[sflag:s15] =	ssyncset.done $0x0  }
0x7c: {  	s26 =	simm.s32 $0x2A80;
	s10 =	simm.s32 @p0 $0x7;
	[sflag:s15] =	ssyncadd.s32 $0xFFFFF800  }
0x7d: {  	[spmem:s2] =	stream.indirect.scatter.add.f32 [tilespmem:s28], [sflag:$0xE], $0x10, s26, s17, $0xb8;
	[tilespmem:$0xC000] =	vst v63  }
0x7e: {  	_ =	swait.ge @p0 [sflag:s10], $0x800  }
0x7f: {  	[sflag:s10] =	ssyncset.done @p0 $0x0  }
0x80: {  	s0 =	simm.s32 @p0 $0x2B00;
	[sflag:s10] =	ssyncadd.s32 @p0 $0xFFFFF800;
	s10 =	simm.s32 @p0 $0x8000  }
0x81: {  	[spmem:s2] =	stream.indirect.scatter.add.f32 @p0 [tilespmem:s10], [sflag:$0xF], $0x10, s0, s9, $0xb8;
	[tilespmem:$0xC000] =	vst v63  }
0x82: {  	s0 =	simm.s32 @!p0 $0xD  }
0x83: {  	_ =	swait.ge @!p0 [sflag:s0], $0x800  }
0x84: {  	[sflag:s0] =	ssyncset.done @!p0 $0x0  }
0x85: {  	[sflag:s0] =	ssyncadd.s32 @!p0 $0xFFFFF800;
	s0 =	simm.s32 @!p0 $0x600  }
0x86: {  	[tilespmem:s11], [sflag:$0x5] =	stream.indirect.gather @!p0 [hbm4b:s4+s8], $0x10, s0, s8, $0xb8;
	[tilespmem:$0xC000] =	vst v63  }
0x87: {  	s0 =	simm.s32 @!p0 $0x7  }
0x88: {  	_ =	swait.ge @!p0 [sflag:s0], $0x800  }
0x89: {  	[sflag:s0] =	ssyncset.done @!p0 $0x0  }
0x8a: {  	s9 =	simm.s32 @!p0 $0x2B00;
	[sflag:s0] =	ssyncadd.s32 @!p0 $0xFFFFF800;
	s0 =	simm.s32 @!p0 $0x8000  }
0x8b: {  	[spmem:s2] =	stream.indirect.scatter.add.f32 @!p0 [tilespmem:s0], [sflag:$0xF], $0x10, s9, s8, $0xb8;
	[tilespmem:$0xC000] =	vst v63  }
0x8c: {  	s0 =	simm.s32 @!p0 $0xE  }
0x8d: {  	_ =	swait.ge @!p0 [sflag:s0], $0x800  }
0x8e: {  	p1 =	por $0x0, $0x0;
	s10 =	simm.s32 $0x1000;
	[sflag:s0] =	ssyncset.done @!p0 $0x0  }
0x8f: {  	s9 =	simm.s32 @!p0 $0x680;
	[sflag:s0] =	ssyncadd.s32 @!p0 $0xFFFFF800;
	s0 =	simm.s32 @!p0 $0x7800  }
0x90: {  	[tilespmem:s0], [sflag:$0x6] =	stream.indirect.gather @!p0 [hbm4b:s4+s8], $0x10, s9, s8, $0xb8;
	[tilespmem:$0xC000] =	vst v63  }
0x91: {  	s8 =	simm.s32 $0x2000;
	s9 =	simm.s32 $0x2B80;
	_ =	swait.ge [sflag:s20], $0x800  }
.LBB2_4:
0x92: {  	[sflag:s20] =	ssyncset.done $0x0  }
0x93: {  	s0 =	simm.s32 @!p1 $0xF;
	[sflag:s20] =	ssyncadd.s32 $0xFFFFF800  }
0x94: {  	[spmem:s2] =	stream.indirect.scatter.add.f32 [tilespmem:s30], [sflag:$0x10], $0x10, s9, s17, $0xb8;
	[tilespmem:$0xC000] =	vst v63  }
0x95: {  	_ =	swait.ge @!p1 [sflag:s0], $0x800  }
0x96: {  	s11 =	sshra.s32 s10, $0x2;
	[sflag:s0] =	ssyncset.done @!p1 $0x0  }
0x97: {  	s6 =	sadd.s32 $0x300, s11;
	s12 =	rddreg [dreg:$0x4];
	[sflag:s0] =	ssyncadd.s32 @!p1 $0xFFFFF800  }
0x98: {  	[tilespmem:s12], [sflag:$0x7] =	stream.indirect.gather [hbm4b:s4+s17], $0x10, s6, s17, $0xb8;
	[tilespmem:$0xC000] =	vst v63  }
0x99: {  	_ =	swait.ge [sflag:s29], $0x800  }
0x9a: {  	[sflag:s29] =	ssyncset.done $0x0  }
0x9b: {  	s7 =	sadd.s32 $0x2800, s11;
	s12 =	simm.s32 @!p1 $0x10;
	[sflag:s29] =	ssyncadd.s32 $0xFFFFF800  }
0x9c: {  	[spmem:s2] =	stream.indirect.scatter.add.f32 [tilespmem:s13], [sflag:$0x9], $0x10, s7, s17, $0xb8;
	[tilespmem:$0xC000] =	vst v63  }
0x9d: {  	_ =	swait.ge @!p1 [sflag:s12], $0x800  }
0x9e: {  	[sflag:s12] =	ssyncset.done @!p1 $0x0  }
0x9f: {  	s14 =	sadd.s32 $0x380, s11;
	[sflag:s12] =	ssyncadd.s32 @!p1 $0xFFFFF800  }
0xa0: {  	[tilespmem:s30], [sflag:$0x8] =	stream.indirect.gather [hbm4b:s4+s17], $0x10, s14, s17, $0xb8;
	[tilespmem:$0xC000] =	vst v63  }
0xa1: {  	_ =	swait.ge [sflag:s31], $0x800  }
0xa2: {  	p1 =	seq.s32 s10, $0x9000;
	[sflag:s31] =	ssyncset.done $0x0  }
0xa3: {  	s16 =	sadd.s32 $0x2880, s11;
	s12 =	simm.s32 @p1 $0x3;
	[sflag:s31] =	ssyncadd.s32 $0xFFFFF800  }
0xa4: {  	[spmem:s2] =	stream.indirect.scatter.add.f32 [tilespmem:s19], [sflag:$0xA], $0x10, s16, s17, $0xb8;
	[tilespmem:$0xC000] =	vst v63  }
0xa5: {  	s22 =	sshra.s32 @p1 s10, $0x2;
	_ =	swait.ge @p1 [sflag:s12], $0x800  }
0xa6: {  	s13 =	simm.s32 @p1 $0x80;
	s24 =	simm.s32 @p1 $0x6000;
	[sflag:s12] =	ssyncset.done @p1 $0x0  }
0xa7: {  	s25 =	simm.s32 @!p1 $0x9;
	s0 =	sadd.s32 @p1 $0x2900, s22;
	[sflag:s12] =	ssyncadd.s32 @p1 $0xFFFFF800  }
0xa8: {  	[spmem:s2] =	stream.indirect.scatter.add.f32 @p1 [tilespmem:s24], [sflag:$0xB], $0x10, s0, s13, $0xb8;
	[tilespmem:$0xC000] =	vst v63  }
0xa9: {  	s10 =	sshra.s32 @!p1 s10, $0x2;
	_ =	swait.ge @!p1 [sflag:s25], $0x800  }
0xaa: {  	s26 =	sadd.s32 @!p1 $0x400, s10;
	s12 =	simm.s32 @!p1 $0x80;
	[sflag:s25] =	ssyncset.done @!p1 $0x0  }
0xab: {  	s0 =	simm.s32 @!p1 $0x5000;
	[sflag:s25] =	ssyncadd.s32 @!p1 $0xFFFFF800;
	s25 =	simm.s32 @!p1 $0x3  }
0xac: {  	[tilespmem:s0], [sflag:$0x1] =	stream.indirect.gather @!p1 [hbm4b:s4+s12], $0x10, s26, s12, $0xb8;
	[tilespmem:$0xC000] =	vst v63  }
0xad: {  	_ =	swait.ge @!p1 [sflag:s25], $0x800  }
0xae: {  	s6 =	simm.s32 @!p1 $0x6000;
	[sflag:s25] =	ssyncset.done @!p1 $0x0  }
0xaf: {  	s14 =	simm.s32 @!p1 $0xA;
	s24 =	sadd.s32 @!p1 $0x2900, s10;
	[sflag:s25] =	ssyncadd.s32 @!p1 $0xFFFFF800  }
0xb0: {  	[spmem:s2] =	stream.indirect.scatter.add.f32 @!p1 [tilespmem:s6], [sflag:$0xB], $0x10, s24, s12, $0xb8;
	[tilespmem:$0xC000] =	vst v63  }
0xb1: {  	_ =	swait.ge @!p1 [sflag:s14], $0x800  }
0xb2: {  	[sflag:s14] =	ssyncset.done @!p1 $0x0  }
0xb3: {  	s18 =	simm.s32 @!p1 $0x5800;
	s3 =	sadd.s32 @!p1 $0x480, s10;
	[sflag:s14] =	ssyncadd.s32 @!p1 $0xFFFFF800  }
0xb4: {  	[tilespmem:s18], [sflag:$0x2] =	stream.indirect.gather @!p1 [hbm4b:s4+s12], $0x10, s3, s12, $0xb8;
	[tilespmem:$0xC000] =	vst v63  }
0xb5: {  	_ =	swait.ge [sflag:s1], $0x800  }
0xb6: {  	[sflag:s1] =	ssyncset.done $0x0  }
0xb7: {  	s14 =	simm.s32 @p1 $0x5;
	s18 =	sadd.s32 $0x2980, s11;
	[sflag:s1] =	ssyncadd.s32 $0xFFFFF800  }
0xb8: {  	[spmem:s2] =	stream.indirect.scatter.add.f32 [tilespmem:s23], [sflag:$0xC], $0x10, s18, s17, $0xb8;
	[tilespmem:$0xC000] =	vst v63  }
0xb9: {  	_ =	swait.ge @p1 [sflag:s14], $0x800  }
0xba: {  	s5 =	sadd.s32 @p1 $0x2A00, s22;
	[sflag:s14] =	ssyncset.done @p1 $0x0  }
0xbb: {  	s3 =	simm.s32 @p1 $0x7000;
	[sflag:s14] =	ssyncadd.s32 @p1 $0xFFFFF800;
	s14 =	simm.s32 @!p1 $0xB  }
0xbc: {  	[spmem:s2] =	stream.indirect.scatter.add.f32 @p1 [tilespmem:s3], [sflag:$0xD], $0x10, s5, s13, $0xb8;
	[tilespmem:$0xC000] =	vst v63  }
0xbd: {  	_ =	swait.ge @!p1 [sflag:s14], $0x800  }
0xbe: {  	[sflag:s14] =	ssyncset.done @!p1 $0x0  }
0xbf: {  	s7 =	sadd.s32 @!p1 $0x500, s10;
	s3 =	simm.s32 @!p1 $0x5;
	[sflag:s14] =	ssyncadd.s32 @!p1 $0xFFFFF800  }
0xc0: {  	[tilespmem:s6], [sflag:$0x3] =	stream.indirect.gather @!p1 [hbm4b:s4+s12], $0x10, s7, s12, $0xb8;
	[tilespmem:$0xC000] =	vst v63  }
0xc1: {  	_ =	swait.ge @!p1 [sflag:s3], $0x800  }
0xc2: {  	s16 =	sadd.s32 @!p1 $0x2A00, s10;
	[sflag:s3] =	ssyncset.done @!p1 $0x0  }
0xc3: {  	s5 =	simm.s32 @!p1 $0x7000;
	[sflag:s3] =	ssyncadd.s32 @!p1 $0xFFFFF800;
	s3 =	simm.s32 @!p1 $0xC  }
0xc4: {  	[spmem:s2] =	stream.indirect.scatter.add.f32 @!p1 [tilespmem:s5], [sflag:$0xD], $0x10, s16, s12, $0xb8;
	[tilespmem:$0xC000] =	vst v63  }
0xc5: {  	_ =	swait.ge @!p1 [sflag:s3], $0x800  }
0xc6: {  	s21 =	smov.u32 s8;
	s0 =	sadd.s32 @!p1 $0x580, s10;
	[sflag:s3] =	ssyncset.done @!p1 $0x0  }
0xc7: {  	s26 =	sadd.s32 @p1 $0x2B00, s22;
	s6 =	simm.s32 @!p1 $0x6800;
	[sflag:s3] =	ssyncadd.s32 @!p1 $0xFFFFF800  }
0xc8: {  	[tilespmem:s6], [sflag:$0x4] =	stream.indirect.gather @!p1 [hbm4b:s4+s12], $0x10, s0, s12, $0xb8;
	[tilespmem:$0xC000] =	vst v63  }
0xc9: {  	s22 =	sadd.s32 @!p1 $0x680, s10;
	s25 =	sadd.s32 @!p1 $0x600, s10;
	_ =	swait.ge [sflag:s15], $0x800  }
0xca: {  	s24 =	sadd.s32 @!p1 $0x2B00, s10;
	s10 =	smov.u32 s21;
	[sflag:s15] =	ssyncset.done $0x0  }
0xcb: {  	s21 =	sadd.s32 $0x2A80, s11;
	s3 =	simm.s32 @p1 $0x7;
	[sflag:s15] =	ssyncadd.s32 $0xFFFFF800  }
0xcc: {  	[spmem:s2] =	stream.indirect.scatter.add.f32 [tilespmem:s28], [sflag:$0xE], $0x10, s21, s17, $0xb8;
	[tilespmem:$0xC000] =	vst v63  }
0xcd: {  	_ =	swait.ge @p1 [sflag:s3], $0x800  }
0xce: {  	[sflag:s3] =	ssyncset.done @p1 $0x0  }
0xcf: {  	s0 =	simm.s32 @p1 $0x8000;
	[sflag:s3] =	ssyncadd.s32 @p1 $0xFFFFF800;
	s3 =	simm.s32 @!p1 $0xD  }
0xd0: {  	[spmem:s2] =	stream.indirect.scatter.add.f32 @p1 [tilespmem:s0], [sflag:$0xF], $0x10, s26, s13, $0xb8;
	[tilespmem:$0xC000] =	vst v63  }
0xd1: {  	_ =	swait.ge @!p1 [sflag:s3], $0x800  }
0xd2: {  	[sflag:s3] =	ssyncset.done @!p1 $0x0  }
0xd3: {  	s0 =	simm.s32 @!p1 $0x7;
	[sflag:s3] =	ssyncadd.s32 @!p1 $0xFFFFF800  }
0xd4: {  	[tilespmem:s5], [sflag:$0x5] =	stream.indirect.gather @!p1 [hbm4b:s4+s12], $0x10, s25, s12, $0xb8;
	[tilespmem:$0xC000] =	vst v63  }
0xd5: {  	s8 =	sadd.s32 $0x1000, s8;
	_ =	swait.ge @!p1 [sflag:s0], $0x800  }
0xd6: {  	p0 =	sne.s32 s8, $0xA000;
	[sflag:s0] =	ssyncset.done @!p1 $0x0  }
0xd7: {  	s3 =	simm.s32 @!p1 $0x8000;
	[sflag:s0] =	ssyncadd.s32 @!p1 $0xFFFFF800;
	s0 =	simm.s32 @!p1 $0xE  }
0xd8: {  	[spmem:s2] =	stream.indirect.scatter.add.f32 @!p1 [tilespmem:s3], [sflag:$0xF], $0x10, s24, s12, $0xb8;
	[tilespmem:$0xC000] =	vst v63  }
.Ltmp1:
0xd9: {  	_ =	swait.ge @!p1 [sflag:s0], $0x800;
	(pc) =	sbr.rel @p0 .LBB2_4-.Ltmp1, $4  }
0xda: {  	[sflag:s0] =	ssyncset.done @!p1 $0x0  }
0xdb: {  	s9 =	sadd.s32 $0x2B80, s11;
	s3 =	simm.s32 @!p1 $0x7800;
	[sflag:s0] =	ssyncadd.s32 @!p1 $0xFFFFF800  }
0xdc: {  	[tilespmem:s3], [sflag:$0x6] =	stream.indirect.gather @!p1 [hbm4b:s4+s12], $0x10, s22, s12, $0xb8;
	[tilespmem:$0xC000] =	vst v63  }
0xdd: {  	s13 =	simm.s32 $0x5000;
	p1 =	seq.s32 s10, $0x0;
	_ =	swait.ge [sflag:s20], $0x800  }
0xde: {  	[sflag:s20] =	ssyncset.done $0x0  }
0xdf: {  	s0 =	simm.s32 @!p1 $0xF;
	[sflag:s20] =	ssyncadd.s32 $0xFFFFF800  }
0xe0: {  	[spmem:s2] =	stream.indirect.scatter.add.f32 [tilespmem:s30], [sflag:$0x10], $0x10, s9, s17, $0xb8;
	[tilespmem:$0xC000] =	vst v63  }
0xe1: {  	_ =	swait.ge @!p1 [sflag:s0], $0x800  }
0xe2: {  	s8 =	sshra.s32 s10, $0x2;
	[sflag:s0] =	ssyncset.done @!p1 $0x0  }
0xe3: {  	s24 =	sadd.s32 $0x300, s8;
	s3 =	rddreg [dreg:$0x4];
	[sflag:s0] =	ssyncadd.s32 @!p1 $0xFFFFF800  }
0xe4: {  	[tilespmem:s3], [sflag:$0x7] =	stream.indirect.gather [hbm4b:s4+s17], $0x10, s24, s17, $0xb8;
	[tilespmem:$0xC000] =	vst v63  }
0xe5: {  	_ =	swait.ge [sflag:s29], $0x800  }
0xe6: {  	[sflag:s29] =	ssyncset.done $0x0  }
0xe7: {  	s25 =	sadd.s32 $0x2800, s8;
	s3 =	simm.s32 @!p1 $0x10;
	[sflag:s29] =	ssyncadd.s32 $0xFFFFF800  }
0xe8: {  	[spmem:s2] =	stream.indirect.scatter.add.f32 [tilespmem:s13], [sflag:$0x9], $0x10, s25, s17, $0xb8;
	[tilespmem:$0xC000] =	vst v63  }
0xe9: {  	_ =	swait.ge @!p1 [sflag:s3], $0x800  }
0xea: {  	[sflag:s3] =	ssyncset.done @!p1 $0x0  }
0xeb: {  	s26 =	sadd.s32 $0x380, s8;
	[sflag:s3] =	ssyncadd.s32 @!p1 $0xFFFFF800  }
0xec: {  	[tilespmem:s30], [sflag:$0x8] =	stream.indirect.gather [hbm4b:s4+s17], $0x10, s26, s17, $0xb8;
	[tilespmem:$0xC000] =	vst v63  }
0xed: {  	_ =	swait.ge [sflag:s31], $0x800  }
0xee: {  	p0 =	seq.s32 s10, $0x9000;
	[sflag:s31] =	ssyncset.done $0x0  }
0xef: {  	s5 =	sadd.s32 $0x2880, s8;
	s3 =	simm.s32 @p0 $0x3;
	[sflag:s31] =	ssyncadd.s32 $0xFFFFF800  }
0xf0: {  	[spmem:s2] =	stream.indirect.scatter.add.f32 [tilespmem:s19], [sflag:$0xA], $0x10, s5, s17, $0xb8;
	[tilespmem:$0xC000] =	vst v63  }
0xf1: {  	s11 =	sshra.s32 @p0 s10, $0x2;
	_ =	swait.ge @p0 [sflag:s3], $0x800  }
0xf2: {  	s12 =	simm.s32 @p0 $0x80;
	s0 =	sadd.s32 @p0 $0x2900, s11;
	[sflag:s3] =	ssyncset.done @p0 $0x0  }
0xf3: {  	s5 =	simm.s32 @p0 $0x6000;
	[sflag:s3] =	ssyncadd.s32 @p0 $0xFFFFF800;
	s3 =	simm.s32 @!p0 $0x9  }
0xf4: {  	[spmem:s2] =	stream.indirect.scatter.add.f32 @p0 [tilespmem:s5], [sflag:$0xB], $0x10, s0, s12, $0xb8;
	[tilespmem:$0xC000] =	vst v63  }
0xf5: {  	s9 =	sshra.s32 @!p0 s10, $0x2;
	_ =	swait.ge @!p0 [sflag:s3], $0x800  }
0xf6: {  	s10 =	simm.s32 @!p0 $0x80;
	s0 =	sadd.s32 @!p0 $0x400, s9;
	[sflag:s3] =	ssyncset.done @!p0 $0x0  }
0xf7: {  	s5 =	simm.s32 @!p0 $0x5000;
	[sflag:s3] =	ssyncadd.s32 @!p0 $0xFFFFF800;
	s3 =	simm.s32 @!p0 $0x3  }
0xf8: {  	[tilespmem:s5], [sflag:$0x1] =	stream.indirect.gather @!p0 [hbm4b:s4+s10], $0x10, s0, s10, $0xb8;
	[tilespmem:$0xC000] =	vst v63  }
0xf9: {  	_ =	swait.ge @!p0 [sflag:s3], $0x800  }
0xfa: {  	s0 =	sadd.s32 @!p0 $0x2900, s9;
	[sflag:s3] =	ssyncset.done @!p0 $0x0  }
0xfb: {  	s5 =	simm.s32 @!p0 $0x6000;
	[sflag:s3] =	ssyncadd.s32 @!p0 $0xFFFFF800;
	s3 =	simm.s32 @!p0 $0xA  }
0xfc: {  	[spmem:s2] =	stream.indirect.scatter.add.f32 @!p0 [tilespmem:s5], [sflag:$0xB], $0x10, s0, s10, $0xb8;
	[tilespmem:$0xC000] =	vst v63  }
0xfd: {  	_ =	swait.ge @!p0 [sflag:s3], $0x800  }
0xfe: {  	[sflag:s3] =	ssyncset.done @!p0 $0x0  }
0xff: {  	s0 =	sadd.s32 @!p0 $0x480, s9;
	[sflag:s3] =	ssyncadd.s32 @!p0 $0xFFFFF800;
	s3 =	simm.s32 @!p0 $0x5800  }
0x100: {  	[tilespmem:s3], [sflag:$0x2] =	stream.indirect.gather @!p0 [hbm4b:s4+s10], $0x10, s0, s10, $0xb8;
	[tilespmem:$0xC000] =	vst v63  }
0x101: {  	_ =	swait.ge [sflag:s1], $0x800  }
0x102: {  	[sflag:s1] =	ssyncset.done $0x0  }
0x103: {  	s6 =	sadd.s32 $0x2980, s8;
	s3 =	simm.s32 @p0 $0x5;
	[sflag:s1] =	ssyncadd.s32 $0xFFFFF800  }
0x104: {  	[spmem:s2] =	stream.indirect.scatter.add.f32 [tilespmem:s23], [sflag:$0xC], $0x10, s6, s17, $0xb8;
	[tilespmem:$0xC000] =	vst v63  }
0x105: {  	_ =	swait.ge @p0 [sflag:s3], $0x800  }
0x106: {  	[sflag:s3] =	ssyncset.done @p0 $0x0  }
0x107: {  	s0 =	sadd.s32 @p0 $0x2A00, s11;
	[sflag:s3] =	ssyncadd.s32 @p0 $0xFFFFF800;
	s3 =	simm.s32 @p0 $0x7000  }
0x108: {  	[spmem:s2] =	stream.indirect.scatter.add.f32 @p0 [tilespmem:s3], [sflag:$0xD], $0x10, s0, s12, $0xb8;
	[tilespmem:$0xC000] =	vst v63  }
0x109: {  	s0 =	simm.s32 @!p0 $0xB  }
0x10a: {  	_ =	swait.ge @!p0 [sflag:s0], $0x800  }
0x10b: {  	[sflag:s0] =	ssyncset.done @!p0 $0x0  }
0x10c: {  	s3 =	sadd.s32 @!p0 $0x500, s9;
	[sflag:s0] =	ssyncadd.s32 @!p0 $0xFFFFF800;
	s0 =	simm.s32 @!p0 $0x5  }
0x10d: {  	[tilespmem:s5], [sflag:$0x3] =	stream.indirect.gather @!p0 [hbm4b:s4+s10], $0x10, s3, s10, $0xb8;
	[tilespmem:$0xC000] =	vst v63  }
0x10e: {  	_ =	swait.ge @!p0 [sflag:s0], $0x800  }
0x10f: {  	s3 =	sadd.s32 @!p0 $0x2A00, s9;
	[sflag:s0] =	ssyncset.done @!p0 $0x0  }
0x110: {  	s5 =	simm.s32 @!p0 $0x7000;
	[sflag:s0] =	ssyncadd.s32 @!p0 $0xFFFFF800;
	s0 =	simm.s32 @!p0 $0xC  }
0x111: {  	[spmem:s2] =	stream.indirect.scatter.add.f32 @!p0 [tilespmem:s5], [sflag:$0xD], $0x10, s3, s10, $0xb8;
	[tilespmem:$0xC000] =	vst v63  }
0x112: {  	_ =	swait.ge @!p0 [sflag:s0], $0x800  }
0x113: {  	[sflag:s0] =	ssyncset.done @!p0 $0x0  }
0x114: {  	s3 =	sadd.s32 @!p0 $0x580, s9;
	[sflag:s0] =	ssyncadd.s32 @!p0 $0xFFFFF800;
	s0 =	simm.s32 @!p0 $0x6800  }
0x115: {  	[tilespmem:s0], [sflag:$0x4] =	stream.indirect.gather @!p0 [hbm4b:s4+s10], $0x10, s3, s10, $0xb8;
	[tilespmem:$0xC000] =	vst v63  }
0x116: {  	_ =	swait.ge [sflag:s15], $0x800  }
0x117: {  	[sflag:s15] =	ssyncset.done $0x0  }
0x118: {  	s7 =	sadd.s32 $0x2A80, s8;
	s0 =	simm.s32 @p0 $0x7;
	[sflag:s15] =	ssyncadd.s32 $0xFFFFF800  }
0x119: {  	[spmem:s2] =	stream.indirect.scatter.add.f32 [tilespmem:s28], [sflag:$0xE], $0x10, s7, s17, $0xb8;
	[tilespmem:$0xC000] =	vst v63  }
0x11a: {  	_ =	swait.ge @p0 [sflag:s0], $0x800  }
0x11b: {  	[sflag:s0] =	ssyncset.done @p0 $0x0  }
0x11c: {  	s3 =	sadd.s32 @p0 $0x2B00, s11;
	[sflag:s0] =	ssyncadd.s32 @p0 $0xFFFFF800;
	s0 =	simm.s32 @p0 $0x8000  }
0x11d: {  	[spmem:s2] =	stream.indirect.scatter.add.f32 @p0 [tilespmem:s0], [sflag:$0xF], $0x10, s3, s12, $0xb8;
	[tilespmem:$0xC000] =	vst v63  }
0x11e: {  	s0 =	simm.s32 @!p0 $0xD  }
0x11f: {  	_ =	swait.ge @!p0 [sflag:s0], $0x800  }
0x120: {  	[sflag:s0] =	ssyncset.done @!p0 $0x0  }
0x121: {  	[sflag:s0] =	ssyncadd.s32 @!p0 $0xFFFFF800;
	s0 =	sadd.s32 @!p0 $0x600, s9  }
0x122: {  	[tilespmem:s5], [sflag:$0x5] =	stream.indirect.gather @!p0 [hbm4b:s4+s10], $0x10, s0, s10, $0xb8;
	[tilespmem:$0xC000] =	vst v63  }
0x123: {  	s0 =	simm.s32 @!p0 $0x7  }
0x124: {  	_ =	swait.ge @!p0 [sflag:s0], $0x800  }
0x125: {  	[sflag:s0] =	ssyncset.done @!p0 $0x0  }
0x126: {  	s3 =	sadd.s32 @!p0 $0x2B00, s9;
	[sflag:s0] =	ssyncadd.s32 @!p0 $0xFFFFF800;
	s0 =	simm.s32 @!p0 $0x8000  }
0x127: {  	[spmem:s2] =	stream.indirect.scatter.add.f32 @!p0 [tilespmem:s0], [sflag:$0xF], $0x10, s3, s10, $0xb8;
	[tilespmem:$0xC000] =	vst v63  }
0x128: {  	s0 =	simm.s32 @!p0 $0xE  }
0x129: {  	_ =	swait.ge @!p0 [sflag:s0], $0x800  }
0x12a: {  	[sflag:s0] =	ssyncset.done @!p0 $0x0  }
0x12b: {  	s3 =	sadd.s32 @!p0 $0x680, s9;
	[sflag:s0] =	ssyncadd.s32 @!p0 $0xFFFFF800;
	s0 =	simm.s32 @!p0 $0x7800  }
0x12c: {  	[tilespmem:s0], [sflag:$0x6] =	stream.indirect.gather @!p0 [hbm4b:s4+s10], $0x10, s3, s10, $0xb8;
	[tilespmem:$0xC000] =	vst v63  }
0x12d: {  	_ =	swait.ge [sflag:s20], $0x800  }
0x12e: {  	[sflag:s20] =	ssyncset.done $0x0  }
0x12f: {  	s8 =	sadd.s32 $0x2B80, s8;
	s9 =	simm.s32 $0x9;
	[sflag:s20] =	ssyncadd.s32 $0xFFFFF800  }
0x130: {  	[spmem:s2] =	stream.indirect.scatter.add.f32 [tilespmem:s30], [sflag:$0x10], $0x10, s8, s17, $0xb8;
	[tilespmem:$0xC000] =	vst v63  }
0x131: {  	_ =	swait.ge [sflag:s9], $0x800  }
0x132: {  	[sflag:s9] =	ssyncset.done $0x0  }
0x133: {  	s10 =	simm.s32 $0xA;
	[sflag:s9] =	ssyncadd.s32 $0xFFFFF800  }
0x134: {  	_ =	swait.ge [sflag:s10], $0x800  }
0x135: {  	[sflag:s10] =	ssyncset.done $0x0  }
0x136: {  	s11 =	simm.s32 $0xB;
	[sflag:s10] =	ssyncadd.s32 $0xFFFFF800  }
0x137: {  	_ =	swait.ge [sflag:s11], $0x800  }
0x138: {  	[sflag:s11] =	ssyncset.done $0x0  }
0x139: {  	s12 =	simm.s32 $0xC;
	[sflag:s11] =	ssyncadd.s32 $0xFFFFF800  }
0x13a: {  	_ =	swait.ge [sflag:s12], $0x800  }
0x13b: {  	[sflag:s12] =	ssyncset.done $0x0  }
0x13c: {  	s14 =	simm.s32 $0xD;
	[sflag:s12] =	ssyncadd.s32 $0xFFFFF800  }
0x13d: {  	_ =	swait.ge [sflag:s14], $0x800  }
0x13e: {  	[sflag:s14] =	ssyncset.done $0x0  }
0x13f: {  	s16 =	simm.s32 $0xE;
	[sflag:s14] =	ssyncadd.s32 $0xFFFFF800  }
0x140: {  	_ =	swait.ge [sflag:s16], $0x800  }
0x141: {  	[sflag:s16] =	ssyncset.done $0x0  }
0x142: {  	s18 =	simm.s32 $0xF;
	[sflag:s16] =	ssyncadd.s32 $0xFFFFF800  }
0x143: {  	_ =	swait.ge [sflag:s18], $0x800  }
0x144: {  	[sflag:s18] =	ssyncset.done $0x0  }
0x145: {  	s21 =	simm.s32 $0x10;
	[sflag:s18] =	ssyncadd.s32 $0xFFFFF800  }
0x146: {  	_ =	swait.ge [sflag:s21], $0x800  }
0x147: {  	[sflag:s21] =	ssyncset.done $0x0  }
0x148: {  	[sflag:s21] =	ssyncadd.s32 $0xFFFFF800  }
0x149: {  	s22 =	stileid.u32;
	[bflag:$0x0] =	sbarrier.arrive $0xFFFF  }
0x14a: {  	s0 =	sshll.u32 s22, $0x6;
	s5 =	rddreg [dreg:$0x7]  }
0x14b: {  	s0 =	sor.u32 $0x1C11, s0;
	s6 =	rddreg [dreg:$0xc];
	s24 =	sshrl.u32 s5, $0x3  }
0x14c: {  	[hbm:s6], [sflag:s0] =	dma.local [spmem:s24], $0x500  }
0x14d: {  	s6 =	simm.s32 $0x11  }
0x14e: {  	_ =	swait.ge [sflag:s6], $0x500  }
0x14f: {  	s25 =	rddreg [dreg:$0xe]  }
0x150: {  	s26 =	rddreg [dreg:$0xd];
	s3 =	sadd.s32 $0x1, s25  }
0x151: {  	p0 =	sne.s32 s3, s26  }
.Ltmp2:
0x152: {  	_ = 	snop;
	(pc) =	sbr.rel @p0 .LBB2_1-.Ltmp2, $3  }
0x153: {  	_ =	sdelay $0x1  }
0x154: {  	[sflag:s6] =	ssyncset.done $0x0  }
0x155: {  	[sflag:s6] =	ssyncadd.s32 $0xFFFFFB00  }
0x156: {  	_ =	sfence.sel $0x180000  }
0x157: {  	[bflag:$0x0] =	sbarrier.arrive $0xFFFF  }
0x158: {  	_ =	strace $0x9000004A  }
0x159: {  	s0 =	stileid.u32;
	[bflag:$0x2] =	sbarrier.arrive $0xFFFF  }
0x15a: {  	p0 =	sne.s32 s0, $0x0;
	s0 =	rddreg [dreg:$0x3]  }
0x15b: {  	s0 =	sadd.s32 @!p0 $0x100000, s0  }
0x15c: {  	[sflag:s0] =	ssyncadd.tile.s32 @!p0 $0x1;
	_ =	shalt  }
.Lfunc_end2:
_tile_overlayer_lowered:
.L_overlay_start_2:
0x15d: {  	(tag) =	ssettag $0x2  }
0x15e: {  	s0 =	rddreg [dreg:$0x0];
	s2 =	stileid.u32  }
0x15f: {  	s1 =	rddreg [dreg:$0x1];
	p0 =	sne.s32 s2, $0x0  }
0x160: {  	s3 =	rddreg [dreg:$0x2];
	[bflag:$0x3] =	sbarrier.arrive $0xFFFF;
	s2 =	simm.s32 @!p0 $0x1C11  }
0x161: {  	[timem:s3], [sflag:s2] =	dma.local @!p0 [hbm:s0], s1  }
0x162: {  	s0 =	simm.s32 @!p0 $0x11  }
0x163: {  	_ =	swait.ge @!p0 [sflag:s0], s1  }
0x164: {  	s1 =	ssub.s32 @!p0 $0x0, s1;
	[sflag:s0] =	ssyncset.done @!p0 $0x0  }
0x165: {  	[sflag:s0] =	ssyncadd.s32 @!p0 s1  }
0x166: {  	[bflag:$0x3] =	sbarrier.arrive $0xFFFF  }
0x167: {  	_ =	shalt  }

// kernel: kernel.7.cloned.1.call-start
scs
__scs_entry_jumppad:
0x0: {  	(pc) =	sbr.rel $0x88, $3  }
0x1: {  	(tag) =	ssettag $0x0;
	lr =	simm.s32 $0x1  }
0x2: {  	[smem:$0x3F97] =	sst lr;
	_ =	strace $0xD0000000  }
0x3: {  	_ = 	snop  }
0x4: {  	_ = 	snop  }
0x5: {  	_ = 	snop  }
0x6: {  	_ = 	snop  }
0x7: {  	_ = 	snop  }
__scs_overlays_trampoline_lowered:
0x8: {  	[smem:$0x3FA6] =	sst s0  }
0x9: {  	[smem:$0x3FA7] =	sst s1  }
0xa: {  	[smem:$0x3FA8] =	sst s2  }
0xb: {  	[smem:$0x3FA9] =	sst s3  }
0xc: {  	[smem:$0x3FAA] =	sst s4  }
0xd: {  	[smem:$0x3FAB] =	sst s5  }
0xe: {  	[smem:$0x3FAC] =	sst s6  }
0xf: {  	[smem:$0x3FAD] =	sst s7  }
0x10: {  	[smem:$0x3FAE] =	sst s8  }
0x11: {  	[smem:$0x3FAF] =	sst s9;
	s0 =	simm.s32 @!p0 $0x0  }
0x12: {  	s1 =	sld [smem:$0x3F95];
	s0 =	simm.s32 @p0 $0x1  }
0x13: {  	[smem:$0x3FB0] =	sst s0;
	s0 =	simm.s32 @!p1 $0x0  }
0x14: {  	s2 =	sld [smem:$0x3F94];
	s0 =	simm.s32 @p1 $0x1  }
0x15: {  	[smem:$0x3FB1] =	sst s0;
	s0 =	simm.s32 @!p2 $0x0  }
0x16: {  	s3 =	sld [smem:$0x3FDB];
	s0 =	simm.s32 @p2 $0x1  }
0x17: {  	s4 =	simm.s32 $0x1BF5;
	[smem:$0x3FB3] =	sst s0  }
0x18: {  	s0 =	sld [smem:$0x3F96];
	_ =	swait.ge [sflag:s4], $0x0  }
0x19: {  	s7 =	sld [smem:$0x3F97]  }
0x1a: {  	s8 =	sadd.s32 $0xFFFFE003, lr  }
0x1b: {  	s9 =	sadd.s32 $0xFFFFFEF7, lr;
	s5 =	simm.s32 $0xFFFFFFFF;
	p2 =	slt.u32 s8, $0xFFFFF086  }
0x1c: {  	p1 =	slt.u32 s9, $0xF7A;
	s5 =	simm.s32 @!p2 $0x0  }
0x1d: {  	s5 =	simm.s32 @p1 $0x1;
	p0 =	seq.s32 s7, s2  }
0x1e: {  	s7 =	smul.u32 @!p0 $0xF7A, s2;
	p2 =	seq.s32 @!p0 s5, $0x0  }
0x1f: {  	s9 =	smul.u32 $0xF7A, s1;
	s8 =	simm.s32 @!p0 $0x1BF5;
	p2 =	por !p2, p0  }
0x20: {  	[sflag:s8] =	ssyncset.s32 @!p0 $0xFFFFF086;
	s6 =	sadd.s32 @!p0 s3, s7;
	s7 =	simm.s32 @!p0 $0x108  }
0x21: {  	s3 =	sadd.s32 s3, s9;
	s6 =	sadd.s32 @!p0 $0x88, s6;
	s7 =	simm.s32 @p2 $0x1082  }
0x22: {  	[simem:s7], [sflag:s8] =	dma.local @!p0 [hbm:s6], $0xF7A  }
0x23: {  	s9 =	sor.u32 $0xD0000000, s2;
	s6 =	simm.s32 $0x108;
	_ =	swait.ge @!p0 [sflag:s8], $0x0  }
0x24: {  	s3 =	sadd.s32 $0x88, s3;
	s6 =	simm.s32 @!p1 $0x1082;
	[sflag:s4] =	ssyncset.s32 $0xFFFFF086  }
0x25: {  	[simem:s6], [sflag:s4] =	dma.local [hbm:s3], $0xF7A  }
0x26: {  	[smem:$0x3F97] =	sst s1;
	(tag) =	ssettag s2;
	_ =	strace s9  }
0x27: {  	s1 =	sld [smem:$0x3FA7]  }
0x28: {  	s2 =	sld [smem:$0x3FA8]  }
0x29: {  	s4 =	sld [smem:$0x3FAA]  }
0x2a: {  	p0 =	seq.s32 s5, $0x0;
	s5 =	sld [smem:$0x3FAB]  }
0x2b: {  	s6 =	sld [smem:$0x3FAC]  }
0x2c: {  	s7 =	sld [smem:$0x3FAD]  }
0x2d: {  	s3 =	simm.s32 $0x108;
	s8 =	sld [smem:$0x3FAE]  }
0x2e: {  	s3 =	simm.s32 @!p0 $0x1082;
	s9 =	sld [smem:$0x3FAF]  }
0x2f: {  	lr =	sadd.s32 s0, s3;
	s0 =	sld [smem:$0x3FA6]  }
0x30: {  	s3 =	sld [smem:$0x3FA9]  }
0x31: {  	[smem:$0x3FB2] =	sst s10  }
0x32: {  	s10 =	sld [smem:$0x3FB0];
	_ =	sdelay $0x3  }
0x33: {  	p0 =	seq.s32 s10, $0x1;
	s10 =	sld [smem:$0x3FB2];
	_ =	sdelay $0x3  }
0x34: {  	[smem:$0x3FB2] =	sst s10  }
0x35: {  	s10 =	sld [smem:$0x3FB1];
	_ =	sdelay $0x3  }
0x36: {  	p1 =	seq.s32 s10, $0x1;
	s10 =	sld [smem:$0x3FB2];
	_ =	sdelay $0x3  }
0x37: {  	[smem:$0x3FB2] =	sst s10  }
0x38: {  	s10 =	sld [smem:$0x3FB3]  }
0x39: {  	_ = 	snop;
	(pc) =	sbr.ind lr, $3  }
0x3a: {  	_ = 	snop  }
0x3b: {  	_ = 	snop  }
0x3c: {  	p2 =	seq.s32 s10, $0x1;
	s10 =	sld [smem:$0x3FB2]  }
0x3d: {  	_ =	shalt  }
0x3e: {  	_ =	shalt  }
0x3f: {  	_ =	shalt  }
0x40: {  	_ =	shalt  }
0x41: {  	_ =	shalt  }
0x42: {  	_ =	shalt  }
0x43: {  	_ =	shalt  }
0x44: {  	_ =	shalt  }
0x45: {  	_ =	shalt  }
0x46: {  	_ =	shalt  }
0x47: {  	_ =	shalt  }
0x48: {  	_ =	shalt  }
0x49: {  	_ =	shalt  }
0x4a: {  	_ =	shalt  }
0x4b: {  	_ =	shalt  }
0x4c: {  	_ =	shalt  }
0x4d: {  	_ =	shalt  }
0x4e: {  	_ =	shalt  }
0x4f: {  	_ =	shalt  }
0x50: {  	_ =	shalt  }
0x51: {  	_ =	shalt  }
0x52: {  	_ =	shalt  }
0x53: {  	_ =	shalt  }
0x54: {  	_ =	shalt  }
0x55: {  	_ =	shalt  }
0x56: {  	_ =	shalt  }
0x57: {  	_ =	shalt  }
0x58: {  	_ =	shalt  }
0x59: {  	_ =	shalt  }
0x5a: {  	_ =	shalt  }
0x5b: {  	_ =	shalt  }
0x5c: {  	_ =	shalt  }
0x5d: {  	_ =	shalt  }
0x5e: {  	_ =	shalt  }
0x5f: {  	_ =	shalt  }
0x60: {  	_ =	shalt  }
0x61: {  	_ =	shalt  }
0x62: {  	_ =	shalt  }
0x63: {  	_ =	shalt  }
0x64: {  	_ =	shalt  }
0x65: {  	_ =	shalt  }
0x66: {  	_ =	shalt  }
0x67: {  	_ =	shalt  }
0x68: {  	_ =	shalt  }
0x69: {  	_ =	shalt  }
0x6a: {  	_ =	shalt  }
0x6b: {  	_ =	shalt  }
0x6c: {  	_ =	shalt  }
0x6d: {  	_ =	shalt  }
0x6e: {  	_ =	shalt  }
0x6f: {  	_ =	shalt  }
0x70: {  	_ =	shalt  }
0x71: {  	_ =	shalt  }
0x72: {  	_ =	shalt  }
0x73: {  	_ =	shalt  }
0x74: {  	_ =	shalt  }
0x75: {  	_ =	shalt  }
0x76: {  	_ =	shalt  }
0x77: {  	_ =	shalt  }
0x78: {  	_ =	shalt  }
0x79: {  	_ =	shalt  }
0x7a: {  	_ =	shalt  }
0x7b: {  	_ =	shalt  }
0x7c: {  	_ =	shalt  }
0x7d: {  	_ =	shalt  }
0x7e: {  	_ =	shalt  }
0x7f: {  	_ =	shalt  }
0x80: {  	_ =	shalt  }
0x81: {  	_ =	shalt  }
0x82: {  	_ =	shalt  }
0x83: {  	_ =	shalt  }
0x84: {  	_ =	shalt  }
0x85: {  	_ =	shalt  }
0x86: {  	_ =	shalt  }
0x87: {  	_ =	shalt  }
.Lfunc_end0:
.L_simem_size_0:
called_computation_lowered:
.L_overlay_start_0:
0x88: {  	s2 =	sld [smem:$0x3FD9]  }
0x89: {  	s3 =	sld [smem:$0x3FFE];
	_ =	sdelay $0x1  }
0x8a: {  	s1 =	srdreg.scid  }
0x8b: {  	s0 =	sand.u32 $0x1, s1  }
0x8c: {  	s17 =	sshll.u32 s0, $0xA;
	s2 =	sadd.s32 s3, s2  }
0x8d: {  	s2 =	sadd.s32 s2, s17  }
0x8e: {  	[smem:$0x3FBE] =	sst s2  }
0x8f: {  	_ = 	snop  }
0x90: {  	s2 =	sld [smem:$0x3FD0];
	(tm) =	ssettm $0x1  }
0x91: {  	s18 =	sld [smem:$0x3FFB];
	_ =	sdelay $0x3  }
0x92: {  	_ =	strace s18  }
0x93: {  	s3 =	sld [smem:$0x3FFC];
	_ =	sdelay $0x3  }
0x94: {  	_ =	strace s3  }
0x95: {  	s3 =	sld [smem:$0x3FFD];
	_ =	sdelay $0x3  }
0x96: {  	_ =	strace s3  }
0x97: {  	_ =	strace $0x8FFFFFFF  }
0x98: {  	s19 =	sld [smem:$0x3FDB];
	_ =	sdelay $0x1  }
0x99: {  	s4 =	simm.s32 $_scs_section_size  }
0x9a: {  	s5 =	simm.s32 $_size__tile_overlayer_lowered;
	s6 =	simm.s32 $_tile_overlayer_lowered  }
0x9b: {  	s22 =	simm.s32 $0x1BFF;
	s21 =	sshll.u32 s6, $0x1;
	s3 =	sadd.s32 s4, s19  }
0x9c: {  	s7 =	simm.s32 $0x0;
	s20 =	sshll.u32 s5, $0x1;
	s5 =	sadd.s32 s21, s3  }
0x9d: {  	[timem:s7], [sflag:s22] =	dma.local [hbm:s5], s20  }
0x9e: {  	_ =	swait.ge [sflag:s22], s20  }
0x9f: {  	s4 =	ssub.s32 $0x0, s20;
	[sflag:s22] =	ssyncset.done $0x0  }
0xa0: {  	[sflag:s22] =	ssyncadd.s32 s4;
	_ =	sdelay $0x1  }
0xa1: {  	s23 =	simm.s32 $0x1B8B  }
0xa2: {  	_ =	swait.ge [sflag:s23], $0x1  }
0xa3: {  	[sflag:s23] =	ssyncset.done $0x0  }
0xa4: {  	s25 =	simm.s32 $0x1B8E;
	s24 =	sld [smem:$0x3FFE];
	[sflag:s23] =	ssyncadd.s32 $0xFFFFFFFF  }
0xa5: {  	s26 =	simm.s32 $execute0_lowered;
	[smem:$0x3FD2] =	sst s25  }
0xa6: {  	s5 =	sshll.u32 s26, $0x1;
	_ =	strace $0x80000046;
	[dreg:$0x1] =	wrdreg $0xFFFFFFFF  }
0xa7: {  	s28 =	simm.s32 $_size_execute0_lowered;
	s3 =	sadd.s32 s3, s5;
	[dreg:$0x0] =	wrdreg $0x0  }
0xa8: {  	s5 =	sshll.u32 s28, $0x1;
	[dreg:$0x2] =	wrdreg s3  }
0xa9: {  	[dreg:$0x3] =	wrdreg s5  }
0xaa: {  	[dreg:$0x4] =	wrdreg $0xC0  }
0xab: {  	_ =	task [dreg:s7], $0x5FFFF  }
0xac: {  	[dreg:$0x1] =	wrdreg $0xFFFFFFFF  }
0xad: {  	[dreg:$0x0] =	wrdreg $0x60  }
0xae: {  	[dreg:$0x2] =	wrdreg s24  }
0xaf: {  	[dreg:$0x3] =	wrdreg s2  }
0xb0: {  	[dreg:$0x4] =	wrdreg $0x98000  }
0xb1: {  	[dreg:$0x5] =	wrdreg $0xC8000  }
0xb2: {  	[dreg:$0x6] =	wrdreg $0x9  }
0xb3: {  	_ =	task.clear_ibuf [dreg:s7], $0x7FFFF;
	_ =	strace $0x90000046  }
0xb4: {  	s29 =	simm.s32 $0x9;
	_ =	strace $0x80000048  }
0xb5: {  	_ =	swait.ge [sflag:s29], $0x1  }
0xb6: {  	[sflag:s29] =	ssyncadd.s32 $0xFFFFFFFF  }
0xb7: {  	_ =	strace $0x90000048  }
0xb8: {  	_ =	sfence  }
0xb9: {  	s30 =	sld [smem:$0x0];
	_ =	sdelay $0x2  }
0xba: {  	s31 =	sshll.u32 s1, $0xD;
	s1 =	sshrl.u32 s1, $0x2  }
0xbb: {  	s3 =	sand.u32 $0x4000, s31;
	s1 =	sadd.s32 s1, s30  }
0xbc: {  	s0 =	sor.u32 s3, s0;
	s1 =	sshll.u32 s1, $0x11  }
0xbd: {  	s0 =	sor.u32 s1, s0  }
0xbe: {  	s0 =	sadd.s32 $0x8F2B, s0  }
0xbf: {  	[sflag:s0] =	ssyncadd.remote.s32 $0x1  }
0xc0: {  	_ =	sfence.sel $0xFFFF  }
0xc1: {  	[dreg:$0x0] =	wrdreg $0xFFFFFFFF;
	(pc) =	sbr.abs _section_cstart, $3  }
0xc2: {  	[dreg:$0x1] =	wrdreg $0xFFFFFFFF  }
0xc3: {  	_ =	task.clear_ibuf [dreg:s7], $0x2FFFF;
	_ =	strace $0x9FFFFFFF  }
0xc4: {  	(tm) =	ssettm $0x7FFFFFFF  }
0xc5: {  	_ =	shalt  }
tec
execute0_lowered:
.L_overlay_start_1:
0x0: {  	(tag) =	ssettag $0x1  }
0x1: {  	s0 =	rddreg [dreg:$0x0]  }
0x2: {  	s1 =	rddreg [dreg:$0x1];
	s3 =	srdreg.scid  }
0x3: {  	s5 =	stileid.u32;
	s2 =	rddreg [dreg:$0x2];
	s9 =	simm.s32 $0x0  }
0x4: {  	s31 =	simm.s32 $0x6800;
	s29 =	simm.s32 $0x7800;
	s6 =	smul.u32 $0xA0, s5  }
0x5: {  	s30 =	simm.s32 $0x1;
	s4 =	sand.u32 $0x1, s3;
	s8 =	smul.u32 $0x2800, s5  }
0x6: {  	s28 =	simm.s32 $0x2;
	s3 =	rddreg [dreg:$0x3];
	s7 =	smul.u32 $0x50, s4  }
0x7: {  	[smem:$0x7FF] =	sst s9;
	s26 =	smul.u32 $0x28000, s4;
	s4 =	ssub.s32 $0x2, s4  }
0x8: {  	s5 =	sadd.s32 $0xCA00, s0;
	_ =	strace $0x80000047;
	s12 =	sshrl.u32 s4, $0x1  }
0x9: {  	s13 =	sadd.s32 $0x800, s8;
	s16 =	sadd.s32 $0x1000, s8;
	s17 =	sadd.s32 $0x1800, s8  }
0xa: {  	s18 =	sadd.s32 $0x2000, s8;
	s6 =	sadd.s32 s7, s6;
	s15 =	sadd.s32 s13, s2  }
0xb: {  	s10 =	sadd.s32 s8, s26;
	s19 =	sadd.s32 s17, s2;
	[dreg:$0x9] =	wrdreg s15  }
0xc: {  	s4 =	ssub.s32 s4, s12;
	s20 =	sadd.s32 s18, s2;
	[dreg:$0xb] =	wrdreg s19  }
0xd: {  	s21 =	sadd.s32 s16, s3;
	s22 =	sadd.s32 s17, s3;
	[dreg:$0xc] =	wrdreg s20  }
0xe: {  	s23 =	sadd.s32 s18, s3;
	s12 =	simm.s32 $0x19;
	[dreg:$0xf] =	wrdreg s21  }
0xf: {  	s26 =	simm.s32 $0x8000;
	s17 =	simm.s32 $0x5000;
	[dreg:$0x10] =	wrdreg s22  }
0x10: {  	s6 =	sshll.u32 s6, $0x4;
	s7 =	sshrl.u32 s10, $0x3;
	[dreg:$0x11] =	wrdreg s23  }
0x11: {  	s10 =	sadd.s32 s8, s2;
	s25 =	smax.u32 s4, $0x1;
	[dreg:$0x5] =	wrdreg s26  }
0x12: {  	s26 =	simm.s32 $0x5800;
	s22 =	simm.s32 $0x8800;
	[dreg:$0x14] =	wrdreg s25  }
0x13: {  	s11 =	sadd.s32 s6, s0;
	s1 =	sadd.s32 s1, s6;
	[dreg:$0x8] =	wrdreg s10  }
0x14: {  	s4 =	simm.s32 $0x6;
	[dreg:$0x6] =	wrdreg s1;
	s14 =	sadd.s32 $0x2A00, s11  }
0x15: {  	s0 =	sadd.s32 s7, s0;
	s11 =	sadd.s32 s16, s2;
	[dreg:$0x7] =	wrdreg s14  }
0x16: {  	s6 =	simm.s32 $0x8;
	s1 =	sadd.s32 s13, s3;
	[dreg:$0xa] =	wrdreg s11  }
0x17: {  	s24 =	sadd.s32 $0x11A00, s0;
	s0 =	sadd.s32 $0x1BA00, s0;
	[dreg:$0xe] =	wrdreg s1  }
0x18: {  	s13 =	simm.s32 $0x9000;
	s11 =	sadd.s32 s8, s3;
	[dreg:$0x12] =	wrdreg s24  }
0x19: {  	[dreg:$0x13] =	wrdreg s0;
	s24 =	simm.s32 $0x80;
	s1 =	simm.s32 $0xC000  }
0x1a: {  	v0 =	vimm.f32 $0.0e+00;
	v1 =	vimm.f32 $1.000000000e+00;
	s0 =	simm.s32 $0x4;
	s8 =	simm.s32 $0x0;
	[dreg:$0xd] =	wrdreg s11  }
.LBB2_1:
0x1b: {  	[dreg:$0x15] =	wrdreg s8  }
0x1c: {  	s7 =	simm.s32 $0x0;
	s23 =	rddreg [dreg:$0x6]  }
0x1d: {  	[tilespmem:s7], [sflag:$0x19] =	stream.linear.gather [hbm4b:s23+s7], $0x2800, $0x38;
	[tilespmem:$0xF000] =	vst v63  }
0x1e: {  	_ =	swait.ge [sflag:s12], $0x2800  }
0x1f: {  	[sflag:s12] =	ssyncset.done $0x0  }
0x20: {  	s9 =	simm.s32 $0x2800;
	s25 =	rddreg [dreg:$0x7];
	[sflag:s12] =	ssyncadd.s32 $0xFFFFD800  }
0x21: {  	[tilespmem:s9], [sflag:$0x19] =	stream.linear.gather [hbm4b:s25+s7], $0x2800, $0x38;
	[tilespmem:$0xF000] =	vst v63  }
0x22: {  	_ =	swait.ge [sflag:s12], $0x2800  }
0x23: {  	[sflag:s12] =	ssyncset.done $0x0  }
0x24: {  	s8 =	simm.s32 $0x0;
	s7 =	simm.s32 $0x40;
	[sflag:s12] =	ssyncadd.s32 $0xFFFFD800  }
.LBB2_2:
0x25: {  	p0 =	sne.s32 s7, $0x1FC0;
	[tilespmem:s8+$0x9000] =	vst v0;
	s8 =	smov.u32 s7;
	s7 =	sadd.s32 $0x40, s7  }
.Ltmp0:
0x26: {  	(pc) =	sbr.rel @p0 .LBB2_2-.Ltmp0, $2  }
0x27: {  	_ =	sdelay $0x2  }
0x28: {  	s8 =	sshra.s32 s8, $0x2  }
0x29: {  	[tilespmem:s8+$0x9000] =	vst v0  }
0x2a: {  	[spmem:s10] =	stream.linear.scatter [tilespmem:s13], [sflag:$0x19], $0x800, $0x38;
	[tilespmem:$0xF000] =	vst v63  }
0x2b: {  	_ =	swait.ge [sflag:s12], $0x800  }
0x2c: {  	[sflag:s12] =	ssyncset.done $0x0  }
0x2d: {  	s7 =	rddreg [dreg:$0x9];
	[sflag:s12] =	ssyncadd.s32 $0xFFFFF800  }
0x2e: {  	[spmem:s7] =	stream.linear.scatter [tilespmem:s13], [sflag:$0x19], $0x800, $0x38;
	[tilespmem:$0xF000] =	vst v63  }
0x2f: {  	_ =	swait.ge [sflag:s12], $0x800  }
0x30: {  	[sflag:s12] =	ssyncset.done $0x0  }
0x31: {  	s21 =	rddreg [dreg:$0xa];
	[sflag:s12] =	ssyncadd.s32 $0xFFFFF800  }
0x32: {  	[spmem:s21] =	stream.linear.scatter [tilespmem:s13], [sflag:$0x19], $0x800, $0x38;
	[tilespmem:$0xF000] =	vst v63  }
0x33: {  	_ =	swait.ge [sflag:s12], $0x800  }
0x34: {  	[sflag:s12] =	ssyncset.done $0x0  }
0x35: {  	s23 =	rddreg [dreg:$0xb];
	[sflag:s12] =	ssyncadd.s32 $0xFFFFF800  }
0x36: {  	[spmem:s23] =	stream.linear.scatter [tilespmem:s13], [sflag:$0x19], $0x800, $0x38;
	[tilespmem:$0xF000] =	vst v63  }
0x37: {  	_ =	swait.ge [sflag:s12], $0x800  }
0x38: {  	[sflag:s12] =	ssyncset.done $0x0  }
0x39: {  	s25 =	rddreg [dreg:$0xc];
	[sflag:s12] =	ssyncadd.s32 $0xFFFFF800  }
0x3a: {  	[spmem:s25] =	stream.linear.scatter [tilespmem:s13], [sflag:$0x19], $0x800, $0x38;
	[tilespmem:$0xF000] =	vst v63  }
0x3b: {  	_ =	swait.ge [sflag:s12], $0x800  }
0x3c: {  	[sflag:s12] =	ssyncset.done $0x0  }
0x3d: {  	s8 =	simm.s32 $0x0;
	s7 =	simm.s32 $0x40;
	[sflag:s12] =	ssyncadd.s32 $0xFFFFF800  }
.LBB2_4:
0x3e: {  	p0 =	sne.s32 s7, $0x1FC0;
	[tilespmem:s8+$0x9000] =	vst v0;
	s8 =	smov.u32 s7;
	s7 =	sadd.s32 $0x40, s7  }
.Ltmp1:
0x3f: {  	(pc) =	sbr.rel @p0 .LBB2_4-.Ltmp1, $2  }
0x40: {  	_ =	sdelay $0x2  }
0x41: {  	s8 =	sshra.s32 s8, $0x2  }
0x42: {  	[tilespmem:s8+$0x9000] =	vst v0  }
0x43: {  	[spmem:s11] =	stream.linear.scatter [tilespmem:s13], [sflag:$0x19], $0x800, $0x38;
	[tilespmem:$0xF000] =	vst v63  }
0x44: {  	_ =	swait.ge [sflag:s12], $0x800  }
0x45: {  	[sflag:s12] =	ssyncset.done $0x0  }
0x46: {  	s7 =	rddreg [dreg:$0xe];
	[sflag:s12] =	ssyncadd.s32 $0xFFFFF800  }
0x47: {  	[spmem:s7] =	stream.linear.scatter [tilespmem:s13], [sflag:$0x19], $0x800, $0x38;
	[tilespmem:$0xF000] =	vst v63  }
0x48: {  	_ =	swait.ge [sflag:s12], $0x800  }
0x49: {  	[sflag:s12] =	ssyncset.done $0x0  }
0x4a: {  	s21 =	rddreg [dreg:$0xf];
	[sflag:s12] =	ssyncadd.s32 $0xFFFFF800  }
0x4b: {  	[spmem:s21] =	stream.linear.scatter [tilespmem:s13], [sflag:$0x19], $0x800, $0x38;
	[tilespmem:$0xF000] =	vst v63  }
0x4c: {  	_ =	swait.ge [sflag:s12], $0x800  }
0x4d: {  	[sflag:s12] =	ssyncset.done $0x0  }
0x4e: {  	s23 =	rddreg [dreg:$0x10];
	[sflag:s12] =	ssyncadd.s32 $0xFFFFF800  }
0x4f: {  	[spmem:s23] =	stream.linear.scatter [tilespmem:s13], [sflag:$0x19], $0x800, $0x38;
	[tilespmem:$0xF000] =	vst v63  }
0x50: {  	_ =	swait.ge [sflag:s12], $0x800  }
0x51: {  	[sflag:s12] =	ssyncset.done $0x0  }
0x52: {  	s25 =	rddreg [dreg:$0x11];
	[sflag:s12] =	ssyncadd.s32 $0xFFFFF800  }
0x53: {  	[spmem:s25] =	stream.linear.scatter [tilespmem:s13], [sflag:$0x19], $0x800, $0x38;
	[tilespmem:$0xF000] =	vst v63  }
0x54: {  	_ =	swait.ge [sflag:s12], $0x800  }
0x55: {  	[sflag:s12] =	ssyncset.done $0x0  }
0x56: {  	s8 =	simm.s32 $0x0;
	s7 =	simm.s32 $0x40;
	[sflag:s12] =	ssyncadd.s32 $0xFFFFF800  }
.LBB2_6:
0x57: {  	p0 =	sne.s32 s7, $0x1FC0;
	[tilespmem:s8+$0xC000] =	vst v1;
	s8 =	smov.u32 s7;
	s7 =	sadd.s32 $0x40, s7  }
.Ltmp2:
0x58: {  	(pc) =	sbr.rel @p0 .LBB2_6-.Ltmp2, $2  }
0x59: {  	_ =	sdelay $0x2  }
0x5a: {  	s8 =	sshra.s32 s8, $0x2  }
0x5b: {  	[tilespmem:s8+$0xC000] =	vst v1  }
0x5c: {  	s7 =	simm.s32 $0x0;
	[bflag:$0x0] =	sbarrier.arrive $0xFFFF  }
0x5d: {  	[tilespmem:s17], [sflag:$0x1] =	stream.indirect.gather [hbm4b:s5+s24], $0x10, s7, s24, $0xb8;
	[tilespmem:$0xF000] =	vst v63  }
0x5e: {  	_ = 	snop  }
0x5f: {  	[tilespmem:s26], [sflag:$0x2] =	stream.indirect.gather [hbm4b:s5+s24], $0x10, s24, s24, $0xb8;
	[tilespmem:$0xF000] =	vst v63  }
0x60: {  	s10 =	simm.s32 $0x100;
	s11 =	simm.s32 $0x6000  }
0x61: {  	[tilespmem:s11], [sflag:$0x3] =	stream.indirect.gather [hbm4b:s5+s24], $0x10, s10, s24, $0xb8;
	[tilespmem:$0xF000] =	vst v63  }
0x62: {  	s12 =	simm.s32 $0x180;
	p0 =	por $0x1, $0x1  }
0x63: {  	[tilespmem:s31], [sflag:$0x4] =	stream.indirect.gather [hbm4b:s5+s24], $0x10, s12, s24, $0xb8;
	[tilespmem:$0xF000] =	vst v63  }
0x64: {  	s13 =	simm.s32 $0x200;
	s14 =	simm.s32 $0x7000;
	p0 =	por p0, p0  }
0x65: {  	[tilespmem:s14], [sflag:$0x5] =	stream.indirect.gather [hbm4b:s5+s24], $0x10, s13, s24, $0xb8;
	[tilespmem:$0xF000] =	vst v63  }
0x66: {  	s15 =	simm.s32 $0x280;
	s7 =	simm.s32 @!p0 $0xF  }
0x67: {  	[tilespmem:s29], [sflag:$0x6] =	stream.indirect.gather [hbm4b:s5+s24], $0x10, s15, s24, $0xb8;
	[tilespmem:$0xF000] =	vst v63  }
0x68: {  	_ =	swait.ge @!p0 [sflag:s7], $0x800  }
0x69: {  	[sflag:s7] =	ssyncset.done @!p0 $0x0  }
0x6a: {  	[sflag:s7] =	ssyncadd.s32 @!p0 $0xFFFFF800;
	s7 =	simm.s32 @!p0 $0x17  }
0x6b: {  	_ =	swait.ge @!p0 [sflag:s7], $0x800  }
0x6c: {  	[sflag:s7] =	ssyncset.done @!p0 $0x0  }
0x6d: {  	s18 =	simm.s32 $0x300;
	s16 =	rddreg [dreg:$0x5];
	[sflag:s7] =	ssyncadd.s32 @!p0 $0xFFFFF800  }
0x6e: {  	[tilespmem:s16], [sflag:$0x7] =	stream.indirect.gather [hbm4b:s5+s24], $0x10, s18, s24, $0xb8;
	[tilespmem:$0xF000] =	vst v63  }
0x6f: {  	_ =	swait.ge [sflag:s30], $0x800  }
0x70: {  	[sflag:s30] =	ssyncset.done $0x0  }
0x71: {  	s19 =	simm.s32 $0x2800;
	[sflag:s30] =	ssyncadd.s32 $0xFFFFF800  }
0x72: {  	[spmem:s2] =	stream.indirect.scatter.add.f32 [tilespmem:s17], [sflag:$0x9], $0x10, s19, s24, $0xb8;
	[tilespmem:$0xF000] =	vst v63  }
0x73: {  	s8 =	simm.s32 @!p0 $0x10  }
0x74: {  	[spmem:s3] =	stream.indirect.scatter.add.f32 [tilespmem:s1], [sflag:$0x11], $0x10, s19, s24, $0xb8;
	[tilespmem:$0xF000] =	vst v63  }
0x75: {  	_ =	swait.ge @!p0 [sflag:s8], $0x800  }
0x76: {  	[sflag:s8] =	ssyncset.done @!p0 $0x0  }
0x77: {  	s7 =	simm.s32 @!p0 $0x18;
	[sflag:s8] =	ssyncadd.s32 @!p0 $0xFFFFF800  }
0x78: {  	_ =	swait.ge @!p0 [sflag:s7], $0x800  }
0x79: {  	[sflag:s7] =	ssyncset.done @!p0 $0x0  }
0x7a: {  	s20 =	simm.s32 $0x380;
	[sflag:s7] =	ssyncadd.s32 @!p0 $0xFFFFF800  }
0x7b: {  	[tilespmem:s22], [sflag:$0x8] =	stream.indirect.gather [hbm4b:s5+s24], $0x10, s20, s24, $0xb8;
	[tilespmem:$0xF000] =	vst v63  }
0x7c: {  	_ =	swait.ge [sflag:s28], $0x800  }
0x7d: {  	[sflag:s28] =	ssyncset.done $0x0  }
0x7e: {  	s21 =	simm.s32 $0x2880;
	p0 =	por $0x0, $0x0;
	[sflag:s28] =	ssyncadd.s32 $0xFFFFF800  }
0x7f: {  	[spmem:s2] =	stream.indirect.scatter.add.f32 [tilespmem:s26], [sflag:$0xA], $0x10, s21, s24, $0xb8;
	[tilespmem:$0xF000] =	vst v63  }
0x80: {  	s7 =	simm.s32 @p0 $0x3  }
0x81: {  	[spmem:s3] =	stream.indirect.scatter.add.f32 [tilespmem:s1], [sflag:$0x12], $0x10, s21, s24, $0xb8;
	[tilespmem:$0xF000] =	vst v63  }
0x82: {  	_ =	swait.ge @p0 [sflag:s7], $0x800  }
0x83: {  	s9 =	simm.s32 @p0 $0x6000;
	[sflag:s7] =	ssyncset.done @p0 $0x0  }
0x84: {  	s10 =	simm.s32 @p0 $0x2900;
	s8 =	simm.s32 @p0 $0x80;
	[sflag:s7] =	ssyncadd.s32 @p0 $0xFFFFF800  }
0x85: {  	[spmem:s2] =	stream.indirect.scatter.add.f32 @p0 [tilespmem:s9], [sflag:$0xB], $0x10, s10, s8, $0xb8;
	[tilespmem:$0xF000] =	vst v63  }
0x86: {  	s7 =	simm.s32 @!p0 $0x9;
	s9 =	simm.s32 @p0 $0xC000  }
0x87: {  	[spmem:s3] =	stream.indirect.scatter.add.f32 @p0 [tilespmem:s9], [sflag:$0x13], $0x10, s10, s8, $0xb8;
	[tilespmem:$0xF000] =	vst v63  }
0x88: {  	_ =	swait.ge @!p0 [sflag:s7], $0x800  }
0x89: {  	[sflag:s7] =	ssyncset.done @!p0 $0x0  }
0x8a: {  	s10 =	simm.s32 @!p0 $0x11;
	[sflag:s7] =	ssyncadd.s32 @!p0 $0xFFFFF800  }
0x8b: {  	_ =	swait.ge @!p0 [sflag:s10], $0x800  }
0x8c: {  	s11 =	simm.s32 @!p0 $0x400;
	s13 =	simm.s32 @!p0 $0x5000;
	[sflag:s10] =	ssyncset.done @!p0 $0x0  }
0x8d: {  	s7 =	simm.s32 @!p0 $0x80;
	[sflag:s10] =	ssyncadd.s32 @!p0 $0xFFFFF800;
	s10 =	simm.s32 @!p0 $0x3  }
0x8e: {  	[tilespmem:s13], [sflag:$0x1] =	stream.indirect.gather @!p0 [hbm4b:s5+s7], $0x10, s11, s7, $0xb8;
	[tilespmem:$0xF000] =	vst v63  }
0x8f: {  	_ =	swait.ge @!p0 [sflag:s10], $0x800  }
0x90: {  	[sflag:s10] =	ssyncset.done @!p0 $0x0  }
0x91: {  	s11 =	simm.s32 @!p0 $0x2900;
	s13 =	simm.s32 @!p0 $0x6000;
	[sflag:s10] =	ssyncadd.s32 @!p0 $0xFFFFF800  }
0x92: {  	[spmem:s2] =	stream.indirect.scatter.add.f32 @!p0 [tilespmem:s13], [sflag:$0xB], $0x10, s11, s7, $0xb8;
	[tilespmem:$0xF000] =	vst v63  }
0x93: {  	s14 =	simm.s32 @!p0 $0xA;
	s10 =	simm.s32 @!p0 $0xC000  }
0x94: {  	[spmem:s3] =	stream.indirect.scatter.add.f32 @!p0 [tilespmem:s10], [sflag:$0x13], $0x10, s11, s7, $0xb8;
	[tilespmem:$0xF000] =	vst v63  }
0x95: {  	_ =	swait.ge @!p0 [sflag:s14], $0x800  }
0x96: {  	[sflag:s14] =	ssyncset.done @!p0 $0x0  }
0x97: {  	s11 =	simm.s32 @!p0 $0x12;
	[sflag:s14] =	ssyncadd.s32 @!p0 $0xFFFFF800  }
0x98: {  	_ =	swait.ge @!p0 [sflag:s11], $0x800  }
0x99: {  	[sflag:s11] =	ssyncset.done @!p0 $0x0  }
0x9a: {  	s14 =	simm.s32 @!p0 $0x480;
	[sflag:s11] =	ssyncadd.s32 @!p0 $0xFFFFF800;
	s11 =	simm.s32 @!p0 $0x5800  }
0x9b: {  	[tilespmem:s11], [sflag:$0x2] =	stream.indirect.gather @!p0 [hbm4b:s5+s7], $0x10, s14, s7, $0xb8;
	[tilespmem:$0xF000] =	vst v63  }
0x9c: {  	_ =	swait.ge [sflag:s0], $0x800  }
0x9d: {  	[sflag:s0] =	ssyncset.done $0x0  }
0x9e: {  	s23 =	simm.s32 $0x2980;
	[sflag:s0] =	ssyncadd.s32 $0xFFFFF800  }
0x9f: {  	[spmem:s2] =	stream.indirect.scatter.add.f32 [tilespmem:s31], [sflag:$0xC], $0x10, s23, s24, $0xb8;
	[tilespmem:$0xF000] =	vst v63  }
0xa0: {  	s14 =	simm.s32 @p0 $0x5  }
0xa1: {  	[spmem:s3] =	stream.indirect.scatter.add.f32 [tilespmem:s1], [sflag:$0x14], $0x10, s23, s24, $0xb8;
	[tilespmem:$0xF000] =	vst v63  }
0xa2: {  	_ =	swait.ge @p0 [sflag:s14], $0x800  }
0xa3: {  	[sflag:s14] =	ssyncset.done @p0 $0x0  }
0xa4: {  	s11 =	simm.s32 @p0 $0x2A00;
	[sflag:s14] =	ssyncadd.s32 @p0 $0xFFFFF800;
	s14 =	simm.s32 @p0 $0x7000  }
0xa5: {  	[spmem:s2] =	stream.indirect.scatter.add.f32 @p0 [tilespmem:s14], [sflag:$0xD], $0x10, s11, s8, $0xb8;
	[tilespmem:$0xF000] =	vst v63  }
0xa6: {  	s14 =	simm.s32 @!p0 $0xB  }
0xa7: {  	[spmem:s3] =	stream.indirect.scatter.add.f32 @p0 [tilespmem:s9], [sflag:$0x15], $0x10, s11, s8, $0xb8;
	[tilespmem:$0xF000] =	vst v63  }
0xa8: {  	_ =	swait.ge @!p0 [sflag:s14], $0x800  }
0xa9: {  	[sflag:s14] =	ssyncset.done @!p0 $0x0  }
0xaa: {  	s11 =	simm.s32 @!p0 $0x13;
	[sflag:s14] =	ssyncadd.s32 @!p0 $0xFFFFF800  }
0xab: {  	_ =	swait.ge @!p0 [sflag:s11], $0x800  }
0xac: {  	[sflag:s11] =	ssyncset.done @!p0 $0x0  }
0xad: {  	s14 =	simm.s32 @!p0 $0x500;
	[sflag:s11] =	ssyncadd.s32 @!p0 $0xFFFFF800;
	s11 =	simm.s32 @!p0 $0x5  }
0xae: {  	[tilespmem:s13], [sflag:$0x3] =	stream.indirect.gather @!p0 [hbm4b:s5+s7], $0x10, s14, s7, $0xb8;
	[tilespmem:$0xF000] =	vst v63  }
0xaf: {  	_ =	swait.ge @!p0 [sflag:s11], $0x800  }
0xb0: {  	[sflag:s11] =	ssyncset.done @!p0 $0x0  }
0xb1: {  	s13 =	simm.s32 @!p0 $0x2A00;
	s14 =	simm.s32 @!p0 $0x7000;
	[sflag:s11] =	ssyncadd.s32 @!p0 $0xFFFFF800  }
0xb2: {  	[spmem:s2] =	stream.indirect.scatter.add.f32 @!p0 [tilespmem:s14], [sflag:$0xD], $0x10, s13, s7, $0xb8;
	[tilespmem:$0xF000] =	vst v63  }
0xb3: {  	s11 =	simm.s32 @!p0 $0xC  }
0xb4: {  	[spmem:s3] =	stream.indirect.scatter.add.f32 @!p0 [tilespmem:s10], [sflag:$0x15], $0x10, s13, s7, $0xb8;
	[tilespmem:$0xF000] =	vst v63  }
0xb5: {  	_ =	swait.ge @!p0 [sflag:s11], $0x800  }
0xb6: {  	[sflag:s11] =	ssyncset.done @!p0 $0x0  }
0xb7: {  	s13 =	simm.s32 @!p0 $0x14;
	[sflag:s11] =	ssyncadd.s32 @!p0 $0xFFFFF800  }
0xb8: {  	_ =	swait.ge @!p0 [sflag:s13], $0x800  }
0xb9: {  	[sflag:s13] =	ssyncset.done @!p0 $0x0  }
0xba: {  	s11 =	simm.s32 @!p0 $0x580;
	[sflag:s13] =	ssyncadd.s32 @!p0 $0xFFFFF800;
	s13 =	simm.s32 @!p0 $0x6800  }
0xbb: {  	[tilespmem:s13], [sflag:$0x4] =	stream.indirect.gather @!p0 [hbm4b:s5+s7], $0x10, s11, s7, $0xb8;
	[tilespmem:$0xF000] =	vst v63  }
0xbc: {  	_ =	swait.ge [sflag:s4], $0x800  }
0xbd: {  	[sflag:s4] =	ssyncset.done $0x0  }
0xbe: {  	s25 =	simm.s32 $0x2A80;
	[sflag:s4] =	ssyncadd.s32 $0xFFFFF800  }
0xbf: {  	[spmem:s2] =	stream.indirect.scatter.add.f32 [tilespmem:s29], [sflag:$0xE], $0x10, s25, s24, $0xb8;
	[tilespmem:$0xF000] =	vst v63  }
0xc0: {  	s13 =	simm.s32 @p0 $0x7  }
0xc1: {  	[spmem:s3] =	stream.indirect.scatter.add.f32 [tilespmem:s1], [sflag:$0x16], $0x10, s25, s24, $0xb8;
	[tilespmem:$0xF000] =	vst v63  }
0xc2: {  	_ =	swait.ge @p0 [sflag:s13], $0x800  }
0xc3: {  	[sflag:s13] =	ssyncset.done @p0 $0x0  }
0xc4: {  	s11 =	simm.s32 @p0 $0x2B00;
	[sflag:s13] =	ssyncadd.s32 @p0 $0xFFFFF800;
	s13 =	simm.s32 @p0 $0x8000  }
0xc5: {  	[spmem:s2] =	stream.indirect.scatter.add.f32 @p0 [tilespmem:s13], [sflag:$0xF], $0x10, s11, s8, $0xb8;
	[tilespmem:$0xF000] =	vst v63  }
0xc6: {  	_ = 	snop  }
0xc7: {  	[spmem:s3] =	stream.indirect.scatter.add.f32 @p0 [tilespmem:s9], [sflag:$0x17], $0x10, s11, s8, $0xb8;
	[tilespmem:$0xF000] =	vst v63  }
0xc8: {  	s8 =	simm.s32 @!p0 $0xD  }
0xc9: {  	_ =	swait.ge @!p0 [sflag:s8], $0x800  }
0xca: {  	[sflag:s8] =	ssyncset.done @!p0 $0x0  }
0xcb: {  	[sflag:s8] =	ssyncadd.s32 @!p0 $0xFFFFF800;
	s8 =	simm.s32 @!p0 $0x15  }
0xcc: {  	_ =	swait.ge @!p0 [sflag:s8], $0x800  }
0xcd: {  	[sflag:s8] =	ssyncset.done @!p0 $0x0  }
0xce: {  	[sflag:s8] =	ssyncadd.s32 @!p0 $0xFFFFF800;
	s8 =	simm.s32 @!p0 $0x600  }
0xcf: {  	[tilespmem:s14], [sflag:$0x5] =	stream.indirect.gather @!p0 [hbm4b:s5+s7], $0x10, s8, s7, $0xb8;
	[tilespmem:$0xF000] =	vst v63  }
0xd0: {  	s8 =	simm.s32 @!p0 $0x7  }
0xd1: {  	_ =	swait.ge @!p0 [sflag:s8], $0x800  }
0xd2: {  	[sflag:s8] =	ssyncset.done @!p0 $0x0  }
0xd3: {  	s9 =	simm.s32 @!p0 $0x2B00;
	[sflag:s8] =	ssyncadd.s32 @!p0 $0xFFFFF800;
	s8 =	simm.s32 @!p0 $0x8000  }
0xd4: {  	[spmem:s2] =	stream.indirect.scatter.add.f32 @!p0 [tilespmem:s8], [sflag:$0xF], $0x10, s9, s7, $0xb8;
	[tilespmem:$0xF000] =	vst v63  }
0xd5: {  	s8 =	simm.s32 @!p0 $0xE  }
0xd6: {  	[spmem:s3] =	stream.indirect.scatter.add.f32 @!p0 [tilespmem:s10], [sflag:$0x17], $0x10, s9, s7, $0xb8;
	[tilespmem:$0xF000] =	vst v63  }
0xd7: {  	_ =	swait.ge @!p0 [sflag:s8], $0x800  }
0xd8: {  	[sflag:s8] =	ssyncset.done @!p0 $0x0  }
0xd9: {  	s9 =	simm.s32 @!p0 $0x16;
	[sflag:s8] =	ssyncadd.s32 @!p0 $0xFFFFF800  }
0xda: {  	_ =	swait.ge @!p0 [sflag:s9], $0x800  }
0xdb: {  	[sflag:s9] =	ssyncset.done @!p0 $0x0  }
0xdc: {  	s8 =	simm.s32 @!p0 $0x680;
	[sflag:s9] =	ssyncadd.s32 @!p0 $0xFFFFF800;
	s9 =	simm.s32 @!p0 $0x7800  }
0xdd: {  	[tilespmem:s9], [sflag:$0x6] =	stream.indirect.gather @!p0 [hbm4b:s5+s7], $0x10, s8, s7, $0xb8;
	[tilespmem:$0xF000] =	vst v63  }
0xde: {  	p6 =	por $0x0, $0x0;
	_ =	swait.ge [sflag:s6], $0x800  }
0xdf: {  	s15 =	simm.s32 $0x2000;
	s14 =	simm.s32 $0x1000;
	[sflag:s6] =	ssyncset.done $0x0  }
0xe0: {  	s7 =	simm.s32 $0x2B80;
	p0 =	por p6, p6;
	[sflag:s6] =	ssyncadd.s32 $0xFFFFF800  }
0xe1: {  	[spmem:s2] =	stream.indirect.scatter.add.f32 [tilespmem:s22], [sflag:$0x10], $0x10, s7, s24, $0xb8;
	[tilespmem:$0xF000] =	vst v63  }
.LBB2_8:
0xe2: {  	s8 =	simm.s32 @!p0 $0xF  }
0xe3: {  	[spmem:s3] =	stream.indirect.scatter.add.f32 [tilespmem:s1], [sflag:$0x18], $0x10, s7, s24, $0xb8;
	[tilespmem:$0xF000] =	vst v63  }
0xe4: {  	_ =	swait.ge @!p0 [sflag:s8], $0x800  }
0xe5: {  	[sflag:s8] =	ssyncset.done @!p0 $0x0  }
0xe6: {  	s7 =	simm.s32 @!p0 $0x17;
	[sflag:s8] =	ssyncadd.s32 @!p0 $0xFFFFF800  }
0xe7: {  	_ =	swait.ge @!p0 [sflag:s7], $0x800  }
0xe8: {  	s16 =	sshra.s32 s14, $0x2;
	[sflag:s7] =	ssyncset.done @!p0 $0x0  }
0xe9: {  	s19 =	sadd.s32 $0x300, s16;
	s18 =	rddreg [dreg:$0x5];
	[sflag:s7] =	ssyncadd.s32 @!p0 $0xFFFFF800  }
0xea: {  	[tilespmem:s18], [sflag:$0x7] =	stream.indirect.gather [hbm4b:s5+s24], $0x10, s19, s24, $0xb8;
	[tilespmem:$0xF000] =	vst v63  }
0xeb: {  	_ =	swait.ge [sflag:s30], $0x800  }
0xec: {  	[sflag:s30] =	ssyncset.done $0x0  }
0xed: {  	s20 =	sadd.s32 $0x2800, s16;
	[sflag:s30] =	ssyncadd.s32 $0xFFFFF800  }
0xee: {  	[spmem:s2] =	stream.indirect.scatter.add.f32 [tilespmem:s17], [sflag:$0x9], $0x10, s20, s24, $0xb8;
	[tilespmem:$0xF000] =	vst v63  }
0xef: {  	s8 =	simm.s32 @!p0 $0x10  }
0xf0: {  	[spmem:s3] =	stream.indirect.scatter.add.f32 [tilespmem:s1], [sflag:$0x11], $0x10, s20, s24, $0xb8;
	[tilespmem:$0xF000] =	vst v63  }
0xf1: {  	_ =	swait.ge @!p0 [sflag:s8], $0x800  }
0xf2: {  	[sflag:s8] =	ssyncset.done @!p0 $0x0  }
0xf3: {  	s7 =	simm.s32 @!p0 $0x18;
	[sflag:s8] =	ssyncadd.s32 @!p0 $0xFFFFF800  }
0xf4: {  	_ =	swait.ge @!p0 [sflag:s7], $0x800  }
0xf5: {  	[sflag:s7] =	ssyncset.done @!p0 $0x0  }
0xf6: {  	s21 =	sadd.s32 $0x380, s16;
	[sflag:s7] =	ssyncadd.s32 @!p0 $0xFFFFF800  }
0xf7: {  	[tilespmem:s22], [sflag:$0x8] =	stream.indirect.gather [hbm4b:s5+s24], $0x10, s21, s24, $0xb8;
	[tilespmem:$0xF000] =	vst v63  }
0xf8: {  	_ =	swait.ge [sflag:s28], $0x800  }
0xf9: {  	p2 =	seq.s32 s15, $0x0;
	s23 =	sadd.s32 $0x2880, s16;
	[sflag:s28] =	ssyncset.done $0x0  }
0xfa: {  	p0 =	por p2, p2;
	p2 =	seq.s32 s14, $0x9000;
	[sflag:s28] =	ssyncadd.s32 $0xFFFFF800  }
0xfb: {  	[spmem:s2] =	stream.indirect.scatter.add.f32 [tilespmem:s26], [sflag:$0xA], $0x10, s23, s24, $0xb8;
	[tilespmem:$0xF000] =	vst v63  }
0xfc: {  	s8 =	simm.s32 @p2 $0x3  }
0xfd: {  	[spmem:s3] =	stream.indirect.scatter.add.f32 [tilespmem:s1], [sflag:$0x12], $0x10, s23, s24, $0xb8;
	[tilespmem:$0xF000] =	vst v63  }
0xfe: {  	s7 =	sshra.s32 @p2 s14, $0x2;
	_ =	swait.ge @p2 [sflag:s8], $0x800  }
0xff: {  	s18 =	sshra.s32 @!p2 s14, $0x2;
	s13 =	simm.s32 @p2 $0x6000;
	[sflag:s8] =	ssyncset.done @p2 $0x0  }
0x100: {  	s9 =	simm.s32 @p2 $0x80;
	s14 =	sadd.s32 @p2 $0x2900, s7;
	[sflag:s8] =	ssyncadd.s32 @p2 $0xFFFFF800  }
0x101: {  	[spmem:s2] =	stream.indirect.scatter.add.f32 @p2 [tilespmem:s13], [sflag:$0xB], $0x10, s14, s9, $0xb8;
	[tilespmem:$0xF000] =	vst v63  }
0x102: {  	s10 =	simm.s32 @p2 $0xC000;
	s19 =	simm.s32 @!p2 $0x9  }
0x103: {  	[spmem:s3] =	stream.indirect.scatter.add.f32 @p2 [tilespmem:s10], [sflag:$0x13], $0x10, s14, s9, $0xb8;
	[tilespmem:$0xF000] =	vst v63  }
0x104: {  	_ =	swait.ge @!p2 [sflag:s19], $0x800  }
0x105: {  	[sflag:s19] =	ssyncset.done @!p2 $0x0  }
0x106: {  	s21 =	simm.s32 @!p2 $0x11;
	[sflag:s19] =	ssyncadd.s32 @!p2 $0xFFFFF800  }
0x107: {  	s11 =	smov.u32 s15;
	s23 =	sadd.s32 @!p2 $0x400, s18;
	_ =	swait.ge @!p2 [sflag:s21], $0x800  }
0x108: {  	s14 =	smov.u32 s11;
	s11 =	simm.s32 @!p2 $0x5000;
	[sflag:s21] =	ssyncset.done @!p2 $0x0  }
0x109: {  	s19 =	simm.s32 @!p2 $0x80;
	[sflag:s21] =	ssyncadd.s32 @!p2 $0xFFFFF800;
	s21 =	simm.s32 @!p2 $0x3  }
0x10a: {  	[tilespmem:s11], [sflag:$0x1] =	stream.indirect.gather @!p2 [hbm4b:s5+s19], $0x10, s23, s19, $0xb8;
	[tilespmem:$0xF000] =	vst v63  }
0x10b: {  	_ =	swait.ge @!p2 [sflag:s21], $0x800  }
0x10c: {  	[sflag:s21] =	ssyncset.done @!p2 $0x0  }
0x10d: {  	s25 =	sadd.s32 @!p2 $0x2900, s18;
	s23 =	simm.s32 @!p2 $0x6000;
	[sflag:s21] =	ssyncadd.s32 @!p2 $0xFFFFF800  }
0x10e: {  	[spmem:s2] =	stream.indirect.scatter.add.f32 @!p2 [tilespmem:s23], [sflag:$0xB], $0x10, s25, s19, $0xb8;
	[tilespmem:$0xF000] =	vst v63  }
0x10f: {  	s11 =	simm.s32 @!p2 $0xC000;
	s21 =	simm.s32 @!p2 $0xA  }
0x110: {  	[spmem:s3] =	stream.indirect.scatter.add.f32 @!p2 [tilespmem:s11], [sflag:$0x13], $0x10, s25, s19, $0xb8;
	[tilespmem:$0xF000] =	vst v63  }
0x111: {  	_ =	swait.ge @!p2 [sflag:s21], $0x800  }
0x112: {  	[sflag:s21] =	ssyncset.done @!p2 $0x0  }
0x113: {  	s25 =	simm.s32 @!p2 $0x12;
	[sflag:s21] =	ssyncadd.s32 @!p2 $0xFFFFF800  }
0x114: {  	_ =	swait.ge @!p2 [sflag:s25], $0x800  }
0x115: {  	[sflag:s25] =	ssyncset.done @!p2 $0x0  }
0x116: {  	s12 =	sadd.s32 @!p2 $0x480, s18;
	s21 =	simm.s32 @!p2 $0x5800;
	[sflag:s25] =	ssyncadd.s32 @!p2 $0xFFFFF800  }
0x117: {  	[tilespmem:s21], [sflag:$0x2] =	stream.indirect.gather @!p2 [hbm4b:s5+s19], $0x10, s12, s19, $0xb8;
	[tilespmem:$0xF000] =	vst v63  }
0x118: {  	_ =	swait.ge [sflag:s0], $0x800  }
0x119: {  	[sflag:s0] =	ssyncset.done $0x0  }
0x11a: {  	s25 =	sadd.s32 $0x2980, s16;
	[sflag:s0] =	ssyncadd.s32 $0xFFFFF800  }
0x11b: {  	[spmem:s2] =	stream.indirect.scatter.add.f32 [tilespmem:s31], [sflag:$0xC], $0x10, s25, s24, $0xb8;
	[tilespmem:$0xF000] =	vst v63  }
0x11c: {  	s21 =	simm.s32 @p2 $0x5  }
0x11d: {  	[spmem:s3] =	stream.indirect.scatter.add.f32 [tilespmem:s1], [sflag:$0x14], $0x10, s25, s24, $0xb8;
	[tilespmem:$0xF000] =	vst v63  }
0x11e: {  	_ =	swait.ge @p2 [sflag:s21], $0x800  }
0x11f: {  	[sflag:s21] =	ssyncset.done @p2 $0x0  }
0x120: {  	s12 =	sadd.s32 @p2 $0x2A00, s7;
	s25 =	simm.s32 @p2 $0x7000;
	[sflag:s21] =	ssyncadd.s32 @p2 $0xFFFFF800  }
0x121: {  	[spmem:s2] =	stream.indirect.scatter.add.f32 @p2 [tilespmem:s25], [sflag:$0xD], $0x10, s12, s9, $0xb8;
	[tilespmem:$0xF000] =	vst v63  }
0x122: {  	s21 =	simm.s32 @!p2 $0xB  }
0x123: {  	[spmem:s3] =	stream.indirect.scatter.add.f32 @p2 [tilespmem:s10], [sflag:$0x15], $0x10, s12, s9, $0xb8;
	[tilespmem:$0xF000] =	vst v63  }
0x124: {  	_ =	swait.ge @!p2 [sflag:s21], $0x800  }
0x125: {  	[sflag:s21] =	ssyncset.done @!p2 $0x0  }
0x126: {  	s12 =	simm.s32 @!p2 $0x13;
	[sflag:s21] =	ssyncadd.s32 @!p2 $0xFFFFF800  }
0x127: {  	_ =	swait.ge @!p2 [sflag:s12], $0x800  }
0x128: {  	[sflag:s12] =	ssyncset.done @!p2 $0x0  }
0x129: {  	s13 =	sadd.s32 @!p2 $0x500, s18;
	[sflag:s12] =	ssyncadd.s32 @!p2 $0xFFFFF800;
	s12 =	simm.s32 @!p2 $0x5  }
0x12a: {  	[tilespmem:s23], [sflag:$0x3] =	stream.indirect.gather @!p2 [hbm4b:s5+s19], $0x10, s13, s19, $0xb8;
	[tilespmem:$0xF000] =	vst v63  }
0x12b: {  	_ =	swait.ge @!p2 [sflag:s12], $0x800  }
0x12c: {  	[sflag:s12] =	ssyncset.done @!p2 $0x0  }
0x12d: {  	s21 =	sadd.s32 @!p2 $0x2A00, s18;
	s13 =	simm.s32 @!p2 $0x7000;
	[sflag:s12] =	ssyncadd.s32 @!p2 $0xFFFFF800  }
0x12e: {  	[spmem:s2] =	stream.indirect.scatter.add.f32 @!p2 [tilespmem:s13], [sflag:$0xD], $0x10, s21, s19, $0xb8;
	[tilespmem:$0xF000] =	vst v63  }
0x12f: {  	s12 =	simm.s32 @!p2 $0xC  }
0x130: {  	[spmem:s3] =	stream.indirect.scatter.add.f32 @!p2 [tilespmem:s11], [sflag:$0x15], $0x10, s21, s19, $0xb8;
	[tilespmem:$0xF000] =	vst v63  }
0x131: {  	_ =	swait.ge @!p2 [sflag:s12], $0x800  }
0x132: {  	[sflag:s12] =	ssyncset.done @!p2 $0x0  }
0x133: {  	s21 =	simm.s32 @!p2 $0x14;
	[sflag:s12] =	ssyncadd.s32 @!p2 $0xFFFFF800  }
0x134: {  	_ =	swait.ge @!p2 [sflag:s21], $0x800  }
0x135: {  	[sflag:s21] =	ssyncset.done @!p2 $0x0  }
0x136: {  	s8 =	sadd.s32 @!p2 $0x580, s18;
	s12 =	simm.s32 @!p2 $0x6800;
	[sflag:s21] =	ssyncadd.s32 @!p2 $0xFFFFF800  }
0x137: {  	[tilespmem:s12], [sflag:$0x4] =	stream.indirect.gather @!p2 [hbm4b:s5+s19], $0x10, s8, s19, $0xb8;
	[tilespmem:$0xF000] =	vst v63  }
0x138: {  	_ =	swait.ge [sflag:s4], $0x800  }
0x139: {  	[sflag:s4] =	ssyncset.done $0x0  }
0x13a: {  	s25 =	sadd.s32 $0x2A80, s16;
	[sflag:s4] =	ssyncadd.s32 $0xFFFFF800  }
0x13b: {  	[spmem:s2] =	stream.indirect.scatter.add.f32 [tilespmem:s29], [sflag:$0xE], $0x10, s25, s24, $0xb8;
	[tilespmem:$0xF000] =	vst v63  }
0x13c: {  	s12 =	simm.s32 @p2 $0x7  }
0x13d: {  	[spmem:s3] =	stream.indirect.scatter.add.f32 [tilespmem:s1], [sflag:$0x16], $0x10, s25, s24, $0xb8;
	[tilespmem:$0xF000] =	vst v63  }
0x13e: {  	_ =	swait.ge @p2 [sflag:s12], $0x800  }
0x13f: {  	[sflag:s12] =	ssyncset.done @p2 $0x0  }
0x140: {  	s7 =	sadd.s32 @p2 $0x2B00, s7;
	s8 =	simm.s32 @p2 $0x8000;
	[sflag:s12] =	ssyncadd.s32 @p2 $0xFFFFF800  }
0x141: {  	[spmem:s2] =	stream.indirect.scatter.add.f32 @p2 [tilespmem:s8], [sflag:$0xF], $0x10, s7, s9, $0xb8;
	[tilespmem:$0xF000] =	vst v63  }
0x142: {  	s8 =	simm.s32 @!p2 $0xD  }
0x143: {  	[spmem:s3] =	stream.indirect.scatter.add.f32 @p2 [tilespmem:s10], [sflag:$0x17], $0x10, s7, s9, $0xb8;
	[tilespmem:$0xF000] =	vst v63  }
0x144: {  	_ =	swait.ge @!p2 [sflag:s8], $0x800  }
0x145: {  	[sflag:s8] =	ssyncset.done @!p2 $0x0  }
0x146: {  	s7 =	simm.s32 @!p2 $0x15;
	[sflag:s8] =	ssyncadd.s32 @!p2 $0xFFFFF800  }
0x147: {  	_ =	swait.ge @!p2 [sflag:s7], $0x800  }
0x148: {  	[sflag:s7] =	ssyncset.done @!p2 $0x0  }
0x149: {  	s20 =	sadd.s32 @!p2 $0x600, s18;
	[sflag:s7] =	ssyncadd.s32 @!p2 $0xFFFFF800;
	s7 =	simm.s32 @!p2 $0x7  }
0x14a: {  	[tilespmem:s13], [sflag:$0x5] =	stream.indirect.gather @!p2 [hbm4b:s5+s19], $0x10, s20, s19, $0xb8;
	[tilespmem:$0xF000] =	vst v63  }
0x14b: {  	_ =	swait.ge @!p2 [sflag:s7], $0x800  }
0x14c: {  	[sflag:s7] =	ssyncset.done @!p2 $0x0  }
0x14d: {  	s9 =	simm.s32 @!p2 $0x8000;
	s8 =	sadd.s32 @!p2 $0x2B00, s18;
	[sflag:s7] =	ssyncadd.s32 @!p2 $0xFFFFF800  }
0x14e: {  	[spmem:s2] =	stream.indirect.scatter.add.f32 @!p2 [tilespmem:s9], [sflag:$0xF], $0x10, s8, s19, $0xb8;
	[tilespmem:$0xF000] =	vst v63  }
0x14f: {  	s7 =	simm.s32 @!p2 $0xE  }
0x150: {  	[spmem:s3] =	stream.indirect.scatter.add.f32 @!p2 [tilespmem:s11], [sflag:$0x17], $0x10, s8, s19, $0xb8;
	[tilespmem:$0xF000] =	vst v63  }
0x151: {  	_ =	swait.ge @!p2 [sflag:s7], $0x800  }
0x152: {  	[sflag:s7] =	ssyncset.done @!p2 $0x0  }
0x153: {  	s8 =	simm.s32 @!p2 $0x16;
	[sflag:s7] =	ssyncadd.s32 @!p2 $0xFFFFF800  }
0x154: {  	s15 =	sadd.s32 $0x1000, s15;
	_ =	swait.ge @!p2 [sflag:s8], $0x800  }
0x155: {  	p1 =	sne.s32 s15, $0xA000;
	[sflag:s8] =	ssyncset.done @!p2 $0x0  }
0x156: {  	s17 =	sadd.s32 @!p2 $0x680, s18;
	s7 =	simm.s32 @!p2 $0x7800;
	[sflag:s8] =	ssyncadd.s32 @!p2 $0xFFFFF800  }
0x157: {  	[tilespmem:s7], [sflag:$0x6] =	stream.indirect.gather @!p2 [hbm4b:s5+s19], $0x10, s17, s19, $0xb8;
	[tilespmem:$0xF000] =	vst v63  }
.Ltmp3:
0x158: {  	_ = 	snop;
	(pc) =	sbr.rel @p1 .LBB2_8-.Ltmp3, $4  }
0x159: {  	_ =	swait.ge [sflag:s6], $0x800  }
0x15a: {  	[sflag:s6] =	ssyncset.done $0x0  }
0x15b: {  	s17 =	simm.s32 $0x5000;
	s7 =	sadd.s32 $0x2B80, s16;
	[sflag:s6] =	ssyncadd.s32 $0xFFFFF800  }
0x15c: {  	[spmem:s2] =	stream.indirect.scatter.add.f32 [tilespmem:s22], [sflag:$0x10], $0x10, s7, s24, $0xb8;
	[tilespmem:$0xF000] =	vst v63  }
0x15d: {  	s8 =	simm.s32 @!p0 $0xF  }
0x15e: {  	[spmem:s3] =	stream.indirect.scatter.add.f32 [tilespmem:s1], [sflag:$0x18], $0x10, s7, s24, $0xb8;
	[tilespmem:$0xF000] =	vst v63  }
0x15f: {  	_ =	swait.ge @!p0 [sflag:s8], $0x800  }
0x160: {  	[sflag:s8] =	ssyncset.done @!p0 $0x0  }
0x161: {  	[sflag:s8] =	ssyncadd.s32 @!p0 $0xFFFFF800;
	s8 =	simm.s32 @!p0 $0x17  }
0x162: {  	_ =	swait.ge @!p0 [sflag:s8], $0x800  }
0x163: {  	s7 =	sshra.s32 s14, $0x2;
	[sflag:s8] =	ssyncset.done @!p0 $0x0  }
0x164: {  	s18 =	sadd.s32 $0x300, s7;
	s9 =	rddreg [dreg:$0x5];
	[sflag:s8] =	ssyncadd.s32 @!p0 $0xFFFFF800  }
0x165: {  	[tilespmem:s9], [sflag:$0x7] =	stream.indirect.gather [hbm4b:s5+s24], $0x10, s18, s24, $0xb8;
	[tilespmem:$0xF000] =	vst v63  }
0x166: {  	_ =	swait.ge [sflag:s30], $0x800  }
0x167: {  	[sflag:s30] =	ssyncset.done $0x0  }
0x168: {  	s19 =	sadd.s32 $0x2800, s7;
	[sflag:s30] =	ssyncadd.s32 $0xFFFFF800  }
0x169: {  	[spmem:s2] =	stream.indirect.scatter.add.f32 [tilespmem:s17], [sflag:$0x9], $0x10, s19, s24, $0xb8;
	[tilespmem:$0xF000] =	vst v63  }
0x16a: {  	s9 =	simm.s32 @!p0 $0x10  }
0x16b: {  	[spmem:s3] =	stream.indirect.scatter.add.f32 [tilespmem:s1], [sflag:$0x11], $0x10, s19, s24, $0xb8;
	[tilespmem:$0xF000] =	vst v63  }
0x16c: {  	_ =	swait.ge @!p0 [sflag:s9], $0x800  }
0x16d: {  	[sflag:s9] =	ssyncset.done @!p0 $0x0  }
0x16e: {  	s8 =	simm.s32 @!p0 $0x18;
	[sflag:s9] =	ssyncadd.s32 @!p0 $0xFFFFF800  }
0x16f: {  	_ =	swait.ge @!p0 [sflag:s8], $0x800  }
0x170: {  	[sflag:s8] =	ssyncset.done @!p0 $0x0  }
0x171: {  	s20 =	sadd.s32 $0x380, s7;
	[sflag:s8] =	ssyncadd.s32 @!p0 $0xFFFFF800  }
0x172: {  	[tilespmem:s22], [sflag:$0x8] =	stream.indirect.gather [hbm4b:s5+s24], $0x10, s20, s24, $0xb8;
	[tilespmem:$0xF000] =	vst v63  }
0x173: {  	_ =	swait.ge [sflag:s28], $0x800  }
0x174: {  	[sflag:s28] =	ssyncset.done $0x0  }
0x175: {  	s21 =	sadd.s32 $0x2880, s7;
	p0 =	seq.s32 s14, $0x9000;
	[sflag:s28] =	ssyncadd.s32 $0xFFFFF800  }
0x176: {  	[spmem:s2] =	stream.indirect.scatter.add.f32 [tilespmem:s26], [sflag:$0xA], $0x10, s21, s24, $0xb8;
	[tilespmem:$0xF000] =	vst v63  }
0x177: {  	s8 =	simm.s32 @p0 $0x3  }
0x178: {  	[spmem:s3] =	stream.indirect.scatter.add.f32 [tilespmem:s1], [sflag:$0x12], $0x10, s21, s24, $0xb8;
	[tilespmem:$0xF000] =	vst v63  }
0x179: {  	_ =	swait.ge @p0 [sflag:s8], $0x800  }
0x17a: {  	s10 =	sshra.s32 @p0 s14, $0x2;
	s9 =	simm.s32 @p0 $0x6000;
	[sflag:s8] =	ssyncset.done @p0 $0x0  }
0x17b: {  	s11 =	simm.s32 @p0 $0x80;
	s12 =	sadd.s32 @p0 $0x2900, s10;
	[sflag:s8] =	ssyncadd.s32 @p0 $0xFFFFF800  }
0x17c: {  	[spmem:s2] =	stream.indirect.scatter.add.f32 @p0 [tilespmem:s9], [sflag:$0xB], $0x10, s12, s11, $0xb8;
	[tilespmem:$0xF000] =	vst v63  }
0x17d: {  	s13 =	simm.s32 @p0 $0xC000;
	s8 =	simm.s32 @!p0 $0x9  }
0x17e: {  	[spmem:s3] =	stream.indirect.scatter.add.f32 @p0 [tilespmem:s13], [sflag:$0x13], $0x10, s12, s11, $0xb8;
	[tilespmem:$0xF000] =	vst v63  }
0x17f: {  	_ =	swait.ge @!p0 [sflag:s8], $0x800  }
0x180: {  	[sflag:s8] =	ssyncset.done @!p0 $0x0  }
0x181: {  	s12 =	simm.s32 @!p0 $0x11;
	[sflag:s8] =	ssyncadd.s32 @!p0 $0xFFFFF800  }
0x182: {  	s15 =	simm.s32 @!p0 $0x5000;
	_ =	swait.ge @!p0 [sflag:s12], $0x800  }
0x183: {  	s9 =	simm.s32 @!p0 $0x80;
	s8 =	sshra.s32 @!p0 s14, $0x2;
	[sflag:s12] =	ssyncset.done @!p0 $0x0  }
0x184: {  	s14 =	sadd.s32 @!p0 $0x400, s8;
	[sflag:s12] =	ssyncadd.s32 @!p0 $0xFFFFF800;
	s12 =	simm.s32 @!p0 $0x3  }
0x185: {  	[tilespmem:s15], [sflag:$0x1] =	stream.indirect.gather @!p0 [hbm4b:s5+s9], $0x10, s14, s9, $0xb8;
	[tilespmem:$0xF000] =	vst v63  }
0x186: {  	_ =	swait.ge @!p0 [sflag:s12], $0x800  }
0x187: {  	[sflag:s12] =	ssyncset.done @!p0 $0x0  }
0x188: {  	s16 =	simm.s32 @!p0 $0x6000;
	s15 =	sadd.s32 @!p0 $0x2900, s8;
	[sflag:s12] =	ssyncadd.s32 @!p0 $0xFFFFF800  }
0x189: {  	[spmem:s2] =	stream.indirect.scatter.add.f32 @!p0 [tilespmem:s16], [sflag:$0xB], $0x10, s15, s9, $0xb8;
	[tilespmem:$0xF000] =	vst v63  }
0x18a: {  	s14 =	simm.s32 @!p0 $0xC000;
	s12 =	simm.s32 @!p0 $0xA  }
0x18b: {  	[spmem:s3] =	stream.indirect.scatter.add.f32 @!p0 [tilespmem:s14], [sflag:$0x13], $0x10, s15, s9, $0xb8;
	[tilespmem:$0xF000] =	vst v63  }
0x18c: {  	_ =	swait.ge @!p0 [sflag:s12], $0x800  }
0x18d: {  	[sflag:s12] =	ssyncset.done @!p0 $0x0  }
0x18e: {  	s15 =	simm.s32 @!p0 $0x12;
	[sflag:s12] =	ssyncadd.s32 @!p0 $0xFFFFF800  }
0x18f: {  	_ =	swait.ge @!p0 [sflag:s15], $0x800  }
0x190: {  	[sflag:s15] =	ssyncset.done @!p0 $0x0  }
0x191: {  	s12 =	sadd.s32 @!p0 $0x480, s8;
	[sflag:s15] =	ssyncadd.s32 @!p0 $0xFFFFF800;
	s15 =	simm.s32 @!p0 $0x5800  }
0x192: {  	[tilespmem:s15], [sflag:$0x2] =	stream.indirect.gather @!p0 [hbm4b:s5+s9], $0x10, s12, s9, $0xb8;
	[tilespmem:$0xF000] =	vst v63  }
0x193: {  	_ =	swait.ge [sflag:s0], $0x800  }
0x194: {  	[sflag:s0] =	ssyncset.done $0x0  }
0x195: {  	s23 =	sadd.s32 $0x2980, s7;
	[sflag:s0] =	ssyncadd.s32 $0xFFFFF800  }
0x196: {  	[spmem:s2] =	stream.indirect.scatter.add.f32 [tilespmem:s31], [sflag:$0xC], $0x10, s23, s24, $0xb8;
	[tilespmem:$0xF000] =	vst v63  }
0x197: {  	s15 =	simm.s32 @p0 $0x5  }
0x198: {  	[spmem:s3] =	stream.indirect.scatter.add.f32 [tilespmem:s1], [sflag:$0x14], $0x10, s23, s24, $0xb8;
	[tilespmem:$0xF000] =	vst v63  }
0x199: {  	_ =	swait.ge @p0 [sflag:s15], $0x800  }
0x19a: {  	[sflag:s15] =	ssyncset.done @p0 $0x0  }
0x19b: {  	s12 =	sadd.s32 @p0 $0x2A00, s10;
	[sflag:s15] =	ssyncadd.s32 @p0 $0xFFFFF800;
	s15 =	simm.s32 @p0 $0x7000  }
0x19c: {  	[spmem:s2] =	stream.indirect.scatter.add.f32 @p0 [tilespmem:s15], [sflag:$0xD], $0x10, s12, s11, $0xb8;
	[tilespmem:$0xF000] =	vst v63  }
0x19d: {  	s15 =	simm.s32 @!p0 $0xB  }
0x19e: {  	[spmem:s3] =	stream.indirect.scatter.add.f32 @p0 [tilespmem:s13], [sflag:$0x15], $0x10, s12, s11, $0xb8;
	[tilespmem:$0xF000] =	vst v63  }
0x19f: {  	_ =	swait.ge @!p0 [sflag:s15], $0x800  }
0x1a0: {  	[sflag:s15] =	ssyncset.done @!p0 $0x0  }
0x1a1: {  	s12 =	simm.s32 @!p0 $0x13;
	[sflag:s15] =	ssyncadd.s32 @!p0 $0xFFFFF800  }
0x1a2: {  	_ =	swait.ge @!p0 [sflag:s12], $0x800  }
0x1a3: {  	[sflag:s12] =	ssyncset.done @!p0 $0x0  }
0x1a4: {  	s15 =	sadd.s32 @!p0 $0x500, s8;
	[sflag:s12] =	ssyncadd.s32 @!p0 $0xFFFFF800;
	s12 =	simm.s32 @!p0 $0x5  }
0x1a5: {  	[tilespmem:s16], [sflag:$0x3] =	stream.indirect.gather @!p0 [hbm4b:s5+s9], $0x10, s15, s9, $0xb8;
	[tilespmem:$0xF000] =	vst v63  }
0x1a6: {  	_ =	swait.ge @!p0 [sflag:s12], $0x800  }
0x1a7: {  	[sflag:s12] =	ssyncset.done @!p0 $0x0  }
0x1a8: {  	s15 =	sadd.s32 @!p0 $0x2A00, s8;
	s16 =	simm.s32 @!p0 $0x7000;
	[sflag:s12] =	ssyncadd.s32 @!p0 $0xFFFFF800  }
0x1a9: {  	[spmem:s2] =	stream.indirect.scatter.add.f32 @!p0 [tilespmem:s16], [sflag:$0xD], $0x10, s15, s9, $0xb8;
	[tilespmem:$0xF000] =	vst v63  }
0x1aa: {  	s12 =	simm.s32 @!p0 $0xC  }
0x1ab: {  	[spmem:s3] =	stream.indirect.scatter.add.f32 @!p0 [tilespmem:s14], [sflag:$0x15], $0x10, s15, s9, $0xb8;
	[tilespmem:$0xF000] =	vst v63  }
0x1ac: {  	_ =	swait.ge @!p0 [sflag:s12], $0x800  }
0x1ad: {  	[sflag:s12] =	ssyncset.done @!p0 $0x0  }
0x1ae: {  	s15 =	simm.s32 @!p0 $0x14;
	[sflag:s12] =	ssyncadd.s32 @!p0 $0xFFFFF800  }
0x1af: {  	_ =	swait.ge @!p0 [sflag:s15], $0x800  }
0x1b0: {  	[sflag:s15] =	ssyncset.done @!p0 $0x0  }
0x1b1: {  	s12 =	sadd.s32 @!p0 $0x580, s8;
	[sflag:s15] =	ssyncadd.s32 @!p0 $0xFFFFF800;
	s15 =	simm.s32 @!p0 $0x6800  }
0x1b2: {  	[tilespmem:s15], [sflag:$0x4] =	stream.indirect.gather @!p0 [hbm4b:s5+s9], $0x10, s12, s9, $0xb8;
	[tilespmem:$0xF000] =	vst v63  }
0x1b3: {  	_ =	swait.ge [sflag:s4], $0x800  }
0x1b4: {  	[sflag:s4] =	ssyncset.done $0x0  }
0x1b5: {  	s25 =	sadd.s32 $0x2A80, s7;
	[sflag:s4] =	ssyncadd.s32 $0xFFFFF800  }
0x1b6: {  	[spmem:s2] =	stream.indirect.scatter.add.f32 [tilespmem:s29], [sflag:$0xE], $0x10, s25, s24, $0xb8;
	[tilespmem:$0xF000] =	vst v63  }
0x1b7: {  	s12 =	simm.s32 @p0 $0x7  }
0x1b8: {  	[spmem:s3] =	stream.indirect.scatter.add.f32 [tilespmem:s1], [sflag:$0x16], $0x10, s25, s24, $0xb8;
	[tilespmem:$0xF000] =	vst v63  }
0x1b9: {  	_ =	swait.ge @p0 [sflag:s12], $0x800  }
0x1ba: {  	[sflag:s12] =	ssyncset.done @p0 $0x0  }
0x1bb: {  	s10 =	sadd.s32 @p0 $0x2B00, s10;
	[sflag:s12] =	ssyncadd.s32 @p0 $0xFFFFF800;
	s12 =	simm.s32 @p0 $0x8000  }
0x1bc: {  	[spmem:s2] =	stream.indirect.scatter.add.f32 @p0 [tilespmem:s12], [sflag:$0xF], $0x10, s10, s11, $0xb8;
	[tilespmem:$0xF000] =	vst v63  }
0x1bd: {  	_ = 	snop  }
0x1be: {  	[spmem:s3] =	stream.indirect.scatter.add.f32 @p0 [tilespmem:s13], [sflag:$0x17], $0x10, s10, s11, $0xb8;
	[tilespmem:$0xF000] =	vst v63  }
0x1bf: {  	s10 =	simm.s32 @!p0 $0xD  }
0x1c0: {  	_ =	swait.ge @!p0 [sflag:s10], $0x800  }
0x1c1: {  	[sflag:s10] =	ssyncset.done @!p0 $0x0  }
0x1c2: {  	[sflag:s10] =	ssyncadd.s32 @!p0 $0xFFFFF800;
	s10 =	simm.s32 @!p0 $0x15  }
0x1c3: {  	_ =	swait.ge @!p0 [sflag:s10], $0x800  }
0x1c4: {  	[sflag:s10] =	ssyncset.done @!p0 $0x0  }
0x1c5: {  	[sflag:s10] =	ssyncadd.s32 @!p0 $0xFFFFF800;
	s10 =	sadd.s32 @!p0 $0x600, s8  }
0x1c6: {  	[tilespmem:s16], [sflag:$0x5] =	stream.indirect.gather @!p0 [hbm4b:s5+s9], $0x10, s10, s9, $0xb8;
	[tilespmem:$0xF000] =	vst v63  }
0x1c7: {  	s10 =	simm.s32 @!p0 $0x7  }
0x1c8: {  	_ =	swait.ge @!p0 [sflag:s10], $0x800  }
0x1c9: {  	[sflag:s10] =	ssyncset.done @!p0 $0x0  }
0x1ca: {  	s11 =	sadd.s32 @!p0 $0x2B00, s8;
	[sflag:s10] =	ssyncadd.s32 @!p0 $0xFFFFF800;
	s10 =	simm.s32 @!p0 $0x8000  }
0x1cb: {  	[spmem:s2] =	stream.indirect.scatter.add.f32 @!p0 [tilespmem:s10], [sflag:$0xF], $0x10, s11, s9, $0xb8;
	[tilespmem:$0xF000] =	vst v63  }
0x1cc: {  	s10 =	simm.s32 @!p0 $0xE  }
0x1cd: {  	[spmem:s3] =	stream.indirect.scatter.add.f32 @!p0 [tilespmem:s14], [sflag:$0x17], $0x10, s11, s9, $0xb8;
	[tilespmem:$0xF000] =	vst v63  }
0x1ce: {  	_ =	swait.ge @!p0 [sflag:s10], $0x800  }
0x1cf: {  	[sflag:s10] =	ssyncset.done @!p0 $0x0  }
0x1d0: {  	[sflag:s10] =	ssyncadd.s32 @!p0 $0xFFFFF800;
	s10 =	simm.s32 @!p0 $0x16  }
0x1d1: {  	_ =	swait.ge @!p0 [sflag:s10], $0x800  }
0x1d2: {  	[sflag:s10] =	ssyncset.done @!p0 $0x0  }
0x1d3: {  	s8 =	sadd.s32 @!p0 $0x680, s8;
	[sflag:s10] =	ssyncadd.s32 @!p0 $0xFFFFF800;
	s10 =	simm.s32 @!p0 $0x7800  }
0x1d4: {  	[tilespmem:s10], [sflag:$0x6] =	stream.indirect.gather @!p0 [hbm4b:s5+s9], $0x10, s8, s9, $0xb8;
	[tilespmem:$0xF000] =	vst v63  }
0x1d5: {  	_ =	swait.ge [sflag:s6], $0x800  }
0x1d6: {  	[sflag:s6] =	ssyncset.done $0x0  }
0x1d7: {  	s7 =	sadd.s32 $0x2B80, s7;
	[sflag:s6] =	ssyncadd.s32 $0xFFFFF800  }
0x1d8: {  	[spmem:s2] =	stream.indirect.scatter.add.f32 [tilespmem:s22], [sflag:$0x10], $0x10, s7, s24, $0xb8;
	[tilespmem:$0xF000] =	vst v63  }
0x1d9: {  	s15 =	simm.s32 $0x9  }
0x1da: {  	[spmem:s3] =	stream.indirect.scatter.add.f32 [tilespmem:s1], [sflag:$0x18], $0x10, s7, s24, $0xb8;
	[tilespmem:$0xF000] =	vst v63  }
0x1db: {  	_ =	swait.ge [sflag:s15], $0x800  }
0x1dc: {  	[sflag:s15] =	ssyncset.done $0x0  }
0x1dd: {  	s16 =	simm.s32 $0x11;
	[sflag:s15] =	ssyncadd.s32 $0xFFFFF800  }
0x1de: {  	_ =	swait.ge [sflag:s16], $0x800  }
0x1df: {  	[sflag:s16] =	ssyncset.done $0x0  }
0x1e0: {  	s18 =	simm.s32 $0xA;
	[sflag:s16] =	ssyncadd.s32 $0xFFFFF800  }
0x1e1: {  	_ =	swait.ge [sflag:s18], $0x800  }
0x1e2: {  	[sflag:s18] =	ssyncset.done $0x0  }
0x1e3: {  	s19 =	simm.s32 $0x12;
	[sflag:s18] =	ssyncadd.s32 $0xFFFFF800  }
0x1e4: {  	_ =	swait.ge [sflag:s19], $0x800  }
0x1e5: {  	[sflag:s19] =	ssyncset.done $0x0  }
0x1e6: {  	s20 =	simm.s32 $0xB;
	[sflag:s19] =	ssyncadd.s32 $0xFFFFF800  }
0x1e7: {  	_ =	swait.ge [sflag:s20], $0x800  }
0x1e8: {  	[sflag:s20] =	ssyncset.done $0x0  }
0x1e9: {  	s21 =	simm.s32 $0x13;
	[sflag:s20] =	ssyncadd.s32 $0xFFFFF800  }
0x1ea: {  	_ =	swait.ge [sflag:s21], $0x800  }
0x1eb: {  	[sflag:s21] =	ssyncset.done $0x0  }
0x1ec: {  	s23 =	simm.s32 $0xC;
	[sflag:s21] =	ssyncadd.s32 $0xFFFFF800  }
0x1ed: {  	_ =	swait.ge [sflag:s23], $0x800  }
0x1ee: {  	[sflag:s23] =	ssyncset.done $0x0  }
0x1ef: {  	s25 =	simm.s32 $0x14;
	[sflag:s23] =	ssyncadd.s32 $0xFFFFF800  }
0x1f0: {  	_ =	swait.ge [sflag:s25], $0x800  }
0x1f1: {  	[sflag:s25] =	ssyncset.done $0x0  }
0x1f2: {  	s8 =	simm.s32 $0xD;
	[sflag:s25] =	ssyncadd.s32 $0xFFFFF800  }
0x1f3: {  	_ =	swait.ge [sflag:s8], $0x800  }
0x1f4: {  	[sflag:s8] =	ssyncset.done $0x0  }
0x1f5: {  	s9 =	simm.s32 $0x15;
	[sflag:s8] =	ssyncadd.s32 $0xFFFFF800  }
0x1f6: {  	_ =	swait.ge [sflag:s9], $0x800  }
0x1f7: {  	[sflag:s9] =	ssyncset.done $0x0  }
0x1f8: {  	s10 =	simm.s32 $0xE;
	[sflag:s9] =	ssyncadd.s32 $0xFFFFF800  }
0x1f9: {  	_ =	swait.ge [sflag:s10], $0x800  }
0x1fa: {  	[sflag:s10] =	ssyncset.done $0x0  }
0x1fb: {  	s11 =	simm.s32 $0x16;
	[sflag:s10] =	ssyncadd.s32 $0xFFFFF800  }
0x1fc: {  	_ =	swait.ge [sflag:s11], $0x800  }
0x1fd: {  	[sflag:s11] =	ssyncset.done $0x0  }
0x1fe: {  	s12 =	simm.s32 $0xF;
	[sflag:s11] =	ssyncadd.s32 $0xFFFFF800  }
0x1ff: {  	_ =	swait.ge [sflag:s12], $0x800  }
0x200: {  	[sflag:s12] =	ssyncset.done $0x0  }
0x201: {  	s13 =	simm.s32 $0x17;
	[sflag:s12] =	ssyncadd.s32 $0xFFFFF800  }
0x202: {  	_ =	swait.ge [sflag:s13], $0x800  }
0x203: {  	[sflag:s13] =	ssyncset.done $0x0  }
0x204: {  	s14 =	simm.s32 $0x10;
	[sflag:s13] =	ssyncadd.s32 $0xFFFFF800  }
0x205: {  	_ =	swait.ge [sflag:s14], $0x800  }
0x206: {  	[sflag:s14] =	ssyncset.done $0x0  }
0x207: {  	s15 =	simm.s32 $0x18;
	[sflag:s14] =	ssyncadd.s32 $0xFFFFF800  }
0x208: {  	_ =	swait.ge [sflag:s15], $0x800  }
0x209: {  	[sflag:s15] =	ssyncset.done $0x0  }
0x20a: {  	s16 =	stileid.u32;
	[sflag:s15] =	ssyncadd.s32 $0xFFFFF800  }
0x20b: {  	s7 =	sshll.u32 s16, $0x6;
	[bflag:$0x0] =	sbarrier.arrive $0xFFFF  }
0x20c: {  	s7 =	sor.u32 $0x1C19, s7;
	s10 =	rddreg [dreg:$0x8]  }
0x20d: {  	s12 =	simm.s32 $0x19;
	s19 =	rddreg [dreg:$0x12];
	s18 =	sshrl.u32 s10, $0x3  }
0x20e: {  	[hbm:s19], [sflag:s7] =	dma.local [spmem:s18], $0x500  }
0x20f: {  	_ =	swait.ge [sflag:s12], $0x500  }
0x210: {  	[sflag:s12] =	ssyncset.done $0x0;
	s11 =	rddreg [dreg:$0xd]  }
0x211: {  	s21 =	rddreg [dreg:$0x13];
	[sflag:s12] =	ssyncadd.s32 $0xFFFFFB00;
	s20 =	sshrl.u32 s11, $0x3  }
0x212: {  	[hbm:s21], [sflag:s7] =	dma.local [spmem:s20], $0x500  }
0x213: {  	_ =	swait.ge [sflag:s12], $0x500  }
0x214: {  	s23 =	rddreg [dreg:$0x15]  }
0x215: {  	s25 =	rddreg [dreg:$0x14];
	s8 =	sadd.s32 $0x1, s23  }
0x216: {  	p0 =	sne.s32 s8, s25  }
.Ltmp4:
0x217: {  	_ = 	snop;
	(pc) =	sbr.rel @p0 .LBB2_1-.Ltmp4, $3  }
0x218: {  	_ =	sdelay $0x1  }
0x219: {  	[sflag:s12] =	ssyncset.done $0x0  }
0x21a: {  	s13 =	simm.s32 $0x9000;
	[sflag:s12] =	ssyncadd.s32 $0xFFFFFB00  }
0x21b: {  	_ =	sfence.sel $0x180000  }
0x21c: {  	[bflag:$0x0] =	sbarrier.arrive $0xFFFF  }
0x21d: {  	_ =	strace $0x90000047  }
0x21e: {  	s0 =	stileid.u32;
	[bflag:$0x2] =	sbarrier.arrive $0xFFFF  }
0x21f: {  	p0 =	sne.s32 s0, $0x0;
	s0 =	rddreg [dreg:$0x4]  }
0x220: {  	s0 =	sadd.s32 @!p0 $0x100000, s0  }
0x221: {  	[sflag:s0] =	ssyncadd.tile.s32 @!p0 $0x1;
	_ =	shalt  }
.Lfunc_end2:
_tile_overlayer_lowered:
.L_overlay_start_2:
0x222: {  	(tag) =	ssettag $0x2  }
0x223: {  	s0 =	rddreg [dreg:$0x0];
	s2 =	stileid.u32  }
0x224: {  	s1 =	rddreg [dreg:$0x1];
	p0 =	sne.s32 s2, $0x0  }
0x225: {  	s3 =	rddreg [dreg:$0x2];
	[bflag:$0x3] =	sbarrier.arrive $0xFFFF;
	s2 =	simm.s32 @!p0 $0x1C19  }
0x226: {  	[timem:s3], [sflag:s2] =	dma.local @!p0 [hbm:s0], s1  }
0x227: {  	s0 =	simm.s32 @!p0 $0x19  }
0x228: {  	_ =	swait.ge @!p0 [sflag:s0], s1  }
0x229: {  	s1 =	ssub.s32 @!p0 $0x0, s1;
	[sflag:s0] =	ssyncset.done @!p0 $0x0  }
0x22a: {  	[sflag:s0] =	ssyncadd.s32 @!p0 s1  }
0x22b: {  	[bflag:$0x3] =	sbarrier.arrive $0xFFFF  }
0x22c: {  	_ =	shalt  }

</sc_bundles>
